<compile_context>
chip_gen: v7x
topology: tpu7x:2x2x1
jax: 0.10.2.dev20260603
libtpu: 0.0.44.dev20260713+nightly
codegen_flags: <defaults>
</compile_context>

<pallas_src>
import jax
import jax.numpy as jnp
from jax import lax
from jax.experimental import pallas as pl
from jax.experimental.pallas import tpu as pltpu
from jax.experimental.pallas import tpu_sc as plsc

N = 50000
F = 32
NPAD = 51200
E = 800000
GROUP = 384
G = 68
EPW = GROUP * G
EPAD = EPW * 32
RPT = NPAD // 16


def _agg_body(y_hbm, idx_hbm, zero_hbm, agg_hbm,
              agg_s, idxp, rows_a, rows_b, gsem, ssem):
    c = lax.axis_index("c")
    s = lax.axis_index("s")
    wid = c * 16 + s

    pltpu.sync_copy(zero_hbm.at[pl.ds(s * RPT, RPT)],
                    agg_s.at[pl.ds(s * RPT, RPT)])
    plsc.subcore_barrier()

    gbase = wid * (G // 2)

    def pair(kk, carry):
        pltpu.sync_copy(idx_hbm.at[gbase + kk], idxp)
        ga = pltpu.async_copy(y_hbm.at[idxp.at[0, 0]], rows_a, gsem)
        gb = pltpu.async_copy(y_hbm.at[idxp.at[1, 0]], rows_b, gsem)
        ga.wait()
        sa = pltpu.async_copy(rows_a, agg_s.at[idxp.at[0, 1]], ssem, add=True)
        gb.wait()
        sb = pltpu.async_copy(rows_b, agg_s.at[idxp.at[1, 1]], ssem, add=True)
        sa.wait()
        sb.wait()
        return carry

    lax.fori_loop(0, G // 2, pair, 0)
    plsc.subcore_barrier()
    pltpu.sync_copy(agg_s.at[pl.ds(s * RPT, RPT)],
                    agg_hbm.at[c, pl.ds(s * RPT, RPT)])


_agg_call = pl.kernel(
    _agg_body,
    out_type=jax.ShapeDtypeStruct((2, NPAD, F), jnp.float32),
    mesh=plsc.VectorSubcoreMesh(core_axis_name="c", subcore_axis_name="s"),
    scratch_types=[
        pltpu.VMEM_SHARED((NPAD, F), jnp.float32),
        pltpu.VMEM((2, 2, GROUP), jnp.int32),
        pltpu.VMEM((GROUP, F), jnp.float32),
        pltpu.VMEM((GROUP, F), jnp.float32),
        pltpu.SemaphoreType.DMA,
        pltpu.SemaphoreType.DMA,
    ],
    compiler_params=pltpu.CompilerParams(use_tc_tiling_on_sc=False),
)


def _inorm(x, g, bt):
    m = jnp.mean(x)
    v = jnp.mean((x - m) ** 2)
    return (x - m) / jnp.sqrt(v + 0.001) * g + bt


def kernel(graph_features, encoder_projection, prev_results, edge_index,
           proc_Wr, proc_Wroot, proc_b, d0_Wr, d0_Wroot, d0_b,
           dW_rel, dW_root, d_b, gammas, betas, out_Wr, out_Wroot, out_b):
    src = edge_index[0]
    dst = edge_index[1]
    pad = EPAD - E
    ar = jnp.arange(pad, dtype=jnp.int32)
    srcp = jnp.concatenate([src, (ar * 131) % N]).reshape(-1, 1, GROUP)
    dstp = jnp.concatenate([dst, N + ar % (NPAD - N)]).reshape(-1, 1, GROUP)
    idx_all = jnp.concatenate([srcp, dstp], axis=1).reshape(-1, 2, 2, GROUP)
    zero = jnp.zeros((NPAD, F), jnp.float32)

    def aggregate(y):
        agg2 = _agg_call(y, idx_all, zero)
        return agg2[0, :N] + agg2[1, :N]

    z = aggregate(graph_features) @ proc_Wr.T + proc_b \
        + graph_features @ proc_Wroot.T
    x0 = jax.nn.relu(z)
    cat = jnp.concatenate([x0, encoder_projection, prev_results], axis=-1)

    def conv32(x, Wr, Wroot, b):
        return aggregate(x) @ Wr.T + b + x @ Wroot.T

    pre = cat @ d0_Wr.T
    z = aggregate(pre) + cat @ d0_Wroot.T + d0_b
    x = _inorm(z, gammas[0], betas[0])
    x1 = x
    x = _inorm(conv32(x, dW_rel[0], dW_root[0], d_b[0]), gammas[1], betas[1])
    x = jax.nn.relu(x)
    x = _inorm(conv32(x, dW_rel[1], dW_root[1], d_b[1]), gammas[2], betas[2])
    x = jax.nn.relu((x + x1) / 2.0)

    for bi in (1, 2):
        i0 = 3 * bi - 1
        x = _inorm(conv32(x, dW_rel[i0], dW_root[i0], d_b[i0]),
                   gammas[3 * bi], betas[3 * bi])
        x1 = x
        x = _inorm(conv32(x, dW_rel[i0 + 1], dW_root[i0 + 1], d_b[i0 + 1]),
                   gammas[3 * bi + 1], betas[3 * bi + 1])
        x = jax.nn.relu(x)
        x = _inorm(conv32(x, dW_rel[i0 + 2], dW_root[i0 + 2], d_b[i0 + 2]),
                   gammas[3 * bi + 2], betas[3 * bi + 2])
        x = jax.nn.relu((x + x1) / 2.0)

    res = aggregate(x) @ out_Wr.T + out_b + x @ out_Wroot.T + prev_results
    return (x, res)

# --- scband reference (transcript-rebuilt; emitter-appended) ---
"""Pipeline reference for scband-graph-res-decoder-block-15925738734398 (READ-ONLY COPY).

The authoritative reference and input builder live on the scoring server;
editing this copy changes nothing except your own understanding.
"""

import jax, jax.numpy as jnp
import numpy as np

N = 50000
E = 800000
GC = 32
PC = 16
OC = 3
F0 = 64
F1 = 32
CAT = F0 + PC + OC


def setup_inputs(seed: int = 0):
    key = jax.random.key(seed)
    ks = jax.random.split(key, 16)
    s = 0.1
    inp = {}
    inp["graph_features"] = jax.random.normal(ks[0], (N, GC), jnp.float32)
    inp["encoder_projection"] = jax.random.normal(ks[1], (N, PC), jnp.float32)
    inp["prev_results"] = jax.random.normal(ks[2], (N, OC), jnp.float32)
    inp["edge_index"] = jax.random.randint(ks[3], (2, E), 0, N, jnp.int32)
    inp["proc_Wr"] = jax.random.normal(ks[4], (F0, GC), jnp.float32) * s
    inp["proc_Wroot"] = jax.random.normal(ks[5], (F0, GC), jnp.float32) * s
    inp["proc_b"] = jnp.zeros((F0,), jnp.float32)
    inp["d0_Wr"] = jax.random.normal(ks[6], (F1, CAT), jnp.float32) * s
    inp["d0_Wroot"] = jax.random.normal(ks[7], (F1, CAT), jnp.float32) * s
    inp["d0_b"] = jnp.zeros((F1,), jnp.float32)
    inp["dW_rel"] = jax.random.normal(ks[8], (8, F1, F1), jnp.float32) * s
    inp["dW_root"] = jax.random.normal(ks[9], (8, F1, F1), jnp.float32) * s
    inp["d_b"] = jnp.zeros((8, F1), jnp.float32)
    inp["gammas"] = jnp.ones((9,), jnp.float32)
    inp["betas"] = jnp.zeros((9,), jnp.float32)
    inp["out_Wr"] = jax.random.normal(ks[10], (OC, F1), jnp.float32) * s
    inp["out_Wroot"] = jax.random.normal(ks[11], (OC, F1), jnp.float32) * s
    inp["out_b"] = jnp.zeros((OC,), jnp.float32)
    return inp


def _graph_conv(x, src, dst, Wr, Wroot, b, n):
    # PyG GraphConv: lin_rel(sum_{j in N(i)} x_j) + lin_root(x_i)
    agg = jnp.zeros((n, x.shape[1]), x.dtype).at[dst].add(x[src])
    return agg @ Wr.T + b + x @ Wroot.T


def _inorm(x, g, bt):
    # torch.nn.InstanceNorm2d(1, affine=True, eps=0.001) applied to x[None, None]:
    # normalizes over the full (N, F) plane with biased variance, scalar affine.
    m = jnp.mean(x)
    v = jnp.mean((x - m) ** 2)
    return (x - m) / jnp.sqrt(v + 0.001) * g + bt


def _res_block(x, src, dst, convs, g3, b3, n):
    x = _graph_conv(x, src, dst, convs[0][0], convs[0][1], convs[0][2], n)
    x = _inorm(x, g3[0], b3[0])
    x1 = x
    x = _graph_conv(x, src, dst, convs[1][0], convs[1][1], convs[1][2], n)
    x = _inorm(x, g3[1], b3[1])
    x = jax.nn.relu(x)
    x = _graph_conv(x, src, dst, convs[2][0], convs[2][1], convs[2][2], n)
    x = _inorm(x, g3[2], b3[2])
    return jax.nn.relu((x + x1) / 2.0)


def _forward(graph_features, encoder_projection, prev_results, edge_index, proc_Wr, proc_Wroot, proc_b, d0_Wr, d0_Wroot, d0_b, dW_rel, dW_root, d_b, gammas, betas, out_Wr, out_Wroot, out_b):
    src = edge_index[0]
    dst = edge_index[1]
    n = graph_features.shape[0]
    # process_conv: GraphConvBlock depth=1, norm_type=None, relu
    x = jax.nn.relu(_graph_conv(graph_features, src, dst, proc_Wr, proc_Wroot, proc_b, n))
    x = jnp.concatenate([x, encoder_projection, prev_results], axis=-1)
    all_convs = [(d0_Wr, d0_Wroot, d0_b)] + [(dW_rel[i], dW_root[i], d_b[i]) for i in range(8)]
    for bi in range(3):
        convs = all_convs[3 * bi:3 * bi + 3]
        x = _res_block(x, src, dst, convs, gammas[3 * bi:3 * bi + 3], betas[3 * bi:3 * bi + 3], n)
    # out_conv: GraphConvBlock depth=1, norm_type=None, linear activation
    res = _graph_conv(x, src, dst, out_Wr, out_Wroot, out_b, n) + prev_results
    return (x, res)


def reference(graph_features, encoder_projection, prev_results, edge_index, proc_Wr, proc_Wroot, proc_b, d0_Wr, d0_Wroot, d0_b, dW_rel, dW_root, d_b, gammas, betas, out_Wr, out_Wroot, out_b):
    return _forward(graph_features, encoder_projection, prev_results, edge_index, proc_Wr, proc_Wroot, proc_b, d0_Wr, d0_Wroot, d0_b, dW_rel, dW_root, d_b, gammas, betas, out_Wr, out_Wroot, out_b)

if __name__ == "__main__":
    import jax
    _d = setup_inputs()
    print(jax.jit(kernel)(*tuple(_d.values())))

</pallas_src>

<mosaic_0001>
#map = affine_map<(d0, d1) -> (0, 0)>
#map1 = affine_map<(d0, d1) -> (0, 0, 0, 0)>
#map2 = affine_map<(d0, d1) -> (0, 0, 0)>
module attributes {stable_mosaic.version = 14 : i64} {
  func.func @_agg_body(%arg0: i32, %arg1: i32, %arg2: memref<50000x32xf32, #tpu.memory_space<hbm>>, %arg3: memref<1088x2x2x384xi32, #tpu.memory_space<hbm>>, %arg4: memref<51200x32xf32, #tpu.memory_space<hbm>>, %arg5: memref<2x51200x32xf32, #tpu.memory_space<hbm>>, %arg6: memref<51200x32xf32, #tpu.memory_space<vmem_shared>>, %arg7: memref<2x2x384xi32, #tpu.memory_space<vmem>>, %arg8: memref<384x32xf32, #tpu.memory_space<vmem>>, %arg9: memref<384x32xf32, #tpu.memory_space<vmem>>, %arg10: memref<!tpu.dma_semaphore, #tpu.memory_space<semaphore_mem>>, %arg11: memref<!tpu.dma_semaphore, #tpu.memory_space<semaphore_mem>>) attributes {dimension_semantics = [#tpu.dimension_semantics<core_parallel>, #tpu.dimension_semantics<subcore_parallel>], iteration_bounds = array<i64: 2, 16>, scalar_prefetch = 0 : i64, scratch_operands = 6 : i64, tpu.core_type = #tpu.core_type<sc_vector_subcore>, window_params = [{transform_indices = #map}, {transform_indices = #map1}, {transform_indices = #map}, {transform_indices = #map2}]} {
    %mul3A = arith.constant 16 : i32
    %mul3A_0 = arith.muli %arg0, %mul3A : i32
    %add3A = arith.addi %mul3A_0, %arg1 : i32
    %mul3A_1 = arith.constant 3200 : i32
    %mul3A_2 = arith.muli %arg1, %mul3A_1 : i32
    %mul3A_3 = arith.constant 3200 : i32
    %mul3A_4 = arith.muli %arg1, %mul3A_3 : i32
    "tpu.region"() ({
      %run_scoped3A = tpu.sem_alloc : memref<!tpu.dma_semaphore, #tpu.memory_space<semaphore_mem>>
      %dma_start3A = arith.constant 0 : i32
      %dma_start3A_17 = tpu.memref_slice %arg6[%mul3A_4, %dma_start3A] : memref<51200x32xf32, #tpu.memory_space<vmem_shared>> -> memref<3200x32xf32, #tpu.memory_space<vmem_shared>>
      %dma_start3A_18 = arith.constant 0 : i32
      %dma_start3A_19 = tpu.memref_slice %arg4[%mul3A_2, %dma_start3A_18] : memref<51200x32xf32, #tpu.memory_space<hbm>> -> memref<3200x32xf32, #tpu.memory_space<hbm>>
      tpu.enqueue_dma source(%dma_start3A_19 : memref<3200x32xf32, #tpu.memory_space<hbm>>) target(%dma_start3A_17 : memref<3200x32xf32, #tpu.memory_space<vmem_shared>>) target_semaphore(%run_scoped3A : memref<!tpu.dma_semaphore, #tpu.memory_space<semaphore_mem>>)
      %dma_wait3A = arith.constant 0 : i32
      %dma_wait3A_20 = tpu.memref_slice %arg6[%mul3A_4, %dma_wait3A] : memref<51200x32xf32, #tpu.memory_space<vmem_shared>> -> memref<3200x32xf32, #tpu.memory_space<vmem_shared>>
      %dma_wait3A_21 = arith.constant 0 : i32
      %dma_wait3A_22 = tpu.memref_slice %arg4[%mul3A_2, %dma_wait3A_21] : memref<51200x32xf32, #tpu.memory_space<hbm>> -> memref<3200x32xf32, #tpu.memory_space<hbm>>
      tpu.wait_dma2 semaphore(%run_scoped3A : memref<!tpu.dma_semaphore, #tpu.memory_space<semaphore_mem>>) src(%dma_wait3A_22 : memref<3200x32xf32, #tpu.memory_space<hbm>>) dst(%dma_wait3A_20 : memref<3200x32xf32, #tpu.memory_space<vmem_shared>>)
      tpu.yield
    }) : () -> ()
    %barrier3A = arith.constant 0 : index
    tpu.barrier barrier_id(%barrier3A)
    %mul3A_5 = arith.constant 34 : i32
    %mul3A_6 = arith.muli %add3A, %mul3A_5 : i32
    %scan3A = arith.constant 0 : i32
    %scan3A_7 = arith.constant 0 : i32
    %scan3A_8 = arith.constant 34 : i32
    %scan3A_9 = arith.addi %scan3A_7, %scan3A_8 : i32
    %scan3A_10 = arith.constant 1 : i32
    scf.for %scan3A_17 = %scan3A_7 to %scan3A_9 step %scan3A_10  : i32 {
      %add3A_18 = arith.addi %mul3A_6, %scan3A_17 : i32
      "tpu.region"() ({
        %run_scoped3A = tpu.sem_alloc : memref<!tpu.dma_semaphore, #tpu.memory_space<semaphore_mem>>
        %dma_start3A_81 = arith.constant 0 : i32
        %dma_start3A_82 = arith.constant 0 : i32
        %dma_start3A_83 = arith.constant 0 : i32
        %dma_start3A_84 = tpu.memref_slice %arg3[%add3A_18, %dma_start3A_81, %dma_start3A_82, %dma_start3A_83] : memref<1088x2x2x384xi32, #tpu.memory_space<hbm>> -> memref<1x2x2x384xi32, #tpu.memory_space<hbm>>
        %dma_start3A_85 = tpu.memref_squeeze %dma_start3A_84 : memref<1x2x2x384xi32, #tpu.memory_space<hbm>> -> memref<2x2x384xi32, #tpu.memory_space<hbm>>
        %dma_start3A_86 = arith.constant 0 : i32
        %dma_start3A_87 = arith.constant 0 : i32
        %dma_start3A_88 = arith.constant 0 : i32
        %dma_start3A_89 = tpu.memref_slice %arg3[%add3A_18, %dma_start3A_86, %dma_start3A_87, %dma_start3A_88] : memref<1088x2x2x384xi32, #tpu.memory_space<hbm>> -> memref<1x2x2x384xi32, #tpu.memory_space<hbm>>
        %dma_start3A_90 = tpu.memref_squeeze %dma_start3A_89 : memref<1x2x2x384xi32, #tpu.memory_space<hbm>> -> memref<2x2x384xi32, #tpu.memory_space<hbm>>
        tpu.enqueue_dma source(%dma_start3A_90 : memref<2x2x384xi32, #tpu.memory_space<hbm>>) target(%arg7 : memref<2x2x384xi32, #tpu.memory_space<vmem>>) target_semaphore(%run_scoped3A : memref<!tpu.dma_semaphore, #tpu.memory_space<semaphore_mem>>)
        %dma_wait3A_91 = arith.constant 0 : i32
        %dma_wait3A_92 = arith.constant 0 : i32
        %dma_wait3A_93 = arith.constant 0 : i32
        %dma_wait3A_94 = tpu.memref_slice %arg3[%add3A_18, %dma_wait3A_91, %dma_wait3A_92, %dma_wait3A_93] : memref<1088x2x2x384xi32, #tpu.memory_space<hbm>> -> memref<1x2x2x384xi32, #tpu.memory_space<hbm>>
        %dma_wait3A_95 = tpu.memref_squeeze %dma_wait3A_94 : memref<1x2x2x384xi32, #tpu.memory_space<hbm>> -> memref<2x2x384xi32, #tpu.memory_space<hbm>>
        %dma_wait3A_96 = arith.constant 0 : i32
        %dma_wait3A_97 = arith.constant 0 : i32
        %dma_wait3A_98 = arith.constant 0 : i32
        %dma_wait3A_99 = tpu.memref_slice %arg3[%add3A_18, %dma_wait3A_96, %dma_wait3A_97, %dma_wait3A_98] : memref<1088x2x2x384xi32, #tpu.memory_space<hbm>> -> memref<1x2x2x384xi32, #tpu.memory_space<hbm>>
        %dma_wait3A_100 = tpu.memref_squeeze %dma_wait3A_99 : memref<1x2x2x384xi32, #tpu.memory_space<hbm>> -> memref<2x2x384xi32, #tpu.memory_space<hbm>>
        tpu.wait_dma2 semaphore(%run_scoped3A : memref<!tpu.dma_semaphore, #tpu.memory_space<semaphore_mem>>) src(%dma_wait3A_100 : memref<2x2x384xi32, #tpu.memory_space<hbm>>) dst(%arg7 : memref<2x2x384xi32, #tpu.memory_space<vmem>>)
        tpu.yield
      }) : () -> ()
      %dma_start3A = arith.constant 0 : i32
      %dma_start3A_19 = arith.constant 0 : i32
      %dma_start3A_20 = arith.constant 0 : i32
      %dma_start3A_21 = tpu.memref_slice %arg7[%dma_start3A, %dma_start3A_19, %dma_start3A_20] : memref<2x2x384xi32, #tpu.memory_space<vmem>> -> memref<1x1x384xi32, #tpu.memory_space<vmem>>
      %dma_start3A_22 = tpu.memref_squeeze %dma_start3A_21 : memref<1x1x384xi32, #tpu.memory_space<vmem>> -> memref<384xi32, #tpu.memory_space<vmem>>
      %dma_start3A_23 = arith.constant 0 : i32
      %dma_start3A_24 = arith.constant 0 : i32
      %dma_start3A_25 = tpu.memref_slice %arg2[%dma_start3A_23, %dma_start3A_24] : memref<50000x32xf32, #tpu.memory_space<hbm>> -> memref<50000x32xf32, #tpu.memory_space<hbm>>
      tpu.enqueue_indirect_dma source(%dma_start3A_25 : memref<50000x32xf32, #tpu.memory_space<hbm>>) target(%arg8 : memref<384x32xf32, #tpu.memory_space<vmem>>) offsets(%dma_start3A_22 : memref<384xi32, #tpu.memory_space<vmem>>) semaphore(%arg10 : memref<!tpu.dma_semaphore, #tpu.memory_space<semaphore_mem>>)
      %dma_start3A_26 = arith.constant 1 : i32
      %dma_start3A_27 = arith.constant 0 : i32
      %dma_start3A_28 = arith.constant 0 : i32
      %dma_start3A_29 = tpu.memref_slice %arg7[%dma_start3A_26, %dma_start3A_27, %dma_start3A_28] : memref<2x2x384xi32, #tpu.memory_space<vmem>> -> memref<1x1x384xi32, #tpu.memory_space<vmem>>
      %dma_start3A_30 = tpu.memref_squeeze %dma_start3A_29 : memref<1x1x384xi32, #tpu.memory_space<vmem>> -> memref<384xi32, #tpu.memory_space<vmem>>
      %dma_start3A_31 = arith.constant 0 : i32
      %dma_start3A_32 = arith.constant 0 : i32
      %dma_start3A_33 = tpu.memref_slice %arg2[%dma_start3A_31, %dma_start3A_32] : memref<50000x32xf32, #tpu.memory_space<hbm>> -> memref<50000x32xf32, #tpu.memory_space<hbm>>
      tpu.enqueue_indirect_dma source(%dma_start3A_33 : memref<50000x32xf32, #tpu.memory_space<hbm>>) target(%arg9 : memref<384x32xf32, #tpu.memory_space<vmem>>) offsets(%dma_start3A_30 : memref<384xi32, #tpu.memory_space<vmem>>) semaphore(%arg10 : memref<!tpu.dma_semaphore, #tpu.memory_space<semaphore_mem>>)
      %dma_wait3A = arith.constant 0 : i32
      %dma_wait3A_34 = arith.constant 0 : i32
      %dma_wait3A_35 = arith.constant 0 : i32
      %dma_wait3A_36 = tpu.memref_slice %arg7[%dma_wait3A, %dma_wait3A_34, %dma_wait3A_35] : memref<2x2x384xi32, #tpu.memory_space<vmem>> -> memref<1x1x384xi32, #tpu.memory_space<vmem>>
      %dma_wait3A_37 = tpu.memref_squeeze %dma_wait3A_36 : memref<1x1x384xi32, #tpu.memory_space<vmem>> -> memref<384xi32, #tpu.memory_space<vmem>>
      %dma_wait3A_38 = arith.constant 0 : i32
      %dma_wait3A_39 = arith.constant 0 : i32
      %dma_wait3A_40 = tpu.memref_slice %arg2[%dma_wait3A_38, %dma_wait3A_39] : memref<50000x32xf32, #tpu.memory_space<hbm>> -> memref<50000x32xf32, #tpu.memory_space<hbm>>
      tpu.wait_indirect_dma semaphore(%arg10 : memref<!tpu.dma_semaphore, #tpu.memory_space<semaphore_mem>>) src(%dma_wait3A_40 : memref<50000x32xf32, #tpu.memory_space<hbm>>) dst(%arg8 : memref<384x32xf32, #tpu.memory_space<vmem>>)
      %dma_start3A_41 = arith.constant 0 : i32
      %dma_start3A_42 = arith.constant 1 : i32
      %dma_start3A_43 = arith.constant 0 : i32
      %dma_start3A_44 = tpu.memref_slice %arg7[%dma_start3A_41, %dma_start3A_42, %dma_start3A_43] : memref<2x2x384xi32, #tpu.memory_space<vmem>> -> memref<1x1x384xi32, #tpu.memory_space<vmem>>
      %dma_start3A_45 = tpu.memref_squeeze %dma_start3A_44 : memref<1x1x384xi32, #tpu.memory_space<vmem>> -> memref<384xi32, #tpu.memory_space<vmem>>
      %dma_start3A_46 = arith.constant 0 : i32
      %dma_start3A_47 = arith.constant 0 : i32
      %dma_start3A_48 = tpu.memref_slice %arg6[%dma_start3A_46, %dma_start3A_47] : memref<51200x32xf32, #tpu.memory_space<vmem_shared>> -> memref<51200x32xf32, #tpu.memory_space<vmem_shared>>
      tpu.enqueue_indirect_dma source(%arg8 : memref<384x32xf32, #tpu.memory_space<vmem>>) target(%dma_start3A_48 : memref<51200x32xf32, #tpu.memory_space<vmem_shared>>) offsets(%dma_start3A_45 : memref<384xi32, #tpu.memory_space<vmem>>) semaphore(%arg11 : memref<!tpu.dma_semaphore, #tpu.memory_space<semaphore_mem>>) {add = true}
      %dma_wait3A_49 = arith.constant 1 : i32
      %dma_wait3A_50 = arith.constant 0 : i32
      %dma_wait3A_51 = arith.constant 0 : i32
      %dma_wait3A_52 = tpu.memref_slice %arg7[%dma_wait3A_49, %dma_wait3A_50, %dma_wait3A_51] : memref<2x2x384xi32, #tpu.memory_space<vmem>> -> memref<1x1x384xi32, #tpu.memory_space<vmem>>
      %dma_wait3A_53 = tpu.memref_squeeze %dma_wait3A_52 : memref<1x1x384xi32, #tpu.memory_space<vmem>> -> memref<384xi32, #tpu.memory_space<vmem>>
      %dma_wait3A_54 = arith.constant 0 : i32
      %dma_wait3A_55 = arith.constant 0 : i32
      %dma_wait3A_56 = tpu.memref_slice %arg2[%dma_wait3A_54, %dma_wait3A_55] : memref<50000x32xf32, #tpu.memory_space<hbm>> -> memref<50000x32xf32, #tpu.memory_space<hbm>>
      tpu.wait_indirect_dma semaphore(%arg10 : memref<!tpu.dma_semaphore, #tpu.memory_space<semaphore_mem>>) src(%dma_wait3A_56 : memref<50000x32xf32, #tpu.memory_space<hbm>>) dst(%arg9 : memref<384x32xf32, #tpu.memory_space<vmem>>)
      %dma_start3A_57 = arith.constant 1 : i32
      %dma_start3A_58 = arith.constant 1 : i32
      %dma_start3A_59 = arith.constant 0 : i32
      %dma_start3A_60 = tpu.memref_slice %arg7[%dma_start3A_57, %dma_start3A_58, %dma_start3A_59] : memref<2x2x384xi32, #tpu.memory_space<vmem>> -> memref<1x1x384xi32, #tpu.memory_space<vmem>>
      %dma_start3A_61 = tpu.memref_squeeze %dma_start3A_60 : memref<1x1x384xi32, #tpu.memory_space<vmem>> -> memref<384xi32, #tpu.memory_space<vmem>>
      %dma_start3A_62 = arith.constant 0 : i32
      %dma_start3A_63 = arith.constant 0 : i32
      %dma_start3A_64 = tpu.memref_slice %arg6[%dma_start3A_62, %dma_start3A_63] : memref<51200x32xf32, #tpu.memory_space<vmem_shared>> -> memref<51200x32xf32, #tpu.memory_space<vmem_shared>>
      tpu.enqueue_indirect_dma source(%arg9 : memref<384x32xf32, #tpu.memory_space<vmem>>) target(%dma_start3A_64 : memref<51200x32xf32, #tpu.memory_space<vmem_shared>>) offsets(%dma_start3A_61 : memref<384xi32, #tpu.memory_space<vmem>>) semaphore(%arg11 : memref<!tpu.dma_semaphore, #tpu.memory_space<semaphore_mem>>) {add = true}
      %dma_wait3A_65 = arith.constant 0 : i32
      %dma_wait3A_66 = arith.constant 1 : i32
      %dma_wait3A_67 = arith.constant 0 : i32
      %dma_wait3A_68 = tpu.memref_slice %arg7[%dma_wait3A_65, %dma_wait3A_66, %dma_wait3A_67] : memref<2x2x384xi32, #tpu.memory_space<vmem>> -> memref<1x1x384xi32, #tpu.memory_space<vmem>>
      %dma_wait3A_69 = tpu.memref_squeeze %dma_wait3A_68 : memref<1x1x384xi32, #tpu.memory_space<vmem>> -> memref<384xi32, #tpu.memory_space<vmem>>
      %dma_wait3A_70 = arith.constant 0 : i32
      %dma_wait3A_71 = arith.constant 0 : i32
      %dma_wait3A_72 = tpu.memref_slice %arg6[%dma_wait3A_70, %dma_wait3A_71] : memref<51200x32xf32, #tpu.memory_space<vmem_shared>> -> memref<51200x32xf32, #tpu.memory_space<vmem_shared>>
      tpu.wait_indirect_dma semaphore(%arg11 : memref<!tpu.dma_semaphore, #tpu.memory_space<semaphore_mem>>) src(%arg8 : memref<384x32xf32, #tpu.memory_space<vmem>>) dst(%dma_wait3A_72 : memref<51200x32xf32, #tpu.memory_space<vmem_shared>>)
      %dma_wait3A_73 = arith.constant 1 : i32
      %dma_wait3A_74 = arith.constant 1 : i32
      %dma_wait3A_75 = arith.constant 0 : i32
      %dma_wait3A_76 = tpu.memref_slice %arg7[%dma_wait3A_73, %dma_wait3A_74, %dma_wait3A_75] : memref<2x2x384xi32, #tpu.memory_space<vmem>> -> memref<1x1x384xi32, #tpu.memory_space<vmem>>
      %dma_wait3A_77 = tpu.memref_squeeze %dma_wait3A_76 : memref<1x1x384xi32, #tpu.memory_space<vmem>> -> memref<384xi32, #tpu.memory_space<vmem>>
      %dma_wait3A_78 = arith.constant 0 : i32
      %dma_wait3A_79 = arith.constant 0 : i32
      %dma_wait3A_80 = tpu.memref_slice %arg6[%dma_wait3A_78, %dma_wait3A_79] : memref<51200x32xf32, #tpu.memory_space<vmem_shared>> -> memref<51200x32xf32, #tpu.memory_space<vmem_shared>>
      tpu.wait_indirect_dma semaphore(%arg11 : memref<!tpu.dma_semaphore, #tpu.memory_space<semaphore_mem>>) src(%arg9 : memref<384x32xf32, #tpu.memory_space<vmem>>) dst(%dma_wait3A_80 : memref<51200x32xf32, #tpu.memory_space<vmem_shared>>)
    }
    %scan3A_11 = arith.constant 34 : i32
    %barrier3A_12 = arith.constant 0 : index
    tpu.barrier barrier_id(%barrier3A_12)
    %mul3A_13 = arith.constant 3200 : i32
    %mul3A_14 = arith.muli %arg1, %mul3A_13 : i32
    %mul3A_15 = arith.constant 3200 : i32
    %mul3A_16 = arith.muli %arg1, %mul3A_15 : i32
    "tpu.region"() ({
      %run_scoped3A = tpu.sem_alloc : memref<!tpu.dma_semaphore, #tpu.memory_space<semaphore_mem>>
      %dma_start3A = arith.constant 0 : i32
      %dma_start3A_17 = tpu.memref_slice %arg5[%arg0, %mul3A_16, %dma_start3A] : memref<2x51200x32xf32, #tpu.memory_space<hbm>> -> memref<1x3200x32xf32, #tpu.memory_space<hbm>>
      %dma_start3A_18 = tpu.memref_squeeze %dma_start3A_17 : memref<1x3200x32xf32, #tpu.memory_space<hbm>> -> memref<3200x32xf32, #tpu.memory_space<hbm>>
      %dma_start3A_19 = arith.constant 0 : i32
      %dma_start3A_20 = tpu.memref_slice %arg6[%mul3A_14, %dma_start3A_19] : memref<51200x32xf32, #tpu.memory_space<vmem_shared>> -> memref<3200x32xf32, #tpu.memory_space<vmem_shared>>
      tpu.enqueue_dma source(%dma_start3A_20 : memref<3200x32xf32, #tpu.memory_space<vmem_shared>>) target(%dma_start3A_18 : memref<3200x32xf32, #tpu.memory_space<hbm>>) target_semaphore(%run_scoped3A : memref<!tpu.dma_semaphore, #tpu.memory_space<semaphore_mem>>)
      %dma_wait3A = arith.constant 0 : i32
      %dma_wait3A_21 = tpu.memref_slice %arg5[%arg0, %mul3A_16, %dma_wait3A] : memref<2x51200x32xf32, #tpu.memory_space<hbm>> -> memref<1x3200x32xf32, #tpu.memory_space<hbm>>
      %dma_wait3A_22 = tpu.memref_squeeze %dma_wait3A_21 : memref<1x3200x32xf32, #tpu.memory_space<hbm>> -> memref<3200x32xf32, #tpu.memory_space<hbm>>
      %dma_wait3A_23 = arith.constant 0 : i32
      %dma_wait3A_24 = tpu.memref_slice %arg6[%mul3A_14, %dma_wait3A_23] : memref<51200x32xf32, #tpu.memory_space<vmem_shared>> -> memref<3200x32xf32, #tpu.memory_space<vmem_shared>>
      tpu.wait_dma2 semaphore(%run_scoped3A : memref<!tpu.dma_semaphore, #tpu.memory_space<semaphore_mem>>) src(%dma_wait3A_24 : memref<3200x32xf32, #tpu.memory_space<vmem_shared>>) dst(%dma_wait3A_22 : memref<3200x32xf32, #tpu.memory_space<hbm>>)
      tpu.yield
    }) : () -> ()
    return
  }
}

#map = affine_map<(d0, d1) -> (0, 0)>
#map1 = affine_map<(d0, d1) -> (0, 0, 0, 0)>
#map2 = affine_map<(d0, d1) -> (0, 0, 0)>
module attributes {stable_mosaic.version = 14 : i64} {
  func.func @_agg_body(%arg0: i32, %arg1: i32, %arg2: memref<50000x32xf32, #tpu.memory_space<hbm>>, %arg3: memref<1088x2x2x384xi32, #tpu.memory_space<hbm>>, %arg4: memref<51200x32xf32, #tpu.memory_space<hbm>>, %arg5: memref<2x51200x32xf32, #tpu.memory_space<hbm>>, %arg6: memref<51200x32xf32, #tpu.memory_space<vmem_shared>>, %arg7: memref<2x2x384xi32, #tpu.memory_space<vmem>>, %arg8: memref<384x32xf32, #tpu.memory_space<vmem>>, %arg9: memref<384x32xf32, #tpu.memory_space<vmem>>, %arg10: memref<!tpu.dma_semaphore, #tpu.memory_space<semaphore_mem>>, %arg11: memref<!tpu.dma_semaphore, #tpu.memory_space<semaphore_mem>>) attributes {dimension_semantics = [#tpu.dimension_semantics<core_parallel>, #tpu.dimension_semantics<subcore_parallel>], iteration_bounds = array<i64: 2, 16>, scalar_prefetch = 0 : i64, scratch_operands = 6 : i64, tpu.core_type = #tpu.core_type<sc_vector_subcore>, window_params = [{transform_indices = #map}, {transform_indices = #map1}, {transform_indices = #map}, {transform_indices = #map2}]} {
    %mul3A = arith.constant 16 : i32
    %mul3A_0 = arith.muli %arg0, %mul3A : i32
    %add3A = arith.addi %mul3A_0, %arg1 : i32
    %mul3A_1 = arith.constant 3200 : i32
    %mul3A_2 = arith.muli %arg1, %mul3A_1 : i32
    %mul3A_3 = arith.constant 3200 : i32
    %mul3A_4 = arith.muli %arg1, %mul3A_3 : i32
    "tpu.region"() ({
      %run_scoped3A = tpu.sem_alloc : memref<!tpu.dma_semaphore, #tpu.memory_space<semaphore_mem>>
      %dma_start3A = arith.constant 0 : i32
      %dma_start3A_17 = tpu.memref_slice %arg6[%mul3A_4, %dma_start3A] : memref<51200x32xf32, #tpu.memory_space<vmem_shared>> -> memref<3200x32xf32, #tpu.memory_space<vmem_shared>>
      %dma_start3A_18 = arith.constant 0 : i32
      %dma_start3A_19 = tpu.memref_slice %arg4[%mul3A_2, %dma_start3A_18] : memref<51200x32xf32, #tpu.memory_space<hbm>> -> memref<3200x32xf32, #tpu.memory_space<hbm>>
      tpu.enqueue_dma source(%dma_start3A_19 : memref<3200x32xf32, #tpu.memory_space<hbm>>) target(%dma_start3A_17 : memref<3200x32xf32, #tpu.memory_space<vmem_shared>>) target_semaphore(%run_scoped3A : memref<!tpu.dma_semaphore, #tpu.memory_space<semaphore_mem>>)
      %dma_wait3A = arith.constant 0 : i32
      %dma_wait3A_20 = tpu.memref_slice %arg6[%mul3A_4, %dma_wait3A] : memref<51200x32xf32, #tpu.memory_space<vmem_shared>> -> memref<3200x32xf32, #tpu.memory_space<vmem_shared>>
      %dma_wait3A_21 = arith.constant 0 : i32
      %dma_wait3A_22 = tpu.memref_slice %arg4[%mul3A_2, %dma_wait3A_21] : memref<51200x32xf32, #tpu.memory_space<hbm>> -> memref<3200x32xf32, #tpu.memory_space<hbm>>
      tpu.wait_dma2 semaphore(%run_scoped3A : memref<!tpu.dma_semaphore, #tpu.memory_space<semaphore_mem>>) src(%dma_wait3A_22 : memref<3200x32xf32, #tpu.memory_space<hbm>>) dst(%dma_wait3A_20 : memref<3200x32xf32, #tpu.memory_space<vmem_shared>>)
      tpu.yield
    }) : () -> ()
    %barrier3A = arith.constant 0 : index
    tpu.barrier barrier_id(%barrier3A)
    %mul3A_5 = arith.constant 34 : i32
    %mul3A_6 = arith.muli %add3A, %mul3A_5 : i32
    %scan3A = arith.constant 0 : i32
    %scan3A_7 = arith.constant 0 : i32
    %scan3A_8 = arith.constant 34 : i32
    %scan3A_9 = arith.addi %scan3A_7, %scan3A_8 : i32
    %scan3A_10 = arith.constant 1 : i32
    scf.for %scan3A_17 = %scan3A_7 to %scan3A_9 step %scan3A_10  : i32 {
      %add3A_18 = arith.addi %mul3A_6, %scan3A_17 : i32
      "tpu.region"() ({
        %run_scoped3A = tpu.sem_alloc : memref<!tpu.dma_semaphore, #tpu.memory_space<semaphore_mem>>
        %dma_start3A_81 = arith.constant 0 : i32
        %dma_start3A_82 = arith.constant 0 : i32
        %dma_start3A_83 = arith.constant 0 : i32
        %dma_start3A_84 = tpu.memref_slice %arg3[%add3A_18, %dma_start3A_81, %dma_start3A_82, %dma_start3A_83] : memref<1088x2x2x384xi32, #tpu.memory_space<hbm>> -> memref<1x2x2x384xi32, #tpu.memory_space<hbm>>
        %dma_start3A_85 = tpu.memref_squeeze %dma_start3A_84 : memref<1x2x2x384xi32, #tpu.memory_space<hbm>> -> memref<2x2x384xi32, #tpu.memory_space<hbm>>
        %dma_start3A_86 = arith.constant 0 : i32
        %dma_start3A_87 = arith.constant 0 : i32
        %dma_start3A_88 = arith.constant 0 : i32
        %dma_start3A_89 = tpu.memref_slice %arg3[%add3A_18, %dma_start3A_86, %dma_start3A_87, %dma_start3A_88] : memref<1088x2x2x384xi32, #tpu.memory_space<hbm>> -> memref<1x2x2x384xi32, #tpu.memory_space<hbm>>
        %dma_start3A_90 = tpu.memref_squeeze %dma_start3A_89 : memref<1x2x2x384xi32, #tpu.memory_space<hbm>> -> memref<2x2x384xi32, #tpu.memory_space<hbm>>
        tpu.enqueue_dma source(%dma_start3A_90 : memref<2x2x384xi32, #tpu.memory_space<hbm>>) target(%arg7 : memref<2x2x384xi32, #tpu.memory_space<vmem>>) target_semaphore(%run_scoped3A : memref<!tpu.dma_semaphore, #tpu.memory_space<semaphore_mem>>)
        %dma_wait3A_91 = arith.constant 0 : i32
        %dma_wait3A_92 = arith.constant 0 : i32
        %dma_wait3A_93 = arith.constant 0 : i32
        %dma_wait3A_94 = tpu.memref_slice %arg3[%add3A_18, %dma_wait3A_91, %dma_wait3A_92, %dma_wait3A_93] : memref<1088x2x2x384xi32, #tpu.memory_space<hbm>> -> memref<1x2x2x384xi32, #tpu.memory_space<hbm>>
        %dma_wait3A_95 = tpu.memref_squeeze %dma_wait3A_94 : memref<1x2x2x384xi32, #tpu.memory_space<hbm>> -> memref<2x2x384xi32, #tpu.memory_space<hbm>>
        %dma_wait3A_96 = arith.constant 0 : i32
        %dma_wait3A_97 = arith.constant 0 : i32
        %dma_wait3A_98 = arith.constant 0 : i32
        %dma_wait3A_99 = tpu.memref_slice %arg3[%add3A_18, %dma_wait3A_96, %dma_wait3A_97, %dma_wait3A_98] : memref<1088x2x2x384xi32, #tpu.memory_space<hbm>> -> memref<1x2x2x384xi32, #tpu.memory_space<hbm>>
        %dma_wait3A_100 = tpu.memref_squeeze %dma_wait3A_99 : memref<1x2x2x384xi32, #tpu.memory_space<hbm>> -> memref<2x2x384xi32, #tpu.memory_space<hbm>>
        tpu.wait_dma2 semaphore(%run_scoped3A : memref<!tpu.dma_semaphore, #tpu.memory_space<semaphore_mem>>) src(%dma_wait3A_100 : memref<2x2x384xi32, #tpu.memory_space<hbm>>) dst(%arg7 : memref<2x2x384xi32, #tpu.memory_space<vmem>>)
        tpu.yield
      }) : () -> ()
      %dma_start3A = arith.constant 0 : i32
      %dma_start3A_19 = arith.constant 0 : i32
      %dma_start3A_20 = arith.constant 0 : i32
      %dma_start3A_21 = tpu.memref_slice %arg7[%dma_start3A, %dma_start3A_19, %dma_start3A_20] : memref<2x2x384xi32, #tpu.memory_space<vmem>> -> memref<1x1x384xi32, #tpu.memory_space<vmem>>
      %dma_start3A_22 = tpu.memref_squeeze %dma_start3A_21 : memref<1x1x384xi32, #tpu.memory_space<vmem>> -> memref<384xi32, #tpu.memory_space<vmem>>
      %dma_start3A_23 = arith.constant 0 : i32
      %dma_start3A_24 = arith.constant 0 : i32
      %dma_start3A_25 = tpu.memref_slice %arg2[%dma_start3A_23, %dma_start3A_24] : memref<50000x32xf32, #tpu.memory_space<hbm>> -> memref<50000x32xf32, #tpu.memory_space<hbm>>
      tpu.enqueue_indirect_dma source(%dma_start3A_25 : memref<50000x32xf32, #tpu.memory_space<hbm>>) target(%arg8 : memref<384x32xf32, #tpu.memory_space<vmem>>) offsets(%dma_start3A_22 : memref<384xi32, #tpu.memory_space<vmem>>) semaphore(%arg10 : memref<!tpu.dma_semaphore, #tpu.memory_space<semaphore_mem>>)
      %dma_start3A_26 = arith.constant 1 : i32
      %dma_start3A_27 = arith.constant 0 : i32
      %dma_start3A_28 = arith.constant 0 : i32
      %dma_start3A_29 = tpu.memref_slice %arg7[%dma_start3A_26, %dma_start3A_27, %dma_start3A_28] : memref<2x2x384xi32, #tpu.memory_space<vmem>> -> memref<1x1x384xi32, #tpu.memory_space<vmem>>
      %dma_start3A_30 = tpu.memref_squeeze %dma_start3A_29 : memref<1x1x384xi32, #tpu.memory_space<vmem>> -> memref<384xi32, #tpu.memory_space<vmem>>
      %dma_start3A_31 = arith.constant 0 : i32
      %dma_start3A_32 = arith.constant 0 : i32
      %dma_start3A_33 = tpu.memref_slice %arg2[%dma_start3A_31, %dma_start3A_32] : memref<50000x32xf32, #tpu.memory_space<hbm>> -> memref<50000x32xf32, #tpu.memory_space<hbm>>
      tpu.enqueue_indirect_dma source(%dma_start3A_33 : memref<50000x32xf32, #tpu.memory_space<hbm>>) target(%arg9 : memref<384x32xf32, #tpu.memory_space<vmem>>) offsets(%dma_start3A_30 : memref<384xi32, #tpu.memory_space<vmem>>) semaphore(%arg10 : memref<!tpu.dma_semaphore, #tpu.memory_space<semaphore_mem>>)
      %dma_wait3A = arith.constant 0 : i32
      %dma_wait3A_34 = arith.constant 0 : i32
      %dma_wait3A_35 = arith.constant 0 : i32
      %dma_wait3A_36 = tpu.memref_slice %arg7[%dma_wait3A, %dma_wait3A_34, %dma_wait3A_35] : memref<2x2x384xi32, #tpu.memory_space<vmem>> -> memref<1x1x384xi32, #tpu.memory_space<vmem>>
      %dma_wait3A_37 = tpu.memref_squeeze %dma_wait3A_36 : memref<1x1x384xi32, #tpu.memory_space<vmem>> -> memref<384xi32, #tpu.memory_space<vmem>>
      %dma_wait3A_38 = arith.constant 0 : i32
      %dma_wait3A_39 = arith.constant 0 : i32
      %dma_wait3A_40 = tpu.memref_slice %arg2[%dma_wait3A_38, %dma_wait3A_39] : memref<50000x32xf32, #tpu.memory_space<hbm>> -> memref<50000x32xf32, #tpu.memory_space<hbm>>
      tpu.wait_indirect_dma semaphore(%arg10 : memref<!tpu.dma_semaphore, #tpu.memory_space<semaphore_mem>>) src(%dma_wait3A_40 : memref<50000x32xf32, #tpu.memory_space<hbm>>) dst(%arg8 : memref<384x32xf32, #tpu.memory_space<vmem>>)
      %dma_start3A_41 = arith.constant 0 : i32
      %dma_start3A_42 = arith.constant 1 : i32
      %dma_start3A_43 = arith.constant 0 : i32
      %dma_start3A_44 = tpu.memref_slice %arg7[%dma_start3A_41, %dma_start3A_42, %dma_start3A_43] : memref<2x2x384xi32, #tpu.memory_space<vmem>> -> memref<1x1x384xi32, #tpu.memory_space<vmem>>
      %dma_start3A_45 = tpu.memref_squeeze %dma_start3A_44 : memref<1x1x384xi32, #tpu.memory_space<vmem>> -> memref<384xi32, #tpu.memory_space<vmem>>
      %dma_start3A_46 = arith.constant 0 : i32
      %dma_start3A_47 = arith.constant 0 : i32
      %dma_start3A_48 = tpu.memref_slice %arg6[%dma_start3A_46, %dma_start3A_47] : memref<51200x32xf32, #tpu.memory_space<vmem_shared>> -> memref<51200x32xf32, #tpu.memory_space<vmem_shared>>
      tpu.enqueue_indirect_dma source(%arg8 : memref<384x32xf32, #tpu.memory_space<vmem>>) target(%dma_start3A_48 : memref<51200x32xf32, #tpu.memory_space<vmem_shared>>) offsets(%dma_start3A_45 : memref<384xi32, #tpu.memory_space<vmem>>) semaphore(%arg11 : memref<!tpu.dma_semaphore, #tpu.memory_space<semaphore_mem>>) {add = true}
      %dma_wait3A_49 = arith.constant 1 : i32
      %dma_wait3A_50 = arith.constant 0 : i32
      %dma_wait3A_51 = arith.constant 0 : i32
      %dma_wait3A_52 = tpu.memref_slice %arg7[%dma_wait3A_49, %dma_wait3A_50, %dma_wait3A_51] : memref<2x2x384xi32, #tpu.memory_space<vmem>> -> memref<1x1x384xi32, #tpu.memory_space<vmem>>
      %dma_wait3A_53 = tpu.memref_squeeze %dma_wait3A_52 : memref<1x1x384xi32, #tpu.memory_space<vmem>> -> memref<384xi32, #tpu.memory_space<vmem>>
      %dma_wait3A_54 = arith.constant 0 : i32
      %dma_wait3A_55 = arith.constant 0 : i32
      %dma_wait3A_56 = tpu.memref_slice %arg2[%dma_wait3A_54, %dma_wait3A_55] : memref<50000x32xf32, #tpu.memory_space<hbm>> -> memref<50000x32xf32, #tpu.memory_space<hbm>>
      tpu.wait_indirect_dma semaphore(%arg10 : memref<!tpu.dma_semaphore, #tpu.memory_space<semaphore_mem>>) src(%dma_wait3A_56 : memref<50000x32xf32, #tpu.memory_space<hbm>>) dst(%arg9 : memref<384x32xf32, #tpu.memory_space<vmem>>)
      %dma_start3A_57 = arith.constant 1 : i32
      %dma_start3A_58 = arith.constant 1 : i32
      %dma_start3A_59 = arith.constant 0 : i32
      %dma_start3A_60 = tpu.memref_slice %arg7[%dma_start3A_57, %dma_start3A_58, %dma_start3A_59] : memref<2x2x384xi32, #tpu.memory_space<vmem>> -> memref<1x1x384xi32, #tpu.memory_space<vmem>>
      %dma_start3A_61 = tpu.memref_squeeze %dma_start3A_60 : memref<1x1x384xi32, #tpu.memory_space<vmem>> -> memref<384xi32, #tpu.memory_space<vmem>>
      %dma_start3A_62 = arith.constant 0 : i32
      %dma_start3A_63 = arith.constant 0 : i32
      %dma_start3A_64 = tpu.memref_slice %arg6[%dma_start3A_62, %dma_start3A_63] : memref<51200x32xf32, #tpu.memory_space<vmem_shared>> -> memref<51200x32xf32, #tpu.memory_space<vmem_shared>>
      tpu.enqueue_indirect_dma source(%arg9 : memref<384x32xf32, #tpu.memory_space<vmem>>) target(%dma_start3A_64 : memref<51200x32xf32, #tpu.memory_space<vmem_shared>>) offsets(%dma_start3A_61 : memref<384xi32, #tpu.memory_space<vmem>>) semaphore(%arg11 : memref<!tpu.dma_semaphore, #tpu.memory_space<semaphore_mem>>) {add = true}
      %dma_wait3A_65 = arith.constant 0 : i32
      %dma_wait3A_66 = arith.constant 1 : i32
      %dma_wait3A_67 = arith.constant 0 : i32
      %dma_wait3A_68 = tpu.memref_slice %arg7[%dma_wait3A_65, %dma_wait3A_66, %dma_wait3A_67] : memref<2x2x384xi32, #tpu.memory_space<vmem>> -> memref<1x1x384xi32, #tpu.memory_space<vmem>>
      %dma_wait3A_69 = tpu.memref_squeeze %dma_wait3A_68 : memref<1x1x384xi32, #tpu.memory_space<vmem>> -> memref<384xi32, #tpu.memory_space<vmem>>
      %dma_wait3A_70 = arith.constant 0 : i32
      %dma_wait3A_71 = arith.constant 0 : i32
      %dma_wait3A_72 = tpu.memref_slice %arg6[%dma_wait3A_70, %dma_wait3A_71] : memref<51200x32xf32, #tpu.memory_space<vmem_shared>> -> memref<51200x32xf32, #tpu.memory_space<vmem_shared>>
      tpu.wait_indirect_dma semaphore(%arg11 : memref<!tpu.dma_semaphore, #tpu.memory_space<semaphore_mem>>) src(%arg8 : memref<384x32xf32, #tpu.memory_space<vmem>>) dst(%dma_wait3A_72 : memref<51200x32xf32, #tpu.memory_space<vmem_shared>>)
      %dma_wait3A_73 = arith.constant 1 : i32
      %dma_wait3A_74 = arith.constant 1 : i32
      %dma_wait3A_75 = arith.constant 0 : i32
      %dma_wait3A_76 = tpu.memref_slice %arg7[%dma_wait3A_73, %dma_wait3A_74, %dma_wait3A_75] : memref<2x2x384xi32, #tpu.memory_space<vmem>> -> memref<1x1x384xi32, #tpu.memory_space<vmem>>
      %dma_wait3A_77 = tpu.memref_squeeze %dma_wait3A_76 : memref<1x1x384xi32, #tpu.memory_space<vmem>> -> memref<384xi32, #tpu.memory_space<vmem>>
      %dma_wait3A_78 = arith.constant 0 : i32
      %dma_wait3A_79 = arith.constant 0 : i32
      %dma_wait3A_80 = tpu.memref_slice %arg6[%dma_wait3A_78, %dma_wait3A_79] : memref<51200x32xf32, #tpu.memory_space<vmem_shared>> -> memref<51200x32xf32, #tpu.memory_space<vmem_shared>>
      tpu.wait_indirect_dma semaphore(%arg11 : memref<!tpu.dma_semaphore, #tpu.memory_space<semaphore_mem>>) src(%arg9 : memref<384x32xf32, #tpu.memory_space<vmem>>) dst(%dma_wait3A_80 : memref<51200x32xf32, #tpu.memory_space<vmem_shared>>)
    }
    %scan3A_11 = arith.constant 34 : i32
    %barrier3A_12 = arith.constant 0 : index
    tpu.barrier barrier_id(%barrier3A_12)
    %mul3A_13 = arith.constant 3200 : i32
    %mul3A_14 = arith.muli %arg1, %mul3A_13 : i32
    %mul3A_15 = arith.constant 3200 : i32
    %mul3A_16 = arith.muli %arg1, %mul3A_15 : i32
    "tpu.region"() ({
      %run_scoped3A = tpu.sem_alloc : memref<!tpu.dma_semaphore, #tpu.memory_space<semaphore_mem>>
      %dma_start3A = arith.constant 0 : i32
      %dma_start3A_17 = tpu.memref_slice %arg5[%arg0, %mul3A_16, %dma_start3A] : memref<2x51200x32xf32, #tpu.memory_space<hbm>> -> memref<1x3200x32xf32, #tpu.memory_space<hbm>>
      %dma_start3A_18 = tpu.memref_squeeze %dma_start3A_17 : memref<1x3200x32xf32, #tpu.memory_space<hbm>> -> memref<3200x32xf32, #tpu.memory_space<hbm>>
      %dma_start3A_19 = arith.constant 0 : i32
      %dma_start3A_20 = tpu.memref_slice %arg6[%mul3A_14, %dma_start3A_19] : memref<51200x32xf32, #tpu.memory_space<vmem_shared>> -> memref<3200x32xf32, #tpu.memory_space<vmem_shared>>
      tpu.enqueue_dma source(%dma_start3A_20 : memref<3200x32xf32, #tpu.memory_space<vmem_shared>>) target(%dma_start3A_18 : memref<3200x32xf32, #tpu.memory_space<hbm>>) target_semaphore(%run_scoped3A : memref<!tpu.dma_semaphore, #tpu.memory_space<semaphore_mem>>)
      %dma_wait3A = arith.constant 0 : i32
      %dma_wait3A_21 = tpu.memref_slice %arg5[%arg0, %mul3A_16, %dma_wait3A] : memref<2x51200x32xf32, #tpu.memory_space<hbm>> -> memref<1x3200x32xf32, #tpu.memory_space<hbm>>
      %dma_wait3A_22 = tpu.memref_squeeze %dma_wait3A_21 : memref<1x3200x32xf32, #tpu.memory_space<hbm>> -> memref<3200x32xf32, #tpu.memory_space<hbm>>
      %dma_wait3A_23 = arith.constant 0 : i32
      %dma_wait3A_24 = tpu.memref_slice %arg6[%mul3A_14, %dma_wait3A_23] : memref<51200x32xf32, #tpu.memory_space<vmem_shared>> -> memref<3200x32xf32, #tpu.memory_space<vmem_shared>>
      tpu.wait_dma2 semaphore(%run_scoped3A : memref<!tpu.dma_semaphore, #tpu.memory_space<semaphore_mem>>) src(%dma_wait3A_24 : memref<3200x32xf32, #tpu.memory_space<vmem_shared>>) dst(%dma_wait3A_22 : memref<3200x32xf32, #tpu.memory_space<hbm>>)
      tpu.yield
    }) : () -> ()
    return
  }
}

#map = affine_map<(d0, d1) -> (0, 0)>
#map1 = affine_map<(d0, d1) -> (0, 0, 0, 0)>
#map2 = affine_map<(d0, d1) -> (0, 0, 0)>
module attributes {stable_mosaic.version = 14 : i64} {
  func.func @_agg_body(%arg0: i32, %arg1: i32, %arg2: memref<50000x32xf32, #tpu.memory_space<hbm>>, %arg3: memref<1088x2x2x384xi32, #tpu.memory_space<hbm>>, %arg4: memref<51200x32xf32, #tpu.memory_space<hbm>>, %arg5: memref<2x51200x32xf32, #tpu.memory_space<hbm>>, %arg6: memref<51200x32xf32, #tpu.memory_space<vmem_shared>>, %arg7: memref<2x2x384xi32, #tpu.memory_space<vmem>>, %arg8: memref<384x32xf32, #tpu.memory_space<vmem>>, %arg9: memref<384x32xf32, #tpu.memory_space<vmem>>, %arg10: memref<!tpu.dma_semaphore, #tpu.memory_space<semaphore_mem>>, %arg11: memref<!tpu.dma_semaphore, #tpu.memory_space<semaphore_mem>>) attributes {dimension_semantics = [#tpu.dimension_semantics<core_parallel>, #tpu.dimension_semantics<subcore_parallel>], iteration_bounds = array<i64: 2, 16>, scalar_prefetch = 0 : i64, scratch_operands = 6 : i64, tpu.core_type = #tpu.core_type<sc_vector_subcore>, window_params = [{transform_indices = #map}, {transform_indices = #map1}, {transform_indices = #map}, {transform_indices = #map2}]} {
    %mul3A = arith.constant 16 : i32
    %mul3A_0 = arith.muli %arg0, %mul3A : i32
    %add3A = arith.addi %mul3A_0, %arg1 : i32
    %mul3A_1 = arith.constant 3200 : i32
    %mul3A_2 = arith.muli %arg1, %mul3A_1 : i32
    %mul3A_3 = arith.constant 3200 : i32
    %mul3A_4 = arith.muli %arg1, %mul3A_3 : i32
    "tpu.region"() ({
      %run_scoped3A = tpu.sem_alloc : memref<!tpu.dma_semaphore, #tpu.memory_space<semaphore_mem>>
      %dma_start3A = arith.constant 0 : i32
      %dma_start3A_17 = tpu.memref_slice %arg6[%mul3A_4, %dma_start3A] : memref<51200x32xf32, #tpu.memory_space<vmem_shared>> -> memref<3200x32xf32, #tpu.memory_space<vmem_shared>>
      %dma_start3A_18 = arith.constant 0 : i32
      %dma_start3A_19 = tpu.memref_slice %arg4[%mul3A_2, %dma_start3A_18] : memref<51200x32xf32, #tpu.memory_space<hbm>> -> memref<3200x32xf32, #tpu.memory_space<hbm>>
      tpu.enqueue_dma source(%dma_start3A_19 : memref<3200x32xf32, #tpu.memory_space<hbm>>) target(%dma_start3A_17 : memref<3200x32xf32, #tpu.memory_space<vmem_shared>>) target_semaphore(%run_scoped3A : memref<!tpu.dma_semaphore, #tpu.memory_space<semaphore_mem>>)
      %dma_wait3A = arith.constant 0 : i32
      %dma_wait3A_20 = tpu.memref_slice %arg6[%mul3A_4, %dma_wait3A] : memref<51200x32xf32, #tpu.memory_space<vmem_shared>> -> memref<3200x32xf32, #tpu.memory_space<vmem_shared>>
      %dma_wait3A_21 = arith.constant 0 : i32
      %dma_wait3A_22 = tpu.memref_slice %arg4[%mul3A_2, %dma_wait3A_21] : memref<51200x32xf32, #tpu.memory_space<hbm>> -> memref<3200x32xf32, #tpu.memory_space<hbm>>
      tpu.wait_dma2 semaphore(%run_scoped3A : memref<!tpu.dma_semaphore, #tpu.memory_space<semaphore_mem>>) src(%dma_wait3A_22 : memref<3200x32xf32, #tpu.memory_space<hbm>>) dst(%dma_wait3A_20 : memref<3200x32xf32, #tpu.memory_space<vmem_shared>>)
      tpu.yield
    }) : () -> ()
    %barrier3A = arith.constant 0 : index
    tpu.barrier barrier_id(%barrier3A)
    %mul3A_5 = arith.constant 34 : i32
    %mul3A_6 = arith.muli %add3A, %mul3A_5 : i32
    %scan3A = arith.constant 0 : i32
    %scan3A_7 = arith.constant 0 : i32
    %scan3A_8 = arith.constant 34 : i32
    %scan3A_9 = arith.addi %scan3A_7, %scan3A_8 : i32
    %scan3A_10 = arith.constant 1 : i32
    scf.for %scan3A_17 = %scan3A_7 to %scan3A_9 step %scan3A_10  : i32 {
      %add3A_18 = arith.addi %mul3A_6, %scan3A_17 : i32
      "tpu.region"() ({
        %run_scoped3A = tpu.sem_alloc : memref<!tpu.dma_semaphore, #tpu.memory_space<semaphore_mem>>
        %dma_start3A_81 = arith.constant 0 : i32
        %dma_start3A_82 = arith.constant 0 : i32
        %dma_start3A_83 = arith.constant 0 : i32
        %dma_start3A_84 = tpu.memref_slice %arg3[%add3A_18, %dma_start3A_81, %dma_start3A_82, %dma_start3A_83] : memref<1088x2x2x384xi32, #tpu.memory_space<hbm>> -> memref<1x2x2x384xi32, #tpu.memory_space<hbm>>
        %dma_start3A_85 = tpu.memref_squeeze %dma_start3A_84 : memref<1x2x2x384xi32, #tpu.memory_space<hbm>> -> memref<2x2x384xi32, #tpu.memory_space<hbm>>
        %dma_start3A_86 = arith.constant 0 : i32
        %dma_start3A_87 = arith.constant 0 : i32
        %dma_start3A_88 = arith.constant 0 : i32
        %dma_start3A_89 = tpu.memref_slice %arg3[%add3A_18, %dma_start3A_86, %dma_start3A_87, %dma_start3A_88] : memref<1088x2x2x384xi32, #tpu.memory_space<hbm>> -> memref<1x2x2x384xi32, #tpu.memory_space<hbm>>
        %dma_start3A_90 = tpu.memref_squeeze %dma_start3A_89 : memref<1x2x2x384xi32, #tpu.memory_space<hbm>> -> memref<2x2x384xi32, #tpu.memory_space<hbm>>
        tpu.enqueue_dma source(%dma_start3A_90 : memref<2x2x384xi32, #tpu.memory_space<hbm>>) target(%arg7 : memref<2x2x384xi32, #tpu.memory_space<vmem>>) target_semaphore(%run_scoped3A : memref<!tpu.dma_semaphore, #tpu.memory_space<semaphore_mem>>)
        %dma_wait3A_91 = arith.constant 0 : i32
        %dma_wait3A_92 = arith.constant 0 : i32
        %dma_wait3A_93 = arith.constant 0 : i32
        %dma_wait3A_94 = tpu.memref_slice %arg3[%add3A_18, %dma_wait3A_91, %dma_wait3A_92, %dma_wait3A_93] : memref<1088x2x2x384xi32, #tpu.memory_space<hbm>> -> memref<1x2x2x384xi32, #tpu.memory_space<hbm>>
        %dma_wait3A_95 = tpu.memref_squeeze %dma_wait3A_94 : memref<1x2x2x384xi32, #tpu.memory_space<hbm>> -> memref<2x2x384xi32, #tpu.memory_space<hbm>>
        %dma_wait3A_96 = arith.constant 0 : i32
        %dma_wait3A_97 = arith.constant 0 : i32
        %dma_wait3A_98 = arith.constant 0 : i32
        %dma_wait3A_99 = tpu.memref_slice %arg3[%add3A_18, %dma_wait3A_96, %dma_wait3A_97, %dma_wait3A_98] : memref<1088x2x2x384xi32, #tpu.memory_space<hbm>> -> memref<1x2x2x384xi32, #tpu.memory_space<hbm>>
        %dma_wait3A_100 = tpu.memref_squeeze %dma_wait3A_99 : memref<1x2x2x384xi32, #tpu.memory_space<hbm>> -> memref<2x2x384xi32, #tpu.memory_space<hbm>>
        tpu.wait_dma2 semaphore(%run_scoped3A : memref<!tpu.dma_semaphore, #tpu.memory_space<semaphore_mem>>) src(%dma_wait3A_100 : memref<2x2x384xi32, #tpu.memory_space<hbm>>) dst(%arg7 : memref<2x2x384xi32, #tpu.memory_space<vmem>>)
        tpu.yield
      }) : () -> ()
      %dma_start3A = arith.constant 0 : i32
      %dma_start3A_19 = arith.constant 0 : i32
      %dma_start3A_20 = arith.constant 0 : i32
      %dma_start3A_21 = tpu.memref_slice %arg7[%dma_start3A, %dma_start3A_19, %dma_start3A_20] : memref<2x2x384xi32, #tpu.memory_space<vmem>> -> memref<1x1x384xi32, #tpu.memory_space<vmem>>
      %dma_start3A_22 = tpu.memref_squeeze %dma_start3A_21 : memref<1x1x384xi32, #tpu.memory_space<vmem>> -> memref<384xi32, #tpu.memory_space<vmem>>
      %dma_start3A_23 = arith.constant 0 : i32
      %dma_start3A_24 = arith.constant 0 : i32
      %dma_start3A_25 = tpu.memref_slice %arg2[%dma_start3A_23, %dma_start3A_24] : memref<50000x32xf32, #tpu.memory_space<hbm>> -> memref<50000x32xf32, #tpu.memory_space<hbm>>
      tpu.enqueue_indirect_dma source(%dma_start3A_25 : memref<50000x32xf32, #tpu.memory_space<hbm>>) target(%arg8 : memref<384x32xf32, #tpu.memory_space<vmem>>) offsets(%dma_start3A_22 : memref<384xi32, #tpu.memory_space<vmem>>) semaphore(%arg10 : memref<!tpu.dma_semaphore, #tpu.memory_space<semaphore_mem>>)
      %dma_start3A_26 = arith.constant 1 : i32
      %dma_start3A_27 = arith.constant 0 : i32
      %dma_start3A_28 = arith.constant 0 : i32
      %dma_start3A_29 = tpu.memref_slice %arg7[%dma_start3A_26, %dma_start3A_27, %dma_start3A_28] : memref<2x2x384xi32, #tpu.memory_space<vmem>> -> memref<1x1x384xi32, #tpu.memory_space<vmem>>
      %dma_start3A_30 = tpu.memref_squeeze %dma_start3A_29 : memref<1x1x384xi32, #tpu.memory_space<vmem>> -> memref<384xi32, #tpu.memory_space<vmem>>
      %dma_start3A_31 = arith.constant 0 : i32
      %dma_start3A_32 = arith.constant 0 : i32
      %dma_start3A_33 = tpu.memref_slice %arg2[%dma_start3A_31, %dma_start3A_32] : memref<50000x32xf32, #tpu.memory_space<hbm>> -> memref<50000x32xf32, #tpu.memory_space<hbm>>
      tpu.enqueue_indirect_dma source(%dma_start3A_33 : memref<50000x32xf32, #tpu.memory_space<hbm>>) target(%arg9 : memref<384x32xf32, #tpu.memory_space<vmem>>) offsets(%dma_start3A_30 : memref<384xi32, #tpu.memory_space<vmem>>) semaphore(%arg10 : memref<!tpu.dma_semaphore, #tpu.memory_space<semaphore_mem>>)
      %dma_wait3A = arith.constant 0 : i32
      %dma_wait3A_34 = arith.constant 0 : i32
      %dma_wait3A_35 = arith.constant 0 : i32
      %dma_wait3A_36 = tpu.memref_slice %arg7[%dma_wait3A, %dma_wait3A_34, %dma_wait3A_35] : memref<2x2x384xi32, #tpu.memory_space<vmem>> -> memref<1x1x384xi32, #tpu.memory_space<vmem>>
      %dma_wait3A_37 = tpu.memref_squeeze %dma_wait3A_36 : memref<1x1x384xi32, #tpu.memory_space<vmem>> -> memref<384xi32, #tpu.memory_space<vmem>>
      %dma_wait3A_38 = arith.constant 0 : i32
      %dma_wait3A_39 = arith.constant 0 : i32
      %dma_wait3A_40 = tpu.memref_slice %arg2[%dma_wait3A_38, %dma_wait3A_39] : memref<50000x32xf32, #tpu.memory_space<hbm>> -> memref<50000x32xf32, #tpu.memory_space<hbm>>
      tpu.wait_indirect_dma semaphore(%arg10 : memref<!tpu.dma_semaphore, #tpu.memory_space<semaphore_mem>>) src(%dma_wait3A_40 : memref<50000x32xf32, #tpu.memory_space<hbm>>) dst(%arg8 : memref<384x32xf32, #tpu.memory_space<vmem>>)
      %dma_start3A_41 = arith.constant 0 : i32
      %dma_start3A_42 = arith.constant 1 : i32
      %dma_start3A_43 = arith.constant 0 : i32
      %dma_start3A_44 = tpu.memref_slice %arg7[%dma_start3A_41, %dma_start3A_42, %dma_start3A_43] : memref<2x2x384xi32, #tpu.memory_space<vmem>> -> memref<1x1x384xi32, #tpu.memory_space<vmem>>
      %dma_start3A_45 = tpu.memref_squeeze %dma_start3A_44 : memref<1x1x384xi32, #tpu.memory_space<vmem>> -> memref<384xi32, #tpu.memory_space<vmem>>
      %dma_start3A_46 = arith.constant 0 : i32
      %dma_start3A_47 = arith.constant 0 : i32
      %dma_start3A_48 = tpu.memref_slice %arg6[%dma_start3A_46, %dma_start3A_47] : memref<51200x32xf32, #tpu.memory_space<vmem_shared>> -> memref<51200x32xf32, #tpu.memory_space<vmem_shared>>
      tpu.enqueue_indirect_dma source(%arg8 : memref<384x32xf32, #tpu.memory_space<vmem>>) target(%dma_start3A_48 : memref<51200x32xf32, #tpu.memory_space<vmem_shared>>) offsets(%dma_start3A_45 : memref<384xi32, #tpu.memory_space<vmem>>) semaphore(%arg11 : memref<!tpu.dma_semaphore, #tpu.memory_space<semaphore_mem>>) {add = true}
      %dma_wait3A_49 = arith.constant 1 : i32
      %dma_wait3A_50 = arith.constant 0 : i32
      %dma_wait3A_51 = arith.constant 0 : i32
      %dma_wait3A_52 = tpu.memref_slice %arg7[%dma_wait3A_49, %dma_wait3A_50, %dma_wait3A_51] : memref<2x2x384xi32, #tpu.memory_space<vmem>> -> memref<1x1x384xi32, #tpu.memory_space<vmem>>
      %dma_wait3A_53 = tpu.memref_squeeze %dma_wait3A_52 : memref<1x1x384xi32, #tpu.memory_space<vmem>> -> memref<384xi32, #tpu.memory_space<vmem>>
      %dma_wait3A_54 = arith.constant 0 : i32
      %dma_wait3A_55 = arith.constant 0 : i32
      %dma_wait3A_56 = tpu.memref_slice %arg2[%dma_wait3A_54, %dma_wait3A_55] : memref<50000x32xf32, #tpu.memory_space<hbm>> -> memref<50000x32xf32, #tpu.memory_space<hbm>>
      tpu.wait_indirect_dma semaphore(%arg10 : memref<!tpu.dma_semaphore, #tpu.memory_space<semaphore_mem>>) src(%dma_wait3A_56 : memref<50000x32xf32, #tpu.memory_space<hbm>>) dst(%arg9 : memref<384x32xf32, #tpu.memory_space<vmem>>)
      %dma_start3A_57 = arith.constant 1 : i32
      %dma_start3A_58 = arith.constant 1 : i32
      %dma_start3A_59 = arith.constant 0 : i32
      %dma_start3A_60 = tpu.memref_slice %arg7[%dma_start3A_57, %dma_start3A_58, %dma_start3A_59] : memref<2x2x384xi32, #tpu.memory_space<vmem>> -> memref<1x1x384xi32, #tpu.memory_space<vmem>>
      %dma_start3A_61 = tpu.memref_squeeze %dma_start3A_60 : memref<1x1x384xi32, #tpu.memory_space<vmem>> -> memref<384xi32, #tpu.memory_space<vmem>>
      %dma_start3A_62 = arith.constant 0 : i32
      %dma_start3A_63 = arith.constant 0 : i32
      %dma_start3A_64 = tpu.memref_slice %arg6[%dma_start3A_62, %dma_start3A_63] : memref<51200x32xf32, #tpu.memory_space<vmem_shared>> -> memref<51200x32xf32, #tpu.memory_space<vmem_shared>>
      tpu.enqueue_indirect_dma source(%arg9 : memref<384x32xf32, #tpu.memory_space<vmem>>) target(%dma_start3A_64 : memref<51200x32xf32, #tpu.memory_space<vmem_shared>>) offsets(%dma_start3A_61 : memref<384xi32, #tpu.memory_space<vmem>>) semaphore(%arg11 : memref<!tpu.dma_semaphore, #tpu.memory_space<semaphore_mem>>) {add = true}
      %dma_wait3A_65 = arith.constant 0 : i32
      %dma_wait3A_66 = arith.constant 1 : i32
      %dma_wait3A_67 = arith.constant 0 : i32
      %dma_wait3A_68 = tpu.memref_slice %arg7[%dma_wait3A_65, %dma_wait3A_66, %dma_wait3A_67] : memref<2x2x384xi32, #tpu.memory_space<vmem>> -> memref<1x1x384xi32, #tpu.memory_space<vmem>>
      %dma_wait3A_69 = tpu.memref_squeeze %dma_wait3A_68 : memref<1x1x384xi32, #tpu.memory_space<vmem>> -> memref<384xi32, #tpu.memory_space<vmem>>
      %dma_wait3A_70 = arith.constant 0 : i32
      %dma_wait3A_71 = arith.constant 0 : i32
      %dma_wait3A_72 = tpu.memref_slice %arg6[%dma_wait3A_70, %dma_wait3A_71] : memref<51200x32xf32, #tpu.memory_space<vmem_shared>> -> memref<51200x32xf32, #tpu.memory_space<vmem_shared>>
      tpu.wait_indirect_dma semaphore(%arg11 : memref<!tpu.dma_semaphore, #tpu.memory_space<semaphore_mem>>) src(%arg8 : memref<384x32xf32, #tpu.memory_space<vmem>>) dst(%dma_wait3A_72 : memref<51200x32xf32, #tpu.memory_space<vmem_shared>>)
      %dma_wait3A_73 = arith.constant 1 : i32
      %dma_wait3A_74 = arith.constant 1 : i32
      %dma_wait3A_75 = arith.constant 0 : i32
      %dma_wait3A_76 = tpu.memref_slice %arg7[%dma_wait3A_73, %dma_wait3A_74, %dma_wait3A_75] : memref<2x2x384xi32, #tpu.memory_space<vmem>> -> memref<1x1x384xi32, #tpu.memory_space<vmem>>
      %dma_wait3A_77 = tpu.memref_squeeze %dma_wait3A_76 : memref<1x1x384xi32, #tpu.memory_space<vmem>> -> memref<384xi32, #tpu.memory_space<vmem>>
      %dma_wait3A_78 = arith.constant 0 : i32
      %dma_wait3A_79 = arith.constant 0 : i32
      %dma_wait3A_80 = tpu.memref_slice %arg6[%dma_wait3A_78, %dma_wait3A_79] : memref<51200x32xf32, #tpu.memory_space<vmem_shared>> -> memref<51200x32xf32, #tpu.memory_space<vmem_shared>>
      tpu.wait_indirect_dma semaphore(%arg11 : memref<!tpu.dma_semaphore, #tpu.memory_space<semaphore_mem>>) src(%arg9 : memref<384x32xf32, #tpu.memory_space<vmem>>) dst(%dma_wait3A_80 : memref<51200x32xf32, #tpu.memory_space<vmem_shared>>)
    }
    %scan3A_11 = arith.constant 34 : i32
    %barrier3A_12 = arith.constant 0 : index
    tpu.barrier barrier_id(%barrier3A_12)
    %mul3A_13 = arith.constant 3200 : i32
    %mul3A_14 = arith.muli %arg1, %mul3A_13 : i32
    %mul3A_15 = arith.constant 3200 : i32
    %mul3A_16 = arith.muli %arg1, %mul3A_15 : i32
    "tpu.region"() ({
      %run_scoped3A = tpu.sem_alloc : memref<!tpu.dma_semaphore, #tpu.memory_space<semaphore_mem>>
      %dma_start3A = arith.constant 0 : i32
      %dma_start3A_17 = tpu.memref_slice %arg5[%arg0, %mul3A_16, %dma_start3A] : memref<2x51200x32xf32, #tpu.memory_space<hbm>> -> memref<1x3200x32xf32, #tpu.memory_space<hbm>>
      %dma_start3A_18 = tpu.memref_squeeze %dma_start3A_17 : memref<1x3200x32xf32, #tpu.memory_space<hbm>> -> memref<3200x32xf32, #tpu.memory_space<hbm>>
      %dma_start3A_19 = arith.constant 0 : i32
      %dma_start3A_20 = tpu.memref_slice %arg6[%mul3A_14, %dma_start3A_19] : memref<51200x32xf32, #tpu.memory_space<vmem_shared>> -> memref<3200x32xf32, #tpu.memory_space<vmem_shared>>
      tpu.enqueue_dma source(%dma_start3A_20 : memref<3200x32xf32, #tpu.memory_space<vmem_shared>>) target(%dma_start3A_18 : memref<3200x32xf32, #tpu.memory_space<hbm>>) target_semaphore(%run_scoped3A : memref<!tpu.dma_semaphore, #tpu.memory_space<semaphore_mem>>)
      %dma_wait3A = arith.constant 0 : i32
      %dma_wait3A_21 = tpu.memref_slice %arg5[%arg0, %mul3A_16, %dma_wait3A] : memref<2x51200x32xf32, #tpu.memory_space<hbm>> -> memref<1x3200x32xf32, #tpu.memory_space<hbm>>
      %dma_wait3A_22 = tpu.memref_squeeze %dma_wait3A_21 : memref<1x3200x32xf32, #tpu.memory_space<hbm>> -> memref<3200x32xf32, #tpu.memory_space<hbm>>
      %dma_wait3A_23 = arith.constant 0 : i32
      %dma_wait3A_24 = tpu.memref_slice %arg6[%mul3A_14, %dma_wait3A_23] : memref<51200x32xf32, #tpu.memory_space<vmem_shared>> -> memref<3200x32xf32, #tpu.memory_space<vmem_shared>>
      tpu.wait_dma2 semaphore(%run_scoped3A : memref<!tpu.dma_semaphore, #tpu.memory_space<semaphore_mem>>) src(%dma_wait3A_24 : memref<3200x32xf32, #tpu.memory_space<vmem_shared>>) dst(%dma_wait3A_22 : memref<3200x32xf32, #tpu.memory_space<hbm>>)
      tpu.yield
    }) : () -> ()
    return
  }
}

#map = affine_map<(d0, d1) -> (0, 0)>
#map1 = affine_map<(d0, d1) -> (0, 0, 0, 0)>
#map2 = affine_map<(d0, d1) -> (0, 0, 0)>
module attributes {stable_mosaic.version = 14 : i64} {
  func.func @_agg_body(%arg0: i32, %arg1: i32, %arg2: memref<50000x32xf32, #tpu.memory_space<hbm>>, %arg3: memref<1088x2x2x384xi32, #tpu.memory_space<hbm>>, %arg4: memref<51200x32xf32, #tpu.memory_space<hbm>>, %arg5: memref<2x51200x32xf32, #tpu.memory_space<hbm>>, %arg6: memref<51200x32xf32, #tpu.memory_space<vmem_shared>>, %arg7: memref<2x2x384xi32, #tpu.memory_space<vmem>>, %arg8: memref<384x32xf32, #tpu.memory_space<vmem>>, %arg9: memref<384x32xf32, #tpu.memory_space<vmem>>, %arg10: memref<!tpu.dma_semaphore, #tpu.memory_space<semaphore_mem>>, %arg11: memref<!tpu.dma_semaphore, #tpu.memory_space<semaphore_mem>>) attributes {dimension_semantics = [#tpu.dimension_semantics<core_parallel>, #tpu.dimension_semantics<subcore_parallel>], iteration_bounds = array<i64: 2, 16>, scalar_prefetch = 0 : i64, scratch_operands = 6 : i64, tpu.core_type = #tpu.core_type<sc_vector_subcore>, window_params = [{transform_indices = #map}, {transform_indices = #map1}, {transform_indices = #map}, {transform_indices = #map2}]} {
    %mul3A = arith.constant 16 : i32
    %mul3A_0 = arith.muli %arg0, %mul3A : i32
    %add3A = arith.addi %mul3A_0, %arg1 : i32
    %mul3A_1 = arith.constant 3200 : i32
    %mul3A_2 = arith.muli %arg1, %mul3A_1 : i32
    %mul3A_3 = arith.constant 3200 : i32
    %mul3A_4 = arith.muli %arg1, %mul3A_3 : i32
    "tpu.region"() ({
      %run_scoped3A = tpu.sem_alloc : memref<!tpu.dma_semaphore, #tpu.memory_space<semaphore_mem>>
      %dma_start3A = arith.constant 0 : i32
      %dma_start3A_17 = tpu.memref_slice %arg6[%mul3A_4, %dma_start3A] : memref<51200x32xf32, #tpu.memory_space<vmem_shared>> -> memref<3200x32xf32, #tpu.memory_space<vmem_shared>>
      %dma_start3A_18 = arith.constant 0 : i32
      %dma_start3A_19 = tpu.memref_slice %arg4[%mul3A_2, %dma_start3A_18] : memref<51200x32xf32, #tpu.memory_space<hbm>> -> memref<3200x32xf32, #tpu.memory_space<hbm>>
      tpu.enqueue_dma source(%dma_start3A_19 : memref<3200x32xf32, #tpu.memory_space<hbm>>) target(%dma_start3A_17 : memref<3200x32xf32, #tpu.memory_space<vmem_shared>>) target_semaphore(%run_scoped3A : memref<!tpu.dma_semaphore, #tpu.memory_space<semaphore_mem>>)
      %dma_wait3A = arith.constant 0 : i32
      %dma_wait3A_20 = tpu.memref_slice %arg6[%mul3A_4, %dma_wait3A] : memref<51200x32xf32, #tpu.memory_space<vmem_shared>> -> memref<3200x32xf32, #tpu.memory_space<vmem_shared>>
      %dma_wait3A_21 = arith.constant 0 : i32
      %dma_wait3A_22 = tpu.memref_slice %arg4[%mul3A_2, %dma_wait3A_21] : memref<51200x32xf32, #tpu.memory_space<hbm>> -> memref<3200x32xf32, #tpu.memory_space<hbm>>
      tpu.wait_dma2 semaphore(%run_scoped3A : memref<!tpu.dma_semaphore, #tpu.memory_space<semaphore_mem>>) src(%dma_wait3A_22 : memref<3200x32xf32, #tpu.memory_space<hbm>>) dst(%dma_wait3A_20 : memref<3200x32xf32, #tpu.memory_space<vmem_shared>>)
      tpu.yield
    }) : () -> ()
    %barrier3A = arith.constant 0 : index
    tpu.barrier barrier_id(%barrier3A)
    %mul3A_5 = arith.constant 34 : i32
    %mul3A_6 = arith.muli %add3A, %mul3A_5 : i32
    %scan3A = arith.constant 0 : i32
    %scan3A_7 = arith.constant 0 : i32
    %scan3A_8 = arith.constant 34 : i32
    %scan3A_9 = arith.addi %scan3A_7, %scan3A_8 : i32
    %scan3A_10 = arith.constant 1 : i32
    scf.for %scan3A_17 = %scan3A_7 to %scan3A_9 step %scan3A_10  : i32 {
      %add3A_18 = arith.addi %mul3A_6, %scan3A_17 : i32
      "tpu.region"() ({
        %run_scoped3A = tpu.sem_alloc : memref<!tpu.dma_semaphore, #tpu.memory_space<semaphore_mem>>
        %dma_start3A_81 = arith.constant 0 : i32
        %dma_start3A_82 = arith.constant 0 : i32
        %dma_start3A_83 = arith.constant 0 : i32
        %dma_start3A_84 = tpu.memref_slice %arg3[%add3A_18, %dma_start3A_81, %dma_start3A_82, %dma_start3A_83] : memref<1088x2x2x384xi32, #tpu.memory_space<hbm>> -> memref<1x2x2x384xi32, #tpu.memory_space<hbm>>
        %dma_start3A_85 = tpu.memref_squeeze %dma_start3A_84 : memref<1x2x2x384xi32, #tpu.memory_space<hbm>> -> memref<2x2x384xi32, #tpu.memory_space<hbm>>
        %dma_start3A_86 = arith.constant 0 : i32
        %dma_start3A_87 = arith.constant 0 : i32
        %dma_start3A_88 = arith.constant 0 : i32
        %dma_start3A_89 = tpu.memref_slice %arg3[%add3A_18, %dma_start3A_86, %dma_start3A_87, %dma_start3A_88] : memref<1088x2x2x384xi32, #tpu.memory_space<hbm>> -> memref<1x2x2x384xi32, #tpu.memory_space<hbm>>
        %dma_start3A_90 = tpu.memref_squeeze %dma_start3A_89 : memref<1x2x2x384xi32, #tpu.memory_space<hbm>> -> memref<2x2x384xi32, #tpu.memory_space<hbm>>
        tpu.enqueue_dma source(%dma_start3A_90 : memref<2x2x384xi32, #tpu.memory_space<hbm>>) target(%arg7 : memref<2x2x384xi32, #tpu.memory_space<vmem>>) target_semaphore(%run_scoped3A : memref<!tpu.dma_semaphore, #tpu.memory_space<semaphore_mem>>)
        %dma_wait3A_91 = arith.constant 0 : i32
        %dma_wait3A_92 = arith.constant 0 : i32
        %dma_wait3A_93 = arith.constant 0 : i32
        %dma_wait3A_94 = tpu.memref_slice %arg3[%add3A_18, %dma_wait3A_91, %dma_wait3A_92, %dma_wait3A_93] : memref<1088x2x2x384xi32, #tpu.memory_space<hbm>> -> memref<1x2x2x384xi32, #tpu.memory_space<hbm>>
        %dma_wait3A_95 = tpu.memref_squeeze %dma_wait3A_94 : memref<1x2x2x384xi32, #tpu.memory_space<hbm>> -> memref<2x2x384xi32, #tpu.memory_space<hbm>>
        %dma_wait3A_96 = arith.constant 0 : i32
        %dma_wait3A_97 = arith.constant 0 : i32
        %dma_wait3A_98 = arith.constant 0 : i32
        %dma_wait3A_99 = tpu.memref_slice %arg3[%add3A_18, %dma_wait3A_96, %dma_wait3A_97, %dma_wait3A_98] : memref<1088x2x2x384xi32, #tpu.memory_space<hbm>> -> memref<1x2x2x384xi32, #tpu.memory_space<hbm>>
        %dma_wait3A_100 = tpu.memref_squeeze %dma_wait3A_99 : memref<1x2x2x384xi32, #tpu.memory_space<hbm>> -> memref<2x2x384xi32, #tpu.memory_space<hbm>>
        tpu.wait_dma2 semaphore(%run_scoped3A : memref<!tpu.dma_semaphore, #tpu.memory_space<semaphore_mem>>) src(%dma_wait3A_100 : memref<2x2x384xi32, #tpu.memory_space<hbm>>) dst(%arg7 : memref<2x2x384xi32, #tpu.memory_space<vmem>>)
        tpu.yield
      }) : () -> ()
      %dma_start3A = arith.constant 0 : i32
      %dma_start3A_19 = arith.constant 0 : i32
      %dma_start3A_20 = arith.constant 0 : i32
      %dma_start3A_21 = tpu.memref_slice %arg7[%dma_start3A, %dma_start3A_19, %dma_start3A_20] : memref<2x2x384xi32, #tpu.memory_space<vmem>> -> memref<1x1x384xi32, #tpu.memory_space<vmem>>
      %dma_start3A_22 = tpu.memref_squeeze %dma_start3A_21 : memref<1x1x384xi32, #tpu.memory_space<vmem>> -> memref<384xi32, #tpu.memory_space<vmem>>
      %dma_start3A_23 = arith.constant 0 : i32
      %dma_start3A_24 = arith.constant 0 : i32
      %dma_start3A_25 = tpu.memref_slice %arg2[%dma_start3A_23, %dma_start3A_24] : memref<50000x32xf32, #tpu.memory_space<hbm>> -> memref<50000x32xf32, #tpu.memory_space<hbm>>
      tpu.enqueue_indirect_dma source(%dma_start3A_25 : memref<50000x32xf32, #tpu.memory_space<hbm>>) target(%arg8 : memref<384x32xf32, #tpu.memory_space<vmem>>) offsets(%dma_start3A_22 : memref<384xi32, #tpu.memory_space<vmem>>) semaphore(%arg10 : memref<!tpu.dma_semaphore, #tpu.memory_space<semaphore_mem>>)
      %dma_start3A_26 = arith.constant 1 : i32
      %dma_start3A_27 = arith.constant 0 : i32
      %dma_start3A_28 = arith.constant 0 : i32
      %dma_start3A_29 = tpu.memref_slice %arg7[%dma_start3A_26, %dma_start3A_27, %dma_start3A_28] : memref<2x2x384xi32, #tpu.memory_space<vmem>> -> memref<1x1x384xi32, #tpu.memory_space<vmem>>
      %dma_start3A_30 = tpu.memref_squeeze %dma_start3A_29 : memref<1x1x384xi32, #tpu.memory_space<vmem>> -> memref<384xi32, #tpu.memory_space<vmem>>
      %dma_start3A_31 = arith.constant 0 : i32
      %dma_start3A_32 = arith.constant 0 : i32
      %dma_start3A_33 = tpu.memref_slice %arg2[%dma_start3A_31, %dma_start3A_32] : memref<50000x32xf32, #tpu.memory_space<hbm>> -> memref<50000x32xf32, #tpu.memory_space<hbm>>
      tpu.enqueue_indirect_dma source(%dma_start3A_33 : memref<50000x32xf32, #tpu.memory_space<hbm>>) target(%arg9 : memref<384x32xf32, #tpu.memory_space<vmem>>) offsets(%dma_start3A_30 : memref<384xi32, #tpu.memory_space<vmem>>) semaphore(%arg10 : memref<!tpu.dma_semaphore, #tpu.memory_space<semaphore_mem>>)
      %dma_wait3A = arith.constant 0 : i32
      %dma_wait3A_34 = arith.constant 0 : i32
      %dma_wait3A_35 = arith.constant 0 : i32
      %dma_wait3A_36 = tpu.memref_slice %arg7[%dma_wait3A, %dma_wait3A_34, %dma_wait3A_35] : memref<2x2x384xi32, #tpu.memory_space<vmem>> -> memref<1x1x384xi32, #tpu.memory_space<vmem>>
      %dma_wait3A_37 = tpu.memref_squeeze %dma_wait3A_36 : memref<1x1x384xi32, #tpu.memory_space<vmem>> -> memref<384xi32, #tpu.memory_space<vmem>>
      %dma_wait3A_38 = arith.constant 0 : i32
      %dma_wait3A_39 = arith.constant 0 : i32
      %dma_wait3A_40 = tpu.memref_slice %arg2[%dma_wait3A_38, %dma_wait3A_39] : memref<50000x32xf32, #tpu.memory_space<hbm>> -> memref<50000x32xf32, #tpu.memory_space<hbm>>
      tpu.wait_indirect_dma semaphore(%arg10 : memref<!tpu.dma_semaphore, #tpu.memory_space<semaphore_mem>>) src(%dma_wait3A_40 : memref<50000x32xf32, #tpu.memory_space<hbm>>) dst(%arg8 : memref<384x32xf32, #tpu.memory_space<vmem>>)
      %dma_start3A_41 = arith.constant 0 : i32
      %dma_start3A_42 = arith.constant 1 : i32
      %dma_start3A_43 = arith.constant 0 : i32
      %dma_start3A_44 = tpu.memref_slice %arg7[%dma_start3A_41, %dma_start3A_42, %dma_start3A_43] : memref<2x2x384xi32, #tpu.memory_space<vmem>> -> memref<1x1x384xi32, #tpu.memory_space<vmem>>
      %dma_start3A_45 = tpu.memref_squeeze %dma_start3A_44 : memref<1x1x384xi32, #tpu.memory_space<vmem>> -> memref<384xi32, #tpu.memory_space<vmem>>
      %dma_start3A_46 = arith.constant 0 : i32
      %dma_start3A_47 = arith.constant 0 : i32
      %dma_start3A_48 = tpu.memref_slice %arg6[%dma_start3A_46, %dma_start3A_47] : memref<51200x32xf32, #tpu.memory_space<vmem_shared>> -> memref<51200x32xf32, #tpu.memory_space<vmem_shared>>
      tpu.enqueue_indirect_dma source(%arg8 : memref<384x32xf32, #tpu.memory_space<vmem>>) target(%dma_start3A_48 : memref<51200x32xf32, #tpu.memory_space<vmem_shared>>) offsets(%dma_start3A_45 : memref<384xi32, #tpu.memory_space<vmem>>) semaphore(%arg11 : memref<!tpu.dma_semaphore, #tpu.memory_space<semaphore_mem>>) {add = true}
      %dma_wait3A_49 = arith.constant 1 : i32
      %dma_wait3A_50 = arith.constant 0 : i32
      %dma_wait3A_51 = arith.constant 0 : i32
      %dma_wait3A_52 = tpu.memref_slice %arg7[%dma_wait3A_49, %dma_wait3A_50, %dma_wait3A_51] : memref<2x2x384xi32, #tpu.memory_space<vmem>> -> memref<1x1x384xi32, #tpu.memory_space<vmem>>
      %dma_wait3A_53 = tpu.memref_squeeze %dma_wait3A_52 : memref<1x1x384xi32, #tpu.memory_space<vmem>> -> memref<384xi32, #tpu.memory_space<vmem>>
      %dma_wait3A_54 = arith.constant 0 : i32
      %dma_wait3A_55 = arith.constant 0 : i32
      %dma_wait3A_56 = tpu.memref_slice %arg2[%dma_wait3A_54, %dma_wait3A_55] : memref<50000x32xf32, #tpu.memory_space<hbm>> -> memref<50000x32xf32, #tpu.memory_space<hbm>>
      tpu.wait_indirect_dma semaphore(%arg10 : memref<!tpu.dma_semaphore, #tpu.memory_space<semaphore_mem>>) src(%dma_wait3A_56 : memref<50000x32xf32, #tpu.memory_space<hbm>>) dst(%arg9 : memref<384x32xf32, #tpu.memory_space<vmem>>)
      %dma_start3A_57 = arith.constant 1 : i32
      %dma_start3A_58 = arith.constant 1 : i32
      %dma_start3A_59 = arith.constant 0 : i32
      %dma_start3A_60 = tpu.memref_slice %arg7[%dma_start3A_57, %dma_start3A_58, %dma_start3A_59] : memref<2x2x384xi32, #tpu.memory_space<vmem>> -> memref<1x1x384xi32, #tpu.memory_space<vmem>>
      %dma_start3A_61 = tpu.memref_squeeze %dma_start3A_60 : memref<1x1x384xi32, #tpu.memory_space<vmem>> -> memref<384xi32, #tpu.memory_space<vmem>>
      %dma_start3A_62 = arith.constant 0 : i32
      %dma_start3A_63 = arith.constant 0 : i32
      %dma_start3A_64 = tpu.memref_slice %arg6[%dma_start3A_62, %dma_start3A_63] : memref<51200x32xf32, #tpu.memory_space<vmem_shared>> -> memref<51200x32xf32, #tpu.memory_space<vmem_shared>>
      tpu.enqueue_indirect_dma source(%arg9 : memref<384x32xf32, #tpu.memory_space<vmem>>) target(%dma_start3A_64 : memref<51200x32xf32, #tpu.memory_space<vmem_shared>>) offsets(%dma_start3A_61 : memref<384xi32, #tpu.memory_space<vmem>>) semaphore(%arg11 : memref<!tpu.dma_semaphore, #tpu.memory_space<semaphore_mem>>) {add = true}
      %dma_wait3A_65 = arith.constant 0 : i32
      %dma_wait3A_66 = arith.constant 1 : i32
      %dma_wait3A_67 = arith.constant 0 : i32
      %dma_wait3A_68 = tpu.memref_slice %arg7[%dma_wait3A_65, %dma_wait3A_66, %dma_wait3A_67] : memref<2x2x384xi32, #tpu.memory_space<vmem>> -> memref<1x1x384xi32, #tpu.memory_space<vmem>>
      %dma_wait3A_69 = tpu.memref_squeeze %dma_wait3A_68 : memref<1x1x384xi32, #tpu.memory_space<vmem>> -> memref<384xi32, #tpu.memory_space<vmem>>
      %dma_wait3A_70 = arith.constant 0 : i32
      %dma_wait3A_71 = arith.constant 0 : i32
      %dma_wait3A_72 = tpu.memref_slice %arg6[%dma_wait3A_70, %dma_wait3A_71] : memref<51200x32xf32, #tpu.memory_space<vmem_shared>> -> memref<51200x32xf32, #tpu.memory_space<vmem_shared>>
      tpu.wait_indirect_dma semaphore(%arg11 : memref<!tpu.dma_semaphore, #tpu.memory_space<semaphore_mem>>) src(%arg8 : memref<384x32xf32, #tpu.memory_space<vmem>>) dst(%dma_wait3A_72 : memref<51200x32xf32, #tpu.memory_space<vmem_shared>>)
      %dma_wait3A_73 = arith.constant 1 : i32
      %dma_wait3A_74 = arith.constant 1 : i32
      %dma_wait3A_75 = arith.constant 0 : i32
      %dma_wait3A_76 = tpu.memref_slice %arg7[%dma_wait3A_73, %dma_wait3A_74, %dma_wait3A_75] : memref<2x2x384xi32, #tpu.memory_space<vmem>> -> memref<1x1x384xi32, #tpu.memory_space<vmem>>
      %dma_wait3A_77 = tpu.memref_squeeze %dma_wait3A_76 : memref<1x1x384xi32, #tpu.memory_space<vmem>> -> memref<384xi32, #tpu.memory_space<vmem>>
      %dma_wait3A_78 = arith.constant 0 : i32
      %dma_wait3A_79 = arith.constant 0 : i32
      %dma_wait3A_80 = tpu.memref_slice %arg6[%dma_wait3A_78, %dma_wait3A_79] : memref<51200x32xf32, #tpu.memory_space<vmem_shared>> -> memref<51200x32xf32, #tpu.memory_space<vmem_shared>>
      tpu.wait_indirect_dma semaphore(%arg11 : memref<!tpu.dma_semaphore, #tpu.memory_space<semaphore_mem>>) src(%arg9 : memref<384x32xf32, #tpu.memory_space<vmem>>) dst(%dma_wait3A_80 : memref<51200x32xf32, #tpu.memory_space<vmem_shared>>)
    }
    %scan3A_11 = arith.constant 34 : i32
    %barrier3A_12 = arith.constant 0 : index
    tpu.barrier barrier_id(%barrier3A_12)
    %mul3A_13 = arith.constant 3200 : i32
    %mul3A_14 = arith.muli %arg1, %mul3A_13 : i32
    %mul3A_15 = arith.constant 3200 : i32
    %mul3A_16 = arith.muli %arg1, %mul3A_15 : i32
    "tpu.region"() ({
      %run_scoped3A = tpu.sem_alloc : memref<!tpu.dma_semaphore, #tpu.memory_space<semaphore_mem>>
      %dma_start3A = arith.constant 0 : i32
      %dma_start3A_17 = tpu.memref_slice %arg5[%arg0, %mul3A_16, %dma_start3A] : memref<2x51200x32xf32, #tpu.memory_space<hbm>> -> memref<1x3200x32xf32, #tpu.memory_space<hbm>>
      %dma_start3A_18 = tpu.memref_squeeze %dma_start3A_17 : memref<1x3200x32xf32, #tpu.memory_space<hbm>> -> memref<3200x32xf32, #tpu.memory_space<hbm>>
      %dma_start3A_19 = arith.constant 0 : i32
      %dma_start3A_20 = tpu.memref_slice %arg6[%mul3A_14, %dma_start3A_19] : memref<51200x32xf32, #tpu.memory_space<vmem_shared>> -> memref<3200x32xf32, #tpu.memory_space<vmem_shared>>
      tpu.enqueue_dma source(%dma_start3A_20 : memref<3200x32xf32, #tpu.memory_space<vmem_shared>>) target(%dma_start3A_18 : memref<3200x32xf32, #tpu.memory_space<hbm>>) target_semaphore(%run_scoped3A : memref<!tpu.dma_semaphore, #tpu.memory_space<semaphore_mem>>)
      %dma_wait3A = arith.constant 0 : i32
      %dma_wait3A_21 = tpu.memref_slice %arg5[%arg0, %mul3A_16, %dma_wait3A] : memref<2x51200x32xf32, #tpu.memory_space<hbm>> -> memref<1x3200x32xf32, #tpu.memory_space<hbm>>
      %dma_wait3A_22 = tpu.memref_squeeze %dma_wait3A_21 : memref<1x3200x32xf32, #tpu.memory_space<hbm>> -> memref<3200x32xf32, #tpu.memory_space<hbm>>
      %dma_wait3A_23 = arith.constant 0 : i32
      %dma_wait3A_24 = tpu.memref_slice %arg6[%mul3A_14, %dma_wait3A_23] : memref<51200x32xf32, #tpu.memory_space<vmem_shared>> -> memref<3200x32xf32, #tpu.memory_space<vmem_shared>>
      tpu.wait_dma2 semaphore(%run_scoped3A : memref<!tpu.dma_semaphore, #tpu.memory_space<semaphore_mem>>) src(%dma_wait3A_24 : memref<3200x32xf32, #tpu.memory_space<vmem_shared>>) dst(%dma_wait3A_22 : memref<3200x32xf32, #tpu.memory_space<hbm>>)
      tpu.yield
    }) : () -> ()
    return
  }
}

#map = affine_map<(d0, d1) -> (0, 0)>
#map1 = affine_map<(d0, d1) -> (0, 0, 0, 0)>
#map2 = affine_map<(d0, d1) -> (0, 0, 0)>
module attributes {stable_mosaic.version = 14 : i64} {
  func.func @_agg_body(%arg0: i32, %arg1: i32, %arg2: memref<50000x32xf32, #tpu.memory_space<hbm>>, %arg3: memref<1088x2x2x384xi32, #tpu.memory_space<hbm>>, %arg4: memref<51200x32xf32, #tpu.memory_space<hbm>>, %arg5: memref<2x51200x32xf32, #tpu.memory_space<hbm>>, %arg6: memref<51200x32xf32, #tpu.memory_space<vmem_shared>>, %arg7: memref<2x2x384xi32, #tpu.memory_space<vmem>>, %arg8: memref<384x32xf32, #tpu.memory_space<vmem>>, %arg9: memref<384x32xf32, #tpu.memory_space<vmem>>, %arg10: memref<!tpu.dma_semaphore, #tpu.memory_space<semaphore_mem>>, %arg11: memref<!tpu.dma_semaphore, #tpu.memory_space<semaphore_mem>>) attributes {dimension_semantics = [#tpu.dimension_semantics<core_parallel>, #tpu.dimension_semantics<subcore_parallel>], iteration_bounds = array<i64: 2, 16>, scalar_prefetch = 0 : i64, scratch_operands = 6 : i64, tpu.core_type = #tpu.core_type<sc_vector_subcore>, window_params = [{transform_indices = #map}, {transform_indices = #map1}, {transform_indices = #map}, {transform_indices = #map2}]} {
    %mul3A = arith.constant 16 : i32
    %mul3A_0 = arith.muli %arg0, %mul3A : i32
    %add3A = arith.addi %mul3A_0, %arg1 : i32
    %mul3A_1 = arith.constant 3200 : i32
    %mul3A_2 = arith.muli %arg1, %mul3A_1 : i32
    %mul3A_3 = arith.constant 3200 : i32
    %mul3A_4 = arith.muli %arg1, %mul3A_3 : i32
    "tpu.region"() ({
      %run_scoped3A = tpu.sem_alloc : memref<!tpu.dma_semaphore, #tpu.memory_space<semaphore_mem>>
      %dma_start3A = arith.constant 0 : i32
      %dma_start3A_17 = tpu.memref_slice %arg6[%mul3A_4, %dma_start3A] : memref<51200x32xf32, #tpu.memory_space<vmem_shared>> -> memref<3200x32xf32, #tpu.memory_space<vmem_shared>>
      %dma_start3A_18 = arith.constant 0 : i32
      %dma_start3A_19 = tpu.memref_slice %arg4[%mul3A_2, %dma_start3A_18] : memref<51200x32xf32, #tpu.memory_space<hbm>> -> memref<3200x32xf32, #tpu.memory_space<hbm>>
      tpu.enqueue_dma source(%dma_start3A_19 : memref<3200x32xf32, #tpu.memory_space<hbm>>) target(%dma_start3A_17 : memref<3200x32xf32, #tpu.memory_space<vmem_shared>>) target_semaphore(%run_scoped3A : memref<!tpu.dma_semaphore, #tpu.memory_space<semaphore_mem>>)
      %dma_wait3A = arith.constant 0 : i32
      %dma_wait3A_20 = tpu.memref_slice %arg6[%mul3A_4, %dma_wait3A] : memref<51200x32xf32, #tpu.memory_space<vmem_shared>> -> memref<3200x32xf32, #tpu.memory_space<vmem_shared>>
      %dma_wait3A_21 = arith.constant 0 : i32
      %dma_wait3A_22 = tpu.memref_slice %arg4[%mul3A_2, %dma_wait3A_21] : memref<51200x32xf32, #tpu.memory_space<hbm>> -> memref<3200x32xf32, #tpu.memory_space<hbm>>
      tpu.wait_dma2 semaphore(%run_scoped3A : memref<!tpu.dma_semaphore, #tpu.memory_space<semaphore_mem>>) src(%dma_wait3A_22 : memref<3200x32xf32, #tpu.memory_space<hbm>>) dst(%dma_wait3A_20 : memref<3200x32xf32, #tpu.memory_space<vmem_shared>>)
      tpu.yield
    }) : () -> ()
    %barrier3A = arith.constant 0 : index
    tpu.barrier barrier_id(%barrier3A)
    %mul3A_5 = arith.constant 34 : i32
    %mul3A_6 = arith.muli %add3A, %mul3A_5 : i32
    %scan3A = arith.constant 0 : i32
    %scan3A_7 = arith.constant 0 : i32
    %scan3A_8 = arith.constant 34 : i32
    %scan3A_9 = arith.addi %scan3A_7, %scan3A_8 : i32
    %scan3A_10 = arith.constant 1 : i32
    scf.for %scan3A_17 = %scan3A_7 to %scan3A_9 step %scan3A_10  : i32 {
      %add3A_18 = arith.addi %mul3A_6, %scan3A_17 : i32
      "tpu.region"() ({
        %run_scoped3A = tpu.sem_alloc : memref<!tpu.dma_semaphore, #tpu.memory_space<semaphore_mem>>
        %dma_start3A_81 = arith.constant 0 : i32
        %dma_start3A_82 = arith.constant 0 : i32
        %dma_start3A_83 = arith.constant 0 : i32
        %dma_start3A_84 = tpu.memref_slice %arg3[%add3A_18, %dma_start3A_81, %dma_start3A_82, %dma_start3A_83] : memref<1088x2x2x384xi32, #tpu.memory_space<hbm>> -> memref<1x2x2x384xi32, #tpu.memory_space<hbm>>
        %dma_start3A_85 = tpu.memref_squeeze %dma_start3A_84 : memref<1x2x2x384xi32, #tpu.memory_space<hbm>> -> memref<2x2x384xi32, #tpu.memory_space<hbm>>
        %dma_start3A_86 = arith.constant 0 : i32
        %dma_start3A_87 = arith.constant 0 : i32
        %dma_start3A_88 = arith.constant 0 : i32
        %dma_start3A_89 = tpu.memref_slice %arg3[%add3A_18, %dma_start3A_86, %dma_start3A_87, %dma_start3A_88] : memref<1088x2x2x384xi32, #tpu.memory_space<hbm>> -> memref<1x2x2x384xi32, #tpu.memory_space<hbm>>
        %dma_start3A_90 = tpu.memref_squeeze %dma_start3A_89 : memref<1x2x2x384xi32, #tpu.memory_space<hbm>> -> memref<2x2x384xi32, #tpu.memory_space<hbm>>
        tpu.enqueue_dma source(%dma_start3A_90 : memref<2x2x384xi32, #tpu.memory_space<hbm>>) target(%arg7 : memref<2x2x384xi32, #tpu.memory_space<vmem>>) target_semaphore(%run_scoped3A : memref<!tpu.dma_semaphore, #tpu.memory_space<semaphore_mem>>)
        %dma_wait3A_91 = arith.constant 0 : i32
        %dma_wait3A_92 = arith.constant 0 : i32
        %dma_wait3A_93 = arith.constant 0 : i32
        %dma_wait3A_94 = tpu.memref_slice %arg3[%add3A_18, %dma_wait3A_91, %dma_wait3A_92, %dma_wait3A_93] : memref<1088x2x2x384xi32, #tpu.memory_space<hbm>> -> memref<1x2x2x384xi32, #tpu.memory_space<hbm>>
        %dma_wait3A_95 = tpu.memref_squeeze %dma_wait3A_94 : memref<1x2x2x384xi32, #tpu.memory_space<hbm>> -> memref<2x2x384xi32, #tpu.memory_space<hbm>>
        %dma_wait3A_96 = arith.constant 0 : i32
        %dma_wait3A_97 = arith.constant 0 : i32
        %dma_wait3A_98 = arith.constant 0 : i32
        %dma_wait3A_99 = tpu.memref_slice %arg3[%add3A_18, %dma_wait3A_96, %dma_wait3A_97, %dma_wait3A_98] : memref<1088x2x2x384xi32, #tpu.memory_space<hbm>> -> memref<1x2x2x384xi32, #tpu.memory_space<hbm>>
        %dma_wait3A_100 = tpu.memref_squeeze %dma_wait3A_99 : memref<1x2x2x384xi32, #tpu.memory_space<hbm>> -> memref<2x2x384xi32, #tpu.memory_space<hbm>>
        tpu.wait_dma2 semaphore(%run_scoped3A : memref<!tpu.dma_semaphore, #tpu.memory_space<semaphore_mem>>) src(%dma_wait3A_100 : memref<2x2x384xi32, #tpu.memory_space<hbm>>) dst(%arg7 : memref<2x2x384xi32, #tpu.memory_space<vmem>>)
        tpu.yield
      }) : () -> ()
      %dma_start3A = arith.constant 0 : i32
      %dma_start3A_19 = arith.constant 0 : i32
      %dma_start3A_20 = arith.constant 0 : i32
      %dma_start3A_21 = tpu.memref_slice %arg7[%dma_start3A, %dma_start3A_19, %dma_start3A_20] : memref<2x2x384xi32, #tpu.memory_space<vmem>> -> memref<1x1x384xi32, #tpu.memory_space<vmem>>
      %dma_start3A_22 = tpu.memref_squeeze %dma_start3A_21 : memref<1x1x384xi32, #tpu.memory_space<vmem>> -> memref<384xi32, #tpu.memory_space<vmem>>
      %dma_start3A_23 = arith.constant 0 : i32
      %dma_start3A_24 = arith.constant 0 : i32
      %dma_start3A_25 = tpu.memref_slice %arg2[%dma_start3A_23, %dma_start3A_24] : memref<50000x32xf32, #tpu.memory_space<hbm>> -> memref<50000x32xf32, #tpu.memory_space<hbm>>
      tpu.enqueue_indirect_dma source(%dma_start3A_25 : memref<50000x32xf32, #tpu.memory_space<hbm>>) target(%arg8 : memref<384x32xf32, #tpu.memory_space<vmem>>) offsets(%dma_start3A_22 : memref<384xi32, #tpu.memory_space<vmem>>) semaphore(%arg10 : memref<!tpu.dma_semaphore, #tpu.memory_space<semaphore_mem>>)
      %dma_start3A_26 = arith.constant 1 : i32
      %dma_start3A_27 = arith.constant 0 : i32
      %dma_start3A_28 = arith.constant 0 : i32
      %dma_start3A_29 = tpu.memref_slice %arg7[%dma_start3A_26, %dma_start3A_27, %dma_start3A_28] : memref<2x2x384xi32, #tpu.memory_space<vmem>> -> memref<1x1x384xi32, #tpu.memory_space<vmem>>
      %dma_start3A_30 = tpu.memref_squeeze %dma_start3A_29 : memref<1x1x384xi32, #tpu.memory_space<vmem>> -> memref<384xi32, #tpu.memory_space<vmem>>
      %dma_start3A_31 = arith.constant 0 : i32
      %dma_start3A_32 = arith.constant 0 : i32
      %dma_start3A_33 = tpu.memref_slice %arg2[%dma_start3A_31, %dma_start3A_32] : memref<50000x32xf32, #tpu.memory_space<hbm>> -> memref<50000x32xf32, #tpu.memory_space<hbm>>
      tpu.enqueue_indirect_dma source(%dma_start3A_33 : memref<50000x32xf32, #tpu.memory_space<hbm>>) target(%arg9 : memref<384x32xf32, #tpu.memory_space<vmem>>) offsets(%dma_start3A_30 : memref<384xi32, #tpu.memory_space<vmem>>) semaphore(%arg10 : memref<!tpu.dma_semaphore, #tpu.memory_space<semaphore_mem>>)
      %dma_wait3A = arith.constant 0 : i32
      %dma_wait3A_34 = arith.constant 0 : i32
      %dma_wait3A_35 = arith.constant 0 : i32
      %dma_wait3A_36 = tpu.memref_slice %arg7[%dma_wait3A, %dma_wait3A_34, %dma_wait3A_35] : memref<2x2x384xi32, #tpu.memory_space<vmem>> -> memref<1x1x384xi32, #tpu.memory_space<vmem>>
      %dma_wait3A_37 = tpu.memref_squeeze %dma_wait3A_36 : memref<1x1x384xi32, #tpu.memory_space<vmem>> -> memref<384xi32, #tpu.memory_space<vmem>>
      %dma_wait3A_38 = arith.constant 0 : i32
      %dma_wait3A_39 = arith.constant 0 : i32
      %dma_wait3A_40 = tpu.memref_slice %arg2[%dma_wait3A_38, %dma_wait3A_39] : memref<50000x32xf32, #tpu.memory_space<hbm>> -> memref<50000x32xf32, #tpu.memory_space<hbm>>
      tpu.wait_indirect_dma semaphore(%arg10 : memref<!tpu.dma_semaphore, #tpu.memory_space<semaphore_mem>>) src(%dma_wait3A_40 : memref<50000x32xf32, #tpu.memory_space<hbm>>) dst(%arg8 : memref<384x32xf32, #tpu.memory_space<vmem>>)
      %dma_start3A_41 = arith.constant 0 : i32
      %dma_start3A_42 = arith.constant 1 : i32
      %dma_start3A_43 = arith.constant 0 : i32
      %dma_start3A_44 = tpu.memref_slice %arg7[%dma_start3A_41, %dma_start3A_42, %dma_start3A_43] : memref<2x2x384xi32, #tpu.memory_space<vmem>> -> memref<1x1x384xi32, #tpu.memory_space<vmem>>
      %dma_start3A_45 = tpu.memref_squeeze %dma_start3A_44 : memref<1x1x384xi32, #tpu.memory_space<vmem>> -> memref<384xi32, #tpu.memory_space<vmem>>
      %dma_start3A_46 = arith.constant 0 : i32
      %dma_start3A_47 = arith.constant 0 : i32
      %dma_start3A_48 = tpu.memref_slice %arg6[%dma_start3A_46, %dma_start3A_47] : memref<51200x32xf32, #tpu.memory_space<vmem_shared>> -> memref<51200x32xf32, #tpu.memory_space<vmem_shared>>
      tpu.enqueue_indirect_dma source(%arg8 : memref<384x32xf32, #tpu.memory_space<vmem>>) target(%dma_start3A_48 : memref<51200x32xf32, #tpu.memory_space<vmem_shared>>) offsets(%dma_start3A_45 : memref<384xi32, #tpu.memory_space<vmem>>) semaphore(%arg11 : memref<!tpu.dma_semaphore, #tpu.memory_space<semaphore_mem>>) {add = true}
      %dma_wait3A_49 = arith.constant 1 : i32
      %dma_wait3A_50 = arith.constant 0 : i32
      %dma_wait3A_51 = arith.constant 0 : i32
      %dma_wait3A_52 = tpu.memref_slice %arg7[%dma_wait3A_49, %dma_wait3A_50, %dma_wait3A_51] : memref<2x2x384xi32, #tpu.memory_space<vmem>> -> memref<1x1x384xi32, #tpu.memory_space<vmem>>
      %dma_wait3A_53 = tpu.memref_squeeze %dma_wait3A_52 : memref<1x1x384xi32, #tpu.memory_space<vmem>> -> memref<384xi32, #tpu.memory_space<vmem>>
      %dma_wait3A_54 = arith.constant 0 : i32
      %dma_wait3A_55 = arith.constant 0 : i32
      %dma_wait3A_56 = tpu.memref_slice %arg2[%dma_wait3A_54, %dma_wait3A_55] : memref<50000x32xf32, #tpu.memory_space<hbm>> -> memref<50000x32xf32, #tpu.memory_space<hbm>>
      tpu.wait_indirect_dma semaphore(%arg10 : memref<!tpu.dma_semaphore, #tpu.memory_space<semaphore_mem>>) src(%dma_wait3A_56 : memref<50000x32xf32, #tpu.memory_space<hbm>>) dst(%arg9 : memref<384x32xf32, #tpu.memory_space<vmem>>)
      %dma_start3A_57 = arith.constant 1 : i32
      %dma_start3A_58 = arith.constant 1 : i32
      %dma_start3A_59 = arith.constant 0 : i32
      %dma_start3A_60 = tpu.memref_slice %arg7[%dma_start3A_57, %dma_start3A_58, %dma_start3A_59] : memref<2x2x384xi32, #tpu.memory_space<vmem>> -> memref<1x1x384xi32, #tpu.memory_space<vmem>>
      %dma_start3A_61 = tpu.memref_squeeze %dma_start3A_60 : memref<1x1x384xi32, #tpu.memory_space<vmem>> -> memref<384xi32, #tpu.memory_space<vmem>>
      %dma_start3A_62 = arith.constant 0 : i32
      %dma_start3A_63 = arith.constant 0 : i32
      %dma_start3A_64 = tpu.memref_slice %arg6[%dma_start3A_62, %dma_start3A_63] : memref<51200x32xf32, #tpu.memory_space<vmem_shared>> -> memref<51200x32xf32, #tpu.memory_space<vmem_shared>>
      tpu.enqueue_indirect_dma source(%arg9 : memref<384x32xf32, #tpu.memory_space<vmem>>) target(%dma_start3A_64 : memref<51200x32xf32, #tpu.memory_space<vmem_shared>>) offsets(%dma_start3A_61 : memref<384xi32, #tpu.memory_space<vmem>>) semaphore(%arg11 : memref<!tpu.dma_semaphore, #tpu.memory_space<semaphore_mem>>) {add = true}
      %dma_wait3A_65 = arith.constant 0 : i32
      %dma_wait3A_66 = arith.constant 1 : i32
      %dma_wait3A_67 = arith.constant 0 : i32
      %dma_wait3A_68 = tpu.memref_slice %arg7[%dma_wait3A_65, %dma_wait3A_66, %dma_wait3A_67] : memref<2x2x384xi32, #tpu.memory_space<vmem>> -> memref<1x1x384xi32, #tpu.memory_space<vmem>>
      %dma_wait3A_69 = tpu.memref_squeeze %dma_wait3A_68 : memref<1x1x384xi32, #tpu.memory_space<vmem>> -> memref<384xi32, #tpu.memory_space<vmem>>
      %dma_wait3A_70 = arith.constant 0 : i32
      %dma_wait3A_71 = arith.constant 0 : i32
      %dma_wait3A_72 = tpu.memref_slice %arg6[%dma_wait3A_70, %dma_wait3A_71] : memref<51200x32xf32, #tpu.memory_space<vmem_shared>> -> memref<51200x32xf32, #tpu.memory_space<vmem_shared>>
      tpu.wait_indirect_dma semaphore(%arg11 : memref<!tpu.dma_semaphore, #tpu.memory_space<semaphore_mem>>) src(%arg8 : memref<384x32xf32, #tpu.memory_space<vmem>>) dst(%dma_wait3A_72 : memref<51200x32xf32, #tpu.memory_space<vmem_shared>>)
      %dma_wait3A_73 = arith.constant 1 : i32
      %dma_wait3A_74 = arith.constant 1 : i32
      %dma_wait3A_75 = arith.constant 0 : i32
      %dma_wait3A_76 = tpu.memref_slice %arg7[%dma_wait3A_73, %dma_wait3A_74, %dma_wait3A_75] : memref<2x2x384xi32, #tpu.memory_space<vmem>> -> memref<1x1x384xi32, #tpu.memory_space<vmem>>
      %dma_wait3A_77 = tpu.memref_squeeze %dma_wait3A_76 : memref<1x1x384xi32, #tpu.memory_space<vmem>> -> memref<384xi32, #tpu.memory_space<vmem>>
      %dma_wait3A_78 = arith.constant 0 : i32
      %dma_wait3A_79 = arith.constant 0 : i32
      %dma_wait3A_80 = tpu.memref_slice %arg6[%dma_wait3A_78, %dma_wait3A_79] : memref<51200x32xf32, #tpu.memory_space<vmem_shared>> -> memref<51200x32xf32, #tpu.memory_space<vmem_shared>>
      tpu.wait_indirect_dma semaphore(%arg11 : memref<!tpu.dma_semaphore, #tpu.memory_space<semaphore_mem>>) src(%arg9 : memref<384x32xf32, #tpu.memory_space<vmem>>) dst(%dma_wait3A_80 : memref<51200x32xf32, #tpu.memory_space<vmem_shared>>)
    }
    %scan3A_11 = arith.constant 34 : i32
    %barrier3A_12 = arith.constant 0 : index
    tpu.barrier barrier_id(%barrier3A_12)
    %mul3A_13 = arith.constant 3200 : i32
    %mul3A_14 = arith.muli %arg1, %mul3A_13 : i32
    %mul3A_15 = arith.constant 3200 : i32
    %mul3A_16 = arith.muli %arg1, %mul3A_15 : i32
    "tpu.region"() ({
      %run_scoped3A = tpu.sem_alloc : memref<!tpu.dma_semaphore, #tpu.memory_space<semaphore_mem>>
      %dma_start3A = arith.constant 0 : i32
      %dma_start3A_17 = tpu.memref_slice %arg5[%arg0, %mul3A_16, %dma_start3A] : memref<2x51200x32xf32, #tpu.memory_space<hbm>> -> memref<1x3200x32xf32, #tpu.memory_space<hbm>>
      %dma_start3A_18 = tpu.memref_squeeze %dma_start3A_17 : memref<1x3200x32xf32, #tpu.memory_space<hbm>> -> memref<3200x32xf32, #tpu.memory_space<hbm>>
      %dma_start3A_19 = arith.constant 0 : i32
      %dma_start3A_20 = tpu.memref_slice %arg6[%mul3A_14, %dma_start3A_19] : memref<51200x32xf32, #tpu.memory_space<vmem_shared>> -> memref<3200x32xf32, #tpu.memory_space<vmem_shared>>
      tpu.enqueue_dma source(%dma_start3A_20 : memref<3200x32xf32, #tpu.memory_space<vmem_shared>>) target(%dma_start3A_18 : memref<3200x32xf32, #tpu.memory_space<hbm>>) target_semaphore(%run_scoped3A : memref<!tpu.dma_semaphore, #tpu.memory_space<semaphore_mem>>)
      %dma_wait3A = arith.constant 0 : i32
      %dma_wait3A_21 = tpu.memref_slice %arg5[%arg0, %mul3A_16, %dma_wait3A] : memref<2x51200x32xf32, #tpu.memory_space<hbm>> -> memref<1x3200x32xf32, #tpu.memory_space<hbm>>
      %dma_wait3A_22 = tpu.memref_squeeze %dma_wait3A_21 : memref<1x3200x32xf32, #tpu.memory_space<hbm>> -> memref<3200x32xf32, #tpu.memory_space<hbm>>
      %dma_wait3A_23 = arith.constant 0 : i32
      %dma_wait3A_24 = tpu.memref_slice %arg6[%mul3A_14, %dma_wait3A_23] : memref<51200x32xf32, #tpu.memory_space<vmem_shared>> -> memref<3200x32xf32, #tpu.memory_space<vmem_shared>>
      tpu.wait_dma2 semaphore(%run_scoped3A : memref<!tpu.dma_semaphore, #tpu.memory_space<semaphore_mem>>) src(%dma_wait3A_24 : memref<3200x32xf32, #tpu.memory_space<vmem_shared>>) dst(%dma_wait3A_22 : memref<3200x32xf32, #tpu.memory_space<hbm>>)
      tpu.yield
    }) : () -> ()
    return
  }
}

#map = affine_map<(d0, d1) -> (0, 0)>
#map1 = affine_map<(d0, d1) -> (0, 0, 0, 0)>
#map2 = affine_map<(d0, d1) -> (0, 0, 0)>
module attributes {stable_mosaic.version = 14 : i64} {
  func.func @_agg_body(%arg0: i32, %arg1: i32, %arg2: memref<50000x32xf32, #tpu.memory_space<hbm>>, %arg3: memref<1088x2x2x384xi32, #tpu.memory_space<hbm>>, %arg4: memref<51200x32xf32, #tpu.memory_space<hbm>>, %arg5: memref<2x51200x32xf32, #tpu.memory_space<hbm>>, %arg6: memref<51200x32xf32, #tpu.memory_space<vmem_shared>>, %arg7: memref<2x2x384xi32, #tpu.memory_space<vmem>>, %arg8: memref<384x32xf32, #tpu.memory_space<vmem>>, %arg9: memref<384x32xf32, #tpu.memory_space<vmem>>, %arg10: memref<!tpu.dma_semaphore, #tpu.memory_space<semaphore_mem>>, %arg11: memref<!tpu.dma_semaphore, #tpu.memory_space<semaphore_mem>>) attributes {dimension_semantics = [#tpu.dimension_semantics<core_parallel>, #tpu.dimension_semantics<subcore_parallel>], iteration_bounds = array<i64: 2, 16>, scalar_prefetch = 0 : i64, scratch_operands = 6 : i64, tpu.core_type = #tpu.core_type<sc_vector_subcore>, window_params = [{transform_indices = #map}, {transform_indices = #map1}, {transform_indices = #map}, {transform_indices = #map2}]} {
    %mul3A = arith.constant 16 : i32
    %mul3A_0 = arith.muli %arg0, %mul3A : i32
    %add3A = arith.addi %mul3A_0, %arg1 : i32
    %mul3A_1 = arith.constant 3200 : i32
    %mul3A_2 = arith.muli %arg1, %mul3A_1 : i32
    %mul3A_3 = arith.constant 3200 : i32
    %mul3A_4 = arith.muli %arg1, %mul3A_3 : i32
    "tpu.region"() ({
      %run_scoped3A = tpu.sem_alloc : memref<!tpu.dma_semaphore, #tpu.memory_space<semaphore_mem>>
      %dma_start3A = arith.constant 0 : i32
      %dma_start3A_17 = tpu.memref_slice %arg6[%mul3A_4, %dma_start3A] : memref<51200x32xf32, #tpu.memory_space<vmem_shared>> -> memref<3200x32xf32, #tpu.memory_space<vmem_shared>>
      %dma_start3A_18 = arith.constant 0 : i32
      %dma_start3A_19 = tpu.memref_slice %arg4[%mul3A_2, %dma_start3A_18] : memref<51200x32xf32, #tpu.memory_space<hbm>> -> memref<3200x32xf32, #tpu.memory_space<hbm>>
      tpu.enqueue_dma source(%dma_start3A_19 : memref<3200x32xf32, #tpu.memory_space<hbm>>) target(%dma_start3A_17 : memref<3200x32xf32, #tpu.memory_space<vmem_shared>>) target_semaphore(%run_scoped3A : memref<!tpu.dma_semaphore, #tpu.memory_space<semaphore_mem>>)
      %dma_wait3A = arith.constant 0 : i32
      %dma_wait3A_20 = tpu.memref_slice %arg6[%mul3A_4, %dma_wait3A] : memref<51200x32xf32, #tpu.memory_space<vmem_shared>> -> memref<3200x32xf32, #tpu.memory_space<vmem_shared>>
      %dma_wait3A_21 = arith.constant 0 : i32
      %dma_wait3A_22 = tpu.memref_slice %arg4[%mul3A_2, %dma_wait3A_21] : memref<51200x32xf32, #tpu.memory_space<hbm>> -> memref<3200x32xf32, #tpu.memory_space<hbm>>
      tpu.wait_dma2 semaphore(%run_scoped3A : memref<!tpu.dma_semaphore, #tpu.memory_space<semaphore_mem>>) src(%dma_wait3A_22 : memref<3200x32xf32, #tpu.memory_space<hbm>>) dst(%dma_wait3A_20 : memref<3200x32xf32, #tpu.memory_space<vmem_shared>>)
      tpu.yield
    }) : () -> ()
    %barrier3A = arith.constant 0 : index
    tpu.barrier barrier_id(%barrier3A)
    %mul3A_5 = arith.constant 34 : i32
    %mul3A_6 = arith.muli %add3A, %mul3A_5 : i32
    %scan3A = arith.constant 0 : i32
    %scan3A_7 = arith.constant 0 : i32
    %scan3A_8 = arith.constant 34 : i32
    %scan3A_9 = arith.addi %scan3A_7, %scan3A_8 : i32
    %scan3A_10 = arith.constant 1 : i32
    scf.for %scan3A_17 = %scan3A_7 to %scan3A_9 step %scan3A_10  : i32 {
      %add3A_18 = arith.addi %mul3A_6, %scan3A_17 : i32
      "tpu.region"() ({
        %run_scoped3A = tpu.sem_alloc : memref<!tpu.dma_semaphore, #tpu.memory_space<semaphore_mem>>
        %dma_start3A_81 = arith.constant 0 : i32
        %dma_start3A_82 = arith.constant 0 : i32
        %dma_start3A_83 = arith.constant 0 : i32
        %dma_start3A_84 = tpu.memref_slice %arg3[%add3A_18, %dma_start3A_81, %dma_start3A_82, %dma_start3A_83] : memref<1088x2x2x384xi32, #tpu.memory_space<hbm>> -> memref<1x2x2x384xi32, #tpu.memory_space<hbm>>
        %dma_start3A_85 = tpu.memref_squeeze %dma_start3A_84 : memref<1x2x2x384xi32, #tpu.memory_space<hbm>> -> memref<2x2x384xi32, #tpu.memory_space<hbm>>
        %dma_start3A_86 = arith.constant 0 : i32
        %dma_start3A_87 = arith.constant 0 : i32
        %dma_start3A_88 = arith.constant 0 : i32
        %dma_start3A_89 = tpu.memref_slice %arg3[%add3A_18, %dma_start3A_86, %dma_start3A_87, %dma_start3A_88] : memref<1088x2x2x384xi32, #tpu.memory_space<hbm>> -> memref<1x2x2x384xi32, #tpu.memory_space<hbm>>
        %dma_start3A_90 = tpu.memref_squeeze %dma_start3A_89 : memref<1x2x2x384xi32, #tpu.memory_space<hbm>> -> memref<2x2x384xi32, #tpu.memory_space<hbm>>
        tpu.enqueue_dma source(%dma_start3A_90 : memref<2x2x384xi32, #tpu.memory_space<hbm>>) target(%arg7 : memref<2x2x384xi32, #tpu.memory_space<vmem>>) target_semaphore(%run_scoped3A : memref<!tpu.dma_semaphore, #tpu.memory_space<semaphore_mem>>)
        %dma_wait3A_91 = arith.constant 0 : i32
        %dma_wait3A_92 = arith.constant 0 : i32
        %dma_wait3A_93 = arith.constant 0 : i32
        %dma_wait3A_94 = tpu.memref_slice %arg3[%add3A_18, %dma_wait3A_91, %dma_wait3A_92, %dma_wait3A_93] : memref<1088x2x2x384xi32, #tpu.memory_space<hbm>> -> memref<1x2x2x384xi32, #tpu.memory_space<hbm>>
        %dma_wait3A_95 = tpu.memref_squeeze %dma_wait3A_94 : memref<1x2x2x384xi32, #tpu.memory_space<hbm>> -> memref<2x2x384xi32, #tpu.memory_space<hbm>>
        %dma_wait3A_96 = arith.constant 0 : i32
        %dma_wait3A_97 = arith.constant 0 : i32
        %dma_wait3A_98 = arith.constant 0 : i32
        %dma_wait3A_99 = tpu.memref_slice %arg3[%add3A_18, %dma_wait3A_96, %dma_wait3A_97, %dma_wait3A_98] : memref<1088x2x2x384xi32, #tpu.memory_space<hbm>> -> memref<1x2x2x384xi32, #tpu.memory_space<hbm>>
        %dma_wait3A_100 = tpu.memref_squeeze %dma_wait3A_99 : memref<1x2x2x384xi32, #tpu.memory_space<hbm>> -> memref<2x2x384xi32, #tpu.memory_space<hbm>>
        tpu.wait_dma2 semaphore(%run_scoped3A : memref<!tpu.dma_semaphore, #tpu.memory_space<semaphore_mem>>) src(%dma_wait3A_100 : memref<2x2x384xi32, #tpu.memory_space<hbm>>) dst(%arg7 : memref<2x2x384xi32, #tpu.memory_space<vmem>>)
        tpu.yield
      }) : () -> ()
      %dma_start3A = arith.constant 0 : i32
      %dma_start3A_19 = arith.constant 0 : i32
      %dma_start3A_20 = arith.constant 0 : i32
      %dma_start3A_21 = tpu.memref_slice %arg7[%dma_start3A, %dma_start3A_19, %dma_start3A_20] : memref<2x2x384xi32, #tpu.memory_space<vmem>> -> memref<1x1x384xi32, #tpu.memory_space<vmem>>
      %dma_start3A_22 = tpu.memref_squeeze %dma_start3A_21 : memref<1x1x384xi32, #tpu.memory_space<vmem>> -> memref<384xi32, #tpu.memory_space<vmem>>
      %dma_start3A_23 = arith.constant 0 : i32
      %dma_start3A_24 = arith.constant 0 : i32
      %dma_start3A_25 = tpu.memref_slice %arg2[%dma_start3A_23, %dma_start3A_24] : memref<50000x32xf32, #tpu.memory_space<hbm>> -> memref<50000x32xf32, #tpu.memory_space<hbm>>
      tpu.enqueue_indirect_dma source(%dma_start3A_25 : memref<50000x32xf32, #tpu.memory_space<hbm>>) target(%arg8 : memref<384x32xf32, #tpu.memory_space<vmem>>) offsets(%dma_start3A_22 : memref<384xi32, #tpu.memory_space<vmem>>) semaphore(%arg10 : memref<!tpu.dma_semaphore, #tpu.memory_space<semaphore_mem>>)
      %dma_start3A_26 = arith.constant 1 : i32
      %dma_start3A_27 = arith.constant 0 : i32
      %dma_start3A_28 = arith.constant 0 : i32
      %dma_start3A_29 = tpu.memref_slice %arg7[%dma_start3A_26, %dma_start3A_27, %dma_start3A_28] : memref<2x2x384xi32, #tpu.memory_space<vmem>> -> memref<1x1x384xi32, #tpu.memory_space<vmem>>
      %dma_start3A_30 = tpu.memref_squeeze %dma_start3A_29 : memref<1x1x384xi32, #tpu.memory_space<vmem>> -> memref<384xi32, #tpu.memory_space<vmem>>
      %dma_start3A_31 = arith.constant 0 : i32
      %dma_start3A_32 = arith.constant 0 : i32
      %dma_start3A_33 = tpu.memref_slice %arg2[%dma_start3A_31, %dma_start3A_32] : memref<50000x32xf32, #tpu.memory_space<hbm>> -> memref<50000x32xf32, #tpu.memory_space<hbm>>
      tpu.enqueue_indirect_dma source(%dma_start3A_33 : memref<50000x32xf32, #tpu.memory_space<hbm>>) target(%arg9 : memref<384x32xf32, #tpu.memory_space<vmem>>) offsets(%dma_start3A_30 : memref<384xi32, #tpu.memory_space<vmem>>) semaphore(%arg10 : memref<!tpu.dma_semaphore, #tpu.memory_space<semaphore_mem>>)
      %dma_wait3A = arith.constant 0 : i32
      %dma_wait3A_34 = arith.constant 0 : i32
      %dma_wait3A_35 = arith.constant 0 : i32
      %dma_wait3A_36 = tpu.memref_slice %arg7[%dma_wait3A, %dma_wait3A_34, %dma_wait3A_35] : memref<2x2x384xi32, #tpu.memory_space<vmem>> -> memref<1x1x384xi32, #tpu.memory_space<vmem>>
      %dma_wait3A_37 = tpu.memref_squeeze %dma_wait3A_36 : memref<1x1x384xi32, #tpu.memory_space<vmem>> -> memref<384xi32, #tpu.memory_space<vmem>>
      %dma_wait3A_38 = arith.constant 0 : i32
      %dma_wait3A_39 = arith.constant 0 : i32
      %dma_wait3A_40 = tpu.memref_slice %arg2[%dma_wait3A_38, %dma_wait3A_39] : memref<50000x32xf32, #tpu.memory_space<hbm>> -> memref<50000x32xf32, #tpu.memory_space<hbm>>
      tpu.wait_indirect_dma semaphore(%arg10 : memref<!tpu.dma_semaphore, #tpu.memory_space<semaphore_mem>>) src(%dma_wait3A_40 : memref<50000x32xf32, #tpu.memory_space<hbm>>) dst(%arg8 : memref<384x32xf32, #tpu.memory_space<vmem>>)
      %dma_start3A_41 = arith.constant 0 : i32
      %dma_start3A_42 = arith.constant 1 : i32
      %dma_start3A_43 = arith.constant 0 : i32
      %dma_start3A_44 = tpu.memref_slice %arg7[%dma_start3A_41, %dma_start3A_42, %dma_start3A_43] : memref<2x2x384xi32, #tpu.memory_space<vmem>> -> memref<1x1x384xi32, #tpu.memory_space<vmem>>
      %dma_start3A_45 = tpu.memref_squeeze %dma_start3A_44 : memref<1x1x384xi32, #tpu.memory_space<vmem>> -> memref<384xi32, #tpu.memory_space<vmem>>
      %dma_start3A_46 = arith.constant 0 : i32
      %dma_start3A_47 = arith.constant 0 : i32
      %dma_start3A_48 = tpu.memref_slice %arg6[%dma_start3A_46, %dma_start3A_47] : memref<51200x32xf32, #tpu.memory_space<vmem_shared>> -> memref<51200x32xf32, #tpu.memory_space<vmem_shared>>
      tpu.enqueue_indirect_dma source(%arg8 : memref<384x32xf32, #tpu.memory_space<vmem>>) target(%dma_start3A_48 : memref<51200x32xf32, #tpu.memory_space<vmem_shared>>) offsets(%dma_start3A_45 : memref<384xi32, #tpu.memory_space<vmem>>) semaphore(%arg11 : memref<!tpu.dma_semaphore, #tpu.memory_space<semaphore_mem>>) {add = true}
      %dma_wait3A_49 = arith.constant 1 : i32
      %dma_wait3A_50 = arith.constant 0 : i32
      %dma_wait3A_51 = arith.constant 0 : i32
      %dma_wait3A_52 = tpu.memref_slice %arg7[%dma_wait3A_49, %dma_wait3A_50, %dma_wait3A_51] : memref<2x2x384xi32, #tpu.memory_space<vmem>> -> memref<1x1x384xi32, #tpu.memory_space<vmem>>
      %dma_wait3A_53 = tpu.memref_squeeze %dma_wait3A_52 : memref<1x1x384xi32, #tpu.memory_space<vmem>> -> memref<384xi32, #tpu.memory_space<vmem>>
      %dma_wait3A_54 = arith.constant 0 : i32
      %dma_wait3A_55 = arith.constant 0 : i32
      %dma_wait3A_56 = tpu.memref_slice %arg2[%dma_wait3A_54, %dma_wait3A_55] : memref<50000x32xf32, #tpu.memory_space<hbm>> -> memref<50000x32xf32, #tpu.memory_space<hbm>>
      tpu.wait_indirect_dma semaphore(%arg10 : memref<!tpu.dma_semaphore, #tpu.memory_space<semaphore_mem>>) src(%dma_wait3A_56 : memref<50000x32xf32, #tpu.memory_space<hbm>>) dst(%arg9 : memref<384x32xf32, #tpu.memory_space<vmem>>)
      %dma_start3A_57 = arith.constant 1 : i32
      %dma_start3A_58 = arith.constant 1 : i32
      %dma_start3A_59 = arith.constant 0 : i32
      %dma_start3A_60 = tpu.memref_slice %arg7[%dma_start3A_57, %dma_start3A_58, %dma_start3A_59] : memref<2x2x384xi32, #tpu.memory_space<vmem>> -> memref<1x1x384xi32, #tpu.memory_space<vmem>>
      %dma_start3A_61 = tpu.memref_squeeze %dma_start3A_60 : memref<1x1x384xi32, #tpu.memory_space<vmem>> -> memref<384xi32, #tpu.memory_space<vmem>>
      %dma_start3A_62 = arith.constant 0 : i32
      %dma_start3A_63 = arith.constant 0 : i32
      %dma_start3A_64 = tpu.memref_slice %arg6[%dma_start3A_62, %dma_start3A_63] : memref<51200x32xf32, #tpu.memory_space<vmem_shared>> -> memref<51200x32xf32, #tpu.memory_space<vmem_shared>>
      tpu.enqueue_indirect_dma source(%arg9 : memref<384x32xf32, #tpu.memory_space<vmem>>) target(%dma_start3A_64 : memref<51200x32xf32, #tpu.memory_space<vmem_shared>>) offsets(%dma_start3A_61 : memref<384xi32, #tpu.memory_space<vmem>>) semaphore(%arg11 : memref<!tpu.dma_semaphore, #tpu.memory_space<semaphore_mem>>) {add = true}
      %dma_wait3A_65 = arith.constant 0 : i32
      %dma_wait3A_66 = arith.constant 1 : i32
      %dma_wait3A_67 = arith.constant 0 : i32
      %dma_wait3A_68 = tpu.memref_slice %arg7[%dma_wait3A_65, %dma_wait3A_66, %dma_wait3A_67] : memref<2x2x384xi32, #tpu.memory_space<vmem>> -> memref<1x1x384xi32, #tpu.memory_space<vmem>>
      %dma_wait3A_69 = tpu.memref_squeeze %dma_wait3A_68 : memref<1x1x384xi32, #tpu.memory_space<vmem>> -> memref<384xi32, #tpu.memory_space<vmem>>
      %dma_wait3A_70 = arith.constant 0 : i32
      %dma_wait3A_71 = arith.constant 0 : i32
      %dma_wait3A_72 = tpu.memref_slice %arg6[%dma_wait3A_70, %dma_wait3A_71] : memref<51200x32xf32, #tpu.memory_space<vmem_shared>> -> memref<51200x32xf32, #tpu.memory_space<vmem_shared>>
      tpu.wait_indirect_dma semaphore(%arg11 : memref<!tpu.dma_semaphore, #tpu.memory_space<semaphore_mem>>) src(%arg8 : memref<384x32xf32, #tpu.memory_space<vmem>>) dst(%dma_wait3A_72 : memref<51200x32xf32, #tpu.memory_space<vmem_shared>>)
      %dma_wait3A_73 = arith.constant 1 : i32
      %dma_wait3A_74 = arith.constant 1 : i32
      %dma_wait3A_75 = arith.constant 0 : i32
      %dma_wait3A_76 = tpu.memref_slice %arg7[%dma_wait3A_73, %dma_wait3A_74, %dma_wait3A_75] : memref<2x2x384xi32, #tpu.memory_space<vmem>> -> memref<1x1x384xi32, #tpu.memory_space<vmem>>
      %dma_wait3A_77 = tpu.memref_squeeze %dma_wait3A_76 : memref<1x1x384xi32, #tpu.memory_space<vmem>> -> memref<384xi32, #tpu.memory_space<vmem>>
      %dma_wait3A_78 = arith.constant 0 : i32
      %dma_wait3A_79 = arith.constant 0 : i32
      %dma_wait3A_80 = tpu.memref_slice %arg6[%dma_wait3A_78, %dma_wait3A_79] : memref<51200x32xf32, #tpu.memory_space<vmem_shared>> -> memref<51200x32xf32, #tpu.memory_space<vmem_shared>>
      tpu.wait_indirect_dma semaphore(%arg11 : memref<!tpu.dma_semaphore, #tpu.memory_space<semaphore_mem>>) src(%arg9 : memref<384x32xf32, #tpu.memory_space<vmem>>) dst(%dma_wait3A_80 : memref<51200x32xf32, #tpu.memory_space<vmem_shared>>)
    }
    %scan3A_11 = arith.constant 34 : i32
    %barrier3A_12 = arith.constant 0 : index
    tpu.barrier barrier_id(%barrier3A_12)
    %mul3A_13 = arith.constant 3200 : i32
    %mul3A_14 = arith.muli %arg1, %mul3A_13 : i32
    %mul3A_15 = arith.constant 3200 : i32
    %mul3A_16 = arith.muli %arg1, %mul3A_15 : i32
    "tpu.region"() ({
      %run_scoped3A = tpu.sem_alloc : memref<!tpu.dma_semaphore, #tpu.memory_space<semaphore_mem>>
      %dma_start3A = arith.constant 0 : i32
      %dma_start3A_17 = tpu.memref_slice %arg5[%arg0, %mul3A_16, %dma_start3A] : memref<2x51200x32xf32, #tpu.memory_space<hbm>> -> memref<1x3200x32xf32, #tpu.memory_space<hbm>>
      %dma_start3A_18 = tpu.memref_squeeze %dma_start3A_17 : memref<1x3200x32xf32, #tpu.memory_space<hbm>> -> memref<3200x32xf32, #tpu.memory_space<hbm>>
      %dma_start3A_19 = arith.constant 0 : i32
      %dma_start3A_20 = tpu.memref_slice %arg6[%mul3A_14, %dma_start3A_19] : memref<51200x32xf32, #tpu.memory_space<vmem_shared>> -> memref<3200x32xf32, #tpu.memory_space<vmem_shared>>
      tpu.enqueue_dma source(%dma_start3A_20 : memref<3200x32xf32, #tpu.memory_space<vmem_shared>>) target(%dma_start3A_18 : memref<3200x32xf32, #tpu.memory_space<hbm>>) target_semaphore(%run_scoped3A : memref<!tpu.dma_semaphore, #tpu.memory_space<semaphore_mem>>)
      %dma_wait3A = arith.constant 0 : i32
      %dma_wait3A_21 = tpu.memref_slice %arg5[%arg0, %mul3A_16, %dma_wait3A] : memref<2x51200x32xf32, #tpu.memory_space<hbm>> -> memref<1x3200x32xf32, #tpu.memory_space<hbm>>
      %dma_wait3A_22 = tpu.memref_squeeze %dma_wait3A_21 : memref<1x3200x32xf32, #tpu.memory_space<hbm>> -> memref<3200x32xf32, #tpu.memory_space<hbm>>
      %dma_wait3A_23 = arith.constant 0 : i32
      %dma_wait3A_24 = tpu.memref_slice %arg6[%mul3A_14, %dma_wait3A_23] : memref<51200x32xf32, #tpu.memory_space<vmem_shared>> -> memref<3200x32xf32, #tpu.memory_space<vmem_shared>>
      tpu.wait_dma2 semaphore(%run_scoped3A : memref<!tpu.dma_semaphore, #tpu.memory_space<semaphore_mem>>) src(%dma_wait3A_24 : memref<3200x32xf32, #tpu.memory_space<vmem_shared>>) dst(%dma_wait3A_22 : memref<3200x32xf32, #tpu.memory_space<hbm>>)
      tpu.yield
    }) : () -> ()
    return
  }
}

#map = affine_map<(d0, d1) -> (0, 0)>
#map1 = affine_map<(d0, d1) -> (0, 0, 0, 0)>
#map2 = affine_map<(d0, d1) -> (0, 0, 0)>
module attributes {stable_mosaic.version = 14 : i64} {
  func.func @_agg_body(%arg0: i32, %arg1: i32, %arg2: memref<50000x32xf32, #tpu.memory_space<hbm>>, %arg3: memref<1088x2x2x384xi32, #tpu.memory_space<hbm>>, %arg4: memref<51200x32xf32, #tpu.memory_space<hbm>>, %arg5: memref<2x51200x32xf32, #tpu.memory_space<hbm>>, %arg6: memref<51200x32xf32, #tpu.memory_space<vmem_shared>>, %arg7: memref<2x2x384xi32, #tpu.memory_space<vmem>>, %arg8: memref<384x32xf32, #tpu.memory_space<vmem>>, %arg9: memref<384x32xf32, #tpu.memory_space<vmem>>, %arg10: memref<!tpu.dma_semaphore, #tpu.memory_space<semaphore_mem>>, %arg11: memref<!tpu.dma_semaphore, #tpu.memory_space<semaphore_mem>>) attributes {dimension_semantics = [#tpu.dimension_semantics<core_parallel>, #tpu.dimension_semantics<subcore_parallel>], iteration_bounds = array<i64: 2, 16>, scalar_prefetch = 0 : i64, scratch_operands = 6 : i64, tpu.core_type = #tpu.core_type<sc_vector_subcore>, window_params = [{transform_indices = #map}, {transform_indices = #map1}, {transform_indices = #map}, {transform_indices = #map2}]} {
    %mul3A = arith.constant 16 : i32
    %mul3A_0 = arith.muli %arg0, %mul3A : i32
    %add3A = arith.addi %mul3A_0, %arg1 : i32
    %mul3A_1 = arith.constant 3200 : i32
    %mul3A_2 = arith.muli %arg1, %mul3A_1 : i32
    %mul3A_3 = arith.constant 3200 : i32
    %mul3A_4 = arith.muli %arg1, %mul3A_3 : i32
    "tpu.region"() ({
      %run_scoped3A = tpu.sem_alloc : memref<!tpu.dma_semaphore, #tpu.memory_space<semaphore_mem>>
      %dma_start3A = arith.constant 0 : i32
      %dma_start3A_17 = tpu.memref_slice %arg6[%mul3A_4, %dma_start3A] : memref<51200x32xf32, #tpu.memory_space<vmem_shared>> -> memref<3200x32xf32, #tpu.memory_space<vmem_shared>>
      %dma_start3A_18 = arith.constant 0 : i32
      %dma_start3A_19 = tpu.memref_slice %arg4[%mul3A_2, %dma_start3A_18] : memref<51200x32xf32, #tpu.memory_space<hbm>> -> memref<3200x32xf32, #tpu.memory_space<hbm>>
      tpu.enqueue_dma source(%dma_start3A_19 : memref<3200x32xf32, #tpu.memory_space<hbm>>) target(%dma_start3A_17 : memref<3200x32xf32, #tpu.memory_space<vmem_shared>>) target_semaphore(%run_scoped3A : memref<!tpu.dma_semaphore, #tpu.memory_space<semaphore_mem>>)
      %dma_wait3A = arith.constant 0 : i32
      %dma_wait3A_20 = tpu.memref_slice %arg6[%mul3A_4, %dma_wait3A] : memref<51200x32xf32, #tpu.memory_space<vmem_shared>> -> memref<3200x32xf32, #tpu.memory_space<vmem_shared>>
      %dma_wait3A_21 = arith.constant 0 : i32
      %dma_wait3A_22 = tpu.memref_slice %arg4[%mul3A_2, %dma_wait3A_21] : memref<51200x32xf32, #tpu.memory_space<hbm>> -> memref<3200x32xf32, #tpu.memory_space<hbm>>
      tpu.wait_dma2 semaphore(%run_scoped3A : memref<!tpu.dma_semaphore, #tpu.memory_space<semaphore_mem>>) src(%dma_wait3A_22 : memref<3200x32xf32, #tpu.memory_space<hbm>>) dst(%dma_wait3A_20 : memref<3200x32xf32, #tpu.memory_space<vmem_shared>>)
      tpu.yield
    }) : () -> ()
    %barrier3A = arith.constant 0 : index
    tpu.barrier barrier_id(%barrier3A)
    %mul3A_5 = arith.constant 34 : i32
    %mul3A_6 = arith.muli %add3A, %mul3A_5 : i32
    %scan3A = arith.constant 0 : i32
    %scan3A_7 = arith.constant 0 : i32
    %scan3A_8 = arith.constant 34 : i32
    %scan3A_9 = arith.addi %scan3A_7, %scan3A_8 : i32
    %scan3A_10 = arith.constant 1 : i32
    scf.for %scan3A_17 = %scan3A_7 to %scan3A_9 step %scan3A_10  : i32 {
      %add3A_18 = arith.addi %mul3A_6, %scan3A_17 : i32
      "tpu.region"() ({
        %run_scoped3A = tpu.sem_alloc : memref<!tpu.dma_semaphore, #tpu.memory_space<semaphore_mem>>
        %dma_start3A_81 = arith.constant 0 : i32
        %dma_start3A_82 = arith.constant 0 : i32
        %dma_start3A_83 = arith.constant 0 : i32
        %dma_start3A_84 = tpu.memref_slice %arg3[%add3A_18, %dma_start3A_81, %dma_start3A_82, %dma_start3A_83] : memref<1088x2x2x384xi32, #tpu.memory_space<hbm>> -> memref<1x2x2x384xi32, #tpu.memory_space<hbm>>
        %dma_start3A_85 = tpu.memref_squeeze %dma_start3A_84 : memref<1x2x2x384xi32, #tpu.memory_space<hbm>> -> memref<2x2x384xi32, #tpu.memory_space<hbm>>
        %dma_start3A_86 = arith.constant 0 : i32
        %dma_start3A_87 = arith.constant 0 : i32
        %dma_start3A_88 = arith.constant 0 : i32
        %dma_start3A_89 = tpu.memref_slice %arg3[%add3A_18, %dma_start3A_86, %dma_start3A_87, %dma_start3A_88] : memref<1088x2x2x384xi32, #tpu.memory_space<hbm>> -> memref<1x2x2x384xi32, #tpu.memory_space<hbm>>
        %dma_start3A_90 = tpu.memref_squeeze %dma_start3A_89 : memref<1x2x2x384xi32, #tpu.memory_space<hbm>> -> memref<2x2x384xi32, #tpu.memory_space<hbm>>
        tpu.enqueue_dma source(%dma_start3A_90 : memref<2x2x384xi32, #tpu.memory_space<hbm>>) target(%arg7 : memref<2x2x384xi32, #tpu.memory_space<vmem>>) target_semaphore(%run_scoped3A : memref<!tpu.dma_semaphore, #tpu.memory_space<semaphore_mem>>)
        %dma_wait3A_91 = arith.constant 0 : i32
        %dma_wait3A_92 = arith.constant 0 : i32
        %dma_wait3A_93 = arith.constant 0 : i32
        %dma_wait3A_94 = tpu.memref_slice %arg3[%add3A_18, %dma_wait3A_91, %dma_wait3A_92, %dma_wait3A_93] : memref<1088x2x2x384xi32, #tpu.memory_space<hbm>> -> memref<1x2x2x384xi32, #tpu.memory_space<hbm>>
        %dma_wait3A_95 = tpu.memref_squeeze %dma_wait3A_94 : memref<1x2x2x384xi32, #tpu.memory_space<hbm>> -> memref<2x2x384xi32, #tpu.memory_space<hbm>>
        %dma_wait3A_96 = arith.constant 0 : i32
        %dma_wait3A_97 = arith.constant 0 : i32
        %dma_wait3A_98 = arith.constant 0 : i32
        %dma_wait3A_99 = tpu.memref_slice %arg3[%add3A_18, %dma_wait3A_96, %dma_wait3A_97, %dma_wait3A_98] : memref<1088x2x2x384xi32, #tpu.memory_space<hbm>> -> memref<1x2x2x384xi32, #tpu.memory_space<hbm>>
        %dma_wait3A_100 = tpu.memref_squeeze %dma_wait3A_99 : memref<1x2x2x384xi32, #tpu.memory_space<hbm>> -> memref<2x2x384xi32, #tpu.memory_space<hbm>>
        tpu.wait_dma2 semaphore(%run_scoped3A : memref<!tpu.dma_semaphore, #tpu.memory_space<semaphore_mem>>) src(%dma_wait3A_100 : memref<2x2x384xi32, #tpu.memory_space<hbm>>) dst(%arg7 : memref<2x2x384xi32, #tpu.memory_space<vmem>>)
        tpu.yield
      }) : () -> ()
      %dma_start3A = arith.constant 0 : i32
      %dma_start3A_19 = arith.constant 0 : i32
      %dma_start3A_20 = arith.constant 0 : i32
      %dma_start3A_21 = tpu.memref_slice %arg7[%dma_start3A, %dma_start3A_19, %dma_start3A_20] : memref<2x2x384xi32, #tpu.memory_space<vmem>> -> memref<1x1x384xi32, #tpu.memory_space<vmem>>
      %dma_start3A_22 = tpu.memref_squeeze %dma_start3A_21 : memref<1x1x384xi32, #tpu.memory_space<vmem>> -> memref<384xi32, #tpu.memory_space<vmem>>
      %dma_start3A_23 = arith.constant 0 : i32
      %dma_start3A_24 = arith.constant 0 : i32
      %dma_start3A_25 = tpu.memref_slice %arg2[%dma_start3A_23, %dma_start3A_24] : memref<50000x32xf32, #tpu.memory_space<hbm>> -> memref<50000x32xf32, #tpu.memory_space<hbm>>
      tpu.enqueue_indirect_dma source(%dma_start3A_25 : memref<50000x32xf32, #tpu.memory_space<hbm>>) target(%arg8 : memref<384x32xf32, #tpu.memory_space<vmem>>) offsets(%dma_start3A_22 : memref<384xi32, #tpu.memory_space<vmem>>) semaphore(%arg10 : memref<!tpu.dma_semaphore, #tpu.memory_space<semaphore_mem>>)
      %dma_start3A_26 = arith.constant 1 : i32
      %dma_start3A_27 = arith.constant 0 : i32
      %dma_start3A_28 = arith.constant 0 : i32
      %dma_start3A_29 = tpu.memref_slice %arg7[%dma_start3A_26, %dma_start3A_27, %dma_start3A_28] : memref<2x2x384xi32, #tpu.memory_space<vmem>> -> memref<1x1x384xi32, #tpu.memory_space<vmem>>
      %dma_start3A_30 = tpu.memref_squeeze %dma_start3A_29 : memref<1x1x384xi32, #tpu.memory_space<vmem>> -> memref<384xi32, #tpu.memory_space<vmem>>
      %dma_start3A_31 = arith.constant 0 : i32
      %dma_start3A_32 = arith.constant 0 : i32
      %dma_start3A_33 = tpu.memref_slice %arg2[%dma_start3A_31, %dma_start3A_32] : memref<50000x32xf32, #tpu.memory_space<hbm>> -> memref<50000x32xf32, #tpu.memory_space<hbm>>
      tpu.enqueue_indirect_dma source(%dma_start3A_33 : memref<50000x32xf32, #tpu.memory_space<hbm>>) target(%arg9 : memref<384x32xf32, #tpu.memory_space<vmem>>) offsets(%dma_start3A_30 : memref<384xi32, #tpu.memory_space<vmem>>) semaphore(%arg10 : memref<!tpu.dma_semaphore, #tpu.memory_space<semaphore_mem>>)
      %dma_wait3A = arith.constant 0 : i32
      %dma_wait3A_34 = arith.constant 0 : i32
      %dma_wait3A_35 = arith.constant 0 : i32
      %dma_wait3A_36 = tpu.memref_slice %arg7[%dma_wait3A, %dma_wait3A_34, %dma_wait3A_35] : memref<2x2x384xi32, #tpu.memory_space<vmem>> -> memref<1x1x384xi32, #tpu.memory_space<vmem>>
      %dma_wait3A_37 = tpu.memref_squeeze %dma_wait3A_36 : memref<1x1x384xi32, #tpu.memory_space<vmem>> -> memref<384xi32, #tpu.memory_space<vmem>>
      %dma_wait3A_38 = arith.constant 0 : i32
      %dma_wait3A_39 = arith.constant 0 : i32
      %dma_wait3A_40 = tpu.memref_slice %arg2[%dma_wait3A_38, %dma_wait3A_39] : memref<50000x32xf32, #tpu.memory_space<hbm>> -> memref<50000x32xf32, #tpu.memory_space<hbm>>
      tpu.wait_indirect_dma semaphore(%arg10 : memref<!tpu.dma_semaphore, #tpu.memory_space<semaphore_mem>>) src(%dma_wait3A_40 : memref<50000x32xf32, #tpu.memory_space<hbm>>) dst(%arg8 : memref<384x32xf32, #tpu.memory_space<vmem>>)
      %dma_start3A_41 = arith.constant 0 : i32
      %dma_start3A_42 = arith.constant 1 : i32
      %dma_start3A_43 = arith.constant 0 : i32
      %dma_start3A_44 = tpu.memref_slice %arg7[%dma_start3A_41, %dma_start3A_42, %dma_start3A_43] : memref<2x2x384xi32, #tpu.memory_space<vmem>> -> memref<1x1x384xi32, #tpu.memory_space<vmem>>
      %dma_start3A_45 = tpu.memref_squeeze %dma_start3A_44 : memref<1x1x384xi32, #tpu.memory_space<vmem>> -> memref<384xi32, #tpu.memory_space<vmem>>
      %dma_start3A_46 = arith.constant 0 : i32
      %dma_start3A_47 = arith.constant 0 : i32
      %dma_start3A_48 = tpu.memref_slice %arg6[%dma_start3A_46, %dma_start3A_47] : memref<51200x32xf32, #tpu.memory_space<vmem_shared>> -> memref<51200x32xf32, #tpu.memory_space<vmem_shared>>
      tpu.enqueue_indirect_dma source(%arg8 : memref<384x32xf32, #tpu.memory_space<vmem>>) target(%dma_start3A_48 : memref<51200x32xf32, #tpu.memory_space<vmem_shared>>) offsets(%dma_start3A_45 : memref<384xi32, #tpu.memory_space<vmem>>) semaphore(%arg11 : memref<!tpu.dma_semaphore, #tpu.memory_space<semaphore_mem>>) {add = true}
      %dma_wait3A_49 = arith.constant 1 : i32
      %dma_wait3A_50 = arith.constant 0 : i32
      %dma_wait3A_51 = arith.constant 0 : i32
      %dma_wait3A_52 = tpu.memref_slice %arg7[%dma_wait3A_49, %dma_wait3A_50, %dma_wait3A_51] : memref<2x2x384xi32, #tpu.memory_space<vmem>> -> memref<1x1x384xi32, #tpu.memory_space<vmem>>
      %dma_wait3A_53 = tpu.memref_squeeze %dma_wait3A_52 : memref<1x1x384xi32, #tpu.memory_space<vmem>> -> memref<384xi32, #tpu.memory_space<vmem>>
      %dma_wait3A_54 = arith.constant 0 : i32
      %dma_wait3A_55 = arith.constant 0 : i32
      %dma_wait3A_56 = tpu.memref_slice %arg2[%dma_wait3A_54, %dma_wait3A_55] : memref<50000x32xf32, #tpu.memory_space<hbm>> -> memref<50000x32xf32, #tpu.memory_space<hbm>>
      tpu.wait_indirect_dma semaphore(%arg10 : memref<!tpu.dma_semaphore, #tpu.memory_space<semaphore_mem>>) src(%dma_wait3A_56 : memref<50000x32xf32, #tpu.memory_space<hbm>>) dst(%arg9 : memref<384x32xf32, #tpu.memory_space<vmem>>)
      %dma_start3A_57 = arith.constant 1 : i32
      %dma_start3A_58 = arith.constant 1 : i32
      %dma_start3A_59 = arith.constant 0 : i32
      %dma_start3A_60 = tpu.memref_slice %arg7[%dma_start3A_57, %dma_start3A_58, %dma_start3A_59] : memref<2x2x384xi32, #tpu.memory_space<vmem>> -> memref<1x1x384xi32, #tpu.memory_space<vmem>>
      %dma_start3A_61 = tpu.memref_squeeze %dma_start3A_60 : memref<1x1x384xi32, #tpu.memory_space<vmem>> -> memref<384xi32, #tpu.memory_space<vmem>>
      %dma_start3A_62 = arith.constant 0 : i32
      %dma_start3A_63 = arith.constant 0 : i32
      %dma_start3A_64 = tpu.memref_slice %arg6[%dma_start3A_62, %dma_start3A_63] : memref<51200x32xf32, #tpu.memory_space<vmem_shared>> -> memref<51200x32xf32, #tpu.memory_space<vmem_shared>>
      tpu.enqueue_indirect_dma source(%arg9 : memref<384x32xf32, #tpu.memory_space<vmem>>) target(%dma_start3A_64 : memref<51200x32xf32, #tpu.memory_space<vmem_shared>>) offsets(%dma_start3A_61 : memref<384xi32, #tpu.memory_space<vmem>>) semaphore(%arg11 : memref<!tpu.dma_semaphore, #tpu.memory_space<semaphore_mem>>) {add = true}
      %dma_wait3A_65 = arith.constant 0 : i32
      %dma_wait3A_66 = arith.constant 1 : i32
      %dma_wait3A_67 = arith.constant 0 : i32
      %dma_wait3A_68 = tpu.memref_slice %arg7[%dma_wait3A_65, %dma_wait3A_66, %dma_wait3A_67] : memref<2x2x384xi32, #tpu.memory_space<vmem>> -> memref<1x1x384xi32, #tpu.memory_space<vmem>>
      %dma_wait3A_69 = tpu.memref_squeeze %dma_wait3A_68 : memref<1x1x384xi32, #tpu.memory_space<vmem>> -> memref<384xi32, #tpu.memory_space<vmem>>
      %dma_wait3A_70 = arith.constant 0 : i32
      %dma_wait3A_71 = arith.constant 0 : i32
      %dma_wait3A_72 = tpu.memref_slice %arg6[%dma_wait3A_70, %dma_wait3A_71] : memref<51200x32xf32, #tpu.memory_space<vmem_shared>> -> memref<51200x32xf32, #tpu.memory_space<vmem_shared>>
      tpu.wait_indirect_dma semaphore(%arg11 : memref<!tpu.dma_semaphore, #tpu.memory_space<semaphore_mem>>) src(%arg8 : memref<384x32xf32, #tpu.memory_space<vmem>>) dst(%dma_wait3A_72 : memref<51200x32xf32, #tpu.memory_space<vmem_shared>>)
      %dma_wait3A_73 = arith.constant 1 : i32
      %dma_wait3A_74 = arith.constant 1 : i32
      %dma_wait3A_75 = arith.constant 0 : i32
      %dma_wait3A_76 = tpu.memref_slice %arg7[%dma_wait3A_73, %dma_wait3A_74, %dma_wait3A_75] : memref<2x2x384xi32, #tpu.memory_space<vmem>> -> memref<1x1x384xi32, #tpu.memory_space<vmem>>
      %dma_wait3A_77 = tpu.memref_squeeze %dma_wait3A_76 : memref<1x1x384xi32, #tpu.memory_space<vmem>> -> memref<384xi32, #tpu.memory_space<vmem>>
      %dma_wait3A_78 = arith.constant 0 : i32
      %dma_wait3A_79 = arith.constant 0 : i32
      %dma_wait3A_80 = tpu.memref_slice %arg6[%dma_wait3A_78, %dma_wait3A_79] : memref<51200x32xf32, #tpu.memory_space<vmem_shared>> -> memref<51200x32xf32, #tpu.memory_space<vmem_shared>>
      tpu.wait_indirect_dma semaphore(%arg11 : memref<!tpu.dma_semaphore, #tpu.memory_space<semaphore_mem>>) src(%arg9 : memref<384x32xf32, #tpu.memory_space<vmem>>) dst(%dma_wait3A_80 : memref<51200x32xf32, #tpu.memory_space<vmem_shared>>)
    }
    %scan3A_11 = arith.constant 34 : i32
    %barrier3A_12 = arith.constant 0 : index
    tpu.barrier barrier_id(%barrier3A_12)
    %mul3A_13 = arith.constant 3200 : i32
    %mul3A_14 = arith.muli %arg1, %mul3A_13 : i32
    %mul3A_15 = arith.constant 3200 : i32
    %mul3A_16 = arith.muli %arg1, %mul3A_15 : i32
    "tpu.region"() ({
      %run_scoped3A = tpu.sem_alloc : memref<!tpu.dma_semaphore, #tpu.memory_space<semaphore_mem>>
      %dma_start3A = arith.constant 0 : i32
      %dma_start3A_17 = tpu.memref_slice %arg5[%arg0, %mul3A_16, %dma_start3A] : memref<2x51200x32xf32, #tpu.memory_space<hbm>> -> memref<1x3200x32xf32, #tpu.memory_space<hbm>>
      %dma_start3A_18 = tpu.memref_squeeze %dma_start3A_17 : memref<1x3200x32xf32, #tpu.memory_space<hbm>> -> memref<3200x32xf32, #tpu.memory_space<hbm>>
      %dma_start3A_19 = arith.constant 0 : i32
      %dma_start3A_20 = tpu.memref_slice %arg6[%mul3A_14, %dma_start3A_19] : memref<51200x32xf32, #tpu.memory_space<vmem_shared>> -> memref<3200x32xf32, #tpu.memory_space<vmem_shared>>
      tpu.enqueue_dma source(%dma_start3A_20 : memref<3200x32xf32, #tpu.memory_space<vmem_shared>>) target(%dma_start3A_18 : memref<3200x32xf32, #tpu.memory_space<hbm>>) target_semaphore(%run_scoped3A : memref<!tpu.dma_semaphore, #tpu.memory_space<semaphore_mem>>)
      %dma_wait3A = arith.constant 0 : i32
      %dma_wait3A_21 = tpu.memref_slice %arg5[%arg0, %mul3A_16, %dma_wait3A] : memref<2x51200x32xf32, #tpu.memory_space<hbm>> -> memref<1x3200x32xf32, #tpu.memory_space<hbm>>
      %dma_wait3A_22 = tpu.memref_squeeze %dma_wait3A_21 : memref<1x3200x32xf32, #tpu.memory_space<hbm>> -> memref<3200x32xf32, #tpu.memory_space<hbm>>
      %dma_wait3A_23 = arith.constant 0 : i32
      %dma_wait3A_24 = tpu.memref_slice %arg6[%mul3A_14, %dma_wait3A_23] : memref<51200x32xf32, #tpu.memory_space<vmem_shared>> -> memref<3200x32xf32, #tpu.memory_space<vmem_shared>>
      tpu.wait_dma2 semaphore(%run_scoped3A : memref<!tpu.dma_semaphore, #tpu.memory_space<semaphore_mem>>) src(%dma_wait3A_24 : memref<3200x32xf32, #tpu.memory_space<vmem_shared>>) dst(%dma_wait3A_22 : memref<3200x32xf32, #tpu.memory_space<hbm>>)
      tpu.yield
    }) : () -> ()
    return
  }
}

#map = affine_map<(d0, d1) -> (0, 0)>
#map1 = affine_map<(d0, d1) -> (0, 0, 0, 0)>
#map2 = affine_map<(d0, d1) -> (0, 0, 0)>
module attributes {stable_mosaic.version = 14 : i64} {
  func.func @_agg_body(%arg0: i32, %arg1: i32, %arg2: memref<50000x32xf32, #tpu.memory_space<hbm>>, %arg3: memref<1088x2x2x384xi32, #tpu.memory_space<hbm>>, %arg4: memref<51200x32xf32, #tpu.memory_space<hbm>>, %arg5: memref<2x51200x32xf32, #tpu.memory_space<hbm>>, %arg6: memref<51200x32xf32, #tpu.memory_space<vmem_shared>>, %arg7: memref<2x2x384xi32, #tpu.memory_space<vmem>>, %arg8: memref<384x32xf32, #tpu.memory_space<vmem>>, %arg9: memref<384x32xf32, #tpu.memory_space<vmem>>, %arg10: memref<!tpu.dma_semaphore, #tpu.memory_space<semaphore_mem>>, %arg11: memref<!tpu.dma_semaphore, #tpu.memory_space<semaphore_mem>>) attributes {dimension_semantics = [#tpu.dimension_semantics<core_parallel>, #tpu.dimension_semantics<subcore_parallel>], iteration_bounds = array<i64: 2, 16>, scalar_prefetch = 0 : i64, scratch_operands = 6 : i64, tpu.core_type = #tpu.core_type<sc_vector_subcore>, window_params = [{transform_indices = #map}, {transform_indices = #map1}, {transform_indices = #map}, {transform_indices = #map2}]} {
    %mul3A = arith.constant 16 : i32
    %mul3A_0 = arith.muli %arg0, %mul3A : i32
    %add3A = arith.addi %mul3A_0, %arg1 : i32
    %mul3A_1 = arith.constant 3200 : i32
    %mul3A_2 = arith.muli %arg1, %mul3A_1 : i32
    %mul3A_3 = arith.constant 3200 : i32
    %mul3A_4 = arith.muli %arg1, %mul3A_3 : i32
    "tpu.region"() ({
      %run_scoped3A = tpu.sem_alloc : memref<!tpu.dma_semaphore, #tpu.memory_space<semaphore_mem>>
      %dma_start3A = arith.constant 0 : i32
      %dma_start3A_17 = tpu.memref_slice %arg6[%mul3A_4, %dma_start3A] : memref<51200x32xf32, #tpu.memory_space<vmem_shared>> -> memref<3200x32xf32, #tpu.memory_space<vmem_shared>>
      %dma_start3A_18 = arith.constant 0 : i32
      %dma_start3A_19 = tpu.memref_slice %arg4[%mul3A_2, %dma_start3A_18] : memref<51200x32xf32, #tpu.memory_space<hbm>> -> memref<3200x32xf32, #tpu.memory_space<hbm>>
      tpu.enqueue_dma source(%dma_start3A_19 : memref<3200x32xf32, #tpu.memory_space<hbm>>) target(%dma_start3A_17 : memref<3200x32xf32, #tpu.memory_space<vmem_shared>>) target_semaphore(%run_scoped3A : memref<!tpu.dma_semaphore, #tpu.memory_space<semaphore_mem>>)
      %dma_wait3A = arith.constant 0 : i32
      %dma_wait3A_20 = tpu.memref_slice %arg6[%mul3A_4, %dma_wait3A] : memref<51200x32xf32, #tpu.memory_space<vmem_shared>> -> memref<3200x32xf32, #tpu.memory_space<vmem_shared>>
      %dma_wait3A_21 = arith.constant 0 : i32
      %dma_wait3A_22 = tpu.memref_slice %arg4[%mul3A_2, %dma_wait3A_21] : memref<51200x32xf32, #tpu.memory_space<hbm>> -> memref<3200x32xf32, #tpu.memory_space<hbm>>
      tpu.wait_dma2 semaphore(%run_scoped3A : memref<!tpu.dma_semaphore, #tpu.memory_space<semaphore_mem>>) src(%dma_wait3A_22 : memref<3200x32xf32, #tpu.memory_space<hbm>>) dst(%dma_wait3A_20 : memref<3200x32xf32, #tpu.memory_space<vmem_shared>>)
      tpu.yield
    }) : () -> ()
    %barrier3A = arith.constant 0 : index
    tpu.barrier barrier_id(%barrier3A)
    %mul3A_5 = arith.constant 34 : i32
    %mul3A_6 = arith.muli %add3A, %mul3A_5 : i32
    %scan3A = arith.constant 0 : i32
    %scan3A_7 = arith.constant 0 : i32
    %scan3A_8 = arith.constant 34 : i32
    %scan3A_9 = arith.addi %scan3A_7, %scan3A_8 : i32
    %scan3A_10 = arith.constant 1 : i32
    scf.for %scan3A_17 = %scan3A_7 to %scan3A_9 step %scan3A_10  : i32 {
      %add3A_18 = arith.addi %mul3A_6, %scan3A_17 : i32
      "tpu.region"() ({
        %run_scoped3A = tpu.sem_alloc : memref<!tpu.dma_semaphore, #tpu.memory_space<semaphore_mem>>
        %dma_start3A_81 = arith.constant 0 : i32
        %dma_start3A_82 = arith.constant 0 : i32
        %dma_start3A_83 = arith.constant 0 : i32
        %dma_start3A_84 = tpu.memref_slice %arg3[%add3A_18, %dma_start3A_81, %dma_start3A_82, %dma_start3A_83] : memref<1088x2x2x384xi32, #tpu.memory_space<hbm>> -> memref<1x2x2x384xi32, #tpu.memory_space<hbm>>
        %dma_start3A_85 = tpu.memref_squeeze %dma_start3A_84 : memref<1x2x2x384xi32, #tpu.memory_space<hbm>> -> memref<2x2x384xi32, #tpu.memory_space<hbm>>
        %dma_start3A_86 = arith.constant 0 : i32
        %dma_start3A_87 = arith.constant 0 : i32
        %dma_start3A_88 = arith.constant 0 : i32
        %dma_start3A_89 = tpu.memref_slice %arg3[%add3A_18, %dma_start3A_86, %dma_start3A_87, %dma_start3A_88] : memref<1088x2x2x384xi32, #tpu.memory_space<hbm>> -> memref<1x2x2x384xi32, #tpu.memory_space<hbm>>
        %dma_start3A_90 = tpu.memref_squeeze %dma_start3A_89 : memref<1x2x2x384xi32, #tpu.memory_space<hbm>> -> memref<2x2x384xi32, #tpu.memory_space<hbm>>
        tpu.enqueue_dma source(%dma_start3A_90 : memref<2x2x384xi32, #tpu.memory_space<hbm>>) target(%arg7 : memref<2x2x384xi32, #tpu.memory_space<vmem>>) target_semaphore(%run_scoped3A : memref<!tpu.dma_semaphore, #tpu.memory_space<semaphore_mem>>)
        %dma_wait3A_91 = arith.constant 0 : i32
        %dma_wait3A_92 = arith.constant 0 : i32
        %dma_wait3A_93 = arith.constant 0 : i32
        %dma_wait3A_94 = tpu.memref_slice %arg3[%add3A_18, %dma_wait3A_91, %dma_wait3A_92, %dma_wait3A_93] : memref<1088x2x2x384xi32, #tpu.memory_space<hbm>> -> memref<1x2x2x384xi32, #tpu.memory_space<hbm>>
        %dma_wait3A_95 = tpu.memref_squeeze %dma_wait3A_94 : memref<1x2x2x384xi32, #tpu.memory_space<hbm>> -> memref<2x2x384xi32, #tpu.memory_space<hbm>>
        %dma_wait3A_96 = arith.constant 0 : i32
        %dma_wait3A_97 = arith.constant 0 : i32
        %dma_wait3A_98 = arith.constant 0 : i32
        %dma_wait3A_99 = tpu.memref_slice %arg3[%add3A_18, %dma_wait3A_96, %dma_wait3A_97, %dma_wait3A_98] : memref<1088x2x2x384xi32, #tpu.memory_space<hbm>> -> memref<1x2x2x384xi32, #tpu.memory_space<hbm>>
        %dma_wait3A_100 = tpu.memref_squeeze %dma_wait3A_99 : memref<1x2x2x384xi32, #tpu.memory_space<hbm>> -> memref<2x2x384xi32, #tpu.memory_space<hbm>>
        tpu.wait_dma2 semaphore(%run_scoped3A : memref<!tpu.dma_semaphore, #tpu.memory_space<semaphore_mem>>) src(%dma_wait3A_100 : memref<2x2x384xi32, #tpu.memory_space<hbm>>) dst(%arg7 : memref<2x2x384xi32, #tpu.memory_space<vmem>>)
        tpu.yield
      }) : () -> ()
      %dma_start3A = arith.constant 0 : i32
      %dma_start3A_19 = arith.constant 0 : i32
      %dma_start3A_20 = arith.constant 0 : i32
      %dma_start3A_21 = tpu.memref_slice %arg7[%dma_start3A, %dma_start3A_19, %dma_start3A_20] : memref<2x2x384xi32, #tpu.memory_space<vmem>> -> memref<1x1x384xi32, #tpu.memory_space<vmem>>
      %dma_start3A_22 = tpu.memref_squeeze %dma_start3A_21 : memref<1x1x384xi32, #tpu.memory_space<vmem>> -> memref<384xi32, #tpu.memory_space<vmem>>
      %dma_start3A_23 = arith.constant 0 : i32
      %dma_start3A_24 = arith.constant 0 : i32
      %dma_start3A_25 = tpu.memref_slice %arg2[%dma_start3A_23, %dma_start3A_24] : memref<50000x32xf32, #tpu.memory_space<hbm>> -> memref<50000x32xf32, #tpu.memory_space<hbm>>
      tpu.enqueue_indirect_dma source(%dma_start3A_25 : memref<50000x32xf32, #tpu.memory_space<hbm>>) target(%arg8 : memref<384x32xf32, #tpu.memory_space<vmem>>) offsets(%dma_start3A_22 : memref<384xi32, #tpu.memory_space<vmem>>) semaphore(%arg10 : memref<!tpu.dma_semaphore, #tpu.memory_space<semaphore_mem>>)
      %dma_start3A_26 = arith.constant 1 : i32
      %dma_start3A_27 = arith.constant 0 : i32
      %dma_start3A_28 = arith.constant 0 : i32
      %dma_start3A_29 = tpu.memref_slice %arg7[%dma_start3A_26, %dma_start3A_27, %dma_start3A_28] : memref<2x2x384xi32, #tpu.memory_space<vmem>> -> memref<1x1x384xi32, #tpu.memory_space<vmem>>
      %dma_start3A_30 = tpu.memref_squeeze %dma_start3A_29 : memref<1x1x384xi32, #tpu.memory_space<vmem>> -> memref<384xi32, #tpu.memory_space<vmem>>
      %dma_start3A_31 = arith.constant 0 : i32
      %dma_start3A_32 = arith.constant 0 : i32
      %dma_start3A_33 = tpu.memref_slice %arg2[%dma_start3A_31, %dma_start3A_32] : memref<50000x32xf32, #tpu.memory_space<hbm>> -> memref<50000x32xf32, #tpu.memory_space<hbm>>
      tpu.enqueue_indirect_dma source(%dma_start3A_33 : memref<50000x32xf32, #tpu.memory_space<hbm>>) target(%arg9 : memref<384x32xf32, #tpu.memory_space<vmem>>) offsets(%dma_start3A_30 : memref<384xi32, #tpu.memory_space<vmem>>) semaphore(%arg10 : memref<!tpu.dma_semaphore, #tpu.memory_space<semaphore_mem>>)
      %dma_wait3A = arith.constant 0 : i32
      %dma_wait3A_34 = arith.constant 0 : i32
      %dma_wait3A_35 = arith.constant 0 : i32
      %dma_wait3A_36 = tpu.memref_slice %arg7[%dma_wait3A, %dma_wait3A_34, %dma_wait3A_35] : memref<2x2x384xi32, #tpu.memory_space<vmem>> -> memref<1x1x384xi32, #tpu.memory_space<vmem>>
      %dma_wait3A_37 = tpu.memref_squeeze %dma_wait3A_36 : memref<1x1x384xi32, #tpu.memory_space<vmem>> -> memref<384xi32, #tpu.memory_space<vmem>>
      %dma_wait3A_38 = arith.constant 0 : i32
      %dma_wait3A_39 = arith.constant 0 : i32
      %dma_wait3A_40 = tpu.memref_slice %arg2[%dma_wait3A_38, %dma_wait3A_39] : memref<50000x32xf32, #tpu.memory_space<hbm>> -> memref<50000x32xf32, #tpu.memory_space<hbm>>
      tpu.wait_indirect_dma semaphore(%arg10 : memref<!tpu.dma_semaphore, #tpu.memory_space<semaphore_mem>>) src(%dma_wait3A_40 : memref<50000x32xf32, #tpu.memory_space<hbm>>) dst(%arg8 : memref<384x32xf32, #tpu.memory_space<vmem>>)
      %dma_start3A_41 = arith.constant 0 : i32
      %dma_start3A_42 = arith.constant 1 : i32
      %dma_start3A_43 = arith.constant 0 : i32
      %dma_start3A_44 = tpu.memref_slice %arg7[%dma_start3A_41, %dma_start3A_42, %dma_start3A_43] : memref<2x2x384xi32, #tpu.memory_space<vmem>> -> memref<1x1x384xi32, #tpu.memory_space<vmem>>
      %dma_start3A_45 = tpu.memref_squeeze %dma_start3A_44 : memref<1x1x384xi32, #tpu.memory_space<vmem>> -> memref<384xi32, #tpu.memory_space<vmem>>
      %dma_start3A_46 = arith.constant 0 : i32
      %dma_start3A_47 = arith.constant 0 : i32
      %dma_start3A_48 = tpu.memref_slice %arg6[%dma_start3A_46, %dma_start3A_47] : memref<51200x32xf32, #tpu.memory_space<vmem_shared>> -> memref<51200x32xf32, #tpu.memory_space<vmem_shared>>
      tpu.enqueue_indirect_dma source(%arg8 : memref<384x32xf32, #tpu.memory_space<vmem>>) target(%dma_start3A_48 : memref<51200x32xf32, #tpu.memory_space<vmem_shared>>) offsets(%dma_start3A_45 : memref<384xi32, #tpu.memory_space<vmem>>) semaphore(%arg11 : memref<!tpu.dma_semaphore, #tpu.memory_space<semaphore_mem>>) {add = true}
      %dma_wait3A_49 = arith.constant 1 : i32
      %dma_wait3A_50 = arith.constant 0 : i32
      %dma_wait3A_51 = arith.constant 0 : i32
      %dma_wait3A_52 = tpu.memref_slice %arg7[%dma_wait3A_49, %dma_wait3A_50, %dma_wait3A_51] : memref<2x2x384xi32, #tpu.memory_space<vmem>> -> memref<1x1x384xi32, #tpu.memory_space<vmem>>
      %dma_wait3A_53 = tpu.memref_squeeze %dma_wait3A_52 : memref<1x1x384xi32, #tpu.memory_space<vmem>> -> memref<384xi32, #tpu.memory_space<vmem>>
      %dma_wait3A_54 = arith.constant 0 : i32
      %dma_wait3A_55 = arith.constant 0 : i32
      %dma_wait3A_56 = tpu.memref_slice %arg2[%dma_wait3A_54, %dma_wait3A_55] : memref<50000x32xf32, #tpu.memory_space<hbm>> -> memref<50000x32xf32, #tpu.memory_space<hbm>>
      tpu.wait_indirect_dma semaphore(%arg10 : memref<!tpu.dma_semaphore, #tpu.memory_space<semaphore_mem>>) src(%dma_wait3A_56 : memref<50000x32xf32, #tpu.memory_space<hbm>>) dst(%arg9 : memref<384x32xf32, #tpu.memory_space<vmem>>)
      %dma_start3A_57 = arith.constant 1 : i32
      %dma_start3A_58 = arith.constant 1 : i32
      %dma_start3A_59 = arith.constant 0 : i32
      %dma_start3A_60 = tpu.memref_slice %arg7[%dma_start3A_57, %dma_start3A_58, %dma_start3A_59] : memref<2x2x384xi32, #tpu.memory_space<vmem>> -> memref<1x1x384xi32, #tpu.memory_space<vmem>>
      %dma_start3A_61 = tpu.memref_squeeze %dma_start3A_60 : memref<1x1x384xi32, #tpu.memory_space<vmem>> -> memref<384xi32, #tpu.memory_space<vmem>>
      %dma_start3A_62 = arith.constant 0 : i32
      %dma_start3A_63 = arith.constant 0 : i32
      %dma_start3A_64 = tpu.memref_slice %arg6[%dma_start3A_62, %dma_start3A_63] : memref<51200x32xf32, #tpu.memory_space<vmem_shared>> -> memref<51200x32xf32, #tpu.memory_space<vmem_shared>>
      tpu.enqueue_indirect_dma source(%arg9 : memref<384x32xf32, #tpu.memory_space<vmem>>) target(%dma_start3A_64 : memref<51200x32xf32, #tpu.memory_space<vmem_shared>>) offsets(%dma_start3A_61 : memref<384xi32, #tpu.memory_space<vmem>>) semaphore(%arg11 : memref<!tpu.dma_semaphore, #tpu.memory_space<semaphore_mem>>) {add = true}
      %dma_wait3A_65 = arith.constant 0 : i32
      %dma_wait3A_66 = arith.constant 1 : i32
      %dma_wait3A_67 = arith.constant 0 : i32
      %dma_wait3A_68 = tpu.memref_slice %arg7[%dma_wait3A_65, %dma_wait3A_66, %dma_wait3A_67] : memref<2x2x384xi32, #tpu.memory_space<vmem>> -> memref<1x1x384xi32, #tpu.memory_space<vmem>>
      %dma_wait3A_69 = tpu.memref_squeeze %dma_wait3A_68 : memref<1x1x384xi32, #tpu.memory_space<vmem>> -> memref<384xi32, #tpu.memory_space<vmem>>
      %dma_wait3A_70 = arith.constant 0 : i32
      %dma_wait3A_71 = arith.constant 0 : i32
      %dma_wait3A_72 = tpu.memref_slice %arg6[%dma_wait3A_70, %dma_wait3A_71] : memref<51200x32xf32, #tpu.memory_space<vmem_shared>> -> memref<51200x32xf32, #tpu.memory_space<vmem_shared>>
      tpu.wait_indirect_dma semaphore(%arg11 : memref<!tpu.dma_semaphore, #tpu.memory_space<semaphore_mem>>) src(%arg8 : memref<384x32xf32, #tpu.memory_space<vmem>>) dst(%dma_wait3A_72 : memref<51200x32xf32, #tpu.memory_space<vmem_shared>>)
      %dma_wait3A_73 = arith.constant 1 : i32
      %dma_wait3A_74 = arith.constant 1 : i32
      %dma_wait3A_75 = arith.constant 0 : i32
      %dma_wait3A_76 = tpu.memref_slice %arg7[%dma_wait3A_73, %dma_wait3A_74, %dma_wait3A_75] : memref<2x2x384xi32, #tpu.memory_space<vmem>> -> memref<1x1x384xi32, #tpu.memory_space<vmem>>
      %dma_wait3A_77 = tpu.memref_squeeze %dma_wait3A_76 : memref<1x1x384xi32, #tpu.memory_space<vmem>> -> memref<384xi32, #tpu.memory_space<vmem>>
      %dma_wait3A_78 = arith.constant 0 : i32
      %dma_wait3A_79 = arith.constant 0 : i32
      %dma_wait3A_80 = tpu.memref_slice %arg6[%dma_wait3A_78, %dma_wait3A_79] : memref<51200x32xf32, #tpu.memory_space<vmem_shared>> -> memref<51200x32xf32, #tpu.memory_space<vmem_shared>>
      tpu.wait_indirect_dma semaphore(%arg11 : memref<!tpu.dma_semaphore, #tpu.memory_space<semaphore_mem>>) src(%arg9 : memref<384x32xf32, #tpu.memory_space<vmem>>) dst(%dma_wait3A_80 : memref<51200x32xf32, #tpu.memory_space<vmem_shared>>)
    }
    %scan3A_11 = arith.constant 34 : i32
    %barrier3A_12 = arith.constant 0 : index
    tpu.barrier barrier_id(%barrier3A_12)
    %mul3A_13 = arith.constant 3200 : i32
    %mul3A_14 = arith.muli %arg1, %mul3A_13 : i32
    %mul3A_15 = arith.constant 3200 : i32
    %mul3A_16 = arith.muli %arg1, %mul3A_15 : i32
    "tpu.region"() ({
      %run_scoped3A = tpu.sem_alloc : memref<!tpu.dma_semaphore, #tpu.memory_space<semaphore_mem>>
      %dma_start3A = arith.constant 0 : i32
      %dma_start3A_17 = tpu.memref_slice %arg5[%arg0, %mul3A_16, %dma_start3A] : memref<2x51200x32xf32, #tpu.memory_space<hbm>> -> memref<1x3200x32xf32, #tpu.memory_space<hbm>>
      %dma_start3A_18 = tpu.memref_squeeze %dma_start3A_17 : memref<1x3200x32xf32, #tpu.memory_space<hbm>> -> memref<3200x32xf32, #tpu.memory_space<hbm>>
      %dma_start3A_19 = arith.constant 0 : i32
      %dma_start3A_20 = tpu.memref_slice %arg6[%mul3A_14, %dma_start3A_19] : memref<51200x32xf32, #tpu.memory_space<vmem_shared>> -> memref<3200x32xf32, #tpu.memory_space<vmem_shared>>
      tpu.enqueue_dma source(%dma_start3A_20 : memref<3200x32xf32, #tpu.memory_space<vmem_shared>>) target(%dma_start3A_18 : memref<3200x32xf32, #tpu.memory_space<hbm>>) target_semaphore(%run_scoped3A : memref<!tpu.dma_semaphore, #tpu.memory_space<semaphore_mem>>)
      %dma_wait3A = arith.constant 0 : i32
      %dma_wait3A_21 = tpu.memref_slice %arg5[%arg0, %mul3A_16, %dma_wait3A] : memref<2x51200x32xf32, #tpu.memory_space<hbm>> -> memref<1x3200x32xf32, #tpu.memory_space<hbm>>
      %dma_wait3A_22 = tpu.memref_squeeze %dma_wait3A_21 : memref<1x3200x32xf32, #tpu.memory_space<hbm>> -> memref<3200x32xf32, #tpu.memory_space<hbm>>
      %dma_wait3A_23 = arith.constant 0 : i32
      %dma_wait3A_24 = tpu.memref_slice %arg6[%mul3A_14, %dma_wait3A_23] : memref<51200x32xf32, #tpu.memory_space<vmem_shared>> -> memref<3200x32xf32, #tpu.memory_space<vmem_shared>>
      tpu.wait_dma2 semaphore(%run_scoped3A : memref<!tpu.dma_semaphore, #tpu.memory_space<semaphore_mem>>) src(%dma_wait3A_24 : memref<3200x32xf32, #tpu.memory_space<vmem_shared>>) dst(%dma_wait3A_22 : memref<3200x32xf32, #tpu.memory_space<hbm>>)
      tpu.yield
    }) : () -> ()
    return
  }
}

#map = affine_map<(d0, d1) -> (0, 0)>
#map1 = affine_map<(d0, d1) -> (0, 0, 0, 0)>
#map2 = affine_map<(d0, d1) -> (0, 0, 0)>
module attributes {stable_mosaic.version = 14 : i64} {
  func.func @_agg_body(%arg0: i32, %arg1: i32, %arg2: memref<50000x32xf32, #tpu.memory_space<hbm>>, %arg3: memref<1088x2x2x384xi32, #tpu.memory_space<hbm>>, %arg4: memref<51200x32xf32, #tpu.memory_space<hbm>>, %arg5: memref<2x51200x32xf32, #tpu.memory_space<hbm>>, %arg6: memref<51200x32xf32, #tpu.memory_space<vmem_shared>>, %arg7: memref<2x2x384xi32, #tpu.memory_space<vmem>>, %arg8: memref<384x32xf32, #tpu.memory_space<vmem>>, %arg9: memref<384x32xf32, #tpu.memory_space<vmem>>, %arg10: memref<!tpu.dma_semaphore, #tpu.memory_space<semaphore_mem>>, %arg11: memref<!tpu.dma_semaphore, #tpu.memory_space<semaphore_mem>>) attributes {dimension_semantics = [#tpu.dimension_semantics<core_parallel>, #tpu.dimension_semantics<subcore_parallel>], iteration_bounds = array<i64: 2, 16>, scalar_prefetch = 0 : i64, scratch_operands = 6 : i64, tpu.core_type = #tpu.core_type<sc_vector_subcore>, window_params = [{transform_indices = #map}, {transform_indices = #map1}, {transform_indices = #map}, {transform_indices = #map2}]} {
    %mul3A = arith.constant 16 : i32
    %mul3A_0 = arith.muli %arg0, %mul3A : i32
    %add3A = arith.addi %mul3A_0, %arg1 : i32
    %mul3A_1 = arith.constant 3200 : i32
    %mul3A_2 = arith.muli %arg1, %mul3A_1 : i32
    %mul3A_3 = arith.constant 3200 : i32
    %mul3A_4 = arith.muli %arg1, %mul3A_3 : i32
    "tpu.region"() ({
      %run_scoped3A = tpu.sem_alloc : memref<!tpu.dma_semaphore, #tpu.memory_space<semaphore_mem>>
      %dma_start3A = arith.constant 0 : i32
      %dma_start3A_17 = tpu.memref_slice %arg6[%mul3A_4, %dma_start3A] : memref<51200x32xf32, #tpu.memory_space<vmem_shared>> -> memref<3200x32xf32, #tpu.memory_space<vmem_shared>>
      %dma_start3A_18 = arith.constant 0 : i32
      %dma_start3A_19 = tpu.memref_slice %arg4[%mul3A_2, %dma_start3A_18] : memref<51200x32xf32, #tpu.memory_space<hbm>> -> memref<3200x32xf32, #tpu.memory_space<hbm>>
      tpu.enqueue_dma source(%dma_start3A_19 : memref<3200x32xf32, #tpu.memory_space<hbm>>) target(%dma_start3A_17 : memref<3200x32xf32, #tpu.memory_space<vmem_shared>>) target_semaphore(%run_scoped3A : memref<!tpu.dma_semaphore, #tpu.memory_space<semaphore_mem>>)
      %dma_wait3A = arith.constant 0 : i32
      %dma_wait3A_20 = tpu.memref_slice %arg6[%mul3A_4, %dma_wait3A] : memref<51200x32xf32, #tpu.memory_space<vmem_shared>> -> memref<3200x32xf32, #tpu.memory_space<vmem_shared>>
      %dma_wait3A_21 = arith.constant 0 : i32
      %dma_wait3A_22 = tpu.memref_slice %arg4[%mul3A_2, %dma_wait3A_21] : memref<51200x32xf32, #tpu.memory_space<hbm>> -> memref<3200x32xf32, #tpu.memory_space<hbm>>
      tpu.wait_dma2 semaphore(%run_scoped3A : memref<!tpu.dma_semaphore, #tpu.memory_space<semaphore_mem>>) src(%dma_wait3A_22 : memref<3200x32xf32, #tpu.memory_space<hbm>>) dst(%dma_wait3A_20 : memref<3200x32xf32, #tpu.memory_space<vmem_shared>>)
      tpu.yield
    }) : () -> ()
    %barrier3A = arith.constant 0 : index
    tpu.barrier barrier_id(%barrier3A)
    %mul3A_5 = arith.constant 34 : i32
    %mul3A_6 = arith.muli %add3A, %mul3A_5 : i32
    %scan3A = arith.constant 0 : i32
    %scan3A_7 = arith.constant 0 : i32
    %scan3A_8 = arith.constant 34 : i32
    %scan3A_9 = arith.addi %scan3A_7, %scan3A_8 : i32
    %scan3A_10 = arith.constant 1 : i32
    scf.for %scan3A_17 = %scan3A_7 to %scan3A_9 step %scan3A_10  : i32 {
      %add3A_18 = arith.addi %mul3A_6, %scan3A_17 : i32
      "tpu.region"() ({
        %run_scoped3A = tpu.sem_alloc : memref<!tpu.dma_semaphore, #tpu.memory_space<semaphore_mem>>
        %dma_start3A_81 = arith.constant 0 : i32
        %dma_start3A_82 = arith.constant 0 : i32
        %dma_start3A_83 = arith.constant 0 : i32
        %dma_start3A_84 = tpu.memref_slice %arg3[%add3A_18, %dma_start3A_81, %dma_start3A_82, %dma_start3A_83] : memref<1088x2x2x384xi32, #tpu.memory_space<hbm>> -> memref<1x2x2x384xi32, #tpu.memory_space<hbm>>
        %dma_start3A_85 = tpu.memref_squeeze %dma_start3A_84 : memref<1x2x2x384xi32, #tpu.memory_space<hbm>> -> memref<2x2x384xi32, #tpu.memory_space<hbm>>
        %dma_start3A_86 = arith.constant 0 : i32
        %dma_start3A_87 = arith.constant 0 : i32
        %dma_start3A_88 = arith.constant 0 : i32
        %dma_start3A_89 = tpu.memref_slice %arg3[%add3A_18, %dma_start3A_86, %dma_start3A_87, %dma_start3A_88] : memref<1088x2x2x384xi32, #tpu.memory_space<hbm>> -> memref<1x2x2x384xi32, #tpu.memory_space<hbm>>
        %dma_start3A_90 = tpu.memref_squeeze %dma_start3A_89 : memref<1x2x2x384xi32, #tpu.memory_space<hbm>> -> memref<2x2x384xi32, #tpu.memory_space<hbm>>
        tpu.enqueue_dma source(%dma_start3A_90 : memref<2x2x384xi32, #tpu.memory_space<hbm>>) target(%arg7 : memref<2x2x384xi32, #tpu.memory_space<vmem>>) target_semaphore(%run_scoped3A : memref<!tpu.dma_semaphore, #tpu.memory_space<semaphore_mem>>)
        %dma_wait3A_91 = arith.constant 0 : i32
        %dma_wait3A_92 = arith.constant 0 : i32
        %dma_wait3A_93 = arith.constant 0 : i32
        %dma_wait3A_94 = tpu.memref_slice %arg3[%add3A_18, %dma_wait3A_91, %dma_wait3A_92, %dma_wait3A_93] : memref<1088x2x2x384xi32, #tpu.memory_space<hbm>> -> memref<1x2x2x384xi32, #tpu.memory_space<hbm>>
        %dma_wait3A_95 = tpu.memref_squeeze %dma_wait3A_94 : memref<1x2x2x384xi32, #tpu.memory_space<hbm>> -> memref<2x2x384xi32, #tpu.memory_space<hbm>>
        %dma_wait3A_96 = arith.constant 0 : i32
        %dma_wait3A_97 = arith.constant 0 : i32
        %dma_wait3A_98 = arith.constant 0 : i32
        %dma_wait3A_99 = tpu.memref_slice %arg3[%add3A_18, %dma_wait3A_96, %dma_wait3A_97, %dma_wait3A_98] : memref<1088x2x2x384xi32, #tpu.memory_space<hbm>> -> memref<1x2x2x384xi32, #tpu.memory_space<hbm>>
        %dma_wait3A_100 = tpu.memref_squeeze %dma_wait3A_99 : memref<1x2x2x384xi32, #tpu.memory_space<hbm>> -> memref<2x2x384xi32, #tpu.memory_space<hbm>>
        tpu.wait_dma2 semaphore(%run_scoped3A : memref<!tpu.dma_semaphore, #tpu.memory_space<semaphore_mem>>) src(%dma_wait3A_100 : memref<2x2x384xi32, #tpu.memory_space<hbm>>) dst(%arg7 : memref<2x2x384xi32, #tpu.memory_space<vmem>>)
        tpu.yield
      }) : () -> ()
      %dma_start3A = arith.constant 0 : i32
      %dma_start3A_19 = arith.constant 0 : i32
      %dma_start3A_20 = arith.constant 0 : i32
      %dma_start3A_21 = tpu.memref_slice %arg7[%dma_start3A, %dma_start3A_19, %dma_start3A_20] : memref<2x2x384xi32, #tpu.memory_space<vmem>> -> memref<1x1x384xi32, #tpu.memory_space<vmem>>
      %dma_start3A_22 = tpu.memref_squeeze %dma_start3A_21 : memref<1x1x384xi32, #tpu.memory_space<vmem>> -> memref<384xi32, #tpu.memory_space<vmem>>
      %dma_start3A_23 = arith.constant 0 : i32
      %dma_start3A_24 = arith.constant 0 : i32
      %dma_start3A_25 = tpu.memref_slice %arg2[%dma_start3A_23, %dma_start3A_24] : memref<50000x32xf32, #tpu.memory_space<hbm>> -> memref<50000x32xf32, #tpu.memory_space<hbm>>
      tpu.enqueue_indirect_dma source(%dma_start3A_25 : memref<50000x32xf32, #tpu.memory_space<hbm>>) target(%arg8 : memref<384x32xf32, #tpu.memory_space<vmem>>) offsets(%dma_start3A_22 : memref<384xi32, #tpu.memory_space<vmem>>) semaphore(%arg10 : memref<!tpu.dma_semaphore, #tpu.memory_space<semaphore_mem>>)
      %dma_start3A_26 = arith.constant 1 : i32
      %dma_start3A_27 = arith.constant 0 : i32
      %dma_start3A_28 = arith.constant 0 : i32
      %dma_start3A_29 = tpu.memref_slice %arg7[%dma_start3A_26, %dma_start3A_27, %dma_start3A_28] : memref<2x2x384xi32, #tpu.memory_space<vmem>> -> memref<1x1x384xi32, #tpu.memory_space<vmem>>
      %dma_start3A_30 = tpu.memref_squeeze %dma_start3A_29 : memref<1x1x384xi32, #tpu.memory_space<vmem>> -> memref<384xi32, #tpu.memory_space<vmem>>
      %dma_start3A_31 = arith.constant 0 : i32
      %dma_start3A_32 = arith.constant 0 : i32
      %dma_start3A_33 = tpu.memref_slice %arg2[%dma_start3A_31, %dma_start3A_32] : memref<50000x32xf32, #tpu.memory_space<hbm>> -> memref<50000x32xf32, #tpu.memory_space<hbm>>
      tpu.enqueue_indirect_dma source(%dma_start3A_33 : memref<50000x32xf32, #tpu.memory_space<hbm>>) target(%arg9 : memref<384x32xf32, #tpu.memory_space<vmem>>) offsets(%dma_start3A_30 : memref<384xi32, #tpu.memory_space<vmem>>) semaphore(%arg10 : memref<!tpu.dma_semaphore, #tpu.memory_space<semaphore_mem>>)
      %dma_wait3A = arith.constant 0 : i32
      %dma_wait3A_34 = arith.constant 0 : i32
      %dma_wait3A_35 = arith.constant 0 : i32
      %dma_wait3A_36 = tpu.memref_slice %arg7[%dma_wait3A, %dma_wait3A_34, %dma_wait3A_35] : memref<2x2x384xi32, #tpu.memory_space<vmem>> -> memref<1x1x384xi32, #tpu.memory_space<vmem>>
      %dma_wait3A_37 = tpu.memref_squeeze %dma_wait3A_36 : memref<1x1x384xi32, #tpu.memory_space<vmem>> -> memref<384xi32, #tpu.memory_space<vmem>>
      %dma_wait3A_38 = arith.constant 0 : i32
      %dma_wait3A_39 = arith.constant 0 : i32
      %dma_wait3A_40 = tpu.memref_slice %arg2[%dma_wait3A_38, %dma_wait3A_39] : memref<50000x32xf32, #tpu.memory_space<hbm>> -> memref<50000x32xf32, #tpu.memory_space<hbm>>
      tpu.wait_indirect_dma semaphore(%arg10 : memref<!tpu.dma_semaphore, #tpu.memory_space<semaphore_mem>>) src(%dma_wait3A_40 : memref<50000x32xf32, #tpu.memory_space<hbm>>) dst(%arg8 : memref<384x32xf32, #tpu.memory_space<vmem>>)
      %dma_start3A_41 = arith.constant 0 : i32
      %dma_start3A_42 = arith.constant 1 : i32
      %dma_start3A_43 = arith.constant 0 : i32
      %dma_start3A_44 = tpu.memref_slice %arg7[%dma_start3A_41, %dma_start3A_42, %dma_start3A_43] : memref<2x2x384xi32, #tpu.memory_space<vmem>> -> memref<1x1x384xi32, #tpu.memory_space<vmem>>
      %dma_start3A_45 = tpu.memref_squeeze %dma_start3A_44 : memref<1x1x384xi32, #tpu.memory_space<vmem>> -> memref<384xi32, #tpu.memory_space<vmem>>
      %dma_start3A_46 = arith.constant 0 : i32
      %dma_start3A_47 = arith.constant 0 : i32
      %dma_start3A_48 = tpu.memref_slice %arg6[%dma_start3A_46, %dma_start3A_47] : memref<51200x32xf32, #tpu.memory_space<vmem_shared>> -> memref<51200x32xf32, #tpu.memory_space<vmem_shared>>
      tpu.enqueue_indirect_dma source(%arg8 : memref<384x32xf32, #tpu.memory_space<vmem>>) target(%dma_start3A_48 : memref<51200x32xf32, #tpu.memory_space<vmem_shared>>) offsets(%dma_start3A_45 : memref<384xi32, #tpu.memory_space<vmem>>) semaphore(%arg11 : memref<!tpu.dma_semaphore, #tpu.memory_space<semaphore_mem>>) {add = true}
      %dma_wait3A_49 = arith.constant 1 : i32
      %dma_wait3A_50 = arith.constant 0 : i32
      %dma_wait3A_51 = arith.constant 0 : i32
      %dma_wait3A_52 = tpu.memref_slice %arg7[%dma_wait3A_49, %dma_wait3A_50, %dma_wait3A_51] : memref<2x2x384xi32, #tpu.memory_space<vmem>> -> memref<1x1x384xi32, #tpu.memory_space<vmem>>
      %dma_wait3A_53 = tpu.memref_squeeze %dma_wait3A_52 : memref<1x1x384xi32, #tpu.memory_space<vmem>> -> memref<384xi32, #tpu.memory_space<vmem>>
      %dma_wait3A_54 = arith.constant 0 : i32
      %dma_wait3A_55 = arith.constant 0 : i32
      %dma_wait3A_56 = tpu.memref_slice %arg2[%dma_wait3A_54, %dma_wait3A_55] : memref<50000x32xf32, #tpu.memory_space<hbm>> -> memref<50000x32xf32, #tpu.memory_space<hbm>>
      tpu.wait_indirect_dma semaphore(%arg10 : memref<!tpu.dma_semaphore, #tpu.memory_space<semaphore_mem>>) src(%dma_wait3A_56 : memref<50000x32xf32, #tpu.memory_space<hbm>>) dst(%arg9 : memref<384x32xf32, #tpu.memory_space<vmem>>)
      %dma_start3A_57 = arith.constant 1 : i32
      %dma_start3A_58 = arith.constant 1 : i32
      %dma_start3A_59 = arith.constant 0 : i32
      %dma_start3A_60 = tpu.memref_slice %arg7[%dma_start3A_57, %dma_start3A_58, %dma_start3A_59] : memref<2x2x384xi32, #tpu.memory_space<vmem>> -> memref<1x1x384xi32, #tpu.memory_space<vmem>>
      %dma_start3A_61 = tpu.memref_squeeze %dma_start3A_60 : memref<1x1x384xi32, #tpu.memory_space<vmem>> -> memref<384xi32, #tpu.memory_space<vmem>>
      %dma_start3A_62 = arith.constant 0 : i32
      %dma_start3A_63 = arith.constant 0 : i32
      %dma_start3A_64 = tpu.memref_slice %arg6[%dma_start3A_62, %dma_start3A_63] : memref<51200x32xf32, #tpu.memory_space<vmem_shared>> -> memref<51200x32xf32, #tpu.memory_space<vmem_shared>>
      tpu.enqueue_indirect_dma source(%arg9 : memref<384x32xf32, #tpu.memory_space<vmem>>) target(%dma_start3A_64 : memref<51200x32xf32, #tpu.memory_space<vmem_shared>>) offsets(%dma_start3A_61 : memref<384xi32, #tpu.memory_space<vmem>>) semaphore(%arg11 : memref<!tpu.dma_semaphore, #tpu.memory_space<semaphore_mem>>) {add = true}
      %dma_wait3A_65 = arith.constant 0 : i32
      %dma_wait3A_66 = arith.constant 1 : i32
      %dma_wait3A_67 = arith.constant 0 : i32
      %dma_wait3A_68 = tpu.memref_slice %arg7[%dma_wait3A_65, %dma_wait3A_66, %dma_wait3A_67] : memref<2x2x384xi32, #tpu.memory_space<vmem>> -> memref<1x1x384xi32, #tpu.memory_space<vmem>>
      %dma_wait3A_69 = tpu.memref_squeeze %dma_wait3A_68 : memref<1x1x384xi32, #tpu.memory_space<vmem>> -> memref<384xi32, #tpu.memory_space<vmem>>
      %dma_wait3A_70 = arith.constant 0 : i32
      %dma_wait3A_71 = arith.constant 0 : i32
      %dma_wait3A_72 = tpu.memref_slice %arg6[%dma_wait3A_70, %dma_wait3A_71] : memref<51200x32xf32, #tpu.memory_space<vmem_shared>> -> memref<51200x32xf32, #tpu.memory_space<vmem_shared>>
      tpu.wait_indirect_dma semaphore(%arg11 : memref<!tpu.dma_semaphore, #tpu.memory_space<semaphore_mem>>) src(%arg8 : memref<384x32xf32, #tpu.memory_space<vmem>>) dst(%dma_wait3A_72 : memref<51200x32xf32, #tpu.memory_space<vmem_shared>>)
      %dma_wait3A_73 = arith.constant 1 : i32
      %dma_wait3A_74 = arith.constant 1 : i32
      %dma_wait3A_75 = arith.constant 0 : i32
      %dma_wait3A_76 = tpu.memref_slice %arg7[%dma_wait3A_73, %dma_wait3A_74, %dma_wait3A_75] : memref<2x2x384xi32, #tpu.memory_space<vmem>> -> memref<1x1x384xi32, #tpu.memory_space<vmem>>
      %dma_wait3A_77 = tpu.memref_squeeze %dma_wait3A_76 : memref<1x1x384xi32, #tpu.memory_space<vmem>> -> memref<384xi32, #tpu.memory_space<vmem>>
      %dma_wait3A_78 = arith.constant 0 : i32
      %dma_wait3A_79 = arith.constant 0 : i32
      %dma_wait3A_80 = tpu.memref_slice %arg6[%dma_wait3A_78, %dma_wait3A_79] : memref<51200x32xf32, #tpu.memory_space<vmem_shared>> -> memref<51200x32xf32, #tpu.memory_space<vmem_shared>>
      tpu.wait_indirect_dma semaphore(%arg11 : memref<!tpu.dma_semaphore, #tpu.memory_space<semaphore_mem>>) src(%arg9 : memref<384x32xf32, #tpu.memory_space<vmem>>) dst(%dma_wait3A_80 : memref<51200x32xf32, #tpu.memory_space<vmem_shared>>)
    }
    %scan3A_11 = arith.constant 34 : i32
    %barrier3A_12 = arith.constant 0 : index
    tpu.barrier barrier_id(%barrier3A_12)
    %mul3A_13 = arith.constant 3200 : i32
    %mul3A_14 = arith.muli %arg1, %mul3A_13 : i32
    %mul3A_15 = arith.constant 3200 : i32
    %mul3A_16 = arith.muli %arg1, %mul3A_15 : i32
    "tpu.region"() ({
      %run_scoped3A = tpu.sem_alloc : memref<!tpu.dma_semaphore, #tpu.memory_space<semaphore_mem>>
      %dma_start3A = arith.constant 0 : i32
      %dma_start3A_17 = tpu.memref_slice %arg5[%arg0, %mul3A_16, %dma_start3A] : memref<2x51200x32xf32, #tpu.memory_space<hbm>> -> memref<1x3200x32xf32, #tpu.memory_space<hbm>>
      %dma_start3A_18 = tpu.memref_squeeze %dma_start3A_17 : memref<1x3200x32xf32, #tpu.memory_space<hbm>> -> memref<3200x32xf32, #tpu.memory_space<hbm>>
      %dma_start3A_19 = arith.constant 0 : i32
      %dma_start3A_20 = tpu.memref_slice %arg6[%mul3A_14, %dma_start3A_19] : memref<51200x32xf32, #tpu.memory_space<vmem_shared>> -> memref<3200x32xf32, #tpu.memory_space<vmem_shared>>
      tpu.enqueue_dma source(%dma_start3A_20 : memref<3200x32xf32, #tpu.memory_space<vmem_shared>>) target(%dma_start3A_18 : memref<3200x32xf32, #tpu.memory_space<hbm>>) target_semaphore(%run_scoped3A : memref<!tpu.dma_semaphore, #tpu.memory_space<semaphore_mem>>)
      %dma_wait3A = arith.constant 0 : i32
      %dma_wait3A_21 = tpu.memref_slice %arg5[%arg0, %mul3A_16, %dma_wait3A] : memref<2x51200x32xf32, #tpu.memory_space<hbm>> -> memref<1x3200x32xf32, #tpu.memory_space<hbm>>
      %dma_wait3A_22 = tpu.memref_squeeze %dma_wait3A_21 : memref<1x3200x32xf32, #tpu.memory_space<hbm>> -> memref<3200x32xf32, #tpu.memory_space<hbm>>
      %dma_wait3A_23 = arith.constant 0 : i32
      %dma_wait3A_24 = tpu.memref_slice %arg6[%mul3A_14, %dma_wait3A_23] : memref<51200x32xf32, #tpu.memory_space<vmem_shared>> -> memref<3200x32xf32, #tpu.memory_space<vmem_shared>>
      tpu.wait_dma2 semaphore(%run_scoped3A : memref<!tpu.dma_semaphore, #tpu.memory_space<semaphore_mem>>) src(%dma_wait3A_24 : memref<3200x32xf32, #tpu.memory_space<vmem_shared>>) dst(%dma_wait3A_22 : memref<3200x32xf32, #tpu.memory_space<hbm>>)
      tpu.yield
    }) : () -> ()
    return
  }
}

#map = affine_map<(d0, d1) -> (0, 0)>
#map1 = affine_map<(d0, d1) -> (0, 0, 0, 0)>
#map2 = affine_map<(d0, d1) -> (0, 0, 0)>
module attributes {stable_mosaic.version = 14 : i64} {
  func.func @_agg_body(%arg0: i32, %arg1: i32, %arg2: memref<50000x32xf32, #tpu.memory_space<hbm>>, %arg3: memref<1088x2x2x384xi32, #tpu.memory_space<hbm>>, %arg4: memref<51200x32xf32, #tpu.memory_space<hbm>>, %arg5: memref<2x51200x32xf32, #tpu.memory_space<hbm>>, %arg6: memref<51200x32xf32, #tpu.memory_space<vmem_shared>>, %arg7: memref<2x2x384xi32, #tpu.memory_space<vmem>>, %arg8: memref<384x32xf32, #tpu.memory_space<vmem>>, %arg9: memref<384x32xf32, #tpu.memory_space<vmem>>, %arg10: memref<!tpu.dma_semaphore, #tpu.memory_space<semaphore_mem>>, %arg11: memref<!tpu.dma_semaphore, #tpu.memory_space<semaphore_mem>>) attributes {dimension_semantics = [#tpu.dimension_semantics<core_parallel>, #tpu.dimension_semantics<subcore_parallel>], iteration_bounds = array<i64: 2, 16>, scalar_prefetch = 0 : i64, scratch_operands = 6 : i64, tpu.core_type = #tpu.core_type<sc_vector_subcore>, window_params = [{transform_indices = #map}, {transform_indices = #map1}, {transform_indices = #map}, {transform_indices = #map2}]} {
    %mul3A = arith.constant 16 : i32
    %mul3A_0 = arith.muli %arg0, %mul3A : i32
    %add3A = arith.addi %mul3A_0, %arg1 : i32
    %mul3A_1 = arith.constant 3200 : i32
    %mul3A_2 = arith.muli %arg1, %mul3A_1 : i32
    %mul3A_3 = arith.constant 3200 : i32
    %mul3A_4 = arith.muli %arg1, %mul3A_3 : i32
    "tpu.region"() ({
      %run_scoped3A = tpu.sem_alloc : memref<!tpu.dma_semaphore, #tpu.memory_space<semaphore_mem>>
      %dma_start3A = arith.constant 0 : i32
      %dma_start3A_17 = tpu.memref_slice %arg6[%mul3A_4, %dma_start3A] : memref<51200x32xf32, #tpu.memory_space<vmem_shared>> -> memref<3200x32xf32, #tpu.memory_space<vmem_shared>>
      %dma_start3A_18 = arith.constant 0 : i32
      %dma_start3A_19 = tpu.memref_slice %arg4[%mul3A_2, %dma_start3A_18] : memref<51200x32xf32, #tpu.memory_space<hbm>> -> memref<3200x32xf32, #tpu.memory_space<hbm>>
      tpu.enqueue_dma source(%dma_start3A_19 : memref<3200x32xf32, #tpu.memory_space<hbm>>) target(%dma_start3A_17 : memref<3200x32xf32, #tpu.memory_space<vmem_shared>>) target_semaphore(%run_scoped3A : memref<!tpu.dma_semaphore, #tpu.memory_space<semaphore_mem>>)
      %dma_wait3A = arith.constant 0 : i32
      %dma_wait3A_20 = tpu.memref_slice %arg6[%mul3A_4, %dma_wait3A] : memref<51200x32xf32, #tpu.memory_space<vmem_shared>> -> memref<3200x32xf32, #tpu.memory_space<vmem_shared>>
      %dma_wait3A_21 = arith.constant 0 : i32
      %dma_wait3A_22 = tpu.memref_slice %arg4[%mul3A_2, %dma_wait3A_21] : memref<51200x32xf32, #tpu.memory_space<hbm>> -> memref<3200x32xf32, #tpu.memory_space<hbm>>
      tpu.wait_dma2 semaphore(%run_scoped3A : memref<!tpu.dma_semaphore, #tpu.memory_space<semaphore_mem>>) src(%dma_wait3A_22 : memref<3200x32xf32, #tpu.memory_space<hbm>>) dst(%dma_wait3A_20 : memref<3200x32xf32, #tpu.memory_space<vmem_shared>>)
      tpu.yield
    }) : () -> ()
    %barrier3A = arith.constant 0 : index
    tpu.barrier barrier_id(%barrier3A)
    %mul3A_5 = arith.constant 34 : i32
    %mul3A_6 = arith.muli %add3A, %mul3A_5 : i32
    %scan3A = arith.constant 0 : i32
    %scan3A_7 = arith.constant 0 : i32
    %scan3A_8 = arith.constant 34 : i32
    %scan3A_9 = arith.addi %scan3A_7, %scan3A_8 : i32
    %scan3A_10 = arith.constant 1 : i32
    scf.for %scan3A_17 = %scan3A_7 to %scan3A_9 step %scan3A_10  : i32 {
      %add3A_18 = arith.addi %mul3A_6, %scan3A_17 : i32
      "tpu.region"() ({
        %run_scoped3A = tpu.sem_alloc : memref<!tpu.dma_semaphore, #tpu.memory_space<semaphore_mem>>
        %dma_start3A_81 = arith.constant 0 : i32
        %dma_start3A_82 = arith.constant 0 : i32
        %dma_start3A_83 = arith.constant 0 : i32
        %dma_start3A_84 = tpu.memref_slice %arg3[%add3A_18, %dma_start3A_81, %dma_start3A_82, %dma_start3A_83] : memref<1088x2x2x384xi32, #tpu.memory_space<hbm>> -> memref<1x2x2x384xi32, #tpu.memory_space<hbm>>
        %dma_start3A_85 = tpu.memref_squeeze %dma_start3A_84 : memref<1x2x2x384xi32, #tpu.memory_space<hbm>> -> memref<2x2x384xi32, #tpu.memory_space<hbm>>
        %dma_start3A_86 = arith.constant 0 : i32
        %dma_start3A_87 = arith.constant 0 : i32
        %dma_start3A_88 = arith.constant 0 : i32
        %dma_start3A_89 = tpu.memref_slice %arg3[%add3A_18, %dma_start3A_86, %dma_start3A_87, %dma_start3A_88] : memref<1088x2x2x384xi32, #tpu.memory_space<hbm>> -> memref<1x2x2x384xi32, #tpu.memory_space<hbm>>
        %dma_start3A_90 = tpu.memref_squeeze %dma_start3A_89 : memref<1x2x2x384xi32, #tpu.memory_space<hbm>> -> memref<2x2x384xi32, #tpu.memory_space<hbm>>
        tpu.enqueue_dma source(%dma_start3A_90 : memref<2x2x384xi32, #tpu.memory_space<hbm>>) target(%arg7 : memref<2x2x384xi32, #tpu.memory_space<vmem>>) target_semaphore(%run_scoped3A : memref<!tpu.dma_semaphore, #tpu.memory_space<semaphore_mem>>)
        %dma_wait3A_91 = arith.constant 0 : i32
        %dma_wait3A_92 = arith.constant 0 : i32
        %dma_wait3A_93 = arith.constant 0 : i32
        %dma_wait3A_94 = tpu.memref_slice %arg3[%add3A_18, %dma_wait3A_91, %dma_wait3A_92, %dma_wait3A_93] : memref<1088x2x2x384xi32, #tpu.memory_space<hbm>> -> memref<1x2x2x384xi32, #tpu.memory_space<hbm>>
        %dma_wait3A_95 = tpu.memref_squeeze %dma_wait3A_94 : memref<1x2x2x384xi32, #tpu.memory_space<hbm>> -> memref<2x2x384xi32, #tpu.memory_space<hbm>>
        %dma_wait3A_96 = arith.constant 0 : i32
        %dma_wait3A_97 = arith.constant 0 : i32
        %dma_wait3A_98 = arith.constant 0 : i32
        %dma_wait3A_99 = tpu.memref_slice %arg3[%add3A_18, %dma_wait3A_96, %dma_wait3A_97, %dma_wait3A_98] : memref<1088x2x2x384xi32, #tpu.memory_space<hbm>> -> memref<1x2x2x384xi32, #tpu.memory_space<hbm>>
        %dma_wait3A_100 = tpu.memref_squeeze %dma_wait3A_99 : memref<1x2x2x384xi32, #tpu.memory_space<hbm>> -> memref<2x2x384xi32, #tpu.memory_space<hbm>>
        tpu.wait_dma2 semaphore(%run_scoped3A : memref<!tpu.dma_semaphore, #tpu.memory_space<semaphore_mem>>) src(%dma_wait3A_100 : memref<2x2x384xi32, #tpu.memory_space<hbm>>) dst(%arg7 : memref<2x2x384xi32, #tpu.memory_space<vmem>>)
        tpu.yield
      }) : () -> ()
      %dma_start3A = arith.constant 0 : i32
      %dma_start3A_19 = arith.constant 0 : i32
      %dma_start3A_20 = arith.constant 0 : i32
      %dma_start3A_21 = tpu.memref_slice %arg7[%dma_start3A, %dma_start3A_19, %dma_start3A_20] : memref<2x2x384xi32, #tpu.memory_space<vmem>> -> memref<1x1x384xi32, #tpu.memory_space<vmem>>
      %dma_start3A_22 = tpu.memref_squeeze %dma_start3A_21 : memref<1x1x384xi32, #tpu.memory_space<vmem>> -> memref<384xi32, #tpu.memory_space<vmem>>
      %dma_start3A_23 = arith.constant 0 : i32
      %dma_start3A_24 = arith.constant 0 : i32
      %dma_start3A_25 = tpu.memref_slice %arg2[%dma_start3A_23, %dma_start3A_24] : memref<50000x32xf32, #tpu.memory_space<hbm>> -> memref<50000x32xf32, #tpu.memory_space<hbm>>
      tpu.enqueue_indirect_dma source(%dma_start3A_25 : memref<50000x32xf32, #tpu.memory_space<hbm>>) target(%arg8 : memref<384x32xf32, #tpu.memory_space<vmem>>) offsets(%dma_start3A_22 : memref<384xi32, #tpu.memory_space<vmem>>) semaphore(%arg10 : memref<!tpu.dma_semaphore, #tpu.memory_space<semaphore_mem>>)
      %dma_start3A_26 = arith.constant 1 : i32
      %dma_start3A_27 = arith.constant 0 : i32
      %dma_start3A_28 = arith.constant 0 : i32
      %dma_start3A_29 = tpu.memref_slice %arg7[%dma_start3A_26, %dma_start3A_27, %dma_start3A_28] : memref<2x2x384xi32, #tpu.memory_space<vmem>> -> memref<1x1x384xi32, #tpu.memory_space<vmem>>
      %dma_start3A_30 = tpu.memref_squeeze %dma_start3A_29 : memref<1x1x384xi32, #tpu.memory_space<vmem>> -> memref<384xi32, #tpu.memory_space<vmem>>
      %dma_start3A_31 = arith.constant 0 : i32
      %dma_start3A_32 = arith.constant 0 : i32
      %dma_start3A_33 = tpu.memref_slice %arg2[%dma_start3A_31, %dma_start3A_32] : memref<50000x32xf32, #tpu.memory_space<hbm>> -> memref<50000x32xf32, #tpu.memory_space<hbm>>
      tpu.enqueue_indirect_dma source(%dma_start3A_33 : memref<50000x32xf32, #tpu.memory_space<hbm>>) target(%arg9 : memref<384x32xf32, #tpu.memory_space<vmem>>) offsets(%dma_start3A_30 : memref<384xi32, #tpu.memory_space<vmem>>) semaphore(%arg10 : memref<!tpu.dma_semaphore, #tpu.memory_space<semaphore_mem>>)
      %dma_wait3A = arith.constant 0 : i32
      %dma_wait3A_34 = arith.constant 0 : i32
      %dma_wait3A_35 = arith.constant 0 : i32
      %dma_wait3A_36 = tpu.memref_slice %arg7[%dma_wait3A, %dma_wait3A_34, %dma_wait3A_35] : memref<2x2x384xi32, #tpu.memory_space<vmem>> -> memref<1x1x384xi32, #tpu.memory_space<vmem>>
      %dma_wait3A_37 = tpu.memref_squeeze %dma_wait3A_36 : memref<1x1x384xi32, #tpu.memory_space<vmem>> -> memref<384xi32, #tpu.memory_space<vmem>>
      %dma_wait3A_38 = arith.constant 0 : i32
      %dma_wait3A_39 = arith.constant 0 : i32
      %dma_wait3A_40 = tpu.memref_slice %arg2[%dma_wait3A_38, %dma_wait3A_39] : memref<50000x32xf32, #tpu.memory_space<hbm>> -> memref<50000x32xf32, #tpu.memory_space<hbm>>
      tpu.wait_indirect_dma semaphore(%arg10 : memref<!tpu.dma_semaphore, #tpu.memory_space<semaphore_mem>>) src(%dma_wait3A_40 : memref<50000x32xf32, #tpu.memory_space<hbm>>) dst(%arg8 : memref<384x32xf32, #tpu.memory_space<vmem>>)
      %dma_start3A_41 = arith.constant 0 : i32
      %dma_start3A_42 = arith.constant 1 : i32
      %dma_start3A_43 = arith.constant 0 : i32
      %dma_start3A_44 = tpu.memref_slice %arg7[%dma_start3A_41, %dma_start3A_42, %dma_start3A_43] : memref<2x2x384xi32, #tpu.memory_space<vmem>> -> memref<1x1x384xi32, #tpu.memory_space<vmem>>
      %dma_start3A_45 = tpu.memref_squeeze %dma_start3A_44 : memref<1x1x384xi32, #tpu.memory_space<vmem>> -> memref<384xi32, #tpu.memory_space<vmem>>
      %dma_start3A_46 = arith.constant 0 : i32
      %dma_start3A_47 = arith.constant 0 : i32
      %dma_start3A_48 = tpu.memref_slice %arg6[%dma_start3A_46, %dma_start3A_47] : memref<51200x32xf32, #tpu.memory_space<vmem_shared>> -> memref<51200x32xf32, #tpu.memory_space<vmem_shared>>
      tpu.enqueue_indirect_dma source(%arg8 : memref<384x32xf32, #tpu.memory_space<vmem>>) target(%dma_start3A_48 : memref<51200x32xf32, #tpu.memory_space<vmem_shared>>) offsets(%dma_start3A_45 : memref<384xi32, #tpu.memory_space<vmem>>) semaphore(%arg11 : memref<!tpu.dma_semaphore, #tpu.memory_space<semaphore_mem>>) {add = true}
      %dma_wait3A_49 = arith.constant 1 : i32
      %dma_wait3A_50 = arith.constant 0 : i32
      %dma_wait3A_51 = arith.constant 0 : i32
      %dma_wait3A_52 = tpu.memref_slice %arg7[%dma_wait3A_49, %dma_wait3A_50, %dma_wait3A_51] : memref<2x2x384xi32, #tpu.memory_space<vmem>> -> memref<1x1x384xi32, #tpu.memory_space<vmem>>
      %dma_wait3A_53 = tpu.memref_squeeze %dma_wait3A_52 : memref<1x1x384xi32, #tpu.memory_space<vmem>> -> memref<384xi32, #tpu.memory_space<vmem>>
      %dma_wait3A_54 = arith.constant 0 : i32
      %dma_wait3A_55 = arith.constant 0 : i32
      %dma_wait3A_56 = tpu.memref_slice %arg2[%dma_wait3A_54, %dma_wait3A_55] : memref<50000x32xf32, #tpu.memory_space<hbm>> -> memref<50000x32xf32, #tpu.memory_space<hbm>>
      tpu.wait_indirect_dma semaphore(%arg10 : memref<!tpu.dma_semaphore, #tpu.memory_space<semaphore_mem>>) src(%dma_wait3A_56 : memref<50000x32xf32, #tpu.memory_space<hbm>>) dst(%arg9 : memref<384x32xf32, #tpu.memory_space<vmem>>)
      %dma_start3A_57 = arith.constant 1 : i32
      %dma_start3A_58 = arith.constant 1 : i32
      %dma_start3A_59 = arith.constant 0 : i32
      %dma_start3A_60 = tpu.memref_slice %arg7[%dma_start3A_57, %dma_start3A_58, %dma_start3A_59] : memref<2x2x384xi32, #tpu.memory_space<vmem>> -> memref<1x1x384xi32, #tpu.memory_space<vmem>>
      %dma_start3A_61 = tpu.memref_squeeze %dma_start3A_60 : memref<1x1x384xi32, #tpu.memory_space<vmem>> -> memref<384xi32, #tpu.memory_space<vmem>>
      %dma_start3A_62 = arith.constant 0 : i32
      %dma_start3A_63 = arith.constant 0 : i32
      %dma_start3A_64 = tpu.memref_slice %arg6[%dma_start3A_62, %dma_start3A_63] : memref<51200x32xf32, #tpu.memory_space<vmem_shared>> -> memref<51200x32xf32, #tpu.memory_space<vmem_shared>>
      tpu.enqueue_indirect_dma source(%arg9 : memref<384x32xf32, #tpu.memory_space<vmem>>) target(%dma_start3A_64 : memref<51200x32xf32, #tpu.memory_space<vmem_shared>>) offsets(%dma_start3A_61 : memref<384xi32, #tpu.memory_space<vmem>>) semaphore(%arg11 : memref<!tpu.dma_semaphore, #tpu.memory_space<semaphore_mem>>) {add = true}
      %dma_wait3A_65 = arith.constant 0 : i32
      %dma_wait3A_66 = arith.constant 1 : i32
      %dma_wait3A_67 = arith.constant 0 : i32
      %dma_wait3A_68 = tpu.memref_slice %arg7[%dma_wait3A_65, %dma_wait3A_66, %dma_wait3A_67] : memref<2x2x384xi32, #tpu.memory_space<vmem>> -> memref<1x1x384xi32, #tpu.memory_space<vmem>>
      %dma_wait3A_69 = tpu.memref_squeeze %dma_wait3A_68 : memref<1x1x384xi32, #tpu.memory_space<vmem>> -> memref<384xi32, #tpu.memory_space<vmem>>
      %dma_wait3A_70 = arith.constant 0 : i32
      %dma_wait3A_71 = arith.constant 0 : i32
      %dma_wait3A_72 = tpu.memref_slice %arg6[%dma_wait3A_70, %dma_wait3A_71] : memref<51200x32xf32, #tpu.memory_space<vmem_shared>> -> memref<51200x32xf32, #tpu.memory_space<vmem_shared>>
      tpu.wait_indirect_dma semaphore(%arg11 : memref<!tpu.dma_semaphore, #tpu.memory_space<semaphore_mem>>) src(%arg8 : memref<384x32xf32, #tpu.memory_space<vmem>>) dst(%dma_wait3A_72 : memref<51200x32xf32, #tpu.memory_space<vmem_shared>>)
      %dma_wait3A_73 = arith.constant 1 : i32
      %dma_wait3A_74 = arith.constant 1 : i32
      %dma_wait3A_75 = arith.constant 0 : i32
      %dma_wait3A_76 = tpu.memref_slice %arg7[%dma_wait3A_73, %dma_wait3A_74, %dma_wait3A_75] : memref<2x2x384xi32, #tpu.memory_space<vmem>> -> memref<1x1x384xi32, #tpu.memory_space<vmem>>
      %dma_wait3A_77 = tpu.memref_squeeze %dma_wait3A_76 : memref<1x1x384xi32, #tpu.memory_space<vmem>> -> memref<384xi32, #tpu.memory_space<vmem>>
      %dma_wait3A_78 = arith.constant 0 : i32
      %dma_wait3A_79 = arith.constant 0 : i32
      %dma_wait3A_80 = tpu.memref_slice %arg6[%dma_wait3A_78, %dma_wait3A_79] : memref<51200x32xf32, #tpu.memory_space<vmem_shared>> -> memref<51200x32xf32, #tpu.memory_space<vmem_shared>>
      tpu.wait_indirect_dma semaphore(%arg11 : memref<!tpu.dma_semaphore, #tpu.memory_space<semaphore_mem>>) src(%arg9 : memref<384x32xf32, #tpu.memory_space<vmem>>) dst(%dma_wait3A_80 : memref<51200x32xf32, #tpu.memory_space<vmem_shared>>)
    }
    %scan3A_11 = arith.constant 34 : i32
    %barrier3A_12 = arith.constant 0 : index
    tpu.barrier barrier_id(%barrier3A_12)
    %mul3A_13 = arith.constant 3200 : i32
    %mul3A_14 = arith.muli %arg1, %mul3A_13 : i32
    %mul3A_15 = arith.constant 3200 : i32
    %mul3A_16 = arith.muli %arg1, %mul3A_15 : i32
    "tpu.region"() ({
      %run_scoped3A = tpu.sem_alloc : memref<!tpu.dma_semaphore, #tpu.memory_space<semaphore_mem>>
      %dma_start3A = arith.constant 0 : i32
      %dma_start3A_17 = tpu.memref_slice %arg5[%arg0, %mul3A_16, %dma_start3A] : memref<2x51200x32xf32, #tpu.memory_space<hbm>> -> memref<1x3200x32xf32, #tpu.memory_space<hbm>>
      %dma_start3A_18 = tpu.memref_squeeze %dma_start3A_17 : memref<1x3200x32xf32, #tpu.memory_space<hbm>> -> memref<3200x32xf32, #tpu.memory_space<hbm>>
      %dma_start3A_19 = arith.constant 0 : i32
      %dma_start3A_20 = tpu.memref_slice %arg6[%mul3A_14, %dma_start3A_19] : memref<51200x32xf32, #tpu.memory_space<vmem_shared>> -> memref<3200x32xf32, #tpu.memory_space<vmem_shared>>
      tpu.enqueue_dma source(%dma_start3A_20 : memref<3200x32xf32, #tpu.memory_space<vmem_shared>>) target(%dma_start3A_18 : memref<3200x32xf32, #tpu.memory_space<hbm>>) target_semaphore(%run_scoped3A : memref<!tpu.dma_semaphore, #tpu.memory_space<semaphore_mem>>)
      %dma_wait3A = arith.constant 0 : i32
      %dma_wait3A_21 = tpu.memref_slice %arg5[%arg0, %mul3A_16, %dma_wait3A] : memref<2x51200x32xf32, #tpu.memory_space<hbm>> -> memref<1x3200x32xf32, #tpu.memory_space<hbm>>
      %dma_wait3A_22 = tpu.memref_squeeze %dma_wait3A_21 : memref<1x3200x32xf32, #tpu.memory_space<hbm>> -> memref<3200x32xf32, #tpu.memory_space<hbm>>
      %dma_wait3A_23 = arith.constant 0 : i32
      %dma_wait3A_24 = tpu.memref_slice %arg6[%mul3A_14, %dma_wait3A_23] : memref<51200x32xf32, #tpu.memory_space<vmem_shared>> -> memref<3200x32xf32, #tpu.memory_space<vmem_shared>>
      tpu.wait_dma2 semaphore(%run_scoped3A : memref<!tpu.dma_semaphore, #tpu.memory_space<semaphore_mem>>) src(%dma_wait3A_24 : memref<3200x32xf32, #tpu.memory_space<vmem_shared>>) dst(%dma_wait3A_22 : memref<3200x32xf32, #tpu.memory_space<hbm>>)
      tpu.yield
    }) : () -> ()
    return
  }
}

#map = affine_map<(d0, d1) -> (0, 0)>
#map1 = affine_map<(d0, d1) -> (0, 0, 0, 0)>
#map2 = affine_map<(d0, d1) -> (0, 0, 0)>
module attributes {stable_mosaic.version = 14 : i64} {
  func.func @_agg_body(%arg0: i32, %arg1: i32, %arg2: memref<50000x32xf32, #tpu.memory_space<hbm>>, %arg3: memref<1088x2x2x384xi32, #tpu.memory_space<hbm>>, %arg4: memref<51200x32xf32, #tpu.memory_space<hbm>>, %arg5: memref<2x51200x32xf32, #tpu.memory_space<hbm>>, %arg6: memref<51200x32xf32, #tpu.memory_space<vmem_shared>>, %arg7: memref<2x2x384xi32, #tpu.memory_space<vmem>>, %arg8: memref<384x32xf32, #tpu.memory_space<vmem>>, %arg9: memref<384x32xf32, #tpu.memory_space<vmem>>, %arg10: memref<!tpu.dma_semaphore, #tpu.memory_space<semaphore_mem>>, %arg11: memref<!tpu.dma_semaphore, #tpu.memory_space<semaphore_mem>>) attributes {dimension_semantics = [#tpu.dimension_semantics<core_parallel>, #tpu.dimension_semantics<subcore_parallel>], iteration_bounds = array<i64: 2, 16>, scalar_prefetch = 0 : i64, scratch_operands = 6 : i64, tpu.core_type = #tpu.core_type<sc_vector_subcore>, window_params = [{transform_indices = #map}, {transform_indices = #map1}, {transform_indices = #map}, {transform_indices = #map2}]} {
    %mul3A = arith.constant 16 : i32
    %mul3A_0 = arith.muli %arg0, %mul3A : i32
    %add3A = arith.addi %mul3A_0, %arg1 : i32
    %mul3A_1 = arith.constant 3200 : i32
    %mul3A_2 = arith.muli %arg1, %mul3A_1 : i32
    %mul3A_3 = arith.constant 3200 : i32
    %mul3A_4 = arith.muli %arg1, %mul3A_3 : i32
    "tpu.region"() ({
      %run_scoped3A = tpu.sem_alloc : memref<!tpu.dma_semaphore, #tpu.memory_space<semaphore_mem>>
      %dma_start3A = arith.constant 0 : i32
      %dma_start3A_17 = tpu.memref_slice %arg6[%mul3A_4, %dma_start3A] : memref<51200x32xf32, #tpu.memory_space<vmem_shared>> -> memref<3200x32xf32, #tpu.memory_space<vmem_shared>>
      %dma_start3A_18 = arith.constant 0 : i32
      %dma_start3A_19 = tpu.memref_slice %arg4[%mul3A_2, %dma_start3A_18] : memref<51200x32xf32, #tpu.memory_space<hbm>> -> memref<3200x32xf32, #tpu.memory_space<hbm>>
      tpu.enqueue_dma source(%dma_start3A_19 : memref<3200x32xf32, #tpu.memory_space<hbm>>) target(%dma_start3A_17 : memref<3200x32xf32, #tpu.memory_space<vmem_shared>>) target_semaphore(%run_scoped3A : memref<!tpu.dma_semaphore, #tpu.memory_space<semaphore_mem>>)
      %dma_wait3A = arith.constant 0 : i32
      %dma_wait3A_20 = tpu.memref_slice %arg6[%mul3A_4, %dma_wait3A] : memref<51200x32xf32, #tpu.memory_space<vmem_shared>> -> memref<3200x32xf32, #tpu.memory_space<vmem_shared>>
      %dma_wait3A_21 = arith.constant 0 : i32
      %dma_wait3A_22 = tpu.memref_slice %arg4[%mul3A_2, %dma_wait3A_21] : memref<51200x32xf32, #tpu.memory_space<hbm>> -> memref<3200x32xf32, #tpu.memory_space<hbm>>
      tpu.wait_dma2 semaphore(%run_scoped3A : memref<!tpu.dma_semaphore, #tpu.memory_space<semaphore_mem>>) src(%dma_wait3A_22 : memref<3200x32xf32, #tpu.memory_space<hbm>>) dst(%dma_wait3A_20 : memref<3200x32xf32, #tpu.memory_space<vmem_shared>>)
      tpu.yield
    }) : () -> ()
    %barrier3A = arith.constant 0 : index
    tpu.barrier barrier_id(%barrier3A)
    %mul3A_5 = arith.constant 34 : i32
    %mul3A_6 = arith.muli %add3A, %mul3A_5 : i32
    %scan3A = arith.constant 0 : i32
    %scan3A_7 = arith.constant 0 : i32
    %scan3A_8 = arith.constant 34 : i32
    %scan3A_9 = arith.addi %scan3A_7, %scan3A_8 : i32
    %scan3A_10 = arith.constant 1 : i32
    scf.for %scan3A_17 = %scan3A_7 to %scan3A_9 step %scan3A_10  : i32 {
      %add3A_18 = arith.addi %mul3A_6, %scan3A_17 : i32
      "tpu.region"() ({
        %run_scoped3A = tpu.sem_alloc : memref<!tpu.dma_semaphore, #tpu.memory_space<semaphore_mem>>
        %dma_start3A_81 = arith.constant 0 : i32
        %dma_start3A_82 = arith.constant 0 : i32
        %dma_start3A_83 = arith.constant 0 : i32
        %dma_start3A_84 = tpu.memref_slice %arg3[%add3A_18, %dma_start3A_81, %dma_start3A_82, %dma_start3A_83] : memref<1088x2x2x384xi32, #tpu.memory_space<hbm>> -> memref<1x2x2x384xi32, #tpu.memory_space<hbm>>
        %dma_start3A_85 = tpu.memref_squeeze %dma_start3A_84 : memref<1x2x2x384xi32, #tpu.memory_space<hbm>> -> memref<2x2x384xi32, #tpu.memory_space<hbm>>
        %dma_start3A_86 = arith.constant 0 : i32
        %dma_start3A_87 = arith.constant 0 : i32
        %dma_start3A_88 = arith.constant 0 : i32
        %dma_start3A_89 = tpu.memref_slice %arg3[%add3A_18, %dma_start3A_86, %dma_start3A_87, %dma_start3A_88] : memref<1088x2x2x384xi32, #tpu.memory_space<hbm>> -> memref<1x2x2x384xi32, #tpu.memory_space<hbm>>
        %dma_start3A_90 = tpu.memref_squeeze %dma_start3A_89 : memref<1x2x2x384xi32, #tpu.memory_space<hbm>> -> memref<2x2x384xi32, #tpu.memory_space<hbm>>
        tpu.enqueue_dma source(%dma_start3A_90 : memref<2x2x384xi32, #tpu.memory_space<hbm>>) target(%arg7 : memref<2x2x384xi32, #tpu.memory_space<vmem>>) target_semaphore(%run_scoped3A : memref<!tpu.dma_semaphore, #tpu.memory_space<semaphore_mem>>)
        %dma_wait3A_91 = arith.constant 0 : i32
        %dma_wait3A_92 = arith.constant 0 : i32
        %dma_wait3A_93 = arith.constant 0 : i32
        %dma_wait3A_94 = tpu.memref_slice %arg3[%add3A_18, %dma_wait3A_91, %dma_wait3A_92, %dma_wait3A_93] : memref<1088x2x2x384xi32, #tpu.memory_space<hbm>> -> memref<1x2x2x384xi32, #tpu.memory_space<hbm>>
        %dma_wait3A_95 = tpu.memref_squeeze %dma_wait3A_94 : memref<1x2x2x384xi32, #tpu.memory_space<hbm>> -> memref<2x2x384xi32, #tpu.memory_space<hbm>>
        %dma_wait3A_96 = arith.constant 0 : i32
        %dma_wait3A_97 = arith.constant 0 : i32
        %dma_wait3A_98 = arith.constant 0 : i32
        %dma_wait3A_99 = tpu.memref_slice %arg3[%add3A_18, %dma_wait3A_96, %dma_wait3A_97, %dma_wait3A_98] : memref<1088x2x2x384xi32, #tpu.memory_space<hbm>> -> memref<1x2x2x384xi32, #tpu.memory_space<hbm>>
        %dma_wait3A_100 = tpu.memref_squeeze %dma_wait3A_99 : memref<1x2x2x384xi32, #tpu.memory_space<hbm>> -> memref<2x2x384xi32, #tpu.memory_space<hbm>>
        tpu.wait_dma2 semaphore(%run_scoped3A : memref<!tpu.dma_semaphore, #tpu.memory_space<semaphore_mem>>) src(%dma_wait3A_100 : memref<2x2x384xi32, #tpu.memory_space<hbm>>) dst(%arg7 : memref<2x2x384xi32, #tpu.memory_space<vmem>>)
        tpu.yield
      }) : () -> ()
      %dma_start3A = arith.constant 0 : i32
      %dma_start3A_19 = arith.constant 0 : i32
      %dma_start3A_20 = arith.constant 0 : i32
      %dma_start3A_21 = tpu.memref_slice %arg7[%dma_start3A, %dma_start3A_19, %dma_start3A_20] : memref<2x2x384xi32, #tpu.memory_space<vmem>> -> memref<1x1x384xi32, #tpu.memory_space<vmem>>
      %dma_start3A_22 = tpu.memref_squeeze %dma_start3A_21 : memref<1x1x384xi32, #tpu.memory_space<vmem>> -> memref<384xi32, #tpu.memory_space<vmem>>
      %dma_start3A_23 = arith.constant 0 : i32
      %dma_start3A_24 = arith.constant 0 : i32
      %dma_start3A_25 = tpu.memref_slice %arg2[%dma_start3A_23, %dma_start3A_24] : memref<50000x32xf32, #tpu.memory_space<hbm>> -> memref<50000x32xf32, #tpu.memory_space<hbm>>
      tpu.enqueue_indirect_dma source(%dma_start3A_25 : memref<50000x32xf32, #tpu.memory_space<hbm>>) target(%arg8 : memref<384x32xf32, #tpu.memory_space<vmem>>) offsets(%dma_start3A_22 : memref<384xi32, #tpu.memory_space<vmem>>) semaphore(%arg10 : memref<!tpu.dma_semaphore, #tpu.memory_space<semaphore_mem>>)
      %dma_start3A_26 = arith.constant 1 : i32
      %dma_start3A_27 = arith.constant 0 : i32
      %dma_start3A_28 = arith.constant 0 : i32
      %dma_start3A_29 = tpu.memref_slice %arg7[%dma_start3A_26, %dma_start3A_27, %dma_start3A_28] : memref<2x2x384xi32, #tpu.memory_space<vmem>> -> memref<1x1x384xi32, #tpu.memory_space<vmem>>
      %dma_start3A_30 = tpu.memref_squeeze %dma_start3A_29 : memref<1x1x384xi32, #tpu.memory_space<vmem>> -> memref<384xi32, #tpu.memory_space<vmem>>
      %dma_start3A_31 = arith.constant 0 : i32
      %dma_start3A_32 = arith.constant 0 : i32
      %dma_start3A_33 = tpu.memref_slice %arg2[%dma_start3A_31, %dma_start3A_32] : memref<50000x32xf32, #tpu.memory_space<hbm>> -> memref<50000x32xf32, #tpu.memory_space<hbm>>
      tpu.enqueue_indirect_dma source(%dma_start3A_33 : memref<50000x32xf32, #tpu.memory_space<hbm>>) target(%arg9 : memref<384x32xf32, #tpu.memory_space<vmem>>) offsets(%dma_start3A_30 : memref<384xi32, #tpu.memory_space<vmem>>) semaphore(%arg10 : memref<!tpu.dma_semaphore, #tpu.memory_space<semaphore_mem>>)
      %dma_wait3A = arith.constant 0 : i32
      %dma_wait3A_34 = arith.constant 0 : i32
      %dma_wait3A_35 = arith.constant 0 : i32
      %dma_wait3A_36 = tpu.memref_slice %arg7[%dma_wait3A, %dma_wait3A_34, %dma_wait3A_35] : memref<2x2x384xi32, #tpu.memory_space<vmem>> -> memref<1x1x384xi32, #tpu.memory_space<vmem>>
      %dma_wait3A_37 = tpu.memref_squeeze %dma_wait3A_36 : memref<1x1x384xi32, #tpu.memory_space<vmem>> -> memref<384xi32, #tpu.memory_space<vmem>>
      %dma_wait3A_38 = arith.constant 0 : i32
      %dma_wait3A_39 = arith.constant 0 : i32
      %dma_wait3A_40 = tpu.memref_slice %arg2[%dma_wait3A_38, %dma_wait3A_39] : memref<50000x32xf32, #tpu.memory_space<hbm>> -> memref<50000x32xf32, #tpu.memory_space<hbm>>
      tpu.wait_indirect_dma semaphore(%arg10 : memref<!tpu.dma_semaphore, #tpu.memory_space<semaphore_mem>>) src(%dma_wait3A_40 : memref<50000x32xf32, #tpu.memory_space<hbm>>) dst(%arg8 : memref<384x32xf32, #tpu.memory_space<vmem>>)
      %dma_start3A_41 = arith.constant 0 : i32
      %dma_start3A_42 = arith.constant 1 : i32
      %dma_start3A_43 = arith.constant 0 : i32
      %dma_start3A_44 = tpu.memref_slice %arg7[%dma_start3A_41, %dma_start3A_42, %dma_start3A_43] : memref<2x2x384xi32, #tpu.memory_space<vmem>> -> memref<1x1x384xi32, #tpu.memory_space<vmem>>
      %dma_start3A_45 = tpu.memref_squeeze %dma_start3A_44 : memref<1x1x384xi32, #tpu.memory_space<vmem>> -> memref<384xi32, #tpu.memory_space<vmem>>
      %dma_start3A_46 = arith.constant 0 : i32
      %dma_start3A_47 = arith.constant 0 : i32
      %dma_start3A_48 = tpu.memref_slice %arg6[%dma_start3A_46, %dma_start3A_47] : memref<51200x32xf32, #tpu.memory_space<vmem_shared>> -> memref<51200x32xf32, #tpu.memory_space<vmem_shared>>
      tpu.enqueue_indirect_dma source(%arg8 : memref<384x32xf32, #tpu.memory_space<vmem>>) target(%dma_start3A_48 : memref<51200x32xf32, #tpu.memory_space<vmem_shared>>) offsets(%dma_start3A_45 : memref<384xi32, #tpu.memory_space<vmem>>) semaphore(%arg11 : memref<!tpu.dma_semaphore, #tpu.memory_space<semaphore_mem>>) {add = true}
      %dma_wait3A_49 = arith.constant 1 : i32
      %dma_wait3A_50 = arith.constant 0 : i32
      %dma_wait3A_51 = arith.constant 0 : i32
      %dma_wait3A_52 = tpu.memref_slice %arg7[%dma_wait3A_49, %dma_wait3A_50, %dma_wait3A_51] : memref<2x2x384xi32, #tpu.memory_space<vmem>> -> memref<1x1x384xi32, #tpu.memory_space<vmem>>
      %dma_wait3A_53 = tpu.memref_squeeze %dma_wait3A_52 : memref<1x1x384xi32, #tpu.memory_space<vmem>> -> memref<384xi32, #tpu.memory_space<vmem>>
      %dma_wait3A_54 = arith.constant 0 : i32
      %dma_wait3A_55 = arith.constant 0 : i32
      %dma_wait3A_56 = tpu.memref_slice %arg2[%dma_wait3A_54, %dma_wait3A_55] : memref<50000x32xf32, #tpu.memory_space<hbm>> -> memref<50000x32xf32, #tpu.memory_space<hbm>>
      tpu.wait_indirect_dma semaphore(%arg10 : memref<!tpu.dma_semaphore, #tpu.memory_space<semaphore_mem>>) src(%dma_wait3A_56 : memref<50000x32xf32, #tpu.memory_space<hbm>>) dst(%arg9 : memref<384x32xf32, #tpu.memory_space<vmem>>)
      %dma_start3A_57 = arith.constant 1 : i32
      %dma_start3A_58 = arith.constant 1 : i32
      %dma_start3A_59 = arith.constant 0 : i32
      %dma_start3A_60 = tpu.memref_slice %arg7[%dma_start3A_57, %dma_start3A_58, %dma_start3A_59] : memref<2x2x384xi32, #tpu.memory_space<vmem>> -> memref<1x1x384xi32, #tpu.memory_space<vmem>>
      %dma_start3A_61 = tpu.memref_squeeze %dma_start3A_60 : memref<1x1x384xi32, #tpu.memory_space<vmem>> -> memref<384xi32, #tpu.memory_space<vmem>>
      %dma_start3A_62 = arith.constant 0 : i32
      %dma_start3A_63 = arith.constant 0 : i32
      %dma_start3A_64 = tpu.memref_slice %arg6[%dma_start3A_62, %dma_start3A_63] : memref<51200x32xf32, #tpu.memory_space<vmem_shared>> -> memref<51200x32xf32, #tpu.memory_space<vmem_shared>>
      tpu.enqueue_indirect_dma source(%arg9 : memref<384x32xf32, #tpu.memory_space<vmem>>) target(%dma_start3A_64 : memref<51200x32xf32, #tpu.memory_space<vmem_shared>>) offsets(%dma_start3A_61 : memref<384xi32, #tpu.memory_space<vmem>>) semaphore(%arg11 : memref<!tpu.dma_semaphore, #tpu.memory_space<semaphore_mem>>) {add = true}
      %dma_wait3A_65 = arith.constant 0 : i32
      %dma_wait3A_66 = arith.constant 1 : i32
      %dma_wait3A_67 = arith.constant 0 : i32
      %dma_wait3A_68 = tpu.memref_slice %arg7[%dma_wait3A_65, %dma_wait3A_66, %dma_wait3A_67] : memref<2x2x384xi32, #tpu.memory_space<vmem>> -> memref<1x1x384xi32, #tpu.memory_space<vmem>>
      %dma_wait3A_69 = tpu.memref_squeeze %dma_wait3A_68 : memref<1x1x384xi32, #tpu.memory_space<vmem>> -> memref<384xi32, #tpu.memory_space<vmem>>
      %dma_wait3A_70 = arith.constant 0 : i32
      %dma_wait3A_71 = arith.constant 0 : i32
      %dma_wait3A_72 = tpu.memref_slice %arg6[%dma_wait3A_70, %dma_wait3A_71] : memref<51200x32xf32, #tpu.memory_space<vmem_shared>> -> memref<51200x32xf32, #tpu.memory_space<vmem_shared>>
      tpu.wait_indirect_dma semaphore(%arg11 : memref<!tpu.dma_semaphore, #tpu.memory_space<semaphore_mem>>) src(%arg8 : memref<384x32xf32, #tpu.memory_space<vmem>>) dst(%dma_wait3A_72 : memref<51200x32xf32, #tpu.memory_space<vmem_shared>>)
      %dma_wait3A_73 = arith.constant 1 : i32
      %dma_wait3A_74 = arith.constant 1 : i32
      %dma_wait3A_75 = arith.constant 0 : i32
      %dma_wait3A_76 = tpu.memref_slice %arg7[%dma_wait3A_73, %dma_wait3A_74, %dma_wait3A_75] : memref<2x2x384xi32, #tpu.memory_space<vmem>> -> memref<1x1x384xi32, #tpu.memory_space<vmem>>
      %dma_wait3A_77 = tpu.memref_squeeze %dma_wait3A_76 : memref<1x1x384xi32, #tpu.memory_space<vmem>> -> memref<384xi32, #tpu.memory_space<vmem>>
      %dma_wait3A_78 = arith.constant 0 : i32
      %dma_wait3A_79 = arith.constant 0 : i32
      %dma_wait3A_80 = tpu.memref_slice %arg6[%dma_wait3A_78, %dma_wait3A_79] : memref<51200x32xf32, #tpu.memory_space<vmem_shared>> -> memref<51200x32xf32, #tpu.memory_space<vmem_shared>>
      tpu.wait_indirect_dma semaphore(%arg11 : memref<!tpu.dma_semaphore, #tpu.memory_space<semaphore_mem>>) src(%arg9 : memref<384x32xf32, #tpu.memory_space<vmem>>) dst(%dma_wait3A_80 : memref<51200x32xf32, #tpu.memory_space<vmem_shared>>)
    }
    %scan3A_11 = arith.constant 34 : i32
    %barrier3A_12 = arith.constant 0 : index
    tpu.barrier barrier_id(%barrier3A_12)
    %mul3A_13 = arith.constant 3200 : i32
    %mul3A_14 = arith.muli %arg1, %mul3A_13 : i32
    %mul3A_15 = arith.constant 3200 : i32
    %mul3A_16 = arith.muli %arg1, %mul3A_15 : i32
    "tpu.region"() ({
      %run_scoped3A = tpu.sem_alloc : memref<!tpu.dma_semaphore, #tpu.memory_space<semaphore_mem>>
      %dma_start3A = arith.constant 0 : i32
      %dma_start3A_17 = tpu.memref_slice %arg5[%arg0, %mul3A_16, %dma_start3A] : memref<2x51200x32xf32, #tpu.memory_space<hbm>> -> memref<1x3200x32xf32, #tpu.memory_space<hbm>>
      %dma_start3A_18 = tpu.memref_squeeze %dma_start3A_17 : memref<1x3200x32xf32, #tpu.memory_space<hbm>> -> memref<3200x32xf32, #tpu.memory_space<hbm>>
      %dma_start3A_19 = arith.constant 0 : i32
      %dma_start3A_20 = tpu.memref_slice %arg6[%mul3A_14, %dma_start3A_19] : memref<51200x32xf32, #tpu.memory_space<vmem_shared>> -> memref<3200x32xf32, #tpu.memory_space<vmem_shared>>
      tpu.enqueue_dma source(%dma_start3A_20 : memref<3200x32xf32, #tpu.memory_space<vmem_shared>>) target(%dma_start3A_18 : memref<3200x32xf32, #tpu.memory_space<hbm>>) target_semaphore(%run_scoped3A : memref<!tpu.dma_semaphore, #tpu.memory_space<semaphore_mem>>)
      %dma_wait3A = arith.constant 0 : i32
      %dma_wait3A_21 = tpu.memref_slice %arg5[%arg0, %mul3A_16, %dma_wait3A] : memref<2x51200x32xf32, #tpu.memory_space<hbm>> -> memref<1x3200x32xf32, #tpu.memory_space<hbm>>
      %dma_wait3A_22 = tpu.memref_squeeze %dma_wait3A_21 : memref<1x3200x32xf32, #tpu.memory_space<hbm>> -> memref<3200x32xf32, #tpu.memory_space<hbm>>
      %dma_wait3A_23 = arith.constant 0 : i32
      %dma_wait3A_24 = tpu.memref_slice %arg6[%mul3A_14, %dma_wait3A_23] : memref<51200x32xf32, #tpu.memory_space<vmem_shared>> -> memref<3200x32xf32, #tpu.memory_space<vmem_shared>>
      tpu.wait_dma2 semaphore(%run_scoped3A : memref<!tpu.dma_semaphore, #tpu.memory_space<semaphore_mem>>) src(%dma_wait3A_24 : memref<3200x32xf32, #tpu.memory_space<vmem_shared>>) dst(%dma_wait3A_22 : memref<3200x32xf32, #tpu.memory_space<hbm>>)
      tpu.yield
    }) : () -> ()
    return
  }
}

</mosaic_0001>

<sc_bundles>
// kernel: kernel.13.cloned.1.call-start
scs
__scs_entry_jumppad:
0x0: {  	(pc) =	sbr.rel $0x88, $3  }
0x1: {  	(tag) =	ssettag $0x0;
	lr =	simm.s32 $0x1  }
0x2: {  	[smem:$0x3F8F] =	sst lr;
	_ =	strace $0xD0000000  }
0x3: {  	_ = 	snop  }
0x4: {  	_ = 	snop  }
0x5: {  	_ = 	snop  }
0x6: {  	_ = 	snop  }
0x7: {  	_ = 	snop  }
__scs_overlays_trampoline_lowered:
0x8: {  	[smem:$0x3F9E] =	sst s0  }
0x9: {  	[smem:$0x3F9F] =	sst s1  }
0xa: {  	[smem:$0x3FA0] =	sst s2  }
0xb: {  	[smem:$0x3FA1] =	sst s3  }
0xc: {  	[smem:$0x3FA2] =	sst s4  }
0xd: {  	[smem:$0x3FA3] =	sst s5  }
0xe: {  	[smem:$0x3FA4] =	sst s6  }
0xf: {  	[smem:$0x3FA5] =	sst s7  }
0x10: {  	[smem:$0x3FA6] =	sst s8  }
0x11: {  	[smem:$0x3FA7] =	sst s9;
	s0 =	simm.s32 @!p0 $0x0  }
0x12: {  	s1 =	sld [smem:$0x3F8D];
	s0 =	simm.s32 @p0 $0x1  }
0x13: {  	[smem:$0x3FA8] =	sst s0;
	s0 =	simm.s32 @!p1 $0x0  }
0x14: {  	s2 =	sld [smem:$0x3F8C];
	s0 =	simm.s32 @p1 $0x1  }
0x15: {  	[smem:$0x3FA9] =	sst s0;
	s0 =	simm.s32 @!p2 $0x0  }
0x16: {  	s3 =	sld [smem:$0x3FDB];
	s0 =	simm.s32 @p2 $0x1  }
0x17: {  	s4 =	simm.s32 $0x1BF5;
	[smem:$0x3FAB] =	sst s0  }
0x18: {  	s0 =	sld [smem:$0x3F8E];
	_ =	swait.ge [sflag:s4], $0x0  }
0x19: {  	s7 =	sld [smem:$0x3F8F]  }
0x1a: {  	s8 =	sadd.s32 $0xFFFFE003, lr  }
0x1b: {  	s9 =	sadd.s32 $0xFFFFFEF7, lr;
	s5 =	simm.s32 $0xFFFFFFFF;
	p2 =	slt.u32 s8, $0xFFFFF086  }
0x1c: {  	p1 =	slt.u32 s9, $0xF7A;
	s5 =	simm.s32 @!p2 $0x0  }
0x1d: {  	s5 =	simm.s32 @p1 $0x1;
	p0 =	seq.s32 s7, s2  }
0x1e: {  	s7 =	smul.u32 @!p0 $0xF7A, s2;
	p2 =	seq.s32 @!p0 s5, $0x0  }
0x1f: {  	s9 =	smul.u32 $0xF7A, s1;
	s8 =	simm.s32 @!p0 $0x1BF5;
	p2 =	por !p2, p0  }
0x20: {  	[sflag:s8] =	ssyncset.s32 @!p0 $0xFFFFF086;
	s6 =	sadd.s32 @!p0 s3, s7;
	s7 =	simm.s32 @!p0 $0x108  }
0x21: {  	s3 =	sadd.s32 s3, s9;
	s6 =	sadd.s32 @!p0 $0x88, s6;
	s7 =	simm.s32 @p2 $0x1082  }
0x22: {  	[simem:s7], [sflag:s8] =	dma.local @!p0 [hbm:s6], $0xF7A  }
0x23: {  	s9 =	sor.u32 $0xD0000000, s2;
	s6 =	simm.s32 $0x108;
	_ =	swait.ge @!p0 [sflag:s8], $0x0  }
0x24: {  	s3 =	sadd.s32 $0x88, s3;
	s6 =	simm.s32 @!p1 $0x1082;
	[sflag:s4] =	ssyncset.s32 $0xFFFFF086  }
0x25: {  	[simem:s6], [sflag:s4] =	dma.local [hbm:s3], $0xF7A  }
0x26: {  	[smem:$0x3F8F] =	sst s1;
	(tag) =	ssettag s2;
	_ =	strace s9  }
0x27: {  	s1 =	sld [smem:$0x3F9F]  }
0x28: {  	s2 =	sld [smem:$0x3FA0]  }
0x29: {  	s4 =	sld [smem:$0x3FA2]  }
0x2a: {  	p0 =	seq.s32 s5, $0x0;
	s5 =	sld [smem:$0x3FA3]  }
0x2b: {  	s6 =	sld [smem:$0x3FA4]  }
0x2c: {  	s7 =	sld [smem:$0x3FA5]  }
0x2d: {  	s3 =	simm.s32 $0x108;
	s8 =	sld [smem:$0x3FA6]  }
0x2e: {  	s3 =	simm.s32 @!p0 $0x1082;
	s9 =	sld [smem:$0x3FA7]  }
0x2f: {  	lr =	sadd.s32 s0, s3;
	s0 =	sld [smem:$0x3F9E]  }
0x30: {  	s3 =	sld [smem:$0x3FA1]  }
0x31: {  	[smem:$0x3FAA] =	sst s10  }
0x32: {  	s10 =	sld [smem:$0x3FA8];
	_ =	sdelay $0x3  }
0x33: {  	p0 =	seq.s32 s10, $0x1;
	s10 =	sld [smem:$0x3FAA];
	_ =	sdelay $0x3  }
0x34: {  	[smem:$0x3FAA] =	sst s10  }
0x35: {  	s10 =	sld [smem:$0x3FA9];
	_ =	sdelay $0x3  }
0x36: {  	p1 =	seq.s32 s10, $0x1;
	s10 =	sld [smem:$0x3FAA];
	_ =	sdelay $0x3  }
0x37: {  	[smem:$0x3FAA] =	sst s10  }
0x38: {  	s10 =	sld [smem:$0x3FAB]  }
0x39: {  	_ = 	snop;
	(pc) =	sbr.ind lr, $3  }
0x3a: {  	_ = 	snop  }
0x3b: {  	_ = 	snop  }
0x3c: {  	p2 =	seq.s32 s10, $0x1;
	s10 =	sld [smem:$0x3FAA]  }
0x3d: {  	_ =	shalt  }
0x3e: {  	_ =	shalt  }
0x3f: {  	_ =	shalt  }
0x40: {  	_ =	shalt  }
0x41: {  	_ =	shalt  }
0x42: {  	_ =	shalt  }
0x43: {  	_ =	shalt  }
0x44: {  	_ =	shalt  }
0x45: {  	_ =	shalt  }
0x46: {  	_ =	shalt  }
0x47: {  	_ =	shalt  }
0x48: {  	_ =	shalt  }
0x49: {  	_ =	shalt  }
0x4a: {  	_ =	shalt  }
0x4b: {  	_ =	shalt  }
0x4c: {  	_ =	shalt  }
0x4d: {  	_ =	shalt  }
0x4e: {  	_ =	shalt  }
0x4f: {  	_ =	shalt  }
0x50: {  	_ =	shalt  }
0x51: {  	_ =	shalt  }
0x52: {  	_ =	shalt  }
0x53: {  	_ =	shalt  }
0x54: {  	_ =	shalt  }
0x55: {  	_ =	shalt  }
0x56: {  	_ =	shalt  }
0x57: {  	_ =	shalt  }
0x58: {  	_ =	shalt  }
0x59: {  	_ =	shalt  }
0x5a: {  	_ =	shalt  }
0x5b: {  	_ =	shalt  }
0x5c: {  	_ =	shalt  }
0x5d: {  	_ =	shalt  }
0x5e: {  	_ =	shalt  }
0x5f: {  	_ =	shalt  }
0x60: {  	_ =	shalt  }
0x61: {  	_ =	shalt  }
0x62: {  	_ =	shalt  }
0x63: {  	_ =	shalt  }
0x64: {  	_ =	shalt  }
0x65: {  	_ =	shalt  }
0x66: {  	_ =	shalt  }
0x67: {  	_ =	shalt  }
0x68: {  	_ =	shalt  }
0x69: {  	_ =	shalt  }
0x6a: {  	_ =	shalt  }
0x6b: {  	_ =	shalt  }
0x6c: {  	_ =	shalt  }
0x6d: {  	_ =	shalt  }
0x6e: {  	_ =	shalt  }
0x6f: {  	_ =	shalt  }
0x70: {  	_ =	shalt  }
0x71: {  	_ =	shalt  }
0x72: {  	_ =	shalt  }
0x73: {  	_ =	shalt  }
0x74: {  	_ =	shalt  }
0x75: {  	_ =	shalt  }
0x76: {  	_ =	shalt  }
0x77: {  	_ =	shalt  }
0x78: {  	_ =	shalt  }
0x79: {  	_ =	shalt  }
0x7a: {  	_ =	shalt  }
0x7b: {  	_ =	shalt  }
0x7c: {  	_ =	shalt  }
0x7d: {  	_ =	shalt  }
0x7e: {  	_ =	shalt  }
0x7f: {  	_ =	shalt  }
0x80: {  	_ =	shalt  }
0x81: {  	_ =	shalt  }
0x82: {  	_ =	shalt  }
0x83: {  	_ =	shalt  }
0x84: {  	_ =	shalt  }
0x85: {  	_ =	shalt  }
0x86: {  	_ =	shalt  }
0x87: {  	_ =	shalt  }
.Lfunc_end0:
.L_simem_size_0:
called_computation_lowered:
.L_overlay_start_0:
0x88: {  	s2 =	sld [smem:$0x3FD9]  }
0x89: {  	s3 =	sld [smem:$0x3FFE];
	_ =	sdelay $0x1  }
0x8a: {  	s1 =	srdreg.scid  }
0x8b: {  	s0 =	sand.u32 $0x1, s1  }
0x8c: {  	s14 =	sshll.u32 s0, $0xA;
	s2 =	sadd.s32 s3, s2  }
0x8d: {  	s2 =	sadd.s32 s2, s14  }
0x8e: {  	[smem:$0x3FB6] =	sst s2  }
0x8f: {  	_ = 	snop  }
0x90: {  	s2 =	sld [smem:$0x3FD0];
	_ =	sdelay $0x2  }
0x91: {  	s15 =	simm.s32 $0xA;
	s4 =	simm.s32 $0x10  }
0x92: {  	[smem:s4], [sflag:s15] =	dma.local [hbm:s2], $0x1  }
0x93: {  	_ =	swait.eq [sflag:s15], $0x1  }
0x94: {  	[sflag:s15] =	ssyncset.done $0x0  }
0x95: {  	[sflag:s15] =	ssyncadd.s32 $0xFFFFFFFF  }
0x96: {  	s16 =	sld [smem:$0x10];
	(tm) =	ssettm $0x1  }
0x97: {  	s17 =	sld [smem:$0x3FFB];
	_ =	sdelay $0x3  }
0x98: {  	_ =	strace s17  }
0x99: {  	s3 =	sld [smem:$0x3FFC];
	_ =	sdelay $0x3  }
0x9a: {  	_ =	strace s3  }
0x9b: {  	s3 =	sld [smem:$0x3FFD];
	_ =	sdelay $0x3  }
0x9c: {  	_ =	strace s3  }
0x9d: {  	_ =	strace $0x8FFFFFFF  }
0x9e: {  	s18 =	sld [smem:$0x3FDB];
	_ =	sdelay $0x1  }
0x9f: {  	s19 =	simm.s32 $_scs_section_size  }
0xa0: {  	s5 =	simm.s32 $_size__tile_overlayer_lowered;
	s6 =	simm.s32 $_tile_overlayer_lowered  }
0xa1: {  	s22 =	simm.s32 $0x1BFF;
	s21 =	sshll.u32 s6, $0x1;
	s3 =	sadd.s32 s19, s18  }
0xa2: {  	s7 =	simm.s32 $0x0;
	s20 =	sshll.u32 s5, $0x1;
	s5 =	sadd.s32 s21, s3  }
0xa3: {  	[timem:s7], [sflag:s22] =	dma.local [hbm:s5], s20  }
0xa4: {  	_ =	swait.ge [sflag:s22], s20  }
0xa5: {  	s4 =	ssub.s32 $0x0, s20;
	[sflag:s22] =	ssyncset.done $0x0  }
0xa6: {  	[sflag:s22] =	ssyncadd.s32 s4;
	_ =	sdelay $0x1  }
0xa7: {  	s23 =	simm.s32 $0x1B8B  }
0xa8: {  	_ =	swait.ge [sflag:s23], $0x1  }
0xa9: {  	[sflag:s23] =	ssyncset.done $0x0  }
0xaa: {  	s25 =	simm.s32 $0x1B8E;
	s24 =	sld [smem:$0x3FFE];
	[sflag:s23] =	ssyncadd.s32 $0xFFFFFFFF  }
0xab: {  	s26 =	simm.s32 $execute0_lowered;
	[smem:$0x3FD2] =	sst s25  }
0xac: {  	s5 =	sshll.u32 s26, $0x1;
	_ =	strace $0x80000046;
	[dreg:$0x1] =	wrdreg $0xFFFFFFFF  }
0xad: {  	s28 =	simm.s32 $_size_execute0_lowered;
	s3 =	sadd.s32 s3, s5;
	[dreg:$0x0] =	wrdreg $0x0  }
0xae: {  	s5 =	sshll.u32 s28, $0x1;
	[dreg:$0x2] =	wrdreg s3  }
0xaf: {  	[dreg:$0x3] =	wrdreg s5  }
0xb0: {  	[dreg:$0x4] =	wrdreg $0xC0  }
0xb1: {  	_ =	task [dreg:s7], $0x5FFFF  }
0xb2: {  	[dreg:$0x1] =	wrdreg $0xFFFFFFFF  }
0xb3: {  	[dreg:$0x0] =	wrdreg $0x60  }
0xb4: {  	[dreg:$0x2] =	wrdreg s16  }
0xb5: {  	[dreg:$0x3] =	wrdreg s24  }
0xb6: {  	[dreg:$0x4] =	wrdreg $0x0  }
0xb7: {  	[dreg:$0x5] =	wrdreg $0x9  }
0xb8: {  	_ =	task.clear_ibuf [dreg:s7], $0x6FFFF;
	_ =	strace $0x90000046  }
0xb9: {  	s29 =	simm.s32 $0x9;
	_ =	strace $0x80000048  }
0xba: {  	_ =	swait.ge [sflag:s29], $0x1  }
0xbb: {  	[sflag:s29] =	ssyncadd.s32 $0xFFFFFFFF  }
0xbc: {  	_ =	strace $0x90000048  }
0xbd: {  	_ =	sfence  }
0xbe: {  	s30 =	sld [smem:$0x0];
	_ =	sdelay $0x2  }
0xbf: {  	s31 =	sshll.u32 s1, $0xD;
	s1 =	sshrl.u32 s1, $0x2  }
0xc0: {  	s3 =	sand.u32 $0x4000, s31;
	s1 =	sadd.s32 s1, s30  }
0xc1: {  	s0 =	sor.u32 s3, s0;
	s1 =	sshll.u32 s1, $0x11  }
0xc2: {  	s0 =	sor.u32 s1, s0  }
0xc3: {  	s0 =	sadd.s32 $0x8F2B, s0  }
0xc4: {  	[sflag:s0] =	ssyncadd.remote.s32 $0x1  }
0xc5: {  	_ =	sfence.sel $0xFFFF  }
0xc6: {  	[dreg:$0x0] =	wrdreg $0xFFFFFFFF;
	(pc) =	sbr.abs _section_cstart, $3  }
0xc7: {  	[dreg:$0x1] =	wrdreg $0xFFFFFFFF  }
0xc8: {  	_ =	task.clear_ibuf [dreg:s7], $0x2FFFF;
	_ =	strace $0x9FFFFFFF  }
0xc9: {  	(tm) =	ssettm $0x7FFFFFFF  }
tec
execute0_lowered:
.L_overlay_start_1:
0x0: {  	(tag) =	ssettag $0x1  }
0x1: {  	s0 =	rddreg [dreg:$0x0]  }
0x2: {  	s5 =	rddreg [dreg:$0x1]  }
0x3: {  	s1 =	srdreg.scid;
	s3 =	rddreg [dreg:$0x2]  }
0x4: {  	s2 =	stileid.u32;
	s4 =	simm.s32 $0x0;
	s14 =	simm.s32 $0x19600  }
0x5: {  	s15 =	simm.s32 $0x19300;
	s16 =	simm.s32 $0x1C600;
	s17 =	simm.s32 $0x1  }
0x6: {  	s18 =	simm.s32 $0x19180;
	s19 =	simm.s32 $0x19480;
	s8 =	smul.u32 $0x19000, s2  }
0x7: {  	s20 =	simm.s32 $0x2;
	s6 =	sand.u32 $0x1, s1;
	s11 =	smul.u32 $0x1980, s2  }
0x8: {  	s21 =	simm.s32 $0x0;
	s1 =	rddreg [dreg:$0x3];
	s7 =	smul.u32 $0x19800, s6  }
0x9: {  	[smem:$0x7FF] =	sst s4;
	s30 =	sshll.u32 s2, $0x6;
	s9 =	smul.u32 $0x190000, s6  }
0xa: {  	_ =	strace $0x80000047;
	s6 =	ssub.s32 $0x2, s6;
	s10 =	sshrl.u32 s8, $0x3  }
0xb: {  	s29 =	sshrl.u32 s6, $0x1;
	s13 =	sadd.s32 s8, s3;
	s7 =	sadd.s32 s7, s5  }
0xc: {  	s9 =	sadd.s32 s8, s9;
	s10 =	sadd.s32 s10, s5;
	s12 =	ssub.s32 s6, s29  }
0xd: {  	s6 =	sor.u32 $0x1C03, s30;
	s9 =	sshrl.u32 s9, $0x3;
	s31 =	sadd.s32 s11, s7  }
0xe: {  	s8 =	smax.u32 s12, $0x1;
	s11 =	simm.s32 $0x3;
	s12 =	simm.s32 $0x19000  }
0xf: {  	s9 =	sadd.s32 s9, s5;
	s5 =	sadd.s32 $0x3CE00, s10;
	s10 =	sshrl.u32 s13, $0x3  }
0x10: {  	s13 =	simm.s32 $0x180;
	s7 =	sadd.s32 $0x6EE00, s9;
	s9 =	sadd.s32 $0x9E00, s31  }
.LBB2_1:
0x11: {  	[spmem:s10], [sflag:s6] =	dma.local [hbm:s5], $0x3200  }
0x12: {  	_ =	swait.ge [sflag:s11], $0x3200  }
0x13: {  	[sflag:s11] =	ssyncset.done $0x0  }
0x14: {  	[sflag:s11] =	ssyncadd.s32 $0xFFFFCE00  }
0x15: {  	s22 =	sadd.s32 $0x0, s9;
	[bflag:$0x0] =	sbarrier.arrive $0xFFFF  }
0x16: {  	[tilespmem:s12], [sflag:$0x3] =	stream.linear.gather [hbm4b:s22+s4], $0x600, $0x38;
	[tilespmem:$0x1F600] =	vst v63  }
0x17: {  	_ =	swait.ge [sflag:s11], $0x600  }
0x18: {  	[sflag:s11] =	ssyncset.done $0x0  }
0x19: {  	[sflag:s11] =	ssyncadd.s32 $0xFFFFFA00  }
0x1a: {  	[tilespmem:s14], [sflag:$0x1] =	stream.indirect.gather [hbm4b:s0+s13], $0x20, s12, s13, $0xb8;
	[tilespmem:$0x1F600] =	vst v63  }
0x1b: {  	_ = 	snop  }
0x1c: {  	[tilespmem:s16], [sflag:$0x1] =	stream.indirect.gather [hbm4b:s0+s13], $0x20, s15, s13, $0xb8;
	[tilespmem:$0x1F600] =	vst v63  }
0x1d: {  	_ =	swait.ge [sflag:s17], $0x3000  }
0x1e: {  	[sflag:s17] =	ssyncset.done $0x0  }
0x1f: {  	[sflag:s17] =	ssyncadd.s32 $0xFFFFD000  }
0x20: {  	[spmem:s3] =	stream.indirect.scatter.add.f32 [tilespmem:s14], [sflag:$0x2], $0x20, s18, s13, $0xb8;
	[tilespmem:$0x1F600] =	vst v63  }
0x21: {  	_ =	swait.ge [sflag:s17], $0x3000  }
0x22: {  	[sflag:s17] =	ssyncset.done $0x0  }
0x23: {  	[sflag:s17] =	ssyncadd.s32 $0xFFFFD000  }
0x24: {  	[spmem:s3] =	stream.indirect.scatter.add.f32 [tilespmem:s16], [sflag:$0x2], $0x20, s19, s13, $0xb8;
	[tilespmem:$0x1F600] =	vst v63  }
0x25: {  	_ =	swait.ge [sflag:s20], $0x3000  }
0x26: {  	[sflag:s20] =	ssyncset.done $0x0  }
0x27: {  	[sflag:s20] =	ssyncadd.s32 $0xFFFFD000  }
0x28: {  	_ =	swait.ge [sflag:s20], $0x3000  }
0x29: {  	s23 =	simm.s32 $0x180;
	s22 =	simm.s32 $0xC0;
	[sflag:s20] =	ssyncset.done $0x0  }
.LBB2_2:
0x2a: {  	s24 =	sadd.s32 s22, s9  }
0x2b: {  	[sflag:s20] =	ssyncadd.s32 $0xFFFFD000;
	s22 =	smov.u32 s23;
	s25 =	sadd.s32 $0xC0, s23  }
0x2c: {  	[tilespmem:s12], [sflag:$0x3] =	stream.linear.gather [hbm4b:s24+s4], $0x600, $0x38;
	[tilespmem:$0x1F600] =	vst v63  }
0x2d: {  	p0 =	sne.s32 s23, $0x18C0;
	_ =	swait.ge [sflag:s11], $0x600  }
0x2e: {  	[sflag:s11] =	ssyncset.done $0x0  }
0x2f: {  	[sflag:s11] =	ssyncadd.s32 $0xFFFFFA00  }
0x30: {  	[tilespmem:s14], [sflag:$0x1] =	stream.indirect.gather [hbm4b:s0+s13], $0x20, s12, s13, $0xb8;
	[tilespmem:$0x1F600] =	vst v63  }
0x31: {  	_ = 	snop  }
0x32: {  	[tilespmem:s16], [sflag:$0x1] =	stream.indirect.gather [hbm4b:s0+s13], $0x20, s15, s13, $0xb8;
	[tilespmem:$0x1F600] =	vst v63  }
0x33: {  	_ =	swait.ge [sflag:s17], $0x3000  }
0x34: {  	[sflag:s17] =	ssyncset.done $0x0  }
0x35: {  	[sflag:s17] =	ssyncadd.s32 $0xFFFFD000  }
0x36: {  	[spmem:s3] =	stream.indirect.scatter.add.f32 [tilespmem:s14], [sflag:$0x2], $0x20, s18, s13, $0xb8;
	[tilespmem:$0x1F600] =	vst v63  }
0x37: {  	_ =	swait.ge [sflag:s17], $0x3000  }
0x38: {  	[sflag:s17] =	ssyncset.done $0x0  }
0x39: {  	[sflag:s17] =	ssyncadd.s32 $0xFFFFD000  }
0x3a: {  	[spmem:s3] =	stream.indirect.scatter.add.f32 [tilespmem:s16], [sflag:$0x2], $0x20, s19, s13, $0xb8;
	[tilespmem:$0x1F600] =	vst v63  }
.Ltmp0:
0x3b: {  	_ =	swait.ge [sflag:s20], $0x3000;
	(pc) =	sbr.rel @p0 .LBB2_2-.Ltmp0, $4  }
0x3c: {  	[sflag:s20] =	ssyncset.done $0x0  }
0x3d: {  	[sflag:s20] =	ssyncadd.s32 $0xFFFFD000  }
0x3e: {  	_ =	swait.ge [sflag:s20], $0x3000  }
0x3f: {  	s23 =	smov.u32 s25;
	[sflag:s20] =	ssyncset.done $0x0  }
0x40: {  	s22 =	sadd.s32 s22, s9;
	[sflag:s20] =	ssyncadd.s32 $0xFFFFD000  }
0x41: {  	[tilespmem:s12], [sflag:$0x3] =	stream.linear.gather [hbm4b:s22+s4], $0x600, $0x38;
	[tilespmem:$0x1F600] =	vst v63  }
0x42: {  	_ =	swait.ge [sflag:s11], $0x600  }
0x43: {  	[sflag:s11] =	ssyncset.done $0x0  }
0x44: {  	[sflag:s11] =	ssyncadd.s32 $0xFFFFFA00  }
0x45: {  	[tilespmem:s14], [sflag:$0x1] =	stream.indirect.gather [hbm4b:s0+s13], $0x20, s12, s13, $0xb8;
	[tilespmem:$0x1F600] =	vst v63  }
0x46: {  	_ = 	snop  }
0x47: {  	[tilespmem:s16], [sflag:$0x1] =	stream.indirect.gather [hbm4b:s0+s13], $0x20, s15, s13, $0xb8;
	[tilespmem:$0x1F600] =	vst v63  }
0x48: {  	_ =	swait.ge [sflag:s17], $0x3000  }
0x49: {  	[sflag:s17] =	ssyncset.done $0x0  }
0x4a: {  	[sflag:s17] =	ssyncadd.s32 $0xFFFFD000  }
0x4b: {  	[spmem:s3] =	stream.indirect.scatter.add.f32 [tilespmem:s14], [sflag:$0x2], $0x20, s18, s13, $0xb8;
	[tilespmem:$0x1F600] =	vst v63  }
0x4c: {  	_ =	swait.ge [sflag:s17], $0x3000  }
0x4d: {  	[sflag:s17] =	ssyncset.done $0x0  }
0x4e: {  	[sflag:s17] =	ssyncadd.s32 $0xFFFFD000  }
0x4f: {  	[spmem:s3] =	stream.indirect.scatter.add.f32 [tilespmem:s16], [sflag:$0x2], $0x20, s19, s13, $0xb8;
	[tilespmem:$0x1F600] =	vst v63  }
0x50: {  	_ =	swait.ge [sflag:s20], $0x3000  }
0x51: {  	[sflag:s20] =	ssyncset.done $0x0  }
0x52: {  	[sflag:s20] =	ssyncadd.s32 $0xFFFFD000  }
0x53: {  	_ =	swait.ge [sflag:s20], $0x3000  }
0x54: {  	s21 =	sadd.s32 $0x1, s21;
	[sflag:s20] =	ssyncset.done $0x0  }
0x55: {  	p0 =	sne.s32 s21, s8;
	[sflag:s20] =	ssyncadd.s32 $0xFFFFD000  }
.Ltmp1:
0x56: {  	[bflag:$0x0] =	sbarrier.arrive $0xFFFF;
	(pc) =	sbr.rel @p0 .LBB2_1-.Ltmp1, $4  }
0x57: {  	[hbm:s7], [sflag:s6] =	dma.local [spmem:s10], $0x3200  }
0x58: {  	_ =	swait.ge [sflag:s11], $0x3200  }
0x59: {  	[sflag:s11] =	ssyncset.done $0x0  }
0x5a: {  	[sflag:s11] =	ssyncadd.s32 $0xFFFFCE00  }
0x5b: {  	_ =	sfence.sel $0x180000  }
0x5c: {  	[bflag:$0x0] =	sbarrier.arrive $0xFFFF  }
0x5d: {  	p0 =	sne.s32 s2, $0x0;
	_ =	strace $0x90000047  }
0x5e: {  	s0 =	sadd.s32 @!p0 $0x100000, s1;
	[bflag:$0x2] =	sbarrier.arrive $0xFFFF  }
0x5f: {  	[sflag:s0] =	ssyncadd.tile.s32 @!p0 $0x1;
	_ =	shalt  }
.Lfunc_end2:
_tile_overlayer_lowered:
.L_overlay_start_2:
0x60: {  	(tag) =	ssettag $0x2  }
0x61: {  	s0 =	rddreg [dreg:$0x0];
	s2 =	stileid.u32  }
0x62: {  	s1 =	rddreg [dreg:$0x1];
	p0 =	sne.s32 s2, $0x0  }
0x63: {  	s3 =	rddreg [dreg:$0x2];
	[bflag:$0x3] =	sbarrier.arrive $0xFFFF;
	s2 =	simm.s32 @!p0 $0x1C03  }
0x64: {  	[timem:s3], [sflag:s2] =	dma.local @!p0 [hbm:s0], s1  }
0x65: {  	s0 =	simm.s32 @!p0 $0x3  }
0x66: {  	_ =	swait.ge @!p0 [sflag:s0], s1  }
0x67: {  	s1 =	ssub.s32 @!p0 $0x0, s1;
	[sflag:s0] =	ssyncset.done @!p0 $0x0  }
0x68: {  	[sflag:s0] =	ssyncadd.s32 @!p0 s1  }
0x69: {  	[bflag:$0x3] =	sbarrier.arrive $0xFFFF  }
0x6a: {  	_ =	shalt  }

// kernel: kernel.16.cloned.1.call-start
scs
__scs_entry_jumppad:
0x0: {  	(pc) =	sbr.rel $0x88, $3  }
0x1: {  	(tag) =	ssettag $0x0;
	lr =	simm.s32 $0x1  }
0x2: {  	[smem:$0x3F8F] =	sst lr;
	_ =	strace $0xD0000000  }
0x3: {  	_ = 	snop  }
0x4: {  	_ = 	snop  }
0x5: {  	_ = 	snop  }
0x6: {  	_ = 	snop  }
0x7: {  	_ = 	snop  }
__scs_overlays_trampoline_lowered:
0x8: {  	[smem:$0x3F9E] =	sst s0  }
0x9: {  	[smem:$0x3F9F] =	sst s1  }
0xa: {  	[smem:$0x3FA0] =	sst s2  }
0xb: {  	[smem:$0x3FA1] =	sst s3  }
0xc: {  	[smem:$0x3FA2] =	sst s4  }
0xd: {  	[smem:$0x3FA3] =	sst s5  }
0xe: {  	[smem:$0x3FA4] =	sst s6  }
0xf: {  	[smem:$0x3FA5] =	sst s7  }
0x10: {  	[smem:$0x3FA6] =	sst s8  }
0x11: {  	[smem:$0x3FA7] =	sst s9;
	s0 =	simm.s32 @!p0 $0x0  }
0x12: {  	s1 =	sld [smem:$0x3F8D];
	s0 =	simm.s32 @p0 $0x1  }
0x13: {  	[smem:$0x3FA8] =	sst s0;
	s0 =	simm.s32 @!p1 $0x0  }
0x14: {  	s2 =	sld [smem:$0x3F8C];
	s0 =	simm.s32 @p1 $0x1  }
0x15: {  	[smem:$0x3FA9] =	sst s0;
	s0 =	simm.s32 @!p2 $0x0  }
0x16: {  	s3 =	sld [smem:$0x3FDB];
	s0 =	simm.s32 @p2 $0x1  }
0x17: {  	s4 =	simm.s32 $0x1BF5;
	[smem:$0x3FAB] =	sst s0  }
0x18: {  	s0 =	sld [smem:$0x3F8E];
	_ =	swait.ge [sflag:s4], $0x0  }
0x19: {  	s7 =	sld [smem:$0x3F8F]  }
0x1a: {  	s8 =	sadd.s32 $0xFFFFE003, lr  }
0x1b: {  	s9 =	sadd.s32 $0xFFFFFEF7, lr;
	s5 =	simm.s32 $0xFFFFFFFF;
	p2 =	slt.u32 s8, $0xFFFFF086  }
0x1c: {  	p1 =	slt.u32 s9, $0xF7A;
	s5 =	simm.s32 @!p2 $0x0  }
0x1d: {  	s5 =	simm.s32 @p1 $0x1;
	p0 =	seq.s32 s7, s2  }
0x1e: {  	s7 =	smul.u32 @!p0 $0xF7A, s2;
	p2 =	seq.s32 @!p0 s5, $0x0  }
0x1f: {  	s9 =	smul.u32 $0xF7A, s1;
	s8 =	simm.s32 @!p0 $0x1BF5;
	p2 =	por !p2, p0  }
0x20: {  	[sflag:s8] =	ssyncset.s32 @!p0 $0xFFFFF086;
	s6 =	sadd.s32 @!p0 s3, s7;
	s7 =	simm.s32 @!p0 $0x108  }
0x21: {  	s3 =	sadd.s32 s3, s9;
	s6 =	sadd.s32 @!p0 $0x88, s6;
	s7 =	simm.s32 @p2 $0x1082  }
0x22: {  	[simem:s7], [sflag:s8] =	dma.local @!p0 [hbm:s6], $0xF7A  }
0x23: {  	s9 =	sor.u32 $0xD0000000, s2;
	s6 =	simm.s32 $0x108;
	_ =	swait.ge @!p0 [sflag:s8], $0x0  }
0x24: {  	s3 =	sadd.s32 $0x88, s3;
	s6 =	simm.s32 @!p1 $0x1082;
	[sflag:s4] =	ssyncset.s32 $0xFFFFF086  }
0x25: {  	[simem:s6], [sflag:s4] =	dma.local [hbm:s3], $0xF7A  }
0x26: {  	[smem:$0x3F8F] =	sst s1;
	(tag) =	ssettag s2;
	_ =	strace s9  }
0x27: {  	s1 =	sld [smem:$0x3F9F]  }
0x28: {  	s2 =	sld [smem:$0x3FA0]  }
0x29: {  	s4 =	sld [smem:$0x3FA2]  }
0x2a: {  	p0 =	seq.s32 s5, $0x0;
	s5 =	sld [smem:$0x3FA3]  }
0x2b: {  	s6 =	sld [smem:$0x3FA4]  }
0x2c: {  	s7 =	sld [smem:$0x3FA5]  }
0x2d: {  	s3 =	simm.s32 $0x108;
	s8 =	sld [smem:$0x3FA6]  }
0x2e: {  	s3 =	simm.s32 @!p0 $0x1082;
	s9 =	sld [smem:$0x3FA7]  }
0x2f: {  	lr =	sadd.s32 s0, s3;
	s0 =	sld [smem:$0x3F9E]  }
0x30: {  	s3 =	sld [smem:$0x3FA1]  }
0x31: {  	[smem:$0x3FAA] =	sst s10  }
0x32: {  	s10 =	sld [smem:$0x3FA8];
	_ =	sdelay $0x3  }
0x33: {  	p0 =	seq.s32 s10, $0x1;
	s10 =	sld [smem:$0x3FAA];
	_ =	sdelay $0x3  }
0x34: {  	[smem:$0x3FAA] =	sst s10  }
0x35: {  	s10 =	sld [smem:$0x3FA9];
	_ =	sdelay $0x3  }
0x36: {  	p1 =	seq.s32 s10, $0x1;
	s10 =	sld [smem:$0x3FAA];
	_ =	sdelay $0x3  }
0x37: {  	[smem:$0x3FAA] =	sst s10  }
0x38: {  	s10 =	sld [smem:$0x3FAB]  }
0x39: {  	_ = 	snop;
	(pc) =	sbr.ind lr, $3  }
0x3a: {  	_ = 	snop  }
0x3b: {  	_ = 	snop  }
0x3c: {  	p2 =	seq.s32 s10, $0x1;
	s10 =	sld [smem:$0x3FAA]  }
0x3d: {  	_ =	shalt  }
0x3e: {  	_ =	shalt  }
0x3f: {  	_ =	shalt  }
0x40: {  	_ =	shalt  }
0x41: {  	_ =	shalt  }
0x42: {  	_ =	shalt  }
0x43: {  	_ =	shalt  }
0x44: {  	_ =	shalt  }
0x45: {  	_ =	shalt  }
0x46: {  	_ =	shalt  }
0x47: {  	_ =	shalt  }
0x48: {  	_ =	shalt  }
0x49: {  	_ =	shalt  }
0x4a: {  	_ =	shalt  }
0x4b: {  	_ =	shalt  }
0x4c: {  	_ =	shalt  }
0x4d: {  	_ =	shalt  }
0x4e: {  	_ =	shalt  }
0x4f: {  	_ =	shalt  }
0x50: {  	_ =	shalt  }
0x51: {  	_ =	shalt  }
0x52: {  	_ =	shalt  }
0x53: {  	_ =	shalt  }
0x54: {  	_ =	shalt  }
0x55: {  	_ =	shalt  }
0x56: {  	_ =	shalt  }
0x57: {  	_ =	shalt  }
0x58: {  	_ =	shalt  }
0x59: {  	_ =	shalt  }
0x5a: {  	_ =	shalt  }
0x5b: {  	_ =	shalt  }
0x5c: {  	_ =	shalt  }
0x5d: {  	_ =	shalt  }
0x5e: {  	_ =	shalt  }
0x5f: {  	_ =	shalt  }
0x60: {  	_ =	shalt  }
0x61: {  	_ =	shalt  }
0x62: {  	_ =	shalt  }
0x63: {  	_ =	shalt  }
0x64: {  	_ =	shalt  }
0x65: {  	_ =	shalt  }
0x66: {  	_ =	shalt  }
0x67: {  	_ =	shalt  }
0x68: {  	_ =	shalt  }
0x69: {  	_ =	shalt  }
0x6a: {  	_ =	shalt  }
0x6b: {  	_ =	shalt  }
0x6c: {  	_ =	shalt  }
0x6d: {  	_ =	shalt  }
0x6e: {  	_ =	shalt  }
0x6f: {  	_ =	shalt  }
0x70: {  	_ =	shalt  }
0x71: {  	_ =	shalt  }
0x72: {  	_ =	shalt  }
0x73: {  	_ =	shalt  }
0x74: {  	_ =	shalt  }
0x75: {  	_ =	shalt  }
0x76: {  	_ =	shalt  }
0x77: {  	_ =	shalt  }
0x78: {  	_ =	shalt  }
0x79: {  	_ =	shalt  }
0x7a: {  	_ =	shalt  }
0x7b: {  	_ =	shalt  }
0x7c: {  	_ =	shalt  }
0x7d: {  	_ =	shalt  }
0x7e: {  	_ =	shalt  }
0x7f: {  	_ =	shalt  }
0x80: {  	_ =	shalt  }
0x81: {  	_ =	shalt  }
0x82: {  	_ =	shalt  }
0x83: {  	_ =	shalt  }
0x84: {  	_ =	shalt  }
0x85: {  	_ =	shalt  }
0x86: {  	_ =	shalt  }
0x87: {  	_ =	shalt  }
.Lfunc_end0:
.L_simem_size_0:
called_computation.1_lowered:
.L_overlay_start_0:
0x88: {  	s2 =	sld [smem:$0x3FD9]  }
0x89: {  	s3 =	sld [smem:$0x3FFE];
	_ =	sdelay $0x1  }
0x8a: {  	s1 =	srdreg.scid  }
0x8b: {  	s0 =	sand.u32 $0x1, s1  }
0x8c: {  	s14 =	sshll.u32 s0, $0xA;
	s2 =	sadd.s32 s3, s2  }
0x8d: {  	s2 =	sadd.s32 s2, s14  }
0x8e: {  	[smem:$0x3FB6] =	sst s2  }
0x8f: {  	_ = 	snop  }
0x90: {  	s2 =	sld [smem:$0x3FD0];
	_ =	sdelay $0x2  }
0x91: {  	s15 =	simm.s32 $0xA;
	s4 =	simm.s32 $0x10  }
0x92: {  	[smem:s4], [sflag:s15] =	dma.local [hbm:s2], $0x1  }
0x93: {  	_ =	swait.eq [sflag:s15], $0x1  }
0x94: {  	[sflag:s15] =	ssyncset.done $0x0  }
0x95: {  	[sflag:s15] =	ssyncadd.s32 $0xFFFFFFFF  }
0x96: {  	s16 =	sld [smem:$0x10];
	(tm) =	ssettm $0x1  }
0x97: {  	s17 =	sld [smem:$0x3FFB];
	_ =	sdelay $0x3  }
0x98: {  	_ =	strace s17  }
0x99: {  	s3 =	sld [smem:$0x3FFC];
	_ =	sdelay $0x3  }
0x9a: {  	_ =	strace s3  }
0x9b: {  	s3 =	sld [smem:$0x3FFD];
	_ =	sdelay $0x3  }
0x9c: {  	_ =	strace s3  }
0x9d: {  	_ =	strace $0x8FFFFFFF  }
0x9e: {  	s18 =	sld [smem:$0x3FDB];
	_ =	sdelay $0x1  }
0x9f: {  	s19 =	simm.s32 $_scs_section_size  }
0xa0: {  	s5 =	simm.s32 $_size__tile_overlayer_lowered;
	s6 =	simm.s32 $_tile_overlayer_lowered  }
0xa1: {  	s22 =	simm.s32 $0x1BFF;
	s21 =	sshll.u32 s6, $0x1;
	s3 =	sadd.s32 s19, s18  }
0xa2: {  	s7 =	simm.s32 $0x0;
	s20 =	sshll.u32 s5, $0x1;
	s5 =	sadd.s32 s21, s3  }
0xa3: {  	[timem:s7], [sflag:s22] =	dma.local [hbm:s5], s20  }
0xa4: {  	_ =	swait.ge [sflag:s22], s20  }
0xa5: {  	s4 =	ssub.s32 $0x0, s20;
	[sflag:s22] =	ssyncset.done $0x0  }
0xa6: {  	[sflag:s22] =	ssyncadd.s32 s4;
	_ =	sdelay $0x1  }
0xa7: {  	s23 =	simm.s32 $0x1B8B  }
0xa8: {  	_ =	swait.ge [sflag:s23], $0x1  }
0xa9: {  	[sflag:s23] =	ssyncset.done $0x0  }
0xaa: {  	s25 =	simm.s32 $0x1B8E;
	s24 =	sld [smem:$0x3FFE];
	[sflag:s23] =	ssyncadd.s32 $0xFFFFFFFF  }
0xab: {  	s26 =	simm.s32 $execute0_lowered;
	[smem:$0x3FD2] =	sst s25  }
0xac: {  	s5 =	sshll.u32 s26, $0x1;
	_ =	strace $0x80000049;
	[dreg:$0x1] =	wrdreg $0xFFFFFFFF  }
0xad: {  	s28 =	simm.s32 $_size_execute0_lowered;
	s3 =	sadd.s32 s3, s5;
	[dreg:$0x0] =	wrdreg $0x0  }
0xae: {  	s5 =	sshll.u32 s28, $0x1;
	[dreg:$0x2] =	wrdreg s3  }
0xaf: {  	[dreg:$0x3] =	wrdreg s5  }
0xb0: {  	[dreg:$0x4] =	wrdreg $0xC0  }
0xb1: {  	_ =	task [dreg:s7], $0x5FFFF  }
0xb2: {  	[dreg:$0x1] =	wrdreg $0xFFFFFFFF  }
0xb3: {  	[dreg:$0x0] =	wrdreg $0x60  }
0xb4: {  	[dreg:$0x2] =	wrdreg s16  }
0xb5: {  	[dreg:$0x3] =	wrdreg s24  }
0xb6: {  	[dreg:$0x4] =	wrdreg $0x0  }
0xb7: {  	[dreg:$0x5] =	wrdreg $0x9  }
0xb8: {  	_ =	task.clear_ibuf [dreg:s7], $0x6FFFF;
	_ =	strace $0x90000049  }
0xb9: {  	s29 =	simm.s32 $0x9;
	_ =	strace $0x8000004B  }
0xba: {  	_ =	swait.ge [sflag:s29], $0x1  }
0xbb: {  	[sflag:s29] =	ssyncadd.s32 $0xFFFFFFFF  }
0xbc: {  	_ =	strace $0x9000004B  }
0xbd: {  	_ =	sfence  }
0xbe: {  	s30 =	sld [smem:$0x0];
	_ =	sdelay $0x2  }
0xbf: {  	s31 =	sshll.u32 s1, $0xD;
	s1 =	sshrl.u32 s1, $0x2  }
0xc0: {  	s3 =	sand.u32 $0x4000, s31;
	s1 =	sadd.s32 s1, s30  }
0xc1: {  	s0 =	sor.u32 s3, s0;
	s1 =	sshll.u32 s1, $0x11  }
0xc2: {  	s0 =	sor.u32 s1, s0  }
0xc3: {  	s0 =	sadd.s32 $0x8F2B, s0  }
0xc4: {  	[sflag:s0] =	ssyncadd.remote.s32 $0x1  }
0xc5: {  	_ =	sfence.sel $0xFFFF  }
0xc6: {  	[dreg:$0x0] =	wrdreg $0xFFFFFFFF;
	(pc) =	sbr.abs _section_cstart, $3  }
0xc7: {  	[dreg:$0x1] =	wrdreg $0xFFFFFFFF  }
0xc8: {  	_ =	task.clear_ibuf [dreg:s7], $0x2FFFF;
	_ =	strace $0x9FFFFFFF  }
0xc9: {  	(tm) =	ssettm $0x7FFFFFFF  }
tec
execute0_lowered:
.L_overlay_start_1:
0x0: {  	(tag) =	ssettag $0x1  }
0x1: {  	s0 =	rddreg [dreg:$0x0]  }
0x2: {  	s5 =	rddreg [dreg:$0x1]  }
0x3: {  	s1 =	srdreg.scid;
	s3 =	rddreg [dreg:$0x2]  }
0x4: {  	s2 =	stileid.u32;
	s4 =	simm.s32 $0x0;
	s14 =	simm.s32 $0x19600  }
0x5: {  	s15 =	simm.s32 $0x19300;
	s16 =	simm.s32 $0x1C600;
	s17 =	simm.s32 $0x1  }
0x6: {  	s18 =	simm.s32 $0x19180;
	s19 =	simm.s32 $0x19480;
	s8 =	smul.u32 $0x19000, s2  }
0x7: {  	s20 =	simm.s32 $0x2;
	s6 =	sand.u32 $0x1, s1;
	s11 =	smul.u32 $0x1980, s2  }
0x8: {  	s21 =	simm.s32 $0x0;
	s1 =	rddreg [dreg:$0x3];
	s7 =	smul.u32 $0x19800, s6  }
0x9: {  	[smem:$0x7FF] =	sst s4;
	s30 =	sshll.u32 s2, $0x6;
	s9 =	smul.u32 $0x190000, s6  }
0xa: {  	_ =	strace $0x8000004A;
	s6 =	ssub.s32 $0x2, s6;
	s10 =	sshrl.u32 s8, $0x3  }
0xb: {  	s29 =	sshrl.u32 s6, $0x1;
	s13 =	sadd.s32 s8, s3;
	s7 =	sadd.s32 s7, s5  }
0xc: {  	s9 =	sadd.s32 s8, s9;
	s10 =	sadd.s32 s10, s5;
	s12 =	ssub.s32 s6, s29  }
0xd: {  	s6 =	sor.u32 $0x1C03, s30;
	s9 =	sshrl.u32 s9, $0x3;
	s31 =	sadd.s32 s11, s7  }
0xe: {  	s8 =	smax.u32 s12, $0x1;
	s11 =	simm.s32 $0x3;
	s12 =	simm.s32 $0x19000  }
0xf: {  	s9 =	sadd.s32 s9, s5;
	s5 =	sadd.s32 $0x3CE00, s10;
	s10 =	sshrl.u32 s13, $0x3  }
0x10: {  	s13 =	simm.s32 $0x180;
	s7 =	sadd.s32 $0x6EE00, s9;
	s9 =	sadd.s32 $0x9E00, s31  }
.LBB2_1:
0x11: {  	[spmem:s10], [sflag:s6] =	dma.local [hbm:s5], $0x3200  }
0x12: {  	_ =	swait.ge [sflag:s11], $0x3200  }
0x13: {  	[sflag:s11] =	ssyncset.done $0x0  }
0x14: {  	[sflag:s11] =	ssyncadd.s32 $0xFFFFCE00  }
0x15: {  	s22 =	sadd.s32 $0x0, s9;
	[bflag:$0x0] =	sbarrier.arrive $0xFFFF  }
0x16: {  	[tilespmem:s12], [sflag:$0x3] =	stream.linear.gather [hbm4b:s22+s4], $0x600, $0x38;
	[tilespmem:$0x1F600] =	vst v63  }
0x17: {  	_ =	swait.ge [sflag:s11], $0x600  }
0x18: {  	[sflag:s11] =	ssyncset.done $0x0  }
0x19: {  	[sflag:s11] =	ssyncadd.s32 $0xFFFFFA00  }
0x1a: {  	[tilespmem:s14], [sflag:$0x1] =	stream.indirect.gather [hbm4b:s0+s13], $0x20, s12, s13, $0xb8;
	[tilespmem:$0x1F600] =	vst v63  }
0x1b: {  	_ = 	snop  }
0x1c: {  	[tilespmem:s16], [sflag:$0x1] =	stream.indirect.gather [hbm4b:s0+s13], $0x20, s15, s13, $0xb8;
	[tilespmem:$0x1F600] =	vst v63  }
0x1d: {  	_ =	swait.ge [sflag:s17], $0x3000  }
0x1e: {  	[sflag:s17] =	ssyncset.done $0x0  }
0x1f: {  	[sflag:s17] =	ssyncadd.s32 $0xFFFFD000  }
0x20: {  	[spmem:s3] =	stream.indirect.scatter.add.f32 [tilespmem:s14], [sflag:$0x2], $0x20, s18, s13, $0xb8;
	[tilespmem:$0x1F600] =	vst v63  }
0x21: {  	_ =	swait.ge [sflag:s17], $0x3000  }
0x22: {  	[sflag:s17] =	ssyncset.done $0x0  }
0x23: {  	[sflag:s17] =	ssyncadd.s32 $0xFFFFD000  }
0x24: {  	[spmem:s3] =	stream.indirect.scatter.add.f32 [tilespmem:s16], [sflag:$0x2], $0x20, s19, s13, $0xb8;
	[tilespmem:$0x1F600] =	vst v63  }
0x25: {  	_ =	swait.ge [sflag:s20], $0x3000  }
0x26: {  	[sflag:s20] =	ssyncset.done $0x0  }
0x27: {  	[sflag:s20] =	ssyncadd.s32 $0xFFFFD000  }
0x28: {  	_ =	swait.ge [sflag:s20], $0x3000  }
0x29: {  	s23 =	simm.s32 $0x180;
	s22 =	simm.s32 $0xC0;
	[sflag:s20] =	ssyncset.done $0x0  }
.LBB2_2:
0x2a: {  	s24 =	sadd.s32 s22, s9  }
0x2b: {  	[sflag:s20] =	ssyncadd.s32 $0xFFFFD000;
	s22 =	smov.u32 s23;
	s25 =	sadd.s32 $0xC0, s23  }
0x2c: {  	[tilespmem:s12], [sflag:$0x3] =	stream.linear.gather [hbm4b:s24+s4], $0x600, $0x38;
	[tilespmem:$0x1F600] =	vst v63  }
0x2d: {  	p0 =	sne.s32 s23, $0x18C0;
	_ =	swait.ge [sflag:s11], $0x600  }
0x2e: {  	[sflag:s11] =	ssyncset.done $0x0  }
0x2f: {  	[sflag:s11] =	ssyncadd.s32 $0xFFFFFA00  }
0x30: {  	[tilespmem:s14], [sflag:$0x1] =	stream.indirect.gather [hbm4b:s0+s13], $0x20, s12, s13, $0xb8;
	[tilespmem:$0x1F600] =	vst v63  }
0x31: {  	_ = 	snop  }
0x32: {  	[tilespmem:s16], [sflag:$0x1] =	stream.indirect.gather [hbm4b:s0+s13], $0x20, s15, s13, $0xb8;
	[tilespmem:$0x1F600] =	vst v63  }
0x33: {  	_ =	swait.ge [sflag:s17], $0x3000  }
0x34: {  	[sflag:s17] =	ssyncset.done $0x0  }
0x35: {  	[sflag:s17] =	ssyncadd.s32 $0xFFFFD000  }
0x36: {  	[spmem:s3] =	stream.indirect.scatter.add.f32 [tilespmem:s14], [sflag:$0x2], $0x20, s18, s13, $0xb8;
	[tilespmem:$0x1F600] =	vst v63  }
0x37: {  	_ =	swait.ge [sflag:s17], $0x3000  }
0x38: {  	[sflag:s17] =	ssyncset.done $0x0  }
0x39: {  	[sflag:s17] =	ssyncadd.s32 $0xFFFFD000  }
0x3a: {  	[spmem:s3] =	stream.indirect.scatter.add.f32 [tilespmem:s16], [sflag:$0x2], $0x20, s19, s13, $0xb8;
	[tilespmem:$0x1F600] =	vst v63  }
.Ltmp0:
0x3b: {  	_ =	swait.ge [sflag:s20], $0x3000;
	(pc) =	sbr.rel @p0 .LBB2_2-.Ltmp0, $4  }
0x3c: {  	[sflag:s20] =	ssyncset.done $0x0  }
0x3d: {  	[sflag:s20] =	ssyncadd.s32 $0xFFFFD000  }
0x3e: {  	_ =	swait.ge [sflag:s20], $0x3000  }
0x3f: {  	s23 =	smov.u32 s25;
	[sflag:s20] =	ssyncset.done $0x0  }
0x40: {  	s22 =	sadd.s32 s22, s9;
	[sflag:s20] =	ssyncadd.s32 $0xFFFFD000  }
0x41: {  	[tilespmem:s12], [sflag:$0x3] =	stream.linear.gather [hbm4b:s22+s4], $0x600, $0x38;
	[tilespmem:$0x1F600] =	vst v63  }
0x42: {  	_ =	swait.ge [sflag:s11], $0x600  }
0x43: {  	[sflag:s11] =	ssyncset.done $0x0  }
0x44: {  	[sflag:s11] =	ssyncadd.s32 $0xFFFFFA00  }
0x45: {  	[tilespmem:s14], [sflag:$0x1] =	stream.indirect.gather [hbm4b:s0+s13], $0x20, s12, s13, $0xb8;
	[tilespmem:$0x1F600] =	vst v63  }
0x46: {  	_ = 	snop  }
0x47: {  	[tilespmem:s16], [sflag:$0x1] =	stream.indirect.gather [hbm4b:s0+s13], $0x20, s15, s13, $0xb8;
	[tilespmem:$0x1F600] =	vst v63  }
0x48: {  	_ =	swait.ge [sflag:s17], $0x3000  }
0x49: {  	[sflag:s17] =	ssyncset.done $0x0  }
0x4a: {  	[sflag:s17] =	ssyncadd.s32 $0xFFFFD000  }
0x4b: {  	[spmem:s3] =	stream.indirect.scatter.add.f32 [tilespmem:s14], [sflag:$0x2], $0x20, s18, s13, $0xb8;
	[tilespmem:$0x1F600] =	vst v63  }
0x4c: {  	_ =	swait.ge [sflag:s17], $0x3000  }
0x4d: {  	[sflag:s17] =	ssyncset.done $0x0  }
0x4e: {  	[sflag:s17] =	ssyncadd.s32 $0xFFFFD000  }
0x4f: {  	[spmem:s3] =	stream.indirect.scatter.add.f32 [tilespmem:s16], [sflag:$0x2], $0x20, s19, s13, $0xb8;
	[tilespmem:$0x1F600] =	vst v63  }
0x50: {  	_ =	swait.ge [sflag:s20], $0x3000  }
0x51: {  	[sflag:s20] =	ssyncset.done $0x0  }
0x52: {  	[sflag:s20] =	ssyncadd.s32 $0xFFFFD000  }
0x53: {  	_ =	swait.ge [sflag:s20], $0x3000  }
0x54: {  	s21 =	sadd.s32 $0x1, s21;
	[sflag:s20] =	ssyncset.done $0x0  }
0x55: {  	p0 =	sne.s32 s21, s8;
	[sflag:s20] =	ssyncadd.s32 $0xFFFFD000  }
.Ltmp1:
0x56: {  	[bflag:$0x0] =	sbarrier.arrive $0xFFFF;
	(pc) =	sbr.rel @p0 .LBB2_1-.Ltmp1, $4  }
0x57: {  	[hbm:s7], [sflag:s6] =	dma.local [spmem:s10], $0x3200  }
0x58: {  	_ =	swait.ge [sflag:s11], $0x3200  }
0x59: {  	[sflag:s11] =	ssyncset.done $0x0  }
0x5a: {  	[sflag:s11] =	ssyncadd.s32 $0xFFFFCE00  }
0x5b: {  	_ =	sfence.sel $0x180000  }
0x5c: {  	[bflag:$0x0] =	sbarrier.arrive $0xFFFF  }
0x5d: {  	p0 =	sne.s32 s2, $0x0;
	_ =	strace $0x9000004A  }
0x5e: {  	s0 =	sadd.s32 @!p0 $0x100000, s1;
	[bflag:$0x2] =	sbarrier.arrive $0xFFFF  }
0x5f: {  	[sflag:s0] =	ssyncadd.tile.s32 @!p0 $0x1;
	_ =	shalt  }
.Lfunc_end2:
_tile_overlayer_lowered:
.L_overlay_start_2:
0x60: {  	(tag) =	ssettag $0x2  }
0x61: {  	s0 =	rddreg [dreg:$0x0];
	s2 =	stileid.u32  }
0x62: {  	s1 =	rddreg [dreg:$0x1];
	p0 =	sne.s32 s2, $0x0  }
0x63: {  	s3 =	rddreg [dreg:$0x2];
	[bflag:$0x3] =	sbarrier.arrive $0xFFFF;
	s2 =	simm.s32 @!p0 $0x1C03  }
0x64: {  	[timem:s3], [sflag:s2] =	dma.local @!p0 [hbm:s0], s1  }
0x65: {  	s0 =	simm.s32 @!p0 $0x3  }
0x66: {  	_ =	swait.ge @!p0 [sflag:s0], s1  }
0x67: {  	s1 =	ssub.s32 @!p0 $0x0, s1;
	[sflag:s0] =	ssyncset.done @!p0 $0x0  }
0x68: {  	[sflag:s0] =	ssyncadd.s32 @!p0 s1  }
0x69: {  	[bflag:$0x3] =	sbarrier.arrive $0xFFFF  }
0x6a: {  	_ =	shalt  }

// kernel: kernel.19.cloned.1.call-start
scs
__scs_entry_jumppad:
0x0: {  	(pc) =	sbr.rel $0x88, $3  }
0x1: {  	(tag) =	ssettag $0x0;
	lr =	simm.s32 $0x1  }
0x2: {  	[smem:$0x3F8F] =	sst lr;
	_ =	strace $0xD0000000  }
0x3: {  	_ = 	snop  }
0x4: {  	_ = 	snop  }
0x5: {  	_ = 	snop  }
0x6: {  	_ = 	snop  }
0x7: {  	_ = 	snop  }
__scs_overlays_trampoline_lowered:
0x8: {  	[smem:$0x3F9E] =	sst s0  }
0x9: {  	[smem:$0x3F9F] =	sst s1  }
0xa: {  	[smem:$0x3FA0] =	sst s2  }
0xb: {  	[smem:$0x3FA1] =	sst s3  }
0xc: {  	[smem:$0x3FA2] =	sst s4  }
0xd: {  	[smem:$0x3FA3] =	sst s5  }
0xe: {  	[smem:$0x3FA4] =	sst s6  }
0xf: {  	[smem:$0x3FA5] =	sst s7  }
0x10: {  	[smem:$0x3FA6] =	sst s8  }
0x11: {  	[smem:$0x3FA7] =	sst s9;
	s0 =	simm.s32 @!p0 $0x0  }
0x12: {  	s1 =	sld [smem:$0x3F8D];
	s0 =	simm.s32 @p0 $0x1  }
0x13: {  	[smem:$0x3FA8] =	sst s0;
	s0 =	simm.s32 @!p1 $0x0  }
0x14: {  	s2 =	sld [smem:$0x3F8C];
	s0 =	simm.s32 @p1 $0x1  }
0x15: {  	[smem:$0x3FA9] =	sst s0;
	s0 =	simm.s32 @!p2 $0x0  }
0x16: {  	s3 =	sld [smem:$0x3FDB];
	s0 =	simm.s32 @p2 $0x1  }
0x17: {  	s4 =	simm.s32 $0x1BF5;
	[smem:$0x3FAB] =	sst s0  }
0x18: {  	s0 =	sld [smem:$0x3F8E];
	_ =	swait.ge [sflag:s4], $0x0  }
0x19: {  	s7 =	sld [smem:$0x3F8F]  }
0x1a: {  	s8 =	sadd.s32 $0xFFFFE003, lr  }
0x1b: {  	s9 =	sadd.s32 $0xFFFFFEF7, lr;
	s5 =	simm.s32 $0xFFFFFFFF;
	p2 =	slt.u32 s8, $0xFFFFF086  }
0x1c: {  	p1 =	slt.u32 s9, $0xF7A;
	s5 =	simm.s32 @!p2 $0x0  }
0x1d: {  	s5 =	simm.s32 @p1 $0x1;
	p0 =	seq.s32 s7, s2  }
0x1e: {  	s7 =	smul.u32 @!p0 $0xF7A, s2;
	p2 =	seq.s32 @!p0 s5, $0x0  }
0x1f: {  	s9 =	smul.u32 $0xF7A, s1;
	s8 =	simm.s32 @!p0 $0x1BF5;
	p2 =	por !p2, p0  }
0x20: {  	[sflag:s8] =	ssyncset.s32 @!p0 $0xFFFFF086;
	s6 =	sadd.s32 @!p0 s3, s7;
	s7 =	simm.s32 @!p0 $0x108  }
0x21: {  	s3 =	sadd.s32 s3, s9;
	s6 =	sadd.s32 @!p0 $0x88, s6;
	s7 =	simm.s32 @p2 $0x1082  }
0x22: {  	[simem:s7], [sflag:s8] =	dma.local @!p0 [hbm:s6], $0xF7A  }
0x23: {  	s9 =	sor.u32 $0xD0000000, s2;
	s6 =	simm.s32 $0x108;
	_ =	swait.ge @!p0 [sflag:s8], $0x0  }
0x24: {  	s3 =	sadd.s32 $0x88, s3;
	s6 =	simm.s32 @!p1 $0x1082;
	[sflag:s4] =	ssyncset.s32 $0xFFFFF086  }
0x25: {  	[simem:s6], [sflag:s4] =	dma.local [hbm:s3], $0xF7A  }
0x26: {  	[smem:$0x3F8F] =	sst s1;
	(tag) =	ssettag s2;
	_ =	strace s9  }
0x27: {  	s1 =	sld [smem:$0x3F9F]  }
0x28: {  	s2 =	sld [smem:$0x3FA0]  }
0x29: {  	s4 =	sld [smem:$0x3FA2]  }
0x2a: {  	p0 =	seq.s32 s5, $0x0;
	s5 =	sld [smem:$0x3FA3]  }
0x2b: {  	s6 =	sld [smem:$0x3FA4]  }
0x2c: {  	s7 =	sld [smem:$0x3FA5]  }
0x2d: {  	s3 =	simm.s32 $0x108;
	s8 =	sld [smem:$0x3FA6]  }
0x2e: {  	s3 =	simm.s32 @!p0 $0x1082;
	s9 =	sld [smem:$0x3FA7]  }
0x2f: {  	lr =	sadd.s32 s0, s3;
	s0 =	sld [smem:$0x3F9E]  }
0x30: {  	s3 =	sld [smem:$0x3FA1]  }
0x31: {  	[smem:$0x3FAA] =	sst s10  }
0x32: {  	s10 =	sld [smem:$0x3FA8];
	_ =	sdelay $0x3  }
0x33: {  	p0 =	seq.s32 s10, $0x1;
	s10 =	sld [smem:$0x3FAA];
	_ =	sdelay $0x3  }
0x34: {  	[smem:$0x3FAA] =	sst s10  }
0x35: {  	s10 =	sld [smem:$0x3FA9];
	_ =	sdelay $0x3  }
0x36: {  	p1 =	seq.s32 s10, $0x1;
	s10 =	sld [smem:$0x3FAA];
	_ =	sdelay $0x3  }
0x37: {  	[smem:$0x3FAA] =	sst s10  }
0x38: {  	s10 =	sld [smem:$0x3FAB]  }
0x39: {  	_ = 	snop;
	(pc) =	sbr.ind lr, $3  }
0x3a: {  	_ = 	snop  }
0x3b: {  	_ = 	snop  }
0x3c: {  	p2 =	seq.s32 s10, $0x1;
	s10 =	sld [smem:$0x3FAA]  }
0x3d: {  	_ =	shalt  }
0x3e: {  	_ =	shalt  }
0x3f: {  	_ =	shalt  }
0x40: {  	_ =	shalt  }
0x41: {  	_ =	shalt  }
0x42: {  	_ =	shalt  }
0x43: {  	_ =	shalt  }
0x44: {  	_ =	shalt  }
0x45: {  	_ =	shalt  }
0x46: {  	_ =	shalt  }
0x47: {  	_ =	shalt  }
0x48: {  	_ =	shalt  }
0x49: {  	_ =	shalt  }
0x4a: {  	_ =	shalt  }
0x4b: {  	_ =	shalt  }
0x4c: {  	_ =	shalt  }
0x4d: {  	_ =	shalt  }
0x4e: {  	_ =	shalt  }
0x4f: {  	_ =	shalt  }
0x50: {  	_ =	shalt  }
0x51: {  	_ =	shalt  }
0x52: {  	_ =	shalt  }
0x53: {  	_ =	shalt  }
0x54: {  	_ =	shalt  }
0x55: {  	_ =	shalt  }
0x56: {  	_ =	shalt  }
0x57: {  	_ =	shalt  }
0x58: {  	_ =	shalt  }
0x59: {  	_ =	shalt  }
0x5a: {  	_ =	shalt  }
0x5b: {  	_ =	shalt  }
0x5c: {  	_ =	shalt  }
0x5d: {  	_ =	shalt  }
0x5e: {  	_ =	shalt  }
0x5f: {  	_ =	shalt  }
0x60: {  	_ =	shalt  }
0x61: {  	_ =	shalt  }
0x62: {  	_ =	shalt  }
0x63: {  	_ =	shalt  }
0x64: {  	_ =	shalt  }
0x65: {  	_ =	shalt  }
0x66: {  	_ =	shalt  }
0x67: {  	_ =	shalt  }
0x68: {  	_ =	shalt  }
0x69: {  	_ =	shalt  }
0x6a: {  	_ =	shalt  }
0x6b: {  	_ =	shalt  }
0x6c: {  	_ =	shalt  }
0x6d: {  	_ =	shalt  }
0x6e: {  	_ =	shalt  }
0x6f: {  	_ =	shalt  }
0x70: {  	_ =	shalt  }
0x71: {  	_ =	shalt  }
0x72: {  	_ =	shalt  }
0x73: {  	_ =	shalt  }
0x74: {  	_ =	shalt  }
0x75: {  	_ =	shalt  }
0x76: {  	_ =	shalt  }
0x77: {  	_ =	shalt  }
0x78: {  	_ =	shalt  }
0x79: {  	_ =	shalt  }
0x7a: {  	_ =	shalt  }
0x7b: {  	_ =	shalt  }
0x7c: {  	_ =	shalt  }
0x7d: {  	_ =	shalt  }
0x7e: {  	_ =	shalt  }
0x7f: {  	_ =	shalt  }
0x80: {  	_ =	shalt  }
0x81: {  	_ =	shalt  }
0x82: {  	_ =	shalt  }
0x83: {  	_ =	shalt  }
0x84: {  	_ =	shalt  }
0x85: {  	_ =	shalt  }
0x86: {  	_ =	shalt  }
0x87: {  	_ =	shalt  }
.Lfunc_end0:
.L_simem_size_0:
called_computation.2_lowered:
.L_overlay_start_0:
0x88: {  	s2 =	sld [smem:$0x3FD9]  }
0x89: {  	s3 =	sld [smem:$0x3FFE];
	_ =	sdelay $0x1  }
0x8a: {  	s1 =	srdreg.scid  }
0x8b: {  	s0 =	sand.u32 $0x1, s1  }
0x8c: {  	s14 =	sshll.u32 s0, $0xA;
	s2 =	sadd.s32 s3, s2  }
0x8d: {  	s2 =	sadd.s32 s2, s14  }
0x8e: {  	[smem:$0x3FB6] =	sst s2  }
0x8f: {  	_ = 	snop  }
0x90: {  	s2 =	sld [smem:$0x3FD0];
	_ =	sdelay $0x2  }
0x91: {  	s15 =	simm.s32 $0xA;
	s4 =	simm.s32 $0x10  }
0x92: {  	[smem:s4], [sflag:s15] =	dma.local [hbm:s2], $0x1  }
0x93: {  	_ =	swait.eq [sflag:s15], $0x1  }
0x94: {  	[sflag:s15] =	ssyncset.done $0x0  }
0x95: {  	[sflag:s15] =	ssyncadd.s32 $0xFFFFFFFF  }
0x96: {  	s16 =	sld [smem:$0x10];
	(tm) =	ssettm $0x1  }
0x97: {  	s17 =	sld [smem:$0x3FFB];
	_ =	sdelay $0x3  }
0x98: {  	_ =	strace s17  }
0x99: {  	s3 =	sld [smem:$0x3FFC];
	_ =	sdelay $0x3  }
0x9a: {  	_ =	strace s3  }
0x9b: {  	s3 =	sld [smem:$0x3FFD];
	_ =	sdelay $0x3  }
0x9c: {  	_ =	strace s3  }
0x9d: {  	_ =	strace $0x8FFFFFFF  }
0x9e: {  	s18 =	sld [smem:$0x3FDB];
	_ =	sdelay $0x1  }
0x9f: {  	s19 =	simm.s32 $_scs_section_size  }
0xa0: {  	s5 =	simm.s32 $_size__tile_overlayer_lowered;
	s6 =	simm.s32 $_tile_overlayer_lowered  }
0xa1: {  	s22 =	simm.s32 $0x1BFF;
	s21 =	sshll.u32 s6, $0x1;
	s3 =	sadd.s32 s19, s18  }
0xa2: {  	s7 =	simm.s32 $0x0;
	s20 =	sshll.u32 s5, $0x1;
	s5 =	sadd.s32 s21, s3  }
0xa3: {  	[timem:s7], [sflag:s22] =	dma.local [hbm:s5], s20  }
0xa4: {  	_ =	swait.ge [sflag:s22], s20  }
0xa5: {  	s4 =	ssub.s32 $0x0, s20;
	[sflag:s22] =	ssyncset.done $0x0  }
0xa6: {  	[sflag:s22] =	ssyncadd.s32 s4;
	_ =	sdelay $0x1  }
0xa7: {  	s23 =	simm.s32 $0x1B8B  }
0xa8: {  	_ =	swait.ge [sflag:s23], $0x1  }
0xa9: {  	[sflag:s23] =	ssyncset.done $0x0  }
0xaa: {  	s25 =	simm.s32 $0x1B8E;
	s24 =	sld [smem:$0x3FFE];
	[sflag:s23] =	ssyncadd.s32 $0xFFFFFFFF  }
0xab: {  	s26 =	simm.s32 $execute0_lowered;
	[smem:$0x3FD2] =	sst s25  }
0xac: {  	s5 =	sshll.u32 s26, $0x1;
	_ =	strace $0x8000004C;
	[dreg:$0x1] =	wrdreg $0xFFFFFFFF  }
0xad: {  	s28 =	simm.s32 $_size_execute0_lowered;
	s3 =	sadd.s32 s3, s5;
	[dreg:$0x0] =	wrdreg $0x0  }
0xae: {  	s5 =	sshll.u32 s28, $0x1;
	[dreg:$0x2] =	wrdreg s3  }
0xaf: {  	[dreg:$0x3] =	wrdreg s5  }
0xb0: {  	[dreg:$0x4] =	wrdreg $0xC0  }
0xb1: {  	_ =	task [dreg:s7], $0x5FFFF  }
0xb2: {  	[dreg:$0x1] =	wrdreg $0xFFFFFFFF  }
0xb3: {  	[dreg:$0x0] =	wrdreg $0x60  }
0xb4: {  	[dreg:$0x2] =	wrdreg s16  }
0xb5: {  	[dreg:$0x3] =	wrdreg s24  }
0xb6: {  	[dreg:$0x4] =	wrdreg $0x0  }
0xb7: {  	[dreg:$0x5] =	wrdreg $0x9  }
0xb8: {  	_ =	task.clear_ibuf [dreg:s7], $0x6FFFF;
	_ =	strace $0x9000004C  }
0xb9: {  	s29 =	simm.s32 $0x9;
	_ =	strace $0x8000004E  }
0xba: {  	_ =	swait.ge [sflag:s29], $0x1  }
0xbb: {  	[sflag:s29] =	ssyncadd.s32 $0xFFFFFFFF  }
0xbc: {  	_ =	strace $0x9000004E  }
0xbd: {  	_ =	sfence  }
0xbe: {  	s30 =	sld [smem:$0x0];
	_ =	sdelay $0x2  }
0xbf: {  	s31 =	sshll.u32 s1, $0xD;
	s1 =	sshrl.u32 s1, $0x2  }
0xc0: {  	s3 =	sand.u32 $0x4000, s31;
	s1 =	sadd.s32 s1, s30  }
0xc1: {  	s0 =	sor.u32 s3, s0;
	s1 =	sshll.u32 s1, $0x11  }
0xc2: {  	s0 =	sor.u32 s1, s0  }
0xc3: {  	s0 =	sadd.s32 $0x8F2B, s0  }
0xc4: {  	[sflag:s0] =	ssyncadd.remote.s32 $0x1  }
0xc5: {  	_ =	sfence.sel $0xFFFF  }
0xc6: {  	[dreg:$0x0] =	wrdreg $0xFFFFFFFF;
	(pc) =	sbr.abs _section_cstart, $3  }
0xc7: {  	[dreg:$0x1] =	wrdreg $0xFFFFFFFF  }
0xc8: {  	_ =	task.clear_ibuf [dreg:s7], $0x2FFFF;
	_ =	strace $0x9FFFFFFF  }
0xc9: {  	(tm) =	ssettm $0x7FFFFFFF  }
tec
execute0_lowered:
.L_overlay_start_1:
0x0: {  	(tag) =	ssettag $0x1  }
0x1: {  	s0 =	rddreg [dreg:$0x0]  }
0x2: {  	s5 =	rddreg [dreg:$0x1]  }
0x3: {  	s1 =	srdreg.scid;
	s3 =	rddreg [dreg:$0x2]  }
0x4: {  	s2 =	stileid.u32;
	s4 =	simm.s32 $0x0;
	s14 =	simm.s32 $0x19600  }
0x5: {  	s15 =	simm.s32 $0x19300;
	s16 =	simm.s32 $0x1C600;
	s17 =	simm.s32 $0x1  }
0x6: {  	s18 =	simm.s32 $0x19180;
	s19 =	simm.s32 $0x19480;
	s8 =	smul.u32 $0x19000, s2  }
0x7: {  	s20 =	simm.s32 $0x2;
	s6 =	sand.u32 $0x1, s1;
	s11 =	smul.u32 $0x1980, s2  }
0x8: {  	s21 =	simm.s32 $0x0;
	s1 =	rddreg [dreg:$0x3];
	s7 =	smul.u32 $0x19800, s6  }
0x9: {  	[smem:$0x7FF] =	sst s4;
	s30 =	sshll.u32 s2, $0x6;
	s9 =	smul.u32 $0x190000, s6  }
0xa: {  	_ =	strace $0x8000004D;
	s6 =	ssub.s32 $0x2, s6;
	s10 =	sshrl.u32 s8, $0x3  }
0xb: {  	s29 =	sshrl.u32 s6, $0x1;
	s13 =	sadd.s32 s8, s3;
	s7 =	sadd.s32 s7, s5  }
0xc: {  	s9 =	sadd.s32 s8, s9;
	s10 =	sadd.s32 s10, s5;
	s12 =	ssub.s32 s6, s29  }
0xd: {  	s6 =	sor.u32 $0x1C03, s30;
	s9 =	sshrl.u32 s9, $0x3;
	s31 =	sadd.s32 s11, s7  }
0xe: {  	s8 =	smax.u32 s12, $0x1;
	s11 =	simm.s32 $0x3;
	s12 =	simm.s32 $0x19000  }
0xf: {  	s9 =	sadd.s32 s9, s5;
	s5 =	sadd.s32 $0x3CE00, s10;
	s10 =	sshrl.u32 s13, $0x3  }
0x10: {  	s13 =	simm.s32 $0x180;
	s7 =	sadd.s32 $0x6EE00, s9;
	s9 =	sadd.s32 $0x9E00, s31  }
.LBB2_1:
0x11: {  	[spmem:s10], [sflag:s6] =	dma.local [hbm:s5], $0x3200  }
0x12: {  	_ =	swait.ge [sflag:s11], $0x3200  }
0x13: {  	[sflag:s11] =	ssyncset.done $0x0  }
0x14: {  	[sflag:s11] =	ssyncadd.s32 $0xFFFFCE00  }
0x15: {  	s22 =	sadd.s32 $0x0, s9;
	[bflag:$0x0] =	sbarrier.arrive $0xFFFF  }
0x16: {  	[tilespmem:s12], [sflag:$0x3] =	stream.linear.gather [hbm4b:s22+s4], $0x600, $0x38;
	[tilespmem:$0x1F600] =	vst v63  }
0x17: {  	_ =	swait.ge [sflag:s11], $0x600  }
0x18: {  	[sflag:s11] =	ssyncset.done $0x0  }
0x19: {  	[sflag:s11] =	ssyncadd.s32 $0xFFFFFA00  }
0x1a: {  	[tilespmem:s14], [sflag:$0x1] =	stream.indirect.gather [hbm4b:s0+s13], $0x20, s12, s13, $0xb8;
	[tilespmem:$0x1F600] =	vst v63  }
0x1b: {  	_ = 	snop  }
0x1c: {  	[tilespmem:s16], [sflag:$0x1] =	stream.indirect.gather [hbm4b:s0+s13], $0x20, s15, s13, $0xb8;
	[tilespmem:$0x1F600] =	vst v63  }
0x1d: {  	_ =	swait.ge [sflag:s17], $0x3000  }
0x1e: {  	[sflag:s17] =	ssyncset.done $0x0  }
0x1f: {  	[sflag:s17] =	ssyncadd.s32 $0xFFFFD000  }
0x20: {  	[spmem:s3] =	stream.indirect.scatter.add.f32 [tilespmem:s14], [sflag:$0x2], $0x20, s18, s13, $0xb8;
	[tilespmem:$0x1F600] =	vst v63  }
0x21: {  	_ =	swait.ge [sflag:s17], $0x3000  }
0x22: {  	[sflag:s17] =	ssyncset.done $0x0  }
0x23: {  	[sflag:s17] =	ssyncadd.s32 $0xFFFFD000  }
0x24: {  	[spmem:s3] =	stream.indirect.scatter.add.f32 [tilespmem:s16], [sflag:$0x2], $0x20, s19, s13, $0xb8;
	[tilespmem:$0x1F600] =	vst v63  }
0x25: {  	_ =	swait.ge [sflag:s20], $0x3000  }
0x26: {  	[sflag:s20] =	ssyncset.done $0x0  }
0x27: {  	[sflag:s20] =	ssyncadd.s32 $0xFFFFD000  }
0x28: {  	_ =	swait.ge [sflag:s20], $0x3000  }
0x29: {  	s23 =	simm.s32 $0x180;
	s22 =	simm.s32 $0xC0;
	[sflag:s20] =	ssyncset.done $0x0  }
.LBB2_2:
0x2a: {  	s24 =	sadd.s32 s22, s9  }
0x2b: {  	[sflag:s20] =	ssyncadd.s32 $0xFFFFD000;
	s22 =	smov.u32 s23;
	s25 =	sadd.s32 $0xC0, s23  }
0x2c: {  	[tilespmem:s12], [sflag:$0x3] =	stream.linear.gather [hbm4b:s24+s4], $0x600, $0x38;
	[tilespmem:$0x1F600] =	vst v63  }
0x2d: {  	p0 =	sne.s32 s23, $0x18C0;
	_ =	swait.ge [sflag:s11], $0x600  }
0x2e: {  	[sflag:s11] =	ssyncset.done $0x0  }
0x2f: {  	[sflag:s11] =	ssyncadd.s32 $0xFFFFFA00  }
0x30: {  	[tilespmem:s14], [sflag:$0x1] =	stream.indirect.gather [hbm4b:s0+s13], $0x20, s12, s13, $0xb8;
	[tilespmem:$0x1F600] =	vst v63  }
0x31: {  	_ = 	snop  }
0x32: {  	[tilespmem:s16], [sflag:$0x1] =	stream.indirect.gather [hbm4b:s0+s13], $0x20, s15, s13, $0xb8;
	[tilespmem:$0x1F600] =	vst v63  }
0x33: {  	_ =	swait.ge [sflag:s17], $0x3000  }
0x34: {  	[sflag:s17] =	ssyncset.done $0x0  }
0x35: {  	[sflag:s17] =	ssyncadd.s32 $0xFFFFD000  }
0x36: {  	[spmem:s3] =	stream.indirect.scatter.add.f32 [tilespmem:s14], [sflag:$0x2], $0x20, s18, s13, $0xb8;
	[tilespmem:$0x1F600] =	vst v63  }
0x37: {  	_ =	swait.ge [sflag:s17], $0x3000  }
0x38: {  	[sflag:s17] =	ssyncset.done $0x0  }
0x39: {  	[sflag:s17] =	ssyncadd.s32 $0xFFFFD000  }
0x3a: {  	[spmem:s3] =	stream.indirect.scatter.add.f32 [tilespmem:s16], [sflag:$0x2], $0x20, s19, s13, $0xb8;
	[tilespmem:$0x1F600] =	vst v63  }
.Ltmp0:
0x3b: {  	_ =	swait.ge [sflag:s20], $0x3000;
	(pc) =	sbr.rel @p0 .LBB2_2-.Ltmp0, $4  }
0x3c: {  	[sflag:s20] =	ssyncset.done $0x0  }
0x3d: {  	[sflag:s20] =	ssyncadd.s32 $0xFFFFD000  }
0x3e: {  	_ =	swait.ge [sflag:s20], $0x3000  }
0x3f: {  	s23 =	smov.u32 s25;
	[sflag:s20] =	ssyncset.done $0x0  }
0x40: {  	s22 =	sadd.s32 s22, s9;
	[sflag:s20] =	ssyncadd.s32 $0xFFFFD000  }
0x41: {  	[tilespmem:s12], [sflag:$0x3] =	stream.linear.gather [hbm4b:s22+s4], $0x600, $0x38;
	[tilespmem:$0x1F600] =	vst v63  }
0x42: {  	_ =	swait.ge [sflag:s11], $0x600  }
0x43: {  	[sflag:s11] =	ssyncset.done $0x0  }
0x44: {  	[sflag:s11] =	ssyncadd.s32 $0xFFFFFA00  }
0x45: {  	[tilespmem:s14], [sflag:$0x1] =	stream.indirect.gather [hbm4b:s0+s13], $0x20, s12, s13, $0xb8;
	[tilespmem:$0x1F600] =	vst v63  }
0x46: {  	_ = 	snop  }
0x47: {  	[tilespmem:s16], [sflag:$0x1] =	stream.indirect.gather [hbm4b:s0+s13], $0x20, s15, s13, $0xb8;
	[tilespmem:$0x1F600] =	vst v63  }
0x48: {  	_ =	swait.ge [sflag:s17], $0x3000  }
0x49: {  	[sflag:s17] =	ssyncset.done $0x0  }
0x4a: {  	[sflag:s17] =	ssyncadd.s32 $0xFFFFD000  }
0x4b: {  	[spmem:s3] =	stream.indirect.scatter.add.f32 [tilespmem:s14], [sflag:$0x2], $0x20, s18, s13, $0xb8;
	[tilespmem:$0x1F600] =	vst v63  }
0x4c: {  	_ =	swait.ge [sflag:s17], $0x3000  }
0x4d: {  	[sflag:s17] =	ssyncset.done $0x0  }
0x4e: {  	[sflag:s17] =	ssyncadd.s32 $0xFFFFD000  }
0x4f: {  	[spmem:s3] =	stream.indirect.scatter.add.f32 [tilespmem:s16], [sflag:$0x2], $0x20, s19, s13, $0xb8;
	[tilespmem:$0x1F600] =	vst v63  }
0x50: {  	_ =	swait.ge [sflag:s20], $0x3000  }
0x51: {  	[sflag:s20] =	ssyncset.done $0x0  }
0x52: {  	[sflag:s20] =	ssyncadd.s32 $0xFFFFD000  }
0x53: {  	_ =	swait.ge [sflag:s20], $0x3000  }
0x54: {  	s21 =	sadd.s32 $0x1, s21;
	[sflag:s20] =	ssyncset.done $0x0  }
0x55: {  	p0 =	sne.s32 s21, s8;
	[sflag:s20] =	ssyncadd.s32 $0xFFFFD000  }
.Ltmp1:
0x56: {  	[bflag:$0x0] =	sbarrier.arrive $0xFFFF;
	(pc) =	sbr.rel @p0 .LBB2_1-.Ltmp1, $4  }
0x57: {  	[hbm:s7], [sflag:s6] =	dma.local [spmem:s10], $0x3200  }
0x58: {  	_ =	swait.ge [sflag:s11], $0x3200  }
0x59: {  	[sflag:s11] =	ssyncset.done $0x0  }
0x5a: {  	[sflag:s11] =	ssyncadd.s32 $0xFFFFCE00  }
0x5b: {  	_ =	sfence.sel $0x180000  }
0x5c: {  	[bflag:$0x0] =	sbarrier.arrive $0xFFFF  }
0x5d: {  	p0 =	sne.s32 s2, $0x0;
	_ =	strace $0x9000004D  }
0x5e: {  	s0 =	sadd.s32 @!p0 $0x100000, s1;
	[bflag:$0x2] =	sbarrier.arrive $0xFFFF  }
0x5f: {  	[sflag:s0] =	ssyncadd.tile.s32 @!p0 $0x1;
	_ =	shalt  }
.Lfunc_end2:
_tile_overlayer_lowered:
.L_overlay_start_2:
0x60: {  	(tag) =	ssettag $0x2  }
0x61: {  	s0 =	rddreg [dreg:$0x0];
	s2 =	stileid.u32  }
0x62: {  	s1 =	rddreg [dreg:$0x1];
	p0 =	sne.s32 s2, $0x0  }
0x63: {  	s3 =	rddreg [dreg:$0x2];
	[bflag:$0x3] =	sbarrier.arrive $0xFFFF;
	s2 =	simm.s32 @!p0 $0x1C03  }
0x64: {  	[timem:s3], [sflag:s2] =	dma.local @!p0 [hbm:s0], s1  }
0x65: {  	s0 =	simm.s32 @!p0 $0x3  }
0x66: {  	_ =	swait.ge @!p0 [sflag:s0], s1  }
0x67: {  	s1 =	ssub.s32 @!p0 $0x0, s1;
	[sflag:s0] =	ssyncset.done @!p0 $0x0  }
0x68: {  	[sflag:s0] =	ssyncadd.s32 @!p0 s1  }
0x69: {  	[bflag:$0x3] =	sbarrier.arrive $0xFFFF  }
0x6a: {  	_ =	shalt  }

// kernel: kernel.22.cloned.1.call-start
scs
__scs_entry_jumppad:
0x0: {  	(pc) =	sbr.rel $0x88, $3  }
0x1: {  	(tag) =	ssettag $0x0;
	lr =	simm.s32 $0x1  }
0x2: {  	[smem:$0x3F8F] =	sst lr;
	_ =	strace $0xD0000000  }
0x3: {  	_ = 	snop  }
0x4: {  	_ = 	snop  }
0x5: {  	_ = 	snop  }
0x6: {  	_ = 	snop  }
0x7: {  	_ = 	snop  }
__scs_overlays_trampoline_lowered:
0x8: {  	[smem:$0x3F9E] =	sst s0  }
0x9: {  	[smem:$0x3F9F] =	sst s1  }
0xa: {  	[smem:$0x3FA0] =	sst s2  }
0xb: {  	[smem:$0x3FA1] =	sst s3  }
0xc: {  	[smem:$0x3FA2] =	sst s4  }
0xd: {  	[smem:$0x3FA3] =	sst s5  }
0xe: {  	[smem:$0x3FA4] =	sst s6  }
0xf: {  	[smem:$0x3FA5] =	sst s7  }
0x10: {  	[smem:$0x3FA6] =	sst s8  }
0x11: {  	[smem:$0x3FA7] =	sst s9;
	s0 =	simm.s32 @!p0 $0x0  }
0x12: {  	s1 =	sld [smem:$0x3F8D];
	s0 =	simm.s32 @p0 $0x1  }
0x13: {  	[smem:$0x3FA8] =	sst s0;
	s0 =	simm.s32 @!p1 $0x0  }
0x14: {  	s2 =	sld [smem:$0x3F8C];
	s0 =	simm.s32 @p1 $0x1  }
0x15: {  	[smem:$0x3FA9] =	sst s0;
	s0 =	simm.s32 @!p2 $0x0  }
0x16: {  	s3 =	sld [smem:$0x3FDB];
	s0 =	simm.s32 @p2 $0x1  }
0x17: {  	s4 =	simm.s32 $0x1BF5;
	[smem:$0x3FAB] =	sst s0  }
0x18: {  	s0 =	sld [smem:$0x3F8E];
	_ =	swait.ge [sflag:s4], $0x0  }
0x19: {  	s7 =	sld [smem:$0x3F8F]  }
0x1a: {  	s8 =	sadd.s32 $0xFFFFE003, lr  }
0x1b: {  	s9 =	sadd.s32 $0xFFFFFEF7, lr;
	s5 =	simm.s32 $0xFFFFFFFF;
	p2 =	slt.u32 s8, $0xFFFFF086  }
0x1c: {  	p1 =	slt.u32 s9, $0xF7A;
	s5 =	simm.s32 @!p2 $0x0  }
0x1d: {  	s5 =	simm.s32 @p1 $0x1;
	p0 =	seq.s32 s7, s2  }
0x1e: {  	s7 =	smul.u32 @!p0 $0xF7A, s2;
	p2 =	seq.s32 @!p0 s5, $0x0  }
0x1f: {  	s9 =	smul.u32 $0xF7A, s1;
	s8 =	simm.s32 @!p0 $0x1BF5;
	p2 =	por !p2, p0  }
0x20: {  	[sflag:s8] =	ssyncset.s32 @!p0 $0xFFFFF086;
	s6 =	sadd.s32 @!p0 s3, s7;
	s7 =	simm.s32 @!p0 $0x108  }
0x21: {  	s3 =	sadd.s32 s3, s9;
	s6 =	sadd.s32 @!p0 $0x88, s6;
	s7 =	simm.s32 @p2 $0x1082  }
0x22: {  	[simem:s7], [sflag:s8] =	dma.local @!p0 [hbm:s6], $0xF7A  }
0x23: {  	s9 =	sor.u32 $0xD0000000, s2;
	s6 =	simm.s32 $0x108;
	_ =	swait.ge @!p0 [sflag:s8], $0x0  }
0x24: {  	s3 =	sadd.s32 $0x88, s3;
	s6 =	simm.s32 @!p1 $0x1082;
	[sflag:s4] =	ssyncset.s32 $0xFFFFF086  }
0x25: {  	[simem:s6], [sflag:s4] =	dma.local [hbm:s3], $0xF7A  }
0x26: {  	[smem:$0x3F8F] =	sst s1;
	(tag) =	ssettag s2;
	_ =	strace s9  }
0x27: {  	s1 =	sld [smem:$0x3F9F]  }
0x28: {  	s2 =	sld [smem:$0x3FA0]  }
0x29: {  	s4 =	sld [smem:$0x3FA2]  }
0x2a: {  	p0 =	seq.s32 s5, $0x0;
	s5 =	sld [smem:$0x3FA3]  }
0x2b: {  	s6 =	sld [smem:$0x3FA4]  }
0x2c: {  	s7 =	sld [smem:$0x3FA5]  }
0x2d: {  	s3 =	simm.s32 $0x108;
	s8 =	sld [smem:$0x3FA6]  }
0x2e: {  	s3 =	simm.s32 @!p0 $0x1082;
	s9 =	sld [smem:$0x3FA7]  }
0x2f: {  	lr =	sadd.s32 s0, s3;
	s0 =	sld [smem:$0x3F9E]  }
0x30: {  	s3 =	sld [smem:$0x3FA1]  }
0x31: {  	[smem:$0x3FAA] =	sst s10  }
0x32: {  	s10 =	sld [smem:$0x3FA8];
	_ =	sdelay $0x3  }
0x33: {  	p0 =	seq.s32 s10, $0x1;
	s10 =	sld [smem:$0x3FAA];
	_ =	sdelay $0x3  }
0x34: {  	[smem:$0x3FAA] =	sst s10  }
0x35: {  	s10 =	sld [smem:$0x3FA9];
	_ =	sdelay $0x3  }
0x36: {  	p1 =	seq.s32 s10, $0x1;
	s10 =	sld [smem:$0x3FAA];
	_ =	sdelay $0x3  }
0x37: {  	[smem:$0x3FAA] =	sst s10  }
0x38: {  	s10 =	sld [smem:$0x3FAB]  }
0x39: {  	_ = 	snop;
	(pc) =	sbr.ind lr, $3  }
0x3a: {  	_ = 	snop  }
0x3b: {  	_ = 	snop  }
0x3c: {  	p2 =	seq.s32 s10, $0x1;
	s10 =	sld [smem:$0x3FAA]  }
0x3d: {  	_ =	shalt  }
0x3e: {  	_ =	shalt  }
0x3f: {  	_ =	shalt  }
0x40: {  	_ =	shalt  }
0x41: {  	_ =	shalt  }
0x42: {  	_ =	shalt  }
0x43: {  	_ =	shalt  }
0x44: {  	_ =	shalt  }
0x45: {  	_ =	shalt  }
0x46: {  	_ =	shalt  }
0x47: {  	_ =	shalt  }
0x48: {  	_ =	shalt  }
0x49: {  	_ =	shalt  }
0x4a: {  	_ =	shalt  }
0x4b: {  	_ =	shalt  }
0x4c: {  	_ =	shalt  }
0x4d: {  	_ =	shalt  }
0x4e: {  	_ =	shalt  }
0x4f: {  	_ =	shalt  }
0x50: {  	_ =	shalt  }
0x51: {  	_ =	shalt  }
0x52: {  	_ =	shalt  }
0x53: {  	_ =	shalt  }
0x54: {  	_ =	shalt  }
0x55: {  	_ =	shalt  }
0x56: {  	_ =	shalt  }
0x57: {  	_ =	shalt  }
0x58: {  	_ =	shalt  }
0x59: {  	_ =	shalt  }
0x5a: {  	_ =	shalt  }
0x5b: {  	_ =	shalt  }
0x5c: {  	_ =	shalt  }
0x5d: {  	_ =	shalt  }
0x5e: {  	_ =	shalt  }
0x5f: {  	_ =	shalt  }
0x60: {  	_ =	shalt  }
0x61: {  	_ =	shalt  }
0x62: {  	_ =	shalt  }
0x63: {  	_ =	shalt  }
0x64: {  	_ =	shalt  }
0x65: {  	_ =	shalt  }
0x66: {  	_ =	shalt  }
0x67: {  	_ =	shalt  }
0x68: {  	_ =	shalt  }
0x69: {  	_ =	shalt  }
0x6a: {  	_ =	shalt  }
0x6b: {  	_ =	shalt  }
0x6c: {  	_ =	shalt  }
0x6d: {  	_ =	shalt  }
0x6e: {  	_ =	shalt  }
0x6f: {  	_ =	shalt  }
0x70: {  	_ =	shalt  }
0x71: {  	_ =	shalt  }
0x72: {  	_ =	shalt  }
0x73: {  	_ =	shalt  }
0x74: {  	_ =	shalt  }
0x75: {  	_ =	shalt  }
0x76: {  	_ =	shalt  }
0x77: {  	_ =	shalt  }
0x78: {  	_ =	shalt  }
0x79: {  	_ =	shalt  }
0x7a: {  	_ =	shalt  }
0x7b: {  	_ =	shalt  }
0x7c: {  	_ =	shalt  }
0x7d: {  	_ =	shalt  }
0x7e: {  	_ =	shalt  }
0x7f: {  	_ =	shalt  }
0x80: {  	_ =	shalt  }
0x81: {  	_ =	shalt  }
0x82: {  	_ =	shalt  }
0x83: {  	_ =	shalt  }
0x84: {  	_ =	shalt  }
0x85: {  	_ =	shalt  }
0x86: {  	_ =	shalt  }
0x87: {  	_ =	shalt  }
.Lfunc_end0:
.L_simem_size_0:
called_computation.3_lowered:
.L_overlay_start_0:
0x88: {  	s2 =	sld [smem:$0x3FD9]  }
0x89: {  	s3 =	sld [smem:$0x3FFE];
	_ =	sdelay $0x1  }
0x8a: {  	s1 =	srdreg.scid  }
0x8b: {  	s0 =	sand.u32 $0x1, s1  }
0x8c: {  	s14 =	sshll.u32 s0, $0xA;
	s2 =	sadd.s32 s3, s2  }
0x8d: {  	s2 =	sadd.s32 s2, s14  }
0x8e: {  	[smem:$0x3FB6] =	sst s2  }
0x8f: {  	_ = 	snop  }
0x90: {  	s2 =	sld [smem:$0x3FD0];
	_ =	sdelay $0x2  }
0x91: {  	s15 =	simm.s32 $0xA;
	s4 =	simm.s32 $0x10  }
0x92: {  	[smem:s4], [sflag:s15] =	dma.local [hbm:s2], $0x1  }
0x93: {  	_ =	swait.eq [sflag:s15], $0x1  }
0x94: {  	[sflag:s15] =	ssyncset.done $0x0  }
0x95: {  	[sflag:s15] =	ssyncadd.s32 $0xFFFFFFFF  }
0x96: {  	s16 =	sld [smem:$0x10];
	(tm) =	ssettm $0x1  }
0x97: {  	s17 =	sld [smem:$0x3FFB];
	_ =	sdelay $0x3  }
0x98: {  	_ =	strace s17  }
0x99: {  	s3 =	sld [smem:$0x3FFC];
	_ =	sdelay $0x3  }
0x9a: {  	_ =	strace s3  }
0x9b: {  	s3 =	sld [smem:$0x3FFD];
	_ =	sdelay $0x3  }
0x9c: {  	_ =	strace s3  }
0x9d: {  	_ =	strace $0x8FFFFFFF  }
0x9e: {  	s18 =	sld [smem:$0x3FDB];
	_ =	sdelay $0x1  }
0x9f: {  	s19 =	simm.s32 $_scs_section_size  }
0xa0: {  	s5 =	simm.s32 $_size__tile_overlayer_lowered;
	s6 =	simm.s32 $_tile_overlayer_lowered  }
0xa1: {  	s22 =	simm.s32 $0x1BFF;
	s21 =	sshll.u32 s6, $0x1;
	s3 =	sadd.s32 s19, s18  }
0xa2: {  	s7 =	simm.s32 $0x0;
	s20 =	sshll.u32 s5, $0x1;
	s5 =	sadd.s32 s21, s3  }
0xa3: {  	[timem:s7], [sflag:s22] =	dma.local [hbm:s5], s20  }
0xa4: {  	_ =	swait.ge [sflag:s22], s20  }
0xa5: {  	s4 =	ssub.s32 $0x0, s20;
	[sflag:s22] =	ssyncset.done $0x0  }
0xa6: {  	[sflag:s22] =	ssyncadd.s32 s4;
	_ =	sdelay $0x1  }
0xa7: {  	s23 =	simm.s32 $0x1B8B  }
0xa8: {  	_ =	swait.ge [sflag:s23], $0x1  }
0xa9: {  	[sflag:s23] =	ssyncset.done $0x0  }
0xaa: {  	s25 =	simm.s32 $0x1B8E;
	s24 =	sld [smem:$0x3FFE];
	[sflag:s23] =	ssyncadd.s32 $0xFFFFFFFF  }
0xab: {  	s26 =	simm.s32 $execute0_lowered;
	[smem:$0x3FD2] =	sst s25  }
0xac: {  	s5 =	sshll.u32 s26, $0x1;
	_ =	strace $0x8000004F;
	[dreg:$0x1] =	wrdreg $0xFFFFFFFF  }
0xad: {  	s28 =	simm.s32 $_size_execute0_lowered;
	s3 =	sadd.s32 s3, s5;
	[dreg:$0x0] =	wrdreg $0x0  }
0xae: {  	s5 =	sshll.u32 s28, $0x1;
	[dreg:$0x2] =	wrdreg s3  }
0xaf: {  	[dreg:$0x3] =	wrdreg s5  }
0xb0: {  	[dreg:$0x4] =	wrdreg $0xC0  }
0xb1: {  	_ =	task [dreg:s7], $0x5FFFF  }
0xb2: {  	[dreg:$0x1] =	wrdreg $0xFFFFFFFF  }
0xb3: {  	[dreg:$0x0] =	wrdreg $0x60  }
0xb4: {  	[dreg:$0x2] =	wrdreg s16  }
0xb5: {  	[dreg:$0x3] =	wrdreg s24  }
0xb6: {  	[dreg:$0x4] =	wrdreg $0x0  }
0xb7: {  	[dreg:$0x5] =	wrdreg $0x9  }
0xb8: {  	_ =	task.clear_ibuf [dreg:s7], $0x6FFFF;
	_ =	strace $0x9000004F  }
0xb9: {  	s29 =	simm.s32 $0x9;
	_ =	strace $0x80000051  }
0xba: {  	_ =	swait.ge [sflag:s29], $0x1  }
0xbb: {  	[sflag:s29] =	ssyncadd.s32 $0xFFFFFFFF  }
0xbc: {  	_ =	strace $0x90000051  }
0xbd: {  	_ =	sfence  }
0xbe: {  	s30 =	sld [smem:$0x0];
	_ =	sdelay $0x2  }
0xbf: {  	s31 =	sshll.u32 s1, $0xD;
	s1 =	sshrl.u32 s1, $0x2  }
0xc0: {  	s3 =	sand.u32 $0x4000, s31;
	s1 =	sadd.s32 s1, s30  }
0xc1: {  	s0 =	sor.u32 s3, s0;
	s1 =	sshll.u32 s1, $0x11  }
0xc2: {  	s0 =	sor.u32 s1, s0  }
0xc3: {  	s0 =	sadd.s32 $0x8F2B, s0  }
0xc4: {  	[sflag:s0] =	ssyncadd.remote.s32 $0x1  }
0xc5: {  	_ =	sfence.sel $0xFFFF  }
0xc6: {  	[dreg:$0x0] =	wrdreg $0xFFFFFFFF;
	(pc) =	sbr.abs _section_cstart, $3  }
0xc7: {  	[dreg:$0x1] =	wrdreg $0xFFFFFFFF  }
0xc8: {  	_ =	task.clear_ibuf [dreg:s7], $0x2FFFF;
	_ =	strace $0x9FFFFFFF  }
0xc9: {  	(tm) =	ssettm $0x7FFFFFFF  }
tec
execute0_lowered:
.L_overlay_start_1:
0x0: {  	(tag) =	ssettag $0x1  }
0x1: {  	s0 =	rddreg [dreg:$0x0]  }
0x2: {  	s5 =	rddreg [dreg:$0x1]  }
0x3: {  	s1 =	srdreg.scid;
	s3 =	rddreg [dreg:$0x2]  }
0x4: {  	s2 =	stileid.u32;
	s4 =	simm.s32 $0x0;
	s14 =	simm.s32 $0x19600  }
0x5: {  	s15 =	simm.s32 $0x19300;
	s16 =	simm.s32 $0x1C600;
	s17 =	simm.s32 $0x1  }
0x6: {  	s18 =	simm.s32 $0x19180;
	s19 =	simm.s32 $0x19480;
	s8 =	smul.u32 $0x19000, s2  }
0x7: {  	s20 =	simm.s32 $0x2;
	s6 =	sand.u32 $0x1, s1;
	s11 =	smul.u32 $0x1980, s2  }
0x8: {  	s21 =	simm.s32 $0x0;
	s1 =	rddreg [dreg:$0x3];
	s7 =	smul.u32 $0x19800, s6  }
0x9: {  	[smem:$0x7FF] =	sst s4;
	s30 =	sshll.u32 s2, $0x6;
	s9 =	smul.u32 $0x190000, s6  }
0xa: {  	_ =	strace $0x80000050;
	s6 =	ssub.s32 $0x2, s6;
	s10 =	sshrl.u32 s8, $0x3  }
0xb: {  	s29 =	sshrl.u32 s6, $0x1;
	s13 =	sadd.s32 s8, s3;
	s7 =	sadd.s32 s7, s5  }
0xc: {  	s9 =	sadd.s32 s8, s9;
	s10 =	sadd.s32 s10, s5;
	s12 =	ssub.s32 s6, s29  }
0xd: {  	s6 =	sor.u32 $0x1C03, s30;
	s9 =	sshrl.u32 s9, $0x3;
	s31 =	sadd.s32 s11, s7  }
0xe: {  	s8 =	smax.u32 s12, $0x1;
	s11 =	simm.s32 $0x3;
	s12 =	simm.s32 $0x19000  }
0xf: {  	s9 =	sadd.s32 s9, s5;
	s5 =	sadd.s32 $0x3CE00, s10;
	s10 =	sshrl.u32 s13, $0x3  }
0x10: {  	s13 =	simm.s32 $0x180;
	s7 =	sadd.s32 $0x6EE00, s9;
	s9 =	sadd.s32 $0x9E00, s31  }
.LBB2_1:
0x11: {  	[spmem:s10], [sflag:s6] =	dma.local [hbm:s5], $0x3200  }
0x12: {  	_ =	swait.ge [sflag:s11], $0x3200  }
0x13: {  	[sflag:s11] =	ssyncset.done $0x0  }
0x14: {  	[sflag:s11] =	ssyncadd.s32 $0xFFFFCE00  }
0x15: {  	s22 =	sadd.s32 $0x0, s9;
	[bflag:$0x0] =	sbarrier.arrive $0xFFFF  }
0x16: {  	[tilespmem:s12], [sflag:$0x3] =	stream.linear.gather [hbm4b:s22+s4], $0x600, $0x38;
	[tilespmem:$0x1F600] =	vst v63  }
0x17: {  	_ =	swait.ge [sflag:s11], $0x600  }
0x18: {  	[sflag:s11] =	ssyncset.done $0x0  }
0x19: {  	[sflag:s11] =	ssyncadd.s32 $0xFFFFFA00  }
0x1a: {  	[tilespmem:s14], [sflag:$0x1] =	stream.indirect.gather [hbm4b:s0+s13], $0x20, s12, s13, $0xb8;
	[tilespmem:$0x1F600] =	vst v63  }
0x1b: {  	_ = 	snop  }
0x1c: {  	[tilespmem:s16], [sflag:$0x1] =	stream.indirect.gather [hbm4b:s0+s13], $0x20, s15, s13, $0xb8;
	[tilespmem:$0x1F600] =	vst v63  }
0x1d: {  	_ =	swait.ge [sflag:s17], $0x3000  }
0x1e: {  	[sflag:s17] =	ssyncset.done $0x0  }
0x1f: {  	[sflag:s17] =	ssyncadd.s32 $0xFFFFD000  }
0x20: {  	[spmem:s3] =	stream.indirect.scatter.add.f32 [tilespmem:s14], [sflag:$0x2], $0x20, s18, s13, $0xb8;
	[tilespmem:$0x1F600] =	vst v63  }
0x21: {  	_ =	swait.ge [sflag:s17], $0x3000  }
0x22: {  	[sflag:s17] =	ssyncset.done $0x0  }
0x23: {  	[sflag:s17] =	ssyncadd.s32 $0xFFFFD000  }
0x24: {  	[spmem:s3] =	stream.indirect.scatter.add.f32 [tilespmem:s16], [sflag:$0x2], $0x20, s19, s13, $0xb8;
	[tilespmem:$0x1F600] =	vst v63  }
0x25: {  	_ =	swait.ge [sflag:s20], $0x3000  }
0x26: {  	[sflag:s20] =	ssyncset.done $0x0  }
0x27: {  	[sflag:s20] =	ssyncadd.s32 $0xFFFFD000  }
0x28: {  	_ =	swait.ge [sflag:s20], $0x3000  }
0x29: {  	s23 =	simm.s32 $0x180;
	s22 =	simm.s32 $0xC0;
	[sflag:s20] =	ssyncset.done $0x0  }
.LBB2_2:
0x2a: {  	s24 =	sadd.s32 s22, s9  }
0x2b: {  	[sflag:s20] =	ssyncadd.s32 $0xFFFFD000;
	s22 =	smov.u32 s23;
	s25 =	sadd.s32 $0xC0, s23  }
0x2c: {  	[tilespmem:s12], [sflag:$0x3] =	stream.linear.gather [hbm4b:s24+s4], $0x600, $0x38;
	[tilespmem:$0x1F600] =	vst v63  }
0x2d: {  	p0 =	sne.s32 s23, $0x18C0;
	_ =	swait.ge [sflag:s11], $0x600  }
0x2e: {  	[sflag:s11] =	ssyncset.done $0x0  }
0x2f: {  	[sflag:s11] =	ssyncadd.s32 $0xFFFFFA00  }
0x30: {  	[tilespmem:s14], [sflag:$0x1] =	stream.indirect.gather [hbm4b:s0+s13], $0x20, s12, s13, $0xb8;
	[tilespmem:$0x1F600] =	vst v63  }
0x31: {  	_ = 	snop  }
0x32: {  	[tilespmem:s16], [sflag:$0x1] =	stream.indirect.gather [hbm4b:s0+s13], $0x20, s15, s13, $0xb8;
	[tilespmem:$0x1F600] =	vst v63  }
0x33: {  	_ =	swait.ge [sflag:s17], $0x3000  }
0x34: {  	[sflag:s17] =	ssyncset.done $0x0  }
0x35: {  	[sflag:s17] =	ssyncadd.s32 $0xFFFFD000  }
0x36: {  	[spmem:s3] =	stream.indirect.scatter.add.f32 [tilespmem:s14], [sflag:$0x2], $0x20, s18, s13, $0xb8;
	[tilespmem:$0x1F600] =	vst v63  }
0x37: {  	_ =	swait.ge [sflag:s17], $0x3000  }
0x38: {  	[sflag:s17] =	ssyncset.done $0x0  }
0x39: {  	[sflag:s17] =	ssyncadd.s32 $0xFFFFD000  }
0x3a: {  	[spmem:s3] =	stream.indirect.scatter.add.f32 [tilespmem:s16], [sflag:$0x2], $0x20, s19, s13, $0xb8;
	[tilespmem:$0x1F600] =	vst v63  }
.Ltmp0:
0x3b: {  	_ =	swait.ge [sflag:s20], $0x3000;
	(pc) =	sbr.rel @p0 .LBB2_2-.Ltmp0, $4  }
0x3c: {  	[sflag:s20] =	ssyncset.done $0x0  }
0x3d: {  	[sflag:s20] =	ssyncadd.s32 $0xFFFFD000  }
0x3e: {  	_ =	swait.ge [sflag:s20], $0x3000  }
0x3f: {  	s23 =	smov.u32 s25;
	[sflag:s20] =	ssyncset.done $0x0  }
0x40: {  	s22 =	sadd.s32 s22, s9;
	[sflag:s20] =	ssyncadd.s32 $0xFFFFD000  }
0x41: {  	[tilespmem:s12], [sflag:$0x3] =	stream.linear.gather [hbm4b:s22+s4], $0x600, $0x38;
	[tilespmem:$0x1F600] =	vst v63  }
0x42: {  	_ =	swait.ge [sflag:s11], $0x600  }
0x43: {  	[sflag:s11] =	ssyncset.done $0x0  }
0x44: {  	[sflag:s11] =	ssyncadd.s32 $0xFFFFFA00  }
0x45: {  	[tilespmem:s14], [sflag:$0x1] =	stream.indirect.gather [hbm4b:s0+s13], $0x20, s12, s13, $0xb8;
	[tilespmem:$0x1F600] =	vst v63  }
0x46: {  	_ = 	snop  }
0x47: {  	[tilespmem:s16], [sflag:$0x1] =	stream.indirect.gather [hbm4b:s0+s13], $0x20, s15, s13, $0xb8;
	[tilespmem:$0x1F600] =	vst v63  }
0x48: {  	_ =	swait.ge [sflag:s17], $0x3000  }
0x49: {  	[sflag:s17] =	ssyncset.done $0x0  }
0x4a: {  	[sflag:s17] =	ssyncadd.s32 $0xFFFFD000  }
0x4b: {  	[spmem:s3] =	stream.indirect.scatter.add.f32 [tilespmem:s14], [sflag:$0x2], $0x20, s18, s13, $0xb8;
	[tilespmem:$0x1F600] =	vst v63  }
0x4c: {  	_ =	swait.ge [sflag:s17], $0x3000  }
0x4d: {  	[sflag:s17] =	ssyncset.done $0x0  }
0x4e: {  	[sflag:s17] =	ssyncadd.s32 $0xFFFFD000  }
0x4f: {  	[spmem:s3] =	stream.indirect.scatter.add.f32 [tilespmem:s16], [sflag:$0x2], $0x20, s19, s13, $0xb8;
	[tilespmem:$0x1F600] =	vst v63  }
0x50: {  	_ =	swait.ge [sflag:s20], $0x3000  }
0x51: {  	[sflag:s20] =	ssyncset.done $0x0  }
0x52: {  	[sflag:s20] =	ssyncadd.s32 $0xFFFFD000  }
0x53: {  	_ =	swait.ge [sflag:s20], $0x3000  }
0x54: {  	s21 =	sadd.s32 $0x1, s21;
	[sflag:s20] =	ssyncset.done $0x0  }
0x55: {  	p0 =	sne.s32 s21, s8;
	[sflag:s20] =	ssyncadd.s32 $0xFFFFD000  }
.Ltmp1:
0x56: {  	[bflag:$0x0] =	sbarrier.arrive $0xFFFF;
	(pc) =	sbr.rel @p0 .LBB2_1-.Ltmp1, $4  }
0x57: {  	[hbm:s7], [sflag:s6] =	dma.local [spmem:s10], $0x3200  }
0x58: {  	_ =	swait.ge [sflag:s11], $0x3200  }
0x59: {  	[sflag:s11] =	ssyncset.done $0x0  }
0x5a: {  	[sflag:s11] =	ssyncadd.s32 $0xFFFFCE00  }
0x5b: {  	_ =	sfence.sel $0x180000  }
0x5c: {  	[bflag:$0x0] =	sbarrier.arrive $0xFFFF  }
0x5d: {  	p0 =	sne.s32 s2, $0x0;
	_ =	strace $0x90000050  }
0x5e: {  	s0 =	sadd.s32 @!p0 $0x100000, s1;
	[bflag:$0x2] =	sbarrier.arrive $0xFFFF  }
0x5f: {  	[sflag:s0] =	ssyncadd.tile.s32 @!p0 $0x1;
	_ =	shalt  }
.Lfunc_end2:
_tile_overlayer_lowered:
.L_overlay_start_2:
0x60: {  	(tag) =	ssettag $0x2  }
0x61: {  	s0 =	rddreg [dreg:$0x0];
	s2 =	stileid.u32  }
0x62: {  	s1 =	rddreg [dreg:$0x1];
	p0 =	sne.s32 s2, $0x0  }
0x63: {  	s3 =	rddreg [dreg:$0x2];
	[bflag:$0x3] =	sbarrier.arrive $0xFFFF;
	s2 =	simm.s32 @!p0 $0x1C03  }
0x64: {  	[timem:s3], [sflag:s2] =	dma.local @!p0 [hbm:s0], s1  }
0x65: {  	s0 =	simm.s32 @!p0 $0x3  }
0x66: {  	_ =	swait.ge @!p0 [sflag:s0], s1  }
0x67: {  	s1 =	ssub.s32 @!p0 $0x0, s1;
	[sflag:s0] =	ssyncset.done @!p0 $0x0  }
0x68: {  	[sflag:s0] =	ssyncadd.s32 @!p0 s1  }
0x69: {  	[bflag:$0x3] =	sbarrier.arrive $0xFFFF  }
0x6a: {  	_ =	shalt  }

// kernel: kernel.25.cloned.1.call-start
scs
__scs_entry_jumppad:
0x0: {  	(pc) =	sbr.rel $0x88, $3  }
0x1: {  	(tag) =	ssettag $0x0;
	lr =	simm.s32 $0x1  }
0x2: {  	[smem:$0x3F8F] =	sst lr;
	_ =	strace $0xD0000000  }
0x3: {  	_ = 	snop  }
0x4: {  	_ = 	snop  }
0x5: {  	_ = 	snop  }
0x6: {  	_ = 	snop  }
0x7: {  	_ = 	snop  }
__scs_overlays_trampoline_lowered:
0x8: {  	[smem:$0x3F9E] =	sst s0  }
0x9: {  	[smem:$0x3F9F] =	sst s1  }
0xa: {  	[smem:$0x3FA0] =	sst s2  }
0xb: {  	[smem:$0x3FA1] =	sst s3  }
0xc: {  	[smem:$0x3FA2] =	sst s4  }
0xd: {  	[smem:$0x3FA3] =	sst s5  }
0xe: {  	[smem:$0x3FA4] =	sst s6  }
0xf: {  	[smem:$0x3FA5] =	sst s7  }
0x10: {  	[smem:$0x3FA6] =	sst s8  }
0x11: {  	[smem:$0x3FA7] =	sst s9;
	s0 =	simm.s32 @!p0 $0x0  }
0x12: {  	s1 =	sld [smem:$0x3F8D];
	s0 =	simm.s32 @p0 $0x1  }
0x13: {  	[smem:$0x3FA8] =	sst s0;
	s0 =	simm.s32 @!p1 $0x0  }
0x14: {  	s2 =	sld [smem:$0x3F8C];
	s0 =	simm.s32 @p1 $0x1  }
0x15: {  	[smem:$0x3FA9] =	sst s0;
	s0 =	simm.s32 @!p2 $0x0  }
0x16: {  	s3 =	sld [smem:$0x3FDB];
	s0 =	simm.s32 @p2 $0x1  }
0x17: {  	s4 =	simm.s32 $0x1BF5;
	[smem:$0x3FAB] =	sst s0  }
0x18: {  	s0 =	sld [smem:$0x3F8E];
	_ =	swait.ge [sflag:s4], $0x0  }
0x19: {  	s7 =	sld [smem:$0x3F8F]  }
0x1a: {  	s8 =	sadd.s32 $0xFFFFE003, lr  }
0x1b: {  	s9 =	sadd.s32 $0xFFFFFEF7, lr;
	s5 =	simm.s32 $0xFFFFFFFF;
	p2 =	slt.u32 s8, $0xFFFFF086  }
0x1c: {  	p1 =	slt.u32 s9, $0xF7A;
	s5 =	simm.s32 @!p2 $0x0  }
0x1d: {  	s5 =	simm.s32 @p1 $0x1;
	p0 =	seq.s32 s7, s2  }
0x1e: {  	s7 =	smul.u32 @!p0 $0xF7A, s2;
	p2 =	seq.s32 @!p0 s5, $0x0  }
0x1f: {  	s9 =	smul.u32 $0xF7A, s1;
	s8 =	simm.s32 @!p0 $0x1BF5;
	p2 =	por !p2, p0  }
0x20: {  	[sflag:s8] =	ssyncset.s32 @!p0 $0xFFFFF086;
	s6 =	sadd.s32 @!p0 s3, s7;
	s7 =	simm.s32 @!p0 $0x108  }
0x21: {  	s3 =	sadd.s32 s3, s9;
	s6 =	sadd.s32 @!p0 $0x88, s6;
	s7 =	simm.s32 @p2 $0x1082  }
0x22: {  	[simem:s7], [sflag:s8] =	dma.local @!p0 [hbm:s6], $0xF7A  }
0x23: {  	s9 =	sor.u32 $0xD0000000, s2;
	s6 =	simm.s32 $0x108;
	_ =	swait.ge @!p0 [sflag:s8], $0x0  }
0x24: {  	s3 =	sadd.s32 $0x88, s3;
	s6 =	simm.s32 @!p1 $0x1082;
	[sflag:s4] =	ssyncset.s32 $0xFFFFF086  }
0x25: {  	[simem:s6], [sflag:s4] =	dma.local [hbm:s3], $0xF7A  }
0x26: {  	[smem:$0x3F8F] =	sst s1;
	(tag) =	ssettag s2;
	_ =	strace s9  }
0x27: {  	s1 =	sld [smem:$0x3F9F]  }
0x28: {  	s2 =	sld [smem:$0x3FA0]  }
0x29: {  	s4 =	sld [smem:$0x3FA2]  }
0x2a: {  	p0 =	seq.s32 s5, $0x0;
	s5 =	sld [smem:$0x3FA3]  }
0x2b: {  	s6 =	sld [smem:$0x3FA4]  }
0x2c: {  	s7 =	sld [smem:$0x3FA5]  }
0x2d: {  	s3 =	simm.s32 $0x108;
	s8 =	sld [smem:$0x3FA6]  }
0x2e: {  	s3 =	simm.s32 @!p0 $0x1082;
	s9 =	sld [smem:$0x3FA7]  }
0x2f: {  	lr =	sadd.s32 s0, s3;
	s0 =	sld [smem:$0x3F9E]  }
0x30: {  	s3 =	sld [smem:$0x3FA1]  }
0x31: {  	[smem:$0x3FAA] =	sst s10  }
0x32: {  	s10 =	sld [smem:$0x3FA8];
	_ =	sdelay $0x3  }
0x33: {  	p0 =	seq.s32 s10, $0x1;
	s10 =	sld [smem:$0x3FAA];
	_ =	sdelay $0x3  }
0x34: {  	[smem:$0x3FAA] =	sst s10  }
0x35: {  	s10 =	sld [smem:$0x3FA9];
	_ =	sdelay $0x3  }
0x36: {  	p1 =	seq.s32 s10, $0x1;
	s10 =	sld [smem:$0x3FAA];
	_ =	sdelay $0x3  }
0x37: {  	[smem:$0x3FAA] =	sst s10  }
0x38: {  	s10 =	sld [smem:$0x3FAB]  }
0x39: {  	_ = 	snop;
	(pc) =	sbr.ind lr, $3  }
0x3a: {  	_ = 	snop  }
0x3b: {  	_ = 	snop  }
0x3c: {  	p2 =	seq.s32 s10, $0x1;
	s10 =	sld [smem:$0x3FAA]  }
0x3d: {  	_ =	shalt  }
0x3e: {  	_ =	shalt  }
0x3f: {  	_ =	shalt  }
0x40: {  	_ =	shalt  }
0x41: {  	_ =	shalt  }
0x42: {  	_ =	shalt  }
0x43: {  	_ =	shalt  }
0x44: {  	_ =	shalt  }
0x45: {  	_ =	shalt  }
0x46: {  	_ =	shalt  }
0x47: {  	_ =	shalt  }
0x48: {  	_ =	shalt  }
0x49: {  	_ =	shalt  }
0x4a: {  	_ =	shalt  }
0x4b: {  	_ =	shalt  }
0x4c: {  	_ =	shalt  }
0x4d: {  	_ =	shalt  }
0x4e: {  	_ =	shalt  }
0x4f: {  	_ =	shalt  }
0x50: {  	_ =	shalt  }
0x51: {  	_ =	shalt  }
0x52: {  	_ =	shalt  }
0x53: {  	_ =	shalt  }
0x54: {  	_ =	shalt  }
0x55: {  	_ =	shalt  }
0x56: {  	_ =	shalt  }
0x57: {  	_ =	shalt  }
0x58: {  	_ =	shalt  }
0x59: {  	_ =	shalt  }
0x5a: {  	_ =	shalt  }
0x5b: {  	_ =	shalt  }
0x5c: {  	_ =	shalt  }
0x5d: {  	_ =	shalt  }
0x5e: {  	_ =	shalt  }
0x5f: {  	_ =	shalt  }
0x60: {  	_ =	shalt  }
0x61: {  	_ =	shalt  }
0x62: {  	_ =	shalt  }
0x63: {  	_ =	shalt  }
0x64: {  	_ =	shalt  }
0x65: {  	_ =	shalt  }
0x66: {  	_ =	shalt  }
0x67: {  	_ =	shalt  }
0x68: {  	_ =	shalt  }
0x69: {  	_ =	shalt  }
0x6a: {  	_ =	shalt  }
0x6b: {  	_ =	shalt  }
0x6c: {  	_ =	shalt  }
0x6d: {  	_ =	shalt  }
0x6e: {  	_ =	shalt  }
0x6f: {  	_ =	shalt  }
0x70: {  	_ =	shalt  }
0x71: {  	_ =	shalt  }
0x72: {  	_ =	shalt  }
0x73: {  	_ =	shalt  }
0x74: {  	_ =	shalt  }
0x75: {  	_ =	shalt  }
0x76: {  	_ =	shalt  }
0x77: {  	_ =	shalt  }
0x78: {  	_ =	shalt  }
0x79: {  	_ =	shalt  }
0x7a: {  	_ =	shalt  }
0x7b: {  	_ =	shalt  }
0x7c: {  	_ =	shalt  }
0x7d: {  	_ =	shalt  }
0x7e: {  	_ =	shalt  }
0x7f: {  	_ =	shalt  }
0x80: {  	_ =	shalt  }
0x81: {  	_ =	shalt  }
0x82: {  	_ =	shalt  }
0x83: {  	_ =	shalt  }
0x84: {  	_ =	shalt  }
0x85: {  	_ =	shalt  }
0x86: {  	_ =	shalt  }
0x87: {  	_ =	shalt  }
.Lfunc_end0:
.L_simem_size_0:
called_computation.4_lowered:
.L_overlay_start_0:
0x88: {  	s2 =	sld [smem:$0x3FD9]  }
0x89: {  	s3 =	sld [smem:$0x3FFE];
	_ =	sdelay $0x1  }
0x8a: {  	s1 =	srdreg.scid  }
0x8b: {  	s0 =	sand.u32 $0x1, s1  }
0x8c: {  	s14 =	sshll.u32 s0, $0xA;
	s2 =	sadd.s32 s3, s2  }
0x8d: {  	s2 =	sadd.s32 s2, s14  }
0x8e: {  	[smem:$0x3FB6] =	sst s2  }
0x8f: {  	_ = 	snop  }
0x90: {  	s2 =	sld [smem:$0x3FD0];
	_ =	sdelay $0x2  }
0x91: {  	s15 =	simm.s32 $0xA;
	s4 =	simm.s32 $0x10  }
0x92: {  	[smem:s4], [sflag:s15] =	dma.local [hbm:s2], $0x1  }
0x93: {  	_ =	swait.eq [sflag:s15], $0x1  }
0x94: {  	[sflag:s15] =	ssyncset.done $0x0  }
0x95: {  	[sflag:s15] =	ssyncadd.s32 $0xFFFFFFFF  }
0x96: {  	s16 =	sld [smem:$0x10];
	(tm) =	ssettm $0x1  }
0x97: {  	s17 =	sld [smem:$0x3FFB];
	_ =	sdelay $0x3  }
0x98: {  	_ =	strace s17  }
0x99: {  	s3 =	sld [smem:$0x3FFC];
	_ =	sdelay $0x3  }
0x9a: {  	_ =	strace s3  }
0x9b: {  	s3 =	sld [smem:$0x3FFD];
	_ =	sdelay $0x3  }
0x9c: {  	_ =	strace s3  }
0x9d: {  	_ =	strace $0x8FFFFFFF  }
0x9e: {  	s18 =	sld [smem:$0x3FDB];
	_ =	sdelay $0x1  }
0x9f: {  	s19 =	simm.s32 $_scs_section_size  }
0xa0: {  	s5 =	simm.s32 $_size__tile_overlayer_lowered;
	s6 =	simm.s32 $_tile_overlayer_lowered  }
0xa1: {  	s22 =	simm.s32 $0x1BFF;
	s21 =	sshll.u32 s6, $0x1;
	s3 =	sadd.s32 s19, s18  }
0xa2: {  	s7 =	simm.s32 $0x0;
	s20 =	sshll.u32 s5, $0x1;
	s5 =	sadd.s32 s21, s3  }
0xa3: {  	[timem:s7], [sflag:s22] =	dma.local [hbm:s5], s20  }
0xa4: {  	_ =	swait.ge [sflag:s22], s20  }
0xa5: {  	s4 =	ssub.s32 $0x0, s20;
	[sflag:s22] =	ssyncset.done $0x0  }
0xa6: {  	[sflag:s22] =	ssyncadd.s32 s4;
	_ =	sdelay $0x1  }
0xa7: {  	s23 =	simm.s32 $0x1B8B  }
0xa8: {  	_ =	swait.ge [sflag:s23], $0x1  }
0xa9: {  	[sflag:s23] =	ssyncset.done $0x0  }
0xaa: {  	s25 =	simm.s32 $0x1B8E;
	s24 =	sld [smem:$0x3FFE];
	[sflag:s23] =	ssyncadd.s32 $0xFFFFFFFF  }
0xab: {  	s26 =	simm.s32 $execute0_lowered;
	[smem:$0x3FD2] =	sst s25  }
0xac: {  	s5 =	sshll.u32 s26, $0x1;
	_ =	strace $0x80000052;
	[dreg:$0x1] =	wrdreg $0xFFFFFFFF  }
0xad: {  	s28 =	simm.s32 $_size_execute0_lowered;
	s3 =	sadd.s32 s3, s5;
	[dreg:$0x0] =	wrdreg $0x0  }
0xae: {  	s5 =	sshll.u32 s28, $0x1;
	[dreg:$0x2] =	wrdreg s3  }
0xaf: {  	[dreg:$0x3] =	wrdreg s5  }
0xb0: {  	[dreg:$0x4] =	wrdreg $0xC0  }
0xb1: {  	_ =	task [dreg:s7], $0x5FFFF  }
0xb2: {  	[dreg:$0x1] =	wrdreg $0xFFFFFFFF  }
0xb3: {  	[dreg:$0x0] =	wrdreg $0x60  }
0xb4: {  	[dreg:$0x2] =	wrdreg s16  }
0xb5: {  	[dreg:$0x3] =	wrdreg s24  }
0xb6: {  	[dreg:$0x4] =	wrdreg $0x0  }
0xb7: {  	[dreg:$0x5] =	wrdreg $0x9  }
0xb8: {  	_ =	task.clear_ibuf [dreg:s7], $0x6FFFF;
	_ =	strace $0x90000052  }
0xb9: {  	s29 =	simm.s32 $0x9;
	_ =	strace $0x80000054  }
0xba: {  	_ =	swait.ge [sflag:s29], $0x1  }
0xbb: {  	[sflag:s29] =	ssyncadd.s32 $0xFFFFFFFF  }
0xbc: {  	_ =	strace $0x90000054  }
0xbd: {  	_ =	sfence  }
0xbe: {  	s30 =	sld [smem:$0x0];
	_ =	sdelay $0x2  }
0xbf: {  	s31 =	sshll.u32 s1, $0xD;
	s1 =	sshrl.u32 s1, $0x2  }
0xc0: {  	s3 =	sand.u32 $0x4000, s31;
	s1 =	sadd.s32 s1, s30  }
0xc1: {  	s0 =	sor.u32 s3, s0;
	s1 =	sshll.u32 s1, $0x11  }
0xc2: {  	s0 =	sor.u32 s1, s0  }
0xc3: {  	s0 =	sadd.s32 $0x8F2B, s0  }
0xc4: {  	[sflag:s0] =	ssyncadd.remote.s32 $0x1  }
0xc5: {  	_ =	sfence.sel $0xFFFF  }
0xc6: {  	[dreg:$0x0] =	wrdreg $0xFFFFFFFF;
	(pc) =	sbr.abs _section_cstart, $3  }
0xc7: {  	[dreg:$0x1] =	wrdreg $0xFFFFFFFF  }
0xc8: {  	_ =	task.clear_ibuf [dreg:s7], $0x2FFFF;
	_ =	strace $0x9FFFFFFF  }
0xc9: {  	(tm) =	ssettm $0x7FFFFFFF  }
tec
execute0_lowered:
.L_overlay_start_1:
0x0: {  	(tag) =	ssettag $0x1  }
0x1: {  	s0 =	rddreg [dreg:$0x0]  }
0x2: {  	s5 =	rddreg [dreg:$0x1]  }
0x3: {  	s1 =	srdreg.scid;
	s3 =	rddreg [dreg:$0x2]  }
0x4: {  	s2 =	stileid.u32;
	s4 =	simm.s32 $0x0;
	s14 =	simm.s32 $0x19600  }
0x5: {  	s15 =	simm.s32 $0x19300;
	s16 =	simm.s32 $0x1C600;
	s17 =	simm.s32 $0x1  }
0x6: {  	s18 =	simm.s32 $0x19180;
	s19 =	simm.s32 $0x19480;
	s8 =	smul.u32 $0x19000, s2  }
0x7: {  	s20 =	simm.s32 $0x2;
	s6 =	sand.u32 $0x1, s1;
	s11 =	smul.u32 $0x1980, s2  }
0x8: {  	s21 =	simm.s32 $0x0;
	s1 =	rddreg [dreg:$0x3];
	s7 =	smul.u32 $0x19800, s6  }
0x9: {  	[smem:$0x7FF] =	sst s4;
	s30 =	sshll.u32 s2, $0x6;
	s9 =	smul.u32 $0x190000, s6  }
0xa: {  	_ =	strace $0x80000053;
	s6 =	ssub.s32 $0x2, s6;
	s10 =	sshrl.u32 s8, $0x3  }
0xb: {  	s29 =	sshrl.u32 s6, $0x1;
	s13 =	sadd.s32 s8, s3;
	s7 =	sadd.s32 s7, s5  }
0xc: {  	s9 =	sadd.s32 s8, s9;
	s10 =	sadd.s32 s10, s5;
	s12 =	ssub.s32 s6, s29  }
0xd: {  	s6 =	sor.u32 $0x1C03, s30;
	s9 =	sshrl.u32 s9, $0x3;
	s31 =	sadd.s32 s11, s7  }
0xe: {  	s8 =	smax.u32 s12, $0x1;
	s11 =	simm.s32 $0x3;
	s12 =	simm.s32 $0x19000  }
0xf: {  	s9 =	sadd.s32 s9, s5;
	s5 =	sadd.s32 $0x3CE00, s10;
	s10 =	sshrl.u32 s13, $0x3  }
0x10: {  	s13 =	simm.s32 $0x180;
	s7 =	sadd.s32 $0x6EE00, s9;
	s9 =	sadd.s32 $0x9E00, s31  }
.LBB2_1:
0x11: {  	[spmem:s10], [sflag:s6] =	dma.local [hbm:s5], $0x3200  }
0x12: {  	_ =	swait.ge [sflag:s11], $0x3200  }
0x13: {  	[sflag:s11] =	ssyncset.done $0x0  }
0x14: {  	[sflag:s11] =	ssyncadd.s32 $0xFFFFCE00  }
0x15: {  	s22 =	sadd.s32 $0x0, s9;
	[bflag:$0x0] =	sbarrier.arrive $0xFFFF  }
0x16: {  	[tilespmem:s12], [sflag:$0x3] =	stream.linear.gather [hbm4b:s22+s4], $0x600, $0x38;
	[tilespmem:$0x1F600] =	vst v63  }
0x17: {  	_ =	swait.ge [sflag:s11], $0x600  }
0x18: {  	[sflag:s11] =	ssyncset.done $0x0  }
0x19: {  	[sflag:s11] =	ssyncadd.s32 $0xFFFFFA00  }
0x1a: {  	[tilespmem:s14], [sflag:$0x1] =	stream.indirect.gather [hbm4b:s0+s13], $0x20, s12, s13, $0xb8;
	[tilespmem:$0x1F600] =	vst v63  }
0x1b: {  	_ = 	snop  }
0x1c: {  	[tilespmem:s16], [sflag:$0x1] =	stream.indirect.gather [hbm4b:s0+s13], $0x20, s15, s13, $0xb8;
	[tilespmem:$0x1F600] =	vst v63  }
0x1d: {  	_ =	swait.ge [sflag:s17], $0x3000  }
0x1e: {  	[sflag:s17] =	ssyncset.done $0x0  }
0x1f: {  	[sflag:s17] =	ssyncadd.s32 $0xFFFFD000  }
0x20: {  	[spmem:s3] =	stream.indirect.scatter.add.f32 [tilespmem:s14], [sflag:$0x2], $0x20, s18, s13, $0xb8;
	[tilespmem:$0x1F600] =	vst v63  }
0x21: {  	_ =	swait.ge [sflag:s17], $0x3000  }
0x22: {  	[sflag:s17] =	ssyncset.done $0x0  }
0x23: {  	[sflag:s17] =	ssyncadd.s32 $0xFFFFD000  }
0x24: {  	[spmem:s3] =	stream.indirect.scatter.add.f32 [tilespmem:s16], [sflag:$0x2], $0x20, s19, s13, $0xb8;
	[tilespmem:$0x1F600] =	vst v63  }
0x25: {  	_ =	swait.ge [sflag:s20], $0x3000  }
0x26: {  	[sflag:s20] =	ssyncset.done $0x0  }
0x27: {  	[sflag:s20] =	ssyncadd.s32 $0xFFFFD000  }
0x28: {  	_ =	swait.ge [sflag:s20], $0x3000  }
0x29: {  	s23 =	simm.s32 $0x180;
	s22 =	simm.s32 $0xC0;
	[sflag:s20] =	ssyncset.done $0x0  }
.LBB2_2:
0x2a: {  	s24 =	sadd.s32 s22, s9  }
0x2b: {  	[sflag:s20] =	ssyncadd.s32 $0xFFFFD000;
	s22 =	smov.u32 s23;
	s25 =	sadd.s32 $0xC0, s23  }
0x2c: {  	[tilespmem:s12], [sflag:$0x3] =	stream.linear.gather [hbm4b:s24+s4], $0x600, $0x38;
	[tilespmem:$0x1F600] =	vst v63  }
0x2d: {  	p0 =	sne.s32 s23, $0x18C0;
	_ =	swait.ge [sflag:s11], $0x600  }
0x2e: {  	[sflag:s11] =	ssyncset.done $0x0  }
0x2f: {  	[sflag:s11] =	ssyncadd.s32 $0xFFFFFA00  }
0x30: {  	[tilespmem:s14], [sflag:$0x1] =	stream.indirect.gather [hbm4b:s0+s13], $0x20, s12, s13, $0xb8;
	[tilespmem:$0x1F600] =	vst v63  }
0x31: {  	_ = 	snop  }
0x32: {  	[tilespmem:s16], [sflag:$0x1] =	stream.indirect.gather [hbm4b:s0+s13], $0x20, s15, s13, $0xb8;
	[tilespmem:$0x1F600] =	vst v63  }
0x33: {  	_ =	swait.ge [sflag:s17], $0x3000  }
0x34: {  	[sflag:s17] =	ssyncset.done $0x0  }
0x35: {  	[sflag:s17] =	ssyncadd.s32 $0xFFFFD000  }
0x36: {  	[spmem:s3] =	stream.indirect.scatter.add.f32 [tilespmem:s14], [sflag:$0x2], $0x20, s18, s13, $0xb8;
	[tilespmem:$0x1F600] =	vst v63  }
0x37: {  	_ =	swait.ge [sflag:s17], $0x3000  }
0x38: {  	[sflag:s17] =	ssyncset.done $0x0  }
0x39: {  	[sflag:s17] =	ssyncadd.s32 $0xFFFFD000  }
0x3a: {  	[spmem:s3] =	stream.indirect.scatter.add.f32 [tilespmem:s16], [sflag:$0x2], $0x20, s19, s13, $0xb8;
	[tilespmem:$0x1F600] =	vst v63  }
.Ltmp0:
0x3b: {  	_ =	swait.ge [sflag:s20], $0x3000;
	(pc) =	sbr.rel @p0 .LBB2_2-.Ltmp0, $4  }
0x3c: {  	[sflag:s20] =	ssyncset.done $0x0  }
0x3d: {  	[sflag:s20] =	ssyncadd.s32 $0xFFFFD000  }
0x3e: {  	_ =	swait.ge [sflag:s20], $0x3000  }
0x3f: {  	s23 =	smov.u32 s25;
	[sflag:s20] =	ssyncset.done $0x0  }
0x40: {  	s22 =	sadd.s32 s22, s9;
	[sflag:s20] =	ssyncadd.s32 $0xFFFFD000  }
0x41: {  	[tilespmem:s12], [sflag:$0x3] =	stream.linear.gather [hbm4b:s22+s4], $0x600, $0x38;
	[tilespmem:$0x1F600] =	vst v63  }
0x42: {  	_ =	swait.ge [sflag:s11], $0x600  }
0x43: {  	[sflag:s11] =	ssyncset.done $0x0  }
0x44: {  	[sflag:s11] =	ssyncadd.s32 $0xFFFFFA00  }
0x45: {  	[tilespmem:s14], [sflag:$0x1] =	stream.indirect.gather [hbm4b:s0+s13], $0x20, s12, s13, $0xb8;
	[tilespmem:$0x1F600] =	vst v63  }
0x46: {  	_ = 	snop  }
0x47: {  	[tilespmem:s16], [sflag:$0x1] =	stream.indirect.gather [hbm4b:s0+s13], $0x20, s15, s13, $0xb8;
	[tilespmem:$0x1F600] =	vst v63  }
0x48: {  	_ =	swait.ge [sflag:s17], $0x3000  }
0x49: {  	[sflag:s17] =	ssyncset.done $0x0  }
0x4a: {  	[sflag:s17] =	ssyncadd.s32 $0xFFFFD000  }
0x4b: {  	[spmem:s3] =	stream.indirect.scatter.add.f32 [tilespmem:s14], [sflag:$0x2], $0x20, s18, s13, $0xb8;
	[tilespmem:$0x1F600] =	vst v63  }
0x4c: {  	_ =	swait.ge [sflag:s17], $0x3000  }
0x4d: {  	[sflag:s17] =	ssyncset.done $0x0  }
0x4e: {  	[sflag:s17] =	ssyncadd.s32 $0xFFFFD000  }
0x4f: {  	[spmem:s3] =	stream.indirect.scatter.add.f32 [tilespmem:s16], [sflag:$0x2], $0x20, s19, s13, $0xb8;
	[tilespmem:$0x1F600] =	vst v63  }
0x50: {  	_ =	swait.ge [sflag:s20], $0x3000  }
0x51: {  	[sflag:s20] =	ssyncset.done $0x0  }
0x52: {  	[sflag:s20] =	ssyncadd.s32 $0xFFFFD000  }
0x53: {  	_ =	swait.ge [sflag:s20], $0x3000  }
0x54: {  	s21 =	sadd.s32 $0x1, s21;
	[sflag:s20] =	ssyncset.done $0x0  }
0x55: {  	p0 =	sne.s32 s21, s8;
	[sflag:s20] =	ssyncadd.s32 $0xFFFFD000  }
.Ltmp1:
0x56: {  	[bflag:$0x0] =	sbarrier.arrive $0xFFFF;
	(pc) =	sbr.rel @p0 .LBB2_1-.Ltmp1, $4  }
0x57: {  	[hbm:s7], [sflag:s6] =	dma.local [spmem:s10], $0x3200  }
0x58: {  	_ =	swait.ge [sflag:s11], $0x3200  }
0x59: {  	[sflag:s11] =	ssyncset.done $0x0  }
0x5a: {  	[sflag:s11] =	ssyncadd.s32 $0xFFFFCE00  }
0x5b: {  	_ =	sfence.sel $0x180000  }
0x5c: {  	[bflag:$0x0] =	sbarrier.arrive $0xFFFF  }
0x5d: {  	p0 =	sne.s32 s2, $0x0;
	_ =	strace $0x90000053  }
0x5e: {  	s0 =	sadd.s32 @!p0 $0x100000, s1;
	[bflag:$0x2] =	sbarrier.arrive $0xFFFF  }
0x5f: {  	[sflag:s0] =	ssyncadd.tile.s32 @!p0 $0x1;
	_ =	shalt  }
.Lfunc_end2:
_tile_overlayer_lowered:
.L_overlay_start_2:
0x60: {  	(tag) =	ssettag $0x2  }
0x61: {  	s0 =	rddreg [dreg:$0x0];
	s2 =	stileid.u32  }
0x62: {  	s1 =	rddreg [dreg:$0x1];
	p0 =	sne.s32 s2, $0x0  }
0x63: {  	s3 =	rddreg [dreg:$0x2];
	[bflag:$0x3] =	sbarrier.arrive $0xFFFF;
	s2 =	simm.s32 @!p0 $0x1C03  }
0x64: {  	[timem:s3], [sflag:s2] =	dma.local @!p0 [hbm:s0], s1  }
0x65: {  	s0 =	simm.s32 @!p0 $0x3  }
0x66: {  	_ =	swait.ge @!p0 [sflag:s0], s1  }
0x67: {  	s1 =	ssub.s32 @!p0 $0x0, s1;
	[sflag:s0] =	ssyncset.done @!p0 $0x0  }
0x68: {  	[sflag:s0] =	ssyncadd.s32 @!p0 s1  }
0x69: {  	[bflag:$0x3] =	sbarrier.arrive $0xFFFF  }
0x6a: {  	_ =	shalt  }

// kernel: kernel.28.cloned.1.call-start
scs
__scs_entry_jumppad:
0x0: {  	(pc) =	sbr.rel $0x88, $3  }
0x1: {  	(tag) =	ssettag $0x0;
	lr =	simm.s32 $0x1  }
0x2: {  	[smem:$0x3F8F] =	sst lr;
	_ =	strace $0xD0000000  }
0x3: {  	_ = 	snop  }
0x4: {  	_ = 	snop  }
0x5: {  	_ = 	snop  }
0x6: {  	_ = 	snop  }
0x7: {  	_ = 	snop  }
__scs_overlays_trampoline_lowered:
0x8: {  	[smem:$0x3F9E] =	sst s0  }
0x9: {  	[smem:$0x3F9F] =	sst s1  }
0xa: {  	[smem:$0x3FA0] =	sst s2  }
0xb: {  	[smem:$0x3FA1] =	sst s3  }
0xc: {  	[smem:$0x3FA2] =	sst s4  }
0xd: {  	[smem:$0x3FA3] =	sst s5  }
0xe: {  	[smem:$0x3FA4] =	sst s6  }
0xf: {  	[smem:$0x3FA5] =	sst s7  }
0x10: {  	[smem:$0x3FA6] =	sst s8  }
0x11: {  	[smem:$0x3FA7] =	sst s9;
	s0 =	simm.s32 @!p0 $0x0  }
0x12: {  	s1 =	sld [smem:$0x3F8D];
	s0 =	simm.s32 @p0 $0x1  }
0x13: {  	[smem:$0x3FA8] =	sst s0;
	s0 =	simm.s32 @!p1 $0x0  }
0x14: {  	s2 =	sld [smem:$0x3F8C];
	s0 =	simm.s32 @p1 $0x1  }
0x15: {  	[smem:$0x3FA9] =	sst s0;
	s0 =	simm.s32 @!p2 $0x0  }
0x16: {  	s3 =	sld [smem:$0x3FDB];
	s0 =	simm.s32 @p2 $0x1  }
0x17: {  	s4 =	simm.s32 $0x1BF5;
	[smem:$0x3FAB] =	sst s0  }
0x18: {  	s0 =	sld [smem:$0x3F8E];
	_ =	swait.ge [sflag:s4], $0x0  }
0x19: {  	s7 =	sld [smem:$0x3F8F]  }
0x1a: {  	s8 =	sadd.s32 $0xFFFFE003, lr  }
0x1b: {  	s9 =	sadd.s32 $0xFFFFFEF7, lr;
	s5 =	simm.s32 $0xFFFFFFFF;
	p2 =	slt.u32 s8, $0xFFFFF086  }
0x1c: {  	p1 =	slt.u32 s9, $0xF7A;
	s5 =	simm.s32 @!p2 $0x0  }
0x1d: {  	s5 =	simm.s32 @p1 $0x1;
	p0 =	seq.s32 s7, s2  }
0x1e: {  	s7 =	smul.u32 @!p0 $0xF7A, s2;
	p2 =	seq.s32 @!p0 s5, $0x0  }
0x1f: {  	s9 =	smul.u32 $0xF7A, s1;
	s8 =	simm.s32 @!p0 $0x1BF5;
	p2 =	por !p2, p0  }
0x20: {  	[sflag:s8] =	ssyncset.s32 @!p0 $0xFFFFF086;
	s6 =	sadd.s32 @!p0 s3, s7;
	s7 =	simm.s32 @!p0 $0x108  }
0x21: {  	s3 =	sadd.s32 s3, s9;
	s6 =	sadd.s32 @!p0 $0x88, s6;
	s7 =	simm.s32 @p2 $0x1082  }
0x22: {  	[simem:s7], [sflag:s8] =	dma.local @!p0 [hbm:s6], $0xF7A  }
0x23: {  	s9 =	sor.u32 $0xD0000000, s2;
	s6 =	simm.s32 $0x108;
	_ =	swait.ge @!p0 [sflag:s8], $0x0  }
0x24: {  	s3 =	sadd.s32 $0x88, s3;
	s6 =	simm.s32 @!p1 $0x1082;
	[sflag:s4] =	ssyncset.s32 $0xFFFFF086  }
0x25: {  	[simem:s6], [sflag:s4] =	dma.local [hbm:s3], $0xF7A  }
0x26: {  	[smem:$0x3F8F] =	sst s1;
	(tag) =	ssettag s2;
	_ =	strace s9  }
0x27: {  	s1 =	sld [smem:$0x3F9F]  }
0x28: {  	s2 =	sld [smem:$0x3FA0]  }
0x29: {  	s4 =	sld [smem:$0x3FA2]  }
0x2a: {  	p0 =	seq.s32 s5, $0x0;
	s5 =	sld [smem:$0x3FA3]  }
0x2b: {  	s6 =	sld [smem:$0x3FA4]  }
0x2c: {  	s7 =	sld [smem:$0x3FA5]  }
0x2d: {  	s3 =	simm.s32 $0x108;
	s8 =	sld [smem:$0x3FA6]  }
0x2e: {  	s3 =	simm.s32 @!p0 $0x1082;
	s9 =	sld [smem:$0x3FA7]  }
0x2f: {  	lr =	sadd.s32 s0, s3;
	s0 =	sld [smem:$0x3F9E]  }
0x30: {  	s3 =	sld [smem:$0x3FA1]  }
0x31: {  	[smem:$0x3FAA] =	sst s10  }
0x32: {  	s10 =	sld [smem:$0x3FA8];
	_ =	sdelay $0x3  }
0x33: {  	p0 =	seq.s32 s10, $0x1;
	s10 =	sld [smem:$0x3FAA];
	_ =	sdelay $0x3  }
0x34: {  	[smem:$0x3FAA] =	sst s10  }
0x35: {  	s10 =	sld [smem:$0x3FA9];
	_ =	sdelay $0x3  }
0x36: {  	p1 =	seq.s32 s10, $0x1;
	s10 =	sld [smem:$0x3FAA];
	_ =	sdelay $0x3  }
0x37: {  	[smem:$0x3FAA] =	sst s10  }
0x38: {  	s10 =	sld [smem:$0x3FAB]  }
0x39: {  	_ = 	snop;
	(pc) =	sbr.ind lr, $3  }
0x3a: {  	_ = 	snop  }
0x3b: {  	_ = 	snop  }
0x3c: {  	p2 =	seq.s32 s10, $0x1;
	s10 =	sld [smem:$0x3FAA]  }
0x3d: {  	_ =	shalt  }
0x3e: {  	_ =	shalt  }
0x3f: {  	_ =	shalt  }
0x40: {  	_ =	shalt  }
0x41: {  	_ =	shalt  }
0x42: {  	_ =	shalt  }
0x43: {  	_ =	shalt  }
0x44: {  	_ =	shalt  }
0x45: {  	_ =	shalt  }
0x46: {  	_ =	shalt  }
0x47: {  	_ =	shalt  }
0x48: {  	_ =	shalt  }
0x49: {  	_ =	shalt  }
0x4a: {  	_ =	shalt  }
0x4b: {  	_ =	shalt  }
0x4c: {  	_ =	shalt  }
0x4d: {  	_ =	shalt  }
0x4e: {  	_ =	shalt  }
0x4f: {  	_ =	shalt  }
0x50: {  	_ =	shalt  }
0x51: {  	_ =	shalt  }
0x52: {  	_ =	shalt  }
0x53: {  	_ =	shalt  }
0x54: {  	_ =	shalt  }
0x55: {  	_ =	shalt  }
0x56: {  	_ =	shalt  }
0x57: {  	_ =	shalt  }
0x58: {  	_ =	shalt  }
0x59: {  	_ =	shalt  }
0x5a: {  	_ =	shalt  }
0x5b: {  	_ =	shalt  }
0x5c: {  	_ =	shalt  }
0x5d: {  	_ =	shalt  }
0x5e: {  	_ =	shalt  }
0x5f: {  	_ =	shalt  }
0x60: {  	_ =	shalt  }
0x61: {  	_ =	shalt  }
0x62: {  	_ =	shalt  }
0x63: {  	_ =	shalt  }
0x64: {  	_ =	shalt  }
0x65: {  	_ =	shalt  }
0x66: {  	_ =	shalt  }
0x67: {  	_ =	shalt  }
0x68: {  	_ =	shalt  }
0x69: {  	_ =	shalt  }
0x6a: {  	_ =	shalt  }
0x6b: {  	_ =	shalt  }
0x6c: {  	_ =	shalt  }
0x6d: {  	_ =	shalt  }
0x6e: {  	_ =	shalt  }
0x6f: {  	_ =	shalt  }
0x70: {  	_ =	shalt  }
0x71: {  	_ =	shalt  }
0x72: {  	_ =	shalt  }
0x73: {  	_ =	shalt  }
0x74: {  	_ =	shalt  }
0x75: {  	_ =	shalt  }
0x76: {  	_ =	shalt  }
0x77: {  	_ =	shalt  }
0x78: {  	_ =	shalt  }
0x79: {  	_ =	shalt  }
0x7a: {  	_ =	shalt  }
0x7b: {  	_ =	shalt  }
0x7c: {  	_ =	shalt  }
0x7d: {  	_ =	shalt  }
0x7e: {  	_ =	shalt  }
0x7f: {  	_ =	shalt  }
0x80: {  	_ =	shalt  }
0x81: {  	_ =	shalt  }
0x82: {  	_ =	shalt  }
0x83: {  	_ =	shalt  }
0x84: {  	_ =	shalt  }
0x85: {  	_ =	shalt  }
0x86: {  	_ =	shalt  }
0x87: {  	_ =	shalt  }
.Lfunc_end0:
.L_simem_size_0:
called_computation.5_lowered:
.L_overlay_start_0:
0x88: {  	s2 =	sld [smem:$0x3FD9]  }
0x89: {  	s3 =	sld [smem:$0x3FFE];
	_ =	sdelay $0x1  }
0x8a: {  	s1 =	srdreg.scid  }
0x8b: {  	s0 =	sand.u32 $0x1, s1  }
0x8c: {  	s14 =	sshll.u32 s0, $0xA;
	s2 =	sadd.s32 s3, s2  }
0x8d: {  	s2 =	sadd.s32 s2, s14  }
0x8e: {  	[smem:$0x3FB6] =	sst s2  }
0x8f: {  	_ = 	snop  }
0x90: {  	s2 =	sld [smem:$0x3FD0];
	_ =	sdelay $0x2  }
0x91: {  	s15 =	simm.s32 $0xA;
	s4 =	simm.s32 $0x10  }
0x92: {  	[smem:s4], [sflag:s15] =	dma.local [hbm:s2], $0x1  }
0x93: {  	_ =	swait.eq [sflag:s15], $0x1  }
0x94: {  	[sflag:s15] =	ssyncset.done $0x0  }
0x95: {  	[sflag:s15] =	ssyncadd.s32 $0xFFFFFFFF  }
0x96: {  	s16 =	sld [smem:$0x10];
	(tm) =	ssettm $0x1  }
0x97: {  	s17 =	sld [smem:$0x3FFB];
	_ =	sdelay $0x3  }
0x98: {  	_ =	strace s17  }
0x99: {  	s3 =	sld [smem:$0x3FFC];
	_ =	sdelay $0x3  }
0x9a: {  	_ =	strace s3  }
0x9b: {  	s3 =	sld [smem:$0x3FFD];
	_ =	sdelay $0x3  }
0x9c: {  	_ =	strace s3  }
0x9d: {  	_ =	strace $0x8FFFFFFF  }
0x9e: {  	s18 =	sld [smem:$0x3FDB];
	_ =	sdelay $0x1  }
0x9f: {  	s19 =	simm.s32 $_scs_section_size  }
0xa0: {  	s5 =	simm.s32 $_size__tile_overlayer_lowered;
	s6 =	simm.s32 $_tile_overlayer_lowered  }
0xa1: {  	s22 =	simm.s32 $0x1BFF;
	s21 =	sshll.u32 s6, $0x1;
	s3 =	sadd.s32 s19, s18  }
0xa2: {  	s7 =	simm.s32 $0x0;
	s20 =	sshll.u32 s5, $0x1;
	s5 =	sadd.s32 s21, s3  }
0xa3: {  	[timem:s7], [sflag:s22] =	dma.local [hbm:s5], s20  }
0xa4: {  	_ =	swait.ge [sflag:s22], s20  }
0xa5: {  	s4 =	ssub.s32 $0x0, s20;
	[sflag:s22] =	ssyncset.done $0x0  }
0xa6: {  	[sflag:s22] =	ssyncadd.s32 s4;
	_ =	sdelay $0x1  }
0xa7: {  	s23 =	simm.s32 $0x1B8B  }
0xa8: {  	_ =	swait.ge [sflag:s23], $0x1  }
0xa9: {  	[sflag:s23] =	ssyncset.done $0x0  }
0xaa: {  	s25 =	simm.s32 $0x1B8E;
	s24 =	sld [smem:$0x3FFE];
	[sflag:s23] =	ssyncadd.s32 $0xFFFFFFFF  }
0xab: {  	s26 =	simm.s32 $execute0_lowered;
	[smem:$0x3FD2] =	sst s25  }
0xac: {  	s5 =	sshll.u32 s26, $0x1;
	_ =	strace $0x80000055;
	[dreg:$0x1] =	wrdreg $0xFFFFFFFF  }
0xad: {  	s28 =	simm.s32 $_size_execute0_lowered;
	s3 =	sadd.s32 s3, s5;
	[dreg:$0x0] =	wrdreg $0x0  }
0xae: {  	s5 =	sshll.u32 s28, $0x1;
	[dreg:$0x2] =	wrdreg s3  }
0xaf: {  	[dreg:$0x3] =	wrdreg s5  }
0xb0: {  	[dreg:$0x4] =	wrdreg $0xC0  }
0xb1: {  	_ =	task [dreg:s7], $0x5FFFF  }
0xb2: {  	[dreg:$0x1] =	wrdreg $0xFFFFFFFF  }
0xb3: {  	[dreg:$0x0] =	wrdreg $0x60  }
0xb4: {  	[dreg:$0x2] =	wrdreg s16  }
0xb5: {  	[dreg:$0x3] =	wrdreg s24  }
0xb6: {  	[dreg:$0x4] =	wrdreg $0x0  }
0xb7: {  	[dreg:$0x5] =	wrdreg $0x9  }
0xb8: {  	_ =	task.clear_ibuf [dreg:s7], $0x6FFFF;
	_ =	strace $0x90000055  }
0xb9: {  	s29 =	simm.s32 $0x9;
	_ =	strace $0x80000057  }
0xba: {  	_ =	swait.ge [sflag:s29], $0x1  }
0xbb: {  	[sflag:s29] =	ssyncadd.s32 $0xFFFFFFFF  }
0xbc: {  	_ =	strace $0x90000057  }
0xbd: {  	_ =	sfence  }
0xbe: {  	s30 =	sld [smem:$0x0];
	_ =	sdelay $0x2  }
0xbf: {  	s31 =	sshll.u32 s1, $0xD;
	s1 =	sshrl.u32 s1, $0x2  }
0xc0: {  	s3 =	sand.u32 $0x4000, s31;
	s1 =	sadd.s32 s1, s30  }
0xc1: {  	s0 =	sor.u32 s3, s0;
	s1 =	sshll.u32 s1, $0x11  }
0xc2: {  	s0 =	sor.u32 s1, s0  }
0xc3: {  	s0 =	sadd.s32 $0x8F2B, s0  }
0xc4: {  	[sflag:s0] =	ssyncadd.remote.s32 $0x1  }
0xc5: {  	_ =	sfence.sel $0xFFFF  }
0xc6: {  	[dreg:$0x0] =	wrdreg $0xFFFFFFFF;
	(pc) =	sbr.abs _section_cstart, $3  }
0xc7: {  	[dreg:$0x1] =	wrdreg $0xFFFFFFFF  }
0xc8: {  	_ =	task.clear_ibuf [dreg:s7], $0x2FFFF;
	_ =	strace $0x9FFFFFFF  }
0xc9: {  	(tm) =	ssettm $0x7FFFFFFF  }
tec
execute0_lowered:
.L_overlay_start_1:
0x0: {  	(tag) =	ssettag $0x1  }
0x1: {  	s0 =	rddreg [dreg:$0x0]  }
0x2: {  	s5 =	rddreg [dreg:$0x1]  }
0x3: {  	s1 =	srdreg.scid;
	s3 =	rddreg [dreg:$0x2]  }
0x4: {  	s2 =	stileid.u32;
	s4 =	simm.s32 $0x0;
	s14 =	simm.s32 $0x19600  }
0x5: {  	s15 =	simm.s32 $0x19300;
	s16 =	simm.s32 $0x1C600;
	s17 =	simm.s32 $0x1  }
0x6: {  	s18 =	simm.s32 $0x19180;
	s19 =	simm.s32 $0x19480;
	s8 =	smul.u32 $0x19000, s2  }
0x7: {  	s20 =	simm.s32 $0x2;
	s6 =	sand.u32 $0x1, s1;
	s11 =	smul.u32 $0x1980, s2  }
0x8: {  	s21 =	simm.s32 $0x0;
	s1 =	rddreg [dreg:$0x3];
	s7 =	smul.u32 $0x19800, s6  }
0x9: {  	[smem:$0x7FF] =	sst s4;
	s30 =	sshll.u32 s2, $0x6;
	s9 =	smul.u32 $0x190000, s6  }
0xa: {  	_ =	strace $0x80000056;
	s6 =	ssub.s32 $0x2, s6;
	s10 =	sshrl.u32 s8, $0x3  }
0xb: {  	s29 =	sshrl.u32 s6, $0x1;
	s13 =	sadd.s32 s8, s3;
	s7 =	sadd.s32 s7, s5  }
0xc: {  	s9 =	sadd.s32 s8, s9;
	s10 =	sadd.s32 s10, s5;
	s12 =	ssub.s32 s6, s29  }
0xd: {  	s6 =	sor.u32 $0x1C03, s30;
	s9 =	sshrl.u32 s9, $0x3;
	s31 =	sadd.s32 s11, s7  }
0xe: {  	s8 =	smax.u32 s12, $0x1;
	s11 =	simm.s32 $0x3;
	s12 =	simm.s32 $0x19000  }
0xf: {  	s9 =	sadd.s32 s9, s5;
	s5 =	sadd.s32 $0x3CE00, s10;
	s10 =	sshrl.u32 s13, $0x3  }
0x10: {  	s13 =	simm.s32 $0x180;
	s7 =	sadd.s32 $0x6EE00, s9;
	s9 =	sadd.s32 $0x9E00, s31  }
.LBB2_1:
0x11: {  	[spmem:s10], [sflag:s6] =	dma.local [hbm:s5], $0x3200  }
0x12: {  	_ =	swait.ge [sflag:s11], $0x3200  }
0x13: {  	[sflag:s11] =	ssyncset.done $0x0  }
0x14: {  	[sflag:s11] =	ssyncadd.s32 $0xFFFFCE00  }
0x15: {  	s22 =	sadd.s32 $0x0, s9;
	[bflag:$0x0] =	sbarrier.arrive $0xFFFF  }
0x16: {  	[tilespmem:s12], [sflag:$0x3] =	stream.linear.gather [hbm4b:s22+s4], $0x600, $0x38;
	[tilespmem:$0x1F600] =	vst v63  }
0x17: {  	_ =	swait.ge [sflag:s11], $0x600  }
0x18: {  	[sflag:s11] =	ssyncset.done $0x0  }
0x19: {  	[sflag:s11] =	ssyncadd.s32 $0xFFFFFA00  }
0x1a: {  	[tilespmem:s14], [sflag:$0x1] =	stream.indirect.gather [hbm4b:s0+s13], $0x20, s12, s13, $0xb8;
	[tilespmem:$0x1F600] =	vst v63  }
0x1b: {  	_ = 	snop  }
0x1c: {  	[tilespmem:s16], [sflag:$0x1] =	stream.indirect.gather [hbm4b:s0+s13], $0x20, s15, s13, $0xb8;
	[tilespmem:$0x1F600] =	vst v63  }
0x1d: {  	_ =	swait.ge [sflag:s17], $0x3000  }
0x1e: {  	[sflag:s17] =	ssyncset.done $0x0  }
0x1f: {  	[sflag:s17] =	ssyncadd.s32 $0xFFFFD000  }
0x20: {  	[spmem:s3] =	stream.indirect.scatter.add.f32 [tilespmem:s14], [sflag:$0x2], $0x20, s18, s13, $0xb8;
	[tilespmem:$0x1F600] =	vst v63  }
0x21: {  	_ =	swait.ge [sflag:s17], $0x3000  }
0x22: {  	[sflag:s17] =	ssyncset.done $0x0  }
0x23: {  	[sflag:s17] =	ssyncadd.s32 $0xFFFFD000  }
0x24: {  	[spmem:s3] =	stream.indirect.scatter.add.f32 [tilespmem:s16], [sflag:$0x2], $0x20, s19, s13, $0xb8;
	[tilespmem:$0x1F600] =	vst v63  }
0x25: {  	_ =	swait.ge [sflag:s20], $0x3000  }
0x26: {  	[sflag:s20] =	ssyncset.done $0x0  }
0x27: {  	[sflag:s20] =	ssyncadd.s32 $0xFFFFD000  }
0x28: {  	_ =	swait.ge [sflag:s20], $0x3000  }
0x29: {  	s23 =	simm.s32 $0x180;
	s22 =	simm.s32 $0xC0;
	[sflag:s20] =	ssyncset.done $0x0  }
.LBB2_2:
0x2a: {  	s24 =	sadd.s32 s22, s9  }
0x2b: {  	[sflag:s20] =	ssyncadd.s32 $0xFFFFD000;
	s22 =	smov.u32 s23;
	s25 =	sadd.s32 $0xC0, s23  }
0x2c: {  	[tilespmem:s12], [sflag:$0x3] =	stream.linear.gather [hbm4b:s24+s4], $0x600, $0x38;
	[tilespmem:$0x1F600] =	vst v63  }
0x2d: {  	p0 =	sne.s32 s23, $0x18C0;
	_ =	swait.ge [sflag:s11], $0x600  }
0x2e: {  	[sflag:s11] =	ssyncset.done $0x0  }
0x2f: {  	[sflag:s11] =	ssyncadd.s32 $0xFFFFFA00  }
0x30: {  	[tilespmem:s14], [sflag:$0x1] =	stream.indirect.gather [hbm4b:s0+s13], $0x20, s12, s13, $0xb8;
	[tilespmem:$0x1F600] =	vst v63  }
0x31: {  	_ = 	snop  }
0x32: {  	[tilespmem:s16], [sflag:$0x1] =	stream.indirect.gather [hbm4b:s0+s13], $0x20, s15, s13, $0xb8;
	[tilespmem:$0x1F600] =	vst v63  }
0x33: {  	_ =	swait.ge [sflag:s17], $0x3000  }
0x34: {  	[sflag:s17] =	ssyncset.done $0x0  }
0x35: {  	[sflag:s17] =	ssyncadd.s32 $0xFFFFD000  }
0x36: {  	[spmem:s3] =	stream.indirect.scatter.add.f32 [tilespmem:s14], [sflag:$0x2], $0x20, s18, s13, $0xb8;
	[tilespmem:$0x1F600] =	vst v63  }
0x37: {  	_ =	swait.ge [sflag:s17], $0x3000  }
0x38: {  	[sflag:s17] =	ssyncset.done $0x0  }
0x39: {  	[sflag:s17] =	ssyncadd.s32 $0xFFFFD000  }
0x3a: {  	[spmem:s3] =	stream.indirect.scatter.add.f32 [tilespmem:s16], [sflag:$0x2], $0x20, s19, s13, $0xb8;
	[tilespmem:$0x1F600] =	vst v63  }
.Ltmp0:
0x3b: {  	_ =	swait.ge [sflag:s20], $0x3000;
	(pc) =	sbr.rel @p0 .LBB2_2-.Ltmp0, $4  }
0x3c: {  	[sflag:s20] =	ssyncset.done $0x0  }
0x3d: {  	[sflag:s20] =	ssyncadd.s32 $0xFFFFD000  }
0x3e: {  	_ =	swait.ge [sflag:s20], $0x3000  }
0x3f: {  	s23 =	smov.u32 s25;
	[sflag:s20] =	ssyncset.done $0x0  }
0x40: {  	s22 =	sadd.s32 s22, s9;
	[sflag:s20] =	ssyncadd.s32 $0xFFFFD000  }
0x41: {  	[tilespmem:s12], [sflag:$0x3] =	stream.linear.gather [hbm4b:s22+s4], $0x600, $0x38;
	[tilespmem:$0x1F600] =	vst v63  }
0x42: {  	_ =	swait.ge [sflag:s11], $0x600  }
0x43: {  	[sflag:s11] =	ssyncset.done $0x0  }
0x44: {  	[sflag:s11] =	ssyncadd.s32 $0xFFFFFA00  }
0x45: {  	[tilespmem:s14], [sflag:$0x1] =	stream.indirect.gather [hbm4b:s0+s13], $0x20, s12, s13, $0xb8;
	[tilespmem:$0x1F600] =	vst v63  }
0x46: {  	_ = 	snop  }
0x47: {  	[tilespmem:s16], [sflag:$0x1] =	stream.indirect.gather [hbm4b:s0+s13], $0x20, s15, s13, $0xb8;
	[tilespmem:$0x1F600] =	vst v63  }
0x48: {  	_ =	swait.ge [sflag:s17], $0x3000  }
0x49: {  	[sflag:s17] =	ssyncset.done $0x0  }
0x4a: {  	[sflag:s17] =	ssyncadd.s32 $0xFFFFD000  }
0x4b: {  	[spmem:s3] =	stream.indirect.scatter.add.f32 [tilespmem:s14], [sflag:$0x2], $0x20, s18, s13, $0xb8;
	[tilespmem:$0x1F600] =	vst v63  }
0x4c: {  	_ =	swait.ge [sflag:s17], $0x3000  }
0x4d: {  	[sflag:s17] =	ssyncset.done $0x0  }
0x4e: {  	[sflag:s17] =	ssyncadd.s32 $0xFFFFD000  }
0x4f: {  	[spmem:s3] =	stream.indirect.scatter.add.f32 [tilespmem:s16], [sflag:$0x2], $0x20, s19, s13, $0xb8;
	[tilespmem:$0x1F600] =	vst v63  }
0x50: {  	_ =	swait.ge [sflag:s20], $0x3000  }
0x51: {  	[sflag:s20] =	ssyncset.done $0x0  }
0x52: {  	[sflag:s20] =	ssyncadd.s32 $0xFFFFD000  }
0x53: {  	_ =	swait.ge [sflag:s20], $0x3000  }
0x54: {  	s21 =	sadd.s32 $0x1, s21;
	[sflag:s20] =	ssyncset.done $0x0  }
0x55: {  	p0 =	sne.s32 s21, s8;
	[sflag:s20] =	ssyncadd.s32 $0xFFFFD000  }
.Ltmp1:
0x56: {  	[bflag:$0x0] =	sbarrier.arrive $0xFFFF;
	(pc) =	sbr.rel @p0 .LBB2_1-.Ltmp1, $4  }
0x57: {  	[hbm:s7], [sflag:s6] =	dma.local [spmem:s10], $0x3200  }
0x58: {  	_ =	swait.ge [sflag:s11], $0x3200  }
0x59: {  	[sflag:s11] =	ssyncset.done $0x0  }
0x5a: {  	[sflag:s11] =	ssyncadd.s32 $0xFFFFCE00  }
0x5b: {  	_ =	sfence.sel $0x180000  }
0x5c: {  	[bflag:$0x0] =	sbarrier.arrive $0xFFFF  }
0x5d: {  	p0 =	sne.s32 s2, $0x0;
	_ =	strace $0x90000056  }
0x5e: {  	s0 =	sadd.s32 @!p0 $0x100000, s1;
	[bflag:$0x2] =	sbarrier.arrive $0xFFFF  }
0x5f: {  	[sflag:s0] =	ssyncadd.tile.s32 @!p0 $0x1;
	_ =	shalt  }
.Lfunc_end2:
_tile_overlayer_lowered:
.L_overlay_start_2:
0x60: {  	(tag) =	ssettag $0x2  }
0x61: {  	s0 =	rddreg [dreg:$0x0];
	s2 =	stileid.u32  }
0x62: {  	s1 =	rddreg [dreg:$0x1];
	p0 =	sne.s32 s2, $0x0  }
0x63: {  	s3 =	rddreg [dreg:$0x2];
	[bflag:$0x3] =	sbarrier.arrive $0xFFFF;
	s2 =	simm.s32 @!p0 $0x1C03  }
0x64: {  	[timem:s3], [sflag:s2] =	dma.local @!p0 [hbm:s0], s1  }
0x65: {  	s0 =	simm.s32 @!p0 $0x3  }
0x66: {  	_ =	swait.ge @!p0 [sflag:s0], s1  }
0x67: {  	s1 =	ssub.s32 @!p0 $0x0, s1;
	[sflag:s0] =	ssyncset.done @!p0 $0x0  }
0x68: {  	[sflag:s0] =	ssyncadd.s32 @!p0 s1  }
0x69: {  	[bflag:$0x3] =	sbarrier.arrive $0xFFFF  }
0x6a: {  	_ =	shalt  }

// kernel: kernel.31.cloned.1.call-start
scs
__scs_entry_jumppad:
0x0: {  	(pc) =	sbr.rel $0x88, $3  }
0x1: {  	(tag) =	ssettag $0x0;
	lr =	simm.s32 $0x1  }
0x2: {  	[smem:$0x3F8F] =	sst lr;
	_ =	strace $0xD0000000  }
0x3: {  	_ = 	snop  }
0x4: {  	_ = 	snop  }
0x5: {  	_ = 	snop  }
0x6: {  	_ = 	snop  }
0x7: {  	_ = 	snop  }
__scs_overlays_trampoline_lowered:
0x8: {  	[smem:$0x3F9E] =	sst s0  }
0x9: {  	[smem:$0x3F9F] =	sst s1  }
0xa: {  	[smem:$0x3FA0] =	sst s2  }
0xb: {  	[smem:$0x3FA1] =	sst s3  }
0xc: {  	[smem:$0x3FA2] =	sst s4  }
0xd: {  	[smem:$0x3FA3] =	sst s5  }
0xe: {  	[smem:$0x3FA4] =	sst s6  }
0xf: {  	[smem:$0x3FA5] =	sst s7  }
0x10: {  	[smem:$0x3FA6] =	sst s8  }
0x11: {  	[smem:$0x3FA7] =	sst s9;
	s0 =	simm.s32 @!p0 $0x0  }
0x12: {  	s1 =	sld [smem:$0x3F8D];
	s0 =	simm.s32 @p0 $0x1  }
0x13: {  	[smem:$0x3FA8] =	sst s0;
	s0 =	simm.s32 @!p1 $0x0  }
0x14: {  	s2 =	sld [smem:$0x3F8C];
	s0 =	simm.s32 @p1 $0x1  }
0x15: {  	[smem:$0x3FA9] =	sst s0;
	s0 =	simm.s32 @!p2 $0x0  }
0x16: {  	s3 =	sld [smem:$0x3FDB];
	s0 =	simm.s32 @p2 $0x1  }
0x17: {  	s4 =	simm.s32 $0x1BF5;
	[smem:$0x3FAB] =	sst s0  }
0x18: {  	s0 =	sld [smem:$0x3F8E];
	_ =	swait.ge [sflag:s4], $0x0  }
0x19: {  	s7 =	sld [smem:$0x3F8F]  }
0x1a: {  	s8 =	sadd.s32 $0xFFFFE003, lr  }
0x1b: {  	s9 =	sadd.s32 $0xFFFFFEF7, lr;
	s5 =	simm.s32 $0xFFFFFFFF;
	p2 =	slt.u32 s8, $0xFFFFF086  }
0x1c: {  	p1 =	slt.u32 s9, $0xF7A;
	s5 =	simm.s32 @!p2 $0x0  }
0x1d: {  	s5 =	simm.s32 @p1 $0x1;
	p0 =	seq.s32 s7, s2  }
0x1e: {  	s7 =	smul.u32 @!p0 $0xF7A, s2;
	p2 =	seq.s32 @!p0 s5, $0x0  }
0x1f: {  	s9 =	smul.u32 $0xF7A, s1;
	s8 =	simm.s32 @!p0 $0x1BF5;
	p2 =	por !p2, p0  }
0x20: {  	[sflag:s8] =	ssyncset.s32 @!p0 $0xFFFFF086;
	s6 =	sadd.s32 @!p0 s3, s7;
	s7 =	simm.s32 @!p0 $0x108  }
0x21: {  	s3 =	sadd.s32 s3, s9;
	s6 =	sadd.s32 @!p0 $0x88, s6;
	s7 =	simm.s32 @p2 $0x1082  }
0x22: {  	[simem:s7], [sflag:s8] =	dma.local @!p0 [hbm:s6], $0xF7A  }
0x23: {  	s9 =	sor.u32 $0xD0000000, s2;
	s6 =	simm.s32 $0x108;
	_ =	swait.ge @!p0 [sflag:s8], $0x0  }
0x24: {  	s3 =	sadd.s32 $0x88, s3;
	s6 =	simm.s32 @!p1 $0x1082;
	[sflag:s4] =	ssyncset.s32 $0xFFFFF086  }
0x25: {  	[simem:s6], [sflag:s4] =	dma.local [hbm:s3], $0xF7A  }
0x26: {  	[smem:$0x3F8F] =	sst s1;
	(tag) =	ssettag s2;
	_ =	strace s9  }
0x27: {  	s1 =	sld [smem:$0x3F9F]  }
0x28: {  	s2 =	sld [smem:$0x3FA0]  }
0x29: {  	s4 =	sld [smem:$0x3FA2]  }
0x2a: {  	p0 =	seq.s32 s5, $0x0;
	s5 =	sld [smem:$0x3FA3]  }
0x2b: {  	s6 =	sld [smem:$0x3FA4]  }
0x2c: {  	s7 =	sld [smem:$0x3FA5]  }
0x2d: {  	s3 =	simm.s32 $0x108;
	s8 =	sld [smem:$0x3FA6]  }
0x2e: {  	s3 =	simm.s32 @!p0 $0x1082;
	s9 =	sld [smem:$0x3FA7]  }
0x2f: {  	lr =	sadd.s32 s0, s3;
	s0 =	sld [smem:$0x3F9E]  }
0x30: {  	s3 =	sld [smem:$0x3FA1]  }
0x31: {  	[smem:$0x3FAA] =	sst s10  }
0x32: {  	s10 =	sld [smem:$0x3FA8];
	_ =	sdelay $0x3  }
0x33: {  	p0 =	seq.s32 s10, $0x1;
	s10 =	sld [smem:$0x3FAA];
	_ =	sdelay $0x3  }
0x34: {  	[smem:$0x3FAA] =	sst s10  }
0x35: {  	s10 =	sld [smem:$0x3FA9];
	_ =	sdelay $0x3  }
0x36: {  	p1 =	seq.s32 s10, $0x1;
	s10 =	sld [smem:$0x3FAA];
	_ =	sdelay $0x3  }
0x37: {  	[smem:$0x3FAA] =	sst s10  }
0x38: {  	s10 =	sld [smem:$0x3FAB]  }
0x39: {  	_ = 	snop;
	(pc) =	sbr.ind lr, $3  }
0x3a: {  	_ = 	snop  }
0x3b: {  	_ = 	snop  }
0x3c: {  	p2 =	seq.s32 s10, $0x1;
	s10 =	sld [smem:$0x3FAA]  }
0x3d: {  	_ =	shalt  }
0x3e: {  	_ =	shalt  }
0x3f: {  	_ =	shalt  }
0x40: {  	_ =	shalt  }
0x41: {  	_ =	shalt  }
0x42: {  	_ =	shalt  }
0x43: {  	_ =	shalt  }
0x44: {  	_ =	shalt  }
0x45: {  	_ =	shalt  }
0x46: {  	_ =	shalt  }
0x47: {  	_ =	shalt  }
0x48: {  	_ =	shalt  }
0x49: {  	_ =	shalt  }
0x4a: {  	_ =	shalt  }
0x4b: {  	_ =	shalt  }
0x4c: {  	_ =	shalt  }
0x4d: {  	_ =	shalt  }
0x4e: {  	_ =	shalt  }
0x4f: {  	_ =	shalt  }
0x50: {  	_ =	shalt  }
0x51: {  	_ =	shalt  }
0x52: {  	_ =	shalt  }
0x53: {  	_ =	shalt  }
0x54: {  	_ =	shalt  }
0x55: {  	_ =	shalt  }
0x56: {  	_ =	shalt  }
0x57: {  	_ =	shalt  }
0x58: {  	_ =	shalt  }
0x59: {  	_ =	shalt  }
0x5a: {  	_ =	shalt  }
0x5b: {  	_ =	shalt  }
0x5c: {  	_ =	shalt  }
0x5d: {  	_ =	shalt  }
0x5e: {  	_ =	shalt  }
0x5f: {  	_ =	shalt  }
0x60: {  	_ =	shalt  }
0x61: {  	_ =	shalt  }
0x62: {  	_ =	shalt  }
0x63: {  	_ =	shalt  }
0x64: {  	_ =	shalt  }
0x65: {  	_ =	shalt  }
0x66: {  	_ =	shalt  }
0x67: {  	_ =	shalt  }
0x68: {  	_ =	shalt  }
0x69: {  	_ =	shalt  }
0x6a: {  	_ =	shalt  }
0x6b: {  	_ =	shalt  }
0x6c: {  	_ =	shalt  }
0x6d: {  	_ =	shalt  }
0x6e: {  	_ =	shalt  }
0x6f: {  	_ =	shalt  }
0x70: {  	_ =	shalt  }
0x71: {  	_ =	shalt  }
0x72: {  	_ =	shalt  }
0x73: {  	_ =	shalt  }
0x74: {  	_ =	shalt  }
0x75: {  	_ =	shalt  }
0x76: {  	_ =	shalt  }
0x77: {  	_ =	shalt  }
0x78: {  	_ =	shalt  }
0x79: {  	_ =	shalt  }
0x7a: {  	_ =	shalt  }
0x7b: {  	_ =	shalt  }
0x7c: {  	_ =	shalt  }
0x7d: {  	_ =	shalt  }
0x7e: {  	_ =	shalt  }
0x7f: {  	_ =	shalt  }
0x80: {  	_ =	shalt  }
0x81: {  	_ =	shalt  }
0x82: {  	_ =	shalt  }
0x83: {  	_ =	shalt  }
0x84: {  	_ =	shalt  }
0x85: {  	_ =	shalt  }
0x86: {  	_ =	shalt  }
0x87: {  	_ =	shalt  }
.Lfunc_end0:
.L_simem_size_0:
called_computation.6_lowered:
.L_overlay_start_0:
0x88: {  	s2 =	sld [smem:$0x3FD9]  }
0x89: {  	s3 =	sld [smem:$0x3FFE];
	_ =	sdelay $0x1  }
0x8a: {  	s1 =	srdreg.scid  }
0x8b: {  	s0 =	sand.u32 $0x1, s1  }
0x8c: {  	s14 =	sshll.u32 s0, $0xA;
	s2 =	sadd.s32 s3, s2  }
0x8d: {  	s2 =	sadd.s32 s2, s14  }
0x8e: {  	[smem:$0x3FB6] =	sst s2  }
0x8f: {  	_ = 	snop  }
0x90: {  	s2 =	sld [smem:$0x3FD0];
	_ =	sdelay $0x2  }
0x91: {  	s15 =	simm.s32 $0xA;
	s4 =	simm.s32 $0x10  }
0x92: {  	[smem:s4], [sflag:s15] =	dma.local [hbm:s2], $0x1  }
0x93: {  	_ =	swait.eq [sflag:s15], $0x1  }
0x94: {  	[sflag:s15] =	ssyncset.done $0x0  }
0x95: {  	[sflag:s15] =	ssyncadd.s32 $0xFFFFFFFF  }
0x96: {  	s16 =	sld [smem:$0x10];
	(tm) =	ssettm $0x1  }
0x97: {  	s17 =	sld [smem:$0x3FFB];
	_ =	sdelay $0x3  }
0x98: {  	_ =	strace s17  }
0x99: {  	s3 =	sld [smem:$0x3FFC];
	_ =	sdelay $0x3  }
0x9a: {  	_ =	strace s3  }
0x9b: {  	s3 =	sld [smem:$0x3FFD];
	_ =	sdelay $0x3  }
0x9c: {  	_ =	strace s3  }
0x9d: {  	_ =	strace $0x8FFFFFFF  }
0x9e: {  	s18 =	sld [smem:$0x3FDB];
	_ =	sdelay $0x1  }
0x9f: {  	s19 =	simm.s32 $_scs_section_size  }
0xa0: {  	s5 =	simm.s32 $_size__tile_overlayer_lowered;
	s6 =	simm.s32 $_tile_overlayer_lowered  }
0xa1: {  	s22 =	simm.s32 $0x1BFF;
	s21 =	sshll.u32 s6, $0x1;
	s3 =	sadd.s32 s19, s18  }
0xa2: {  	s7 =	simm.s32 $0x0;
	s20 =	sshll.u32 s5, $0x1;
	s5 =	sadd.s32 s21, s3  }
0xa3: {  	[timem:s7], [sflag:s22] =	dma.local [hbm:s5], s20  }
0xa4: {  	_ =	swait.ge [sflag:s22], s20  }
0xa5: {  	s4 =	ssub.s32 $0x0, s20;
	[sflag:s22] =	ssyncset.done $0x0  }
0xa6: {  	[sflag:s22] =	ssyncadd.s32 s4;
	_ =	sdelay $0x1  }
0xa7: {  	s23 =	simm.s32 $0x1B8B  }
0xa8: {  	_ =	swait.ge [sflag:s23], $0x1  }
0xa9: {  	[sflag:s23] =	ssyncset.done $0x0  }
0xaa: {  	s25 =	simm.s32 $0x1B8E;
	s24 =	sld [smem:$0x3FFE];
	[sflag:s23] =	ssyncadd.s32 $0xFFFFFFFF  }
0xab: {  	s26 =	simm.s32 $execute0_lowered;
	[smem:$0x3FD2] =	sst s25  }
0xac: {  	s5 =	sshll.u32 s26, $0x1;
	_ =	strace $0x80000058;
	[dreg:$0x1] =	wrdreg $0xFFFFFFFF  }
0xad: {  	s28 =	simm.s32 $_size_execute0_lowered;
	s3 =	sadd.s32 s3, s5;
	[dreg:$0x0] =	wrdreg $0x0  }
0xae: {  	s5 =	sshll.u32 s28, $0x1;
	[dreg:$0x2] =	wrdreg s3  }
0xaf: {  	[dreg:$0x3] =	wrdreg s5  }
0xb0: {  	[dreg:$0x4] =	wrdreg $0xC0  }
0xb1: {  	_ =	task [dreg:s7], $0x5FFFF  }
0xb2: {  	[dreg:$0x1] =	wrdreg $0xFFFFFFFF  }
0xb3: {  	[dreg:$0x0] =	wrdreg $0x60  }
0xb4: {  	[dreg:$0x2] =	wrdreg s16  }
0xb5: {  	[dreg:$0x3] =	wrdreg s24  }
0xb6: {  	[dreg:$0x4] =	wrdreg $0x0  }
0xb7: {  	[dreg:$0x5] =	wrdreg $0x9  }
0xb8: {  	_ =	task.clear_ibuf [dreg:s7], $0x6FFFF;
	_ =	strace $0x90000058  }
0xb9: {  	s29 =	simm.s32 $0x9;
	_ =	strace $0x8000005A  }
0xba: {  	_ =	swait.ge [sflag:s29], $0x1  }
0xbb: {  	[sflag:s29] =	ssyncadd.s32 $0xFFFFFFFF  }
0xbc: {  	_ =	strace $0x9000005A  }
0xbd: {  	_ =	sfence  }
0xbe: {  	s30 =	sld [smem:$0x0];
	_ =	sdelay $0x2  }
0xbf: {  	s31 =	sshll.u32 s1, $0xD;
	s1 =	sshrl.u32 s1, $0x2  }
0xc0: {  	s3 =	sand.u32 $0x4000, s31;
	s1 =	sadd.s32 s1, s30  }
0xc1: {  	s0 =	sor.u32 s3, s0;
	s1 =	sshll.u32 s1, $0x11  }
0xc2: {  	s0 =	sor.u32 s1, s0  }
0xc3: {  	s0 =	sadd.s32 $0x8F2B, s0  }
0xc4: {  	[sflag:s0] =	ssyncadd.remote.s32 $0x1  }
0xc5: {  	_ =	sfence.sel $0xFFFF  }
0xc6: {  	[dreg:$0x0] =	wrdreg $0xFFFFFFFF;
	(pc) =	sbr.abs _section_cstart, $3  }
0xc7: {  	[dreg:$0x1] =	wrdreg $0xFFFFFFFF  }
0xc8: {  	_ =	task.clear_ibuf [dreg:s7], $0x2FFFF;
	_ =	strace $0x9FFFFFFF  }
0xc9: {  	(tm) =	ssettm $0x7FFFFFFF  }
tec
execute0_lowered:
.L_overlay_start_1:
0x0: {  	(tag) =	ssettag $0x1  }
0x1: {  	s0 =	rddreg [dreg:$0x0]  }
0x2: {  	s5 =	rddreg [dreg:$0x1]  }
0x3: {  	s1 =	srdreg.scid;
	s3 =	rddreg [dreg:$0x2]  }
0x4: {  	s2 =	stileid.u32;
	s4 =	simm.s32 $0x0;
	s14 =	simm.s32 $0x19600  }
0x5: {  	s15 =	simm.s32 $0x19300;
	s16 =	simm.s32 $0x1C600;
	s17 =	simm.s32 $0x1  }
0x6: {  	s18 =	simm.s32 $0x19180;
	s19 =	simm.s32 $0x19480;
	s8 =	smul.u32 $0x19000, s2  }
0x7: {  	s20 =	simm.s32 $0x2;
	s6 =	sand.u32 $0x1, s1;
	s11 =	smul.u32 $0x1980, s2  }
0x8: {  	s21 =	simm.s32 $0x0;
	s1 =	rddreg [dreg:$0x3];
	s7 =	smul.u32 $0x19800, s6  }
0x9: {  	[smem:$0x7FF] =	sst s4;
	s30 =	sshll.u32 s2, $0x6;
	s9 =	smul.u32 $0x190000, s6  }
0xa: {  	_ =	strace $0x80000059;
	s6 =	ssub.s32 $0x2, s6;
	s10 =	sshrl.u32 s8, $0x3  }
0xb: {  	s29 =	sshrl.u32 s6, $0x1;
	s13 =	sadd.s32 s8, s3;
	s7 =	sadd.s32 s7, s5  }
0xc: {  	s9 =	sadd.s32 s8, s9;
	s10 =	sadd.s32 s10, s5;
	s12 =	ssub.s32 s6, s29  }
0xd: {  	s6 =	sor.u32 $0x1C03, s30;
	s9 =	sshrl.u32 s9, $0x3;
	s31 =	sadd.s32 s11, s7  }
0xe: {  	s8 =	smax.u32 s12, $0x1;
	s11 =	simm.s32 $0x3;
	s12 =	simm.s32 $0x19000  }
0xf: {  	s9 =	sadd.s32 s9, s5;
	s5 =	sadd.s32 $0x3CE00, s10;
	s10 =	sshrl.u32 s13, $0x3  }
0x10: {  	s13 =	simm.s32 $0x180;
	s7 =	sadd.s32 $0x6EE00, s9;
	s9 =	sadd.s32 $0x9E00, s31  }
.LBB2_1:
0x11: {  	[spmem:s10], [sflag:s6] =	dma.local [hbm:s5], $0x3200  }
0x12: {  	_ =	swait.ge [sflag:s11], $0x3200  }
0x13: {  	[sflag:s11] =	ssyncset.done $0x0  }
0x14: {  	[sflag:s11] =	ssyncadd.s32 $0xFFFFCE00  }
0x15: {  	s22 =	sadd.s32 $0x0, s9;
	[bflag:$0x0] =	sbarrier.arrive $0xFFFF  }
0x16: {  	[tilespmem:s12], [sflag:$0x3] =	stream.linear.gather [hbm4b:s22+s4], $0x600, $0x38;
	[tilespmem:$0x1F600] =	vst v63  }
0x17: {  	_ =	swait.ge [sflag:s11], $0x600  }
0x18: {  	[sflag:s11] =	ssyncset.done $0x0  }
0x19: {  	[sflag:s11] =	ssyncadd.s32 $0xFFFFFA00  }
0x1a: {  	[tilespmem:s14], [sflag:$0x1] =	stream.indirect.gather [hbm4b:s0+s13], $0x20, s12, s13, $0xb8;
	[tilespmem:$0x1F600] =	vst v63  }
0x1b: {  	_ = 	snop  }
0x1c: {  	[tilespmem:s16], [sflag:$0x1] =	stream.indirect.gather [hbm4b:s0+s13], $0x20, s15, s13, $0xb8;
	[tilespmem:$0x1F600] =	vst v63  }
0x1d: {  	_ =	swait.ge [sflag:s17], $0x3000  }
0x1e: {  	[sflag:s17] =	ssyncset.done $0x0  }
0x1f: {  	[sflag:s17] =	ssyncadd.s32 $0xFFFFD000  }
0x20: {  	[spmem:s3] =	stream.indirect.scatter.add.f32 [tilespmem:s14], [sflag:$0x2], $0x20, s18, s13, $0xb8;
	[tilespmem:$0x1F600] =	vst v63  }
0x21: {  	_ =	swait.ge [sflag:s17], $0x3000  }
0x22: {  	[sflag:s17] =	ssyncset.done $0x0  }
0x23: {  	[sflag:s17] =	ssyncadd.s32 $0xFFFFD000  }
0x24: {  	[spmem:s3] =	stream.indirect.scatter.add.f32 [tilespmem:s16], [sflag:$0x2], $0x20, s19, s13, $0xb8;
	[tilespmem:$0x1F600] =	vst v63  }
0x25: {  	_ =	swait.ge [sflag:s20], $0x3000  }
0x26: {  	[sflag:s20] =	ssyncset.done $0x0  }
0x27: {  	[sflag:s20] =	ssyncadd.s32 $0xFFFFD000  }
0x28: {  	_ =	swait.ge [sflag:s20], $0x3000  }
0x29: {  	s23 =	simm.s32 $0x180;
	s22 =	simm.s32 $0xC0;
	[sflag:s20] =	ssyncset.done $0x0  }
.LBB2_2:
0x2a: {  	s24 =	sadd.s32 s22, s9  }
0x2b: {  	[sflag:s20] =	ssyncadd.s32 $0xFFFFD000;
	s22 =	smov.u32 s23;
	s25 =	sadd.s32 $0xC0, s23  }
0x2c: {  	[tilespmem:s12], [sflag:$0x3] =	stream.linear.gather [hbm4b:s24+s4], $0x600, $0x38;
	[tilespmem:$0x1F600] =	vst v63  }
0x2d: {  	p0 =	sne.s32 s23, $0x18C0;
	_ =	swait.ge [sflag:s11], $0x600  }
0x2e: {  	[sflag:s11] =	ssyncset.done $0x0  }
0x2f: {  	[sflag:s11] =	ssyncadd.s32 $0xFFFFFA00  }
0x30: {  	[tilespmem:s14], [sflag:$0x1] =	stream.indirect.gather [hbm4b:s0+s13], $0x20, s12, s13, $0xb8;
	[tilespmem:$0x1F600] =	vst v63  }
0x31: {  	_ = 	snop  }
0x32: {  	[tilespmem:s16], [sflag:$0x1] =	stream.indirect.gather [hbm4b:s0+s13], $0x20, s15, s13, $0xb8;
	[tilespmem:$0x1F600] =	vst v63  }
0x33: {  	_ =	swait.ge [sflag:s17], $0x3000  }
0x34: {  	[sflag:s17] =	ssyncset.done $0x0  }
0x35: {  	[sflag:s17] =	ssyncadd.s32 $0xFFFFD000  }
0x36: {  	[spmem:s3] =	stream.indirect.scatter.add.f32 [tilespmem:s14], [sflag:$0x2], $0x20, s18, s13, $0xb8;
	[tilespmem:$0x1F600] =	vst v63  }
0x37: {  	_ =	swait.ge [sflag:s17], $0x3000  }
0x38: {  	[sflag:s17] =	ssyncset.done $0x0  }
0x39: {  	[sflag:s17] =	ssyncadd.s32 $0xFFFFD000  }
0x3a: {  	[spmem:s3] =	stream.indirect.scatter.add.f32 [tilespmem:s16], [sflag:$0x2], $0x20, s19, s13, $0xb8;
	[tilespmem:$0x1F600] =	vst v63  }
.Ltmp0:
0x3b: {  	_ =	swait.ge [sflag:s20], $0x3000;
	(pc) =	sbr.rel @p0 .LBB2_2-.Ltmp0, $4  }
0x3c: {  	[sflag:s20] =	ssyncset.done $0x0  }
0x3d: {  	[sflag:s20] =	ssyncadd.s32 $0xFFFFD000  }
0x3e: {  	_ =	swait.ge [sflag:s20], $0x3000  }
0x3f: {  	s23 =	smov.u32 s25;
	[sflag:s20] =	ssyncset.done $0x0  }
0x40: {  	s22 =	sadd.s32 s22, s9;
	[sflag:s20] =	ssyncadd.s32 $0xFFFFD000  }
0x41: {  	[tilespmem:s12], [sflag:$0x3] =	stream.linear.gather [hbm4b:s22+s4], $0x600, $0x38;
	[tilespmem:$0x1F600] =	vst v63  }
0x42: {  	_ =	swait.ge [sflag:s11], $0x600  }
0x43: {  	[sflag:s11] =	ssyncset.done $0x0  }
0x44: {  	[sflag:s11] =	ssyncadd.s32 $0xFFFFFA00  }
0x45: {  	[tilespmem:s14], [sflag:$0x1] =	stream.indirect.gather [hbm4b:s0+s13], $0x20, s12, s13, $0xb8;
	[tilespmem:$0x1F600] =	vst v63  }
0x46: {  	_ = 	snop  }
0x47: {  	[tilespmem:s16], [sflag:$0x1] =	stream.indirect.gather [hbm4b:s0+s13], $0x20, s15, s13, $0xb8;
	[tilespmem:$0x1F600] =	vst v63  }
0x48: {  	_ =	swait.ge [sflag:s17], $0x3000  }
0x49: {  	[sflag:s17] =	ssyncset.done $0x0  }
0x4a: {  	[sflag:s17] =	ssyncadd.s32 $0xFFFFD000  }
0x4b: {  	[spmem:s3] =	stream.indirect.scatter.add.f32 [tilespmem:s14], [sflag:$0x2], $0x20, s18, s13, $0xb8;
	[tilespmem:$0x1F600] =	vst v63  }
0x4c: {  	_ =	swait.ge [sflag:s17], $0x3000  }
0x4d: {  	[sflag:s17] =	ssyncset.done $0x0  }
0x4e: {  	[sflag:s17] =	ssyncadd.s32 $0xFFFFD000  }
0x4f: {  	[spmem:s3] =	stream.indirect.scatter.add.f32 [tilespmem:s16], [sflag:$0x2], $0x20, s19, s13, $0xb8;
	[tilespmem:$0x1F600] =	vst v63  }
0x50: {  	_ =	swait.ge [sflag:s20], $0x3000  }
0x51: {  	[sflag:s20] =	ssyncset.done $0x0  }
0x52: {  	[sflag:s20] =	ssyncadd.s32 $0xFFFFD000  }
0x53: {  	_ =	swait.ge [sflag:s20], $0x3000  }
0x54: {  	s21 =	sadd.s32 $0x1, s21;
	[sflag:s20] =	ssyncset.done $0x0  }
0x55: {  	p0 =	sne.s32 s21, s8;
	[sflag:s20] =	ssyncadd.s32 $0xFFFFD000  }
.Ltmp1:
0x56: {  	[bflag:$0x0] =	sbarrier.arrive $0xFFFF;
	(pc) =	sbr.rel @p0 .LBB2_1-.Ltmp1, $4  }
0x57: {  	[hbm:s7], [sflag:s6] =	dma.local [spmem:s10], $0x3200  }
0x58: {  	_ =	swait.ge [sflag:s11], $0x3200  }
0x59: {  	[sflag:s11] =	ssyncset.done $0x0  }
0x5a: {  	[sflag:s11] =	ssyncadd.s32 $0xFFFFCE00  }
0x5b: {  	_ =	sfence.sel $0x180000  }
0x5c: {  	[bflag:$0x0] =	sbarrier.arrive $0xFFFF  }
0x5d: {  	p0 =	sne.s32 s2, $0x0;
	_ =	strace $0x90000059  }
0x5e: {  	s0 =	sadd.s32 @!p0 $0x100000, s1;
	[bflag:$0x2] =	sbarrier.arrive $0xFFFF  }
0x5f: {  	[sflag:s0] =	ssyncadd.tile.s32 @!p0 $0x1;
	_ =	shalt  }
.Lfunc_end2:
_tile_overlayer_lowered:
.L_overlay_start_2:
0x60: {  	(tag) =	ssettag $0x2  }
0x61: {  	s0 =	rddreg [dreg:$0x0];
	s2 =	stileid.u32  }
0x62: {  	s1 =	rddreg [dreg:$0x1];
	p0 =	sne.s32 s2, $0x0  }
0x63: {  	s3 =	rddreg [dreg:$0x2];
	[bflag:$0x3] =	sbarrier.arrive $0xFFFF;
	s2 =	simm.s32 @!p0 $0x1C03  }
0x64: {  	[timem:s3], [sflag:s2] =	dma.local @!p0 [hbm:s0], s1  }
0x65: {  	s0 =	simm.s32 @!p0 $0x3  }
0x66: {  	_ =	swait.ge @!p0 [sflag:s0], s1  }
0x67: {  	s1 =	ssub.s32 @!p0 $0x0, s1;
	[sflag:s0] =	ssyncset.done @!p0 $0x0  }
0x68: {  	[sflag:s0] =	ssyncadd.s32 @!p0 s1  }
0x69: {  	[bflag:$0x3] =	sbarrier.arrive $0xFFFF  }
0x6a: {  	_ =	shalt  }

// kernel: kernel.34.cloned.1.call-start
scs
__scs_entry_jumppad:
0x0: {  	(pc) =	sbr.rel $0x88, $3  }
0x1: {  	(tag) =	ssettag $0x0;
	lr =	simm.s32 $0x1  }
0x2: {  	[smem:$0x3F8F] =	sst lr;
	_ =	strace $0xD0000000  }
0x3: {  	_ = 	snop  }
0x4: {  	_ = 	snop  }
0x5: {  	_ = 	snop  }
0x6: {  	_ = 	snop  }
0x7: {  	_ = 	snop  }
__scs_overlays_trampoline_lowered:
0x8: {  	[smem:$0x3F9E] =	sst s0  }
0x9: {  	[smem:$0x3F9F] =	sst s1  }
0xa: {  	[smem:$0x3FA0] =	sst s2  }
0xb: {  	[smem:$0x3FA1] =	sst s3  }
0xc: {  	[smem:$0x3FA2] =	sst s4  }
0xd: {  	[smem:$0x3FA3] =	sst s5  }
0xe: {  	[smem:$0x3FA4] =	sst s6  }
0xf: {  	[smem:$0x3FA5] =	sst s7  }
0x10: {  	[smem:$0x3FA6] =	sst s8  }
0x11: {  	[smem:$0x3FA7] =	sst s9;
	s0 =	simm.s32 @!p0 $0x0  }
0x12: {  	s1 =	sld [smem:$0x3F8D];
	s0 =	simm.s32 @p0 $0x1  }
0x13: {  	[smem:$0x3FA8] =	sst s0;
	s0 =	simm.s32 @!p1 $0x0  }
0x14: {  	s2 =	sld [smem:$0x3F8C];
	s0 =	simm.s32 @p1 $0x1  }
0x15: {  	[smem:$0x3FA9] =	sst s0;
	s0 =	simm.s32 @!p2 $0x0  }
0x16: {  	s3 =	sld [smem:$0x3FDB];
	s0 =	simm.s32 @p2 $0x1  }
0x17: {  	s4 =	simm.s32 $0x1BF5;
	[smem:$0x3FAB] =	sst s0  }
0x18: {  	s0 =	sld [smem:$0x3F8E];
	_ =	swait.ge [sflag:s4], $0x0  }
0x19: {  	s7 =	sld [smem:$0x3F8F]  }
0x1a: {  	s8 =	sadd.s32 $0xFFFFE003, lr  }
0x1b: {  	s9 =	sadd.s32 $0xFFFFFEF7, lr;
	s5 =	simm.s32 $0xFFFFFFFF;
	p2 =	slt.u32 s8, $0xFFFFF086  }
0x1c: {  	p1 =	slt.u32 s9, $0xF7A;
	s5 =	simm.s32 @!p2 $0x0  }
0x1d: {  	s5 =	simm.s32 @p1 $0x1;
	p0 =	seq.s32 s7, s2  }
0x1e: {  	s7 =	smul.u32 @!p0 $0xF7A, s2;
	p2 =	seq.s32 @!p0 s5, $0x0  }
0x1f: {  	s9 =	smul.u32 $0xF7A, s1;
	s8 =	simm.s32 @!p0 $0x1BF5;
	p2 =	por !p2, p0  }
0x20: {  	[sflag:s8] =	ssyncset.s32 @!p0 $0xFFFFF086;
	s6 =	sadd.s32 @!p0 s3, s7;
	s7 =	simm.s32 @!p0 $0x108  }
0x21: {  	s3 =	sadd.s32 s3, s9;
	s6 =	sadd.s32 @!p0 $0x88, s6;
	s7 =	simm.s32 @p2 $0x1082  }
0x22: {  	[simem:s7], [sflag:s8] =	dma.local @!p0 [hbm:s6], $0xF7A  }
0x23: {  	s9 =	sor.u32 $0xD0000000, s2;
	s6 =	simm.s32 $0x108;
	_ =	swait.ge @!p0 [sflag:s8], $0x0  }
0x24: {  	s3 =	sadd.s32 $0x88, s3;
	s6 =	simm.s32 @!p1 $0x1082;
	[sflag:s4] =	ssyncset.s32 $0xFFFFF086  }
0x25: {  	[simem:s6], [sflag:s4] =	dma.local [hbm:s3], $0xF7A  }
0x26: {  	[smem:$0x3F8F] =	sst s1;
	(tag) =	ssettag s2;
	_ =	strace s9  }
0x27: {  	s1 =	sld [smem:$0x3F9F]  }
0x28: {  	s2 =	sld [smem:$0x3FA0]  }
0x29: {  	s4 =	sld [smem:$0x3FA2]  }
0x2a: {  	p0 =	seq.s32 s5, $0x0;
	s5 =	sld [smem:$0x3FA3]  }
0x2b: {  	s6 =	sld [smem:$0x3FA4]  }
0x2c: {  	s7 =	sld [smem:$0x3FA5]  }
0x2d: {  	s3 =	simm.s32 $0x108;
	s8 =	sld [smem:$0x3FA6]  }
0x2e: {  	s3 =	simm.s32 @!p0 $0x1082;
	s9 =	sld [smem:$0x3FA7]  }
0x2f: {  	lr =	sadd.s32 s0, s3;
	s0 =	sld [smem:$0x3F9E]  }
0x30: {  	s3 =	sld [smem:$0x3FA1]  }
0x31: {  	[smem:$0x3FAA] =	sst s10  }
0x32: {  	s10 =	sld [smem:$0x3FA8];
	_ =	sdelay $0x3  }
0x33: {  	p0 =	seq.s32 s10, $0x1;
	s10 =	sld [smem:$0x3FAA];
	_ =	sdelay $0x3  }
0x34: {  	[smem:$0x3FAA] =	sst s10  }
0x35: {  	s10 =	sld [smem:$0x3FA9];
	_ =	sdelay $0x3  }
0x36: {  	p1 =	seq.s32 s10, $0x1;
	s10 =	sld [smem:$0x3FAA];
	_ =	sdelay $0x3  }
0x37: {  	[smem:$0x3FAA] =	sst s10  }
0x38: {  	s10 =	sld [smem:$0x3FAB]  }
0x39: {  	_ = 	snop;
	(pc) =	sbr.ind lr, $3  }
0x3a: {  	_ = 	snop  }
0x3b: {  	_ = 	snop  }
0x3c: {  	p2 =	seq.s32 s10, $0x1;
	s10 =	sld [smem:$0x3FAA]  }
0x3d: {  	_ =	shalt  }
0x3e: {  	_ =	shalt  }
0x3f: {  	_ =	shalt  }
0x40: {  	_ =	shalt  }
0x41: {  	_ =	shalt  }
0x42: {  	_ =	shalt  }
0x43: {  	_ =	shalt  }
0x44: {  	_ =	shalt  }
0x45: {  	_ =	shalt  }
0x46: {  	_ =	shalt  }
0x47: {  	_ =	shalt  }
0x48: {  	_ =	shalt  }
0x49: {  	_ =	shalt  }
0x4a: {  	_ =	shalt  }
0x4b: {  	_ =	shalt  }
0x4c: {  	_ =	shalt  }
0x4d: {  	_ =	shalt  }
0x4e: {  	_ =	shalt  }
0x4f: {  	_ =	shalt  }
0x50: {  	_ =	shalt  }
0x51: {  	_ =	shalt  }
0x52: {  	_ =	shalt  }
0x53: {  	_ =	shalt  }
0x54: {  	_ =	shalt  }
0x55: {  	_ =	shalt  }
0x56: {  	_ =	shalt  }
0x57: {  	_ =	shalt  }
0x58: {  	_ =	shalt  }
0x59: {  	_ =	shalt  }
0x5a: {  	_ =	shalt  }
0x5b: {  	_ =	shalt  }
0x5c: {  	_ =	shalt  }
0x5d: {  	_ =	shalt  }
0x5e: {  	_ =	shalt  }
0x5f: {  	_ =	shalt  }
0x60: {  	_ =	shalt  }
0x61: {  	_ =	shalt  }
0x62: {  	_ =	shalt  }
0x63: {  	_ =	shalt  }
0x64: {  	_ =	shalt  }
0x65: {  	_ =	shalt  }
0x66: {  	_ =	shalt  }
0x67: {  	_ =	shalt  }
0x68: {  	_ =	shalt  }
0x69: {  	_ =	shalt  }
0x6a: {  	_ =	shalt  }
0x6b: {  	_ =	shalt  }
0x6c: {  	_ =	shalt  }
0x6d: {  	_ =	shalt  }
0x6e: {  	_ =	shalt  }
0x6f: {  	_ =	shalt  }
0x70: {  	_ =	shalt  }
0x71: {  	_ =	shalt  }
0x72: {  	_ =	shalt  }
0x73: {  	_ =	shalt  }
0x74: {  	_ =	shalt  }
0x75: {  	_ =	shalt  }
0x76: {  	_ =	shalt  }
0x77: {  	_ =	shalt  }
0x78: {  	_ =	shalt  }
0x79: {  	_ =	shalt  }
0x7a: {  	_ =	shalt  }
0x7b: {  	_ =	shalt  }
0x7c: {  	_ =	shalt  }
0x7d: {  	_ =	shalt  }
0x7e: {  	_ =	shalt  }
0x7f: {  	_ =	shalt  }
0x80: {  	_ =	shalt  }
0x81: {  	_ =	shalt  }
0x82: {  	_ =	shalt  }
0x83: {  	_ =	shalt  }
0x84: {  	_ =	shalt  }
0x85: {  	_ =	shalt  }
0x86: {  	_ =	shalt  }
0x87: {  	_ =	shalt  }
.Lfunc_end0:
.L_simem_size_0:
called_computation.7_lowered:
.L_overlay_start_0:
0x88: {  	s2 =	sld [smem:$0x3FD9]  }
0x89: {  	s3 =	sld [smem:$0x3FFE];
	_ =	sdelay $0x1  }
0x8a: {  	s1 =	srdreg.scid  }
0x8b: {  	s0 =	sand.u32 $0x1, s1  }
0x8c: {  	s14 =	sshll.u32 s0, $0xA;
	s2 =	sadd.s32 s3, s2  }
0x8d: {  	s2 =	sadd.s32 s2, s14  }
0x8e: {  	[smem:$0x3FB6] =	sst s2  }
0x8f: {  	_ = 	snop  }
0x90: {  	s2 =	sld [smem:$0x3FD0];
	_ =	sdelay $0x2  }
0x91: {  	s15 =	simm.s32 $0xA;
	s4 =	simm.s32 $0x10  }
0x92: {  	[smem:s4], [sflag:s15] =	dma.local [hbm:s2], $0x1  }
0x93: {  	_ =	swait.eq [sflag:s15], $0x1  }
0x94: {  	[sflag:s15] =	ssyncset.done $0x0  }
0x95: {  	[sflag:s15] =	ssyncadd.s32 $0xFFFFFFFF  }
0x96: {  	s16 =	sld [smem:$0x10];
	(tm) =	ssettm $0x1  }
0x97: {  	s17 =	sld [smem:$0x3FFB];
	_ =	sdelay $0x3  }
0x98: {  	_ =	strace s17  }
0x99: {  	s3 =	sld [smem:$0x3FFC];
	_ =	sdelay $0x3  }
0x9a: {  	_ =	strace s3  }
0x9b: {  	s3 =	sld [smem:$0x3FFD];
	_ =	sdelay $0x3  }
0x9c: {  	_ =	strace s3  }
0x9d: {  	_ =	strace $0x8FFFFFFF  }
0x9e: {  	s18 =	sld [smem:$0x3FDB];
	_ =	sdelay $0x1  }
0x9f: {  	s19 =	simm.s32 $_scs_section_size  }
0xa0: {  	s5 =	simm.s32 $_size__tile_overlayer_lowered;
	s6 =	simm.s32 $_tile_overlayer_lowered  }
0xa1: {  	s22 =	simm.s32 $0x1BFF;
	s21 =	sshll.u32 s6, $0x1;
	s3 =	sadd.s32 s19, s18  }
0xa2: {  	s7 =	simm.s32 $0x0;
	s20 =	sshll.u32 s5, $0x1;
	s5 =	sadd.s32 s21, s3  }
0xa3: {  	[timem:s7], [sflag:s22] =	dma.local [hbm:s5], s20  }
0xa4: {  	_ =	swait.ge [sflag:s22], s20  }
0xa5: {  	s4 =	ssub.s32 $0x0, s20;
	[sflag:s22] =	ssyncset.done $0x0  }
0xa6: {  	[sflag:s22] =	ssyncadd.s32 s4;
	_ =	sdelay $0x1  }
0xa7: {  	s23 =	simm.s32 $0x1B8B  }
0xa8: {  	_ =	swait.ge [sflag:s23], $0x1  }
0xa9: {  	[sflag:s23] =	ssyncset.done $0x0  }
0xaa: {  	s25 =	simm.s32 $0x1B8E;
	s24 =	sld [smem:$0x3FFE];
	[sflag:s23] =	ssyncadd.s32 $0xFFFFFFFF  }
0xab: {  	s26 =	simm.s32 $execute0_lowered;
	[smem:$0x3FD2] =	sst s25  }
0xac: {  	s5 =	sshll.u32 s26, $0x1;
	_ =	strace $0x8000005B;
	[dreg:$0x1] =	wrdreg $0xFFFFFFFF  }
0xad: {  	s28 =	simm.s32 $_size_execute0_lowered;
	s3 =	sadd.s32 s3, s5;
	[dreg:$0x0] =	wrdreg $0x0  }
0xae: {  	s5 =	sshll.u32 s28, $0x1;
	[dreg:$0x2] =	wrdreg s3  }
0xaf: {  	[dreg:$0x3] =	wrdreg s5  }
0xb0: {  	[dreg:$0x4] =	wrdreg $0xC0  }
0xb1: {  	_ =	task [dreg:s7], $0x5FFFF  }
0xb2: {  	[dreg:$0x1] =	wrdreg $0xFFFFFFFF  }
0xb3: {  	[dreg:$0x0] =	wrdreg $0x60  }
0xb4: {  	[dreg:$0x2] =	wrdreg s16  }
0xb5: {  	[dreg:$0x3] =	wrdreg s24  }
0xb6: {  	[dreg:$0x4] =	wrdreg $0x0  }
0xb7: {  	[dreg:$0x5] =	wrdreg $0x9  }
0xb8: {  	_ =	task.clear_ibuf [dreg:s7], $0x6FFFF;
	_ =	strace $0x9000005B  }
0xb9: {  	s29 =	simm.s32 $0x9;
	_ =	strace $0x8000005D  }
0xba: {  	_ =	swait.ge [sflag:s29], $0x1  }
0xbb: {  	[sflag:s29] =	ssyncadd.s32 $0xFFFFFFFF  }
0xbc: {  	_ =	strace $0x9000005D  }
0xbd: {  	_ =	sfence  }
0xbe: {  	s30 =	sld [smem:$0x0];
	_ =	sdelay $0x2  }
0xbf: {  	s31 =	sshll.u32 s1, $0xD;
	s1 =	sshrl.u32 s1, $0x2  }
0xc0: {  	s3 =	sand.u32 $0x4000, s31;
	s1 =	sadd.s32 s1, s30  }
0xc1: {  	s0 =	sor.u32 s3, s0;
	s1 =	sshll.u32 s1, $0x11  }
0xc2: {  	s0 =	sor.u32 s1, s0  }
0xc3: {  	s0 =	sadd.s32 $0x8F2B, s0  }
0xc4: {  	[sflag:s0] =	ssyncadd.remote.s32 $0x1  }
0xc5: {  	_ =	sfence.sel $0xFFFF  }
0xc6: {  	[dreg:$0x0] =	wrdreg $0xFFFFFFFF;
	(pc) =	sbr.abs _section_cstart, $3  }
0xc7: {  	[dreg:$0x1] =	wrdreg $0xFFFFFFFF  }
0xc8: {  	_ =	task.clear_ibuf [dreg:s7], $0x2FFFF;
	_ =	strace $0x9FFFFFFF  }
0xc9: {  	(tm) =	ssettm $0x7FFFFFFF  }
tec
execute0_lowered:
.L_overlay_start_1:
0x0: {  	(tag) =	ssettag $0x1  }
0x1: {  	s0 =	rddreg [dreg:$0x0]  }
0x2: {  	s5 =	rddreg [dreg:$0x1]  }
0x3: {  	s1 =	srdreg.scid;
	s3 =	rddreg [dreg:$0x2]  }
0x4: {  	s2 =	stileid.u32;
	s4 =	simm.s32 $0x0;
	s14 =	simm.s32 $0x19600  }
0x5: {  	s15 =	simm.s32 $0x19300;
	s16 =	simm.s32 $0x1C600;
	s17 =	simm.s32 $0x1  }
0x6: {  	s18 =	simm.s32 $0x19180;
	s19 =	simm.s32 $0x19480;
	s8 =	smul.u32 $0x19000, s2  }
0x7: {  	s20 =	simm.s32 $0x2;
	s6 =	sand.u32 $0x1, s1;
	s11 =	smul.u32 $0x1980, s2  }
0x8: {  	s21 =	simm.s32 $0x0;
	s1 =	rddreg [dreg:$0x3];
	s7 =	smul.u32 $0x19800, s6  }
0x9: {  	[smem:$0x7FF] =	sst s4;
	s30 =	sshll.u32 s2, $0x6;
	s9 =	smul.u32 $0x190000, s6  }
0xa: {  	_ =	strace $0x8000005C;
	s6 =	ssub.s32 $0x2, s6;
	s10 =	sshrl.u32 s8, $0x3  }
0xb: {  	s29 =	sshrl.u32 s6, $0x1;
	s13 =	sadd.s32 s8, s3;
	s7 =	sadd.s32 s7, s5  }
0xc: {  	s9 =	sadd.s32 s8, s9;
	s10 =	sadd.s32 s10, s5;
	s12 =	ssub.s32 s6, s29  }
0xd: {  	s6 =	sor.u32 $0x1C03, s30;
	s9 =	sshrl.u32 s9, $0x3;
	s31 =	sadd.s32 s11, s7  }
0xe: {  	s8 =	smax.u32 s12, $0x1;
	s11 =	simm.s32 $0x3;
	s12 =	simm.s32 $0x19000  }
0xf: {  	s9 =	sadd.s32 s9, s5;
	s5 =	sadd.s32 $0x3CE00, s10;
	s10 =	sshrl.u32 s13, $0x3  }
0x10: {  	s13 =	simm.s32 $0x180;
	s7 =	sadd.s32 $0x6EE00, s9;
	s9 =	sadd.s32 $0x9E00, s31  }
.LBB2_1:
0x11: {  	[spmem:s10], [sflag:s6] =	dma.local [hbm:s5], $0x3200  }
0x12: {  	_ =	swait.ge [sflag:s11], $0x3200  }
0x13: {  	[sflag:s11] =	ssyncset.done $0x0  }
0x14: {  	[sflag:s11] =	ssyncadd.s32 $0xFFFFCE00  }
0x15: {  	s22 =	sadd.s32 $0x0, s9;
	[bflag:$0x0] =	sbarrier.arrive $0xFFFF  }
0x16: {  	[tilespmem:s12], [sflag:$0x3] =	stream.linear.gather [hbm4b:s22+s4], $0x600, $0x38;
	[tilespmem:$0x1F600] =	vst v63  }
0x17: {  	_ =	swait.ge [sflag:s11], $0x600  }
0x18: {  	[sflag:s11] =	ssyncset.done $0x0  }
0x19: {  	[sflag:s11] =	ssyncadd.s32 $0xFFFFFA00  }
0x1a: {  	[tilespmem:s14], [sflag:$0x1] =	stream.indirect.gather [hbm4b:s0+s13], $0x20, s12, s13, $0xb8;
	[tilespmem:$0x1F600] =	vst v63  }
0x1b: {  	_ = 	snop  }
0x1c: {  	[tilespmem:s16], [sflag:$0x1] =	stream.indirect.gather [hbm4b:s0+s13], $0x20, s15, s13, $0xb8;
	[tilespmem:$0x1F600] =	vst v63  }
0x1d: {  	_ =	swait.ge [sflag:s17], $0x3000  }
0x1e: {  	[sflag:s17] =	ssyncset.done $0x0  }
0x1f: {  	[sflag:s17] =	ssyncadd.s32 $0xFFFFD000  }
0x20: {  	[spmem:s3] =	stream.indirect.scatter.add.f32 [tilespmem:s14], [sflag:$0x2], $0x20, s18, s13, $0xb8;
	[tilespmem:$0x1F600] =	vst v63  }
0x21: {  	_ =	swait.ge [sflag:s17], $0x3000  }
0x22: {  	[sflag:s17] =	ssyncset.done $0x0  }
0x23: {  	[sflag:s17] =	ssyncadd.s32 $0xFFFFD000  }
0x24: {  	[spmem:s3] =	stream.indirect.scatter.add.f32 [tilespmem:s16], [sflag:$0x2], $0x20, s19, s13, $0xb8;
	[tilespmem:$0x1F600] =	vst v63  }
0x25: {  	_ =	swait.ge [sflag:s20], $0x3000  }
0x26: {  	[sflag:s20] =	ssyncset.done $0x0  }
0x27: {  	[sflag:s20] =	ssyncadd.s32 $0xFFFFD000  }
0x28: {  	_ =	swait.ge [sflag:s20], $0x3000  }
0x29: {  	s23 =	simm.s32 $0x180;
	s22 =	simm.s32 $0xC0;
	[sflag:s20] =	ssyncset.done $0x0  }
.LBB2_2:
0x2a: {  	s24 =	sadd.s32 s22, s9  }
0x2b: {  	[sflag:s20] =	ssyncadd.s32 $0xFFFFD000;
	s22 =	smov.u32 s23;
	s25 =	sadd.s32 $0xC0, s23  }
0x2c: {  	[tilespmem:s12], [sflag:$0x3] =	stream.linear.gather [hbm4b:s24+s4], $0x600, $0x38;
	[tilespmem:$0x1F600] =	vst v63  }
0x2d: {  	p0 =	sne.s32 s23, $0x18C0;
	_ =	swait.ge [sflag:s11], $0x600  }
0x2e: {  	[sflag:s11] =	ssyncset.done $0x0  }
0x2f: {  	[sflag:s11] =	ssyncadd.s32 $0xFFFFFA00  }
0x30: {  	[tilespmem:s14], [sflag:$0x1] =	stream.indirect.gather [hbm4b:s0+s13], $0x20, s12, s13, $0xb8;
	[tilespmem:$0x1F600] =	vst v63  }
0x31: {  	_ = 	snop  }
0x32: {  	[tilespmem:s16], [sflag:$0x1] =	stream.indirect.gather [hbm4b:s0+s13], $0x20, s15, s13, $0xb8;
	[tilespmem:$0x1F600] =	vst v63  }
0x33: {  	_ =	swait.ge [sflag:s17], $0x3000  }
0x34: {  	[sflag:s17] =	ssyncset.done $0x0  }
0x35: {  	[sflag:s17] =	ssyncadd.s32 $0xFFFFD000  }
0x36: {  	[spmem:s3] =	stream.indirect.scatter.add.f32 [tilespmem:s14], [sflag:$0x2], $0x20, s18, s13, $0xb8;
	[tilespmem:$0x1F600] =	vst v63  }
0x37: {  	_ =	swait.ge [sflag:s17], $0x3000  }
0x38: {  	[sflag:s17] =	ssyncset.done $0x0  }
0x39: {  	[sflag:s17] =	ssyncadd.s32 $0xFFFFD000  }
0x3a: {  	[spmem:s3] =	stream.indirect.scatter.add.f32 [tilespmem:s16], [sflag:$0x2], $0x20, s19, s13, $0xb8;
	[tilespmem:$0x1F600] =	vst v63  }
.Ltmp0:
0x3b: {  	_ =	swait.ge [sflag:s20], $0x3000;
	(pc) =	sbr.rel @p0 .LBB2_2-.Ltmp0, $4  }
0x3c: {  	[sflag:s20] =	ssyncset.done $0x0  }
0x3d: {  	[sflag:s20] =	ssyncadd.s32 $0xFFFFD000  }
0x3e: {  	_ =	swait.ge [sflag:s20], $0x3000  }
0x3f: {  	s23 =	smov.u32 s25;
	[sflag:s20] =	ssyncset.done $0x0  }
0x40: {  	s22 =	sadd.s32 s22, s9;
	[sflag:s20] =	ssyncadd.s32 $0xFFFFD000  }
0x41: {  	[tilespmem:s12], [sflag:$0x3] =	stream.linear.gather [hbm4b:s22+s4], $0x600, $0x38;
	[tilespmem:$0x1F600] =	vst v63  }
0x42: {  	_ =	swait.ge [sflag:s11], $0x600  }
0x43: {  	[sflag:s11] =	ssyncset.done $0x0  }
0x44: {  	[sflag:s11] =	ssyncadd.s32 $0xFFFFFA00  }
0x45: {  	[tilespmem:s14], [sflag:$0x1] =	stream.indirect.gather [hbm4b:s0+s13], $0x20, s12, s13, $0xb8;
	[tilespmem:$0x1F600] =	vst v63  }
0x46: {  	_ = 	snop  }
0x47: {  	[tilespmem:s16], [sflag:$0x1] =	stream.indirect.gather [hbm4b:s0+s13], $0x20, s15, s13, $0xb8;
	[tilespmem:$0x1F600] =	vst v63  }
0x48: {  	_ =	swait.ge [sflag:s17], $0x3000  }
0x49: {  	[sflag:s17] =	ssyncset.done $0x0  }
0x4a: {  	[sflag:s17] =	ssyncadd.s32 $0xFFFFD000  }
0x4b: {  	[spmem:s3] =	stream.indirect.scatter.add.f32 [tilespmem:s14], [sflag:$0x2], $0x20, s18, s13, $0xb8;
	[tilespmem:$0x1F600] =	vst v63  }
0x4c: {  	_ =	swait.ge [sflag:s17], $0x3000  }
0x4d: {  	[sflag:s17] =	ssyncset.done $0x0  }
0x4e: {  	[sflag:s17] =	ssyncadd.s32 $0xFFFFD000  }
0x4f: {  	[spmem:s3] =	stream.indirect.scatter.add.f32 [tilespmem:s16], [sflag:$0x2], $0x20, s19, s13, $0xb8;
	[tilespmem:$0x1F600] =	vst v63  }
0x50: {  	_ =	swait.ge [sflag:s20], $0x3000  }
0x51: {  	[sflag:s20] =	ssyncset.done $0x0  }
0x52: {  	[sflag:s20] =	ssyncadd.s32 $0xFFFFD000  }
0x53: {  	_ =	swait.ge [sflag:s20], $0x3000  }
0x54: {  	s21 =	sadd.s32 $0x1, s21;
	[sflag:s20] =	ssyncset.done $0x0  }
0x55: {  	p0 =	sne.s32 s21, s8;
	[sflag:s20] =	ssyncadd.s32 $0xFFFFD000  }
.Ltmp1:
0x56: {  	[bflag:$0x0] =	sbarrier.arrive $0xFFFF;
	(pc) =	sbr.rel @p0 .LBB2_1-.Ltmp1, $4  }
0x57: {  	[hbm:s7], [sflag:s6] =	dma.local [spmem:s10], $0x3200  }
0x58: {  	_ =	swait.ge [sflag:s11], $0x3200  }
0x59: {  	[sflag:s11] =	ssyncset.done $0x0  }
0x5a: {  	[sflag:s11] =	ssyncadd.s32 $0xFFFFCE00  }
0x5b: {  	_ =	sfence.sel $0x180000  }
0x5c: {  	[bflag:$0x0] =	sbarrier.arrive $0xFFFF  }
0x5d: {  	p0 =	sne.s32 s2, $0x0;
	_ =	strace $0x9000005C  }
0x5e: {  	s0 =	sadd.s32 @!p0 $0x100000, s1;
	[bflag:$0x2] =	sbarrier.arrive $0xFFFF  }
0x5f: {  	[sflag:s0] =	ssyncadd.tile.s32 @!p0 $0x1;
	_ =	shalt  }
.Lfunc_end2:
_tile_overlayer_lowered:
.L_overlay_start_2:
0x60: {  	(tag) =	ssettag $0x2  }
0x61: {  	s0 =	rddreg [dreg:$0x0];
	s2 =	stileid.u32  }
0x62: {  	s1 =	rddreg [dreg:$0x1];
	p0 =	sne.s32 s2, $0x0  }
0x63: {  	s3 =	rddreg [dreg:$0x2];
	[bflag:$0x3] =	sbarrier.arrive $0xFFFF;
	s2 =	simm.s32 @!p0 $0x1C03  }
0x64: {  	[timem:s3], [sflag:s2] =	dma.local @!p0 [hbm:s0], s1  }
0x65: {  	s0 =	simm.s32 @!p0 $0x3  }
0x66: {  	_ =	swait.ge @!p0 [sflag:s0], s1  }
0x67: {  	s1 =	ssub.s32 @!p0 $0x0, s1;
	[sflag:s0] =	ssyncset.done @!p0 $0x0  }
0x68: {  	[sflag:s0] =	ssyncadd.s32 @!p0 s1  }
0x69: {  	[bflag:$0x3] =	sbarrier.arrive $0xFFFF  }
0x6a: {  	_ =	shalt  }

// kernel: kernel.37.cloned.1.call-start
scs
__scs_entry_jumppad:
0x0: {  	(pc) =	sbr.rel $0x88, $3  }
0x1: {  	(tag) =	ssettag $0x0;
	lr =	simm.s32 $0x1  }
0x2: {  	[smem:$0x3F8F] =	sst lr;
	_ =	strace $0xD0000000  }
0x3: {  	_ = 	snop  }
0x4: {  	_ = 	snop  }
0x5: {  	_ = 	snop  }
0x6: {  	_ = 	snop  }
0x7: {  	_ = 	snop  }
__scs_overlays_trampoline_lowered:
0x8: {  	[smem:$0x3F9E] =	sst s0  }
0x9: {  	[smem:$0x3F9F] =	sst s1  }
0xa: {  	[smem:$0x3FA0] =	sst s2  }
0xb: {  	[smem:$0x3FA1] =	sst s3  }
0xc: {  	[smem:$0x3FA2] =	sst s4  }
0xd: {  	[smem:$0x3FA3] =	sst s5  }
0xe: {  	[smem:$0x3FA4] =	sst s6  }
0xf: {  	[smem:$0x3FA5] =	sst s7  }
0x10: {  	[smem:$0x3FA6] =	sst s8  }
0x11: {  	[smem:$0x3FA7] =	sst s9;
	s0 =	simm.s32 @!p0 $0x0  }
0x12: {  	s1 =	sld [smem:$0x3F8D];
	s0 =	simm.s32 @p0 $0x1  }
0x13: {  	[smem:$0x3FA8] =	sst s0;
	s0 =	simm.s32 @!p1 $0x0  }
0x14: {  	s2 =	sld [smem:$0x3F8C];
	s0 =	simm.s32 @p1 $0x1  }
0x15: {  	[smem:$0x3FA9] =	sst s0;
	s0 =	simm.s32 @!p2 $0x0  }
0x16: {  	s3 =	sld [smem:$0x3FDB];
	s0 =	simm.s32 @p2 $0x1  }
0x17: {  	s4 =	simm.s32 $0x1BF5;
	[smem:$0x3FAB] =	sst s0  }
0x18: {  	s0 =	sld [smem:$0x3F8E];
	_ =	swait.ge [sflag:s4], $0x0  }
0x19: {  	s7 =	sld [smem:$0x3F8F]  }
0x1a: {  	s8 =	sadd.s32 $0xFFFFE003, lr  }
0x1b: {  	s9 =	sadd.s32 $0xFFFFFEF7, lr;
	s5 =	simm.s32 $0xFFFFFFFF;
	p2 =	slt.u32 s8, $0xFFFFF086  }
0x1c: {  	p1 =	slt.u32 s9, $0xF7A;
	s5 =	simm.s32 @!p2 $0x0  }
0x1d: {  	s5 =	simm.s32 @p1 $0x1;
	p0 =	seq.s32 s7, s2  }
0x1e: {  	s7 =	smul.u32 @!p0 $0xF7A, s2;
	p2 =	seq.s32 @!p0 s5, $0x0  }
0x1f: {  	s9 =	smul.u32 $0xF7A, s1;
	s8 =	simm.s32 @!p0 $0x1BF5;
	p2 =	por !p2, p0  }
0x20: {  	[sflag:s8] =	ssyncset.s32 @!p0 $0xFFFFF086;
	s6 =	sadd.s32 @!p0 s3, s7;
	s7 =	simm.s32 @!p0 $0x108  }
0x21: {  	s3 =	sadd.s32 s3, s9;
	s6 =	sadd.s32 @!p0 $0x88, s6;
	s7 =	simm.s32 @p2 $0x1082  }
0x22: {  	[simem:s7], [sflag:s8] =	dma.local @!p0 [hbm:s6], $0xF7A  }
0x23: {  	s9 =	sor.u32 $0xD0000000, s2;
	s6 =	simm.s32 $0x108;
	_ =	swait.ge @!p0 [sflag:s8], $0x0  }
0x24: {  	s3 =	sadd.s32 $0x88, s3;
	s6 =	simm.s32 @!p1 $0x1082;
	[sflag:s4] =	ssyncset.s32 $0xFFFFF086  }
0x25: {  	[simem:s6], [sflag:s4] =	dma.local [hbm:s3], $0xF7A  }
0x26: {  	[smem:$0x3F8F] =	sst s1;
	(tag) =	ssettag s2;
	_ =	strace s9  }
0x27: {  	s1 =	sld [smem:$0x3F9F]  }
0x28: {  	s2 =	sld [smem:$0x3FA0]  }
0x29: {  	s4 =	sld [smem:$0x3FA2]  }
0x2a: {  	p0 =	seq.s32 s5, $0x0;
	s5 =	sld [smem:$0x3FA3]  }
0x2b: {  	s6 =	sld [smem:$0x3FA4]  }
0x2c: {  	s7 =	sld [smem:$0x3FA5]  }
0x2d: {  	s3 =	simm.s32 $0x108;
	s8 =	sld [smem:$0x3FA6]  }
0x2e: {  	s3 =	simm.s32 @!p0 $0x1082;
	s9 =	sld [smem:$0x3FA7]  }
0x2f: {  	lr =	sadd.s32 s0, s3;
	s0 =	sld [smem:$0x3F9E]  }
0x30: {  	s3 =	sld [smem:$0x3FA1]  }
0x31: {  	[smem:$0x3FAA] =	sst s10  }
0x32: {  	s10 =	sld [smem:$0x3FA8];
	_ =	sdelay $0x3  }
0x33: {  	p0 =	seq.s32 s10, $0x1;
	s10 =	sld [smem:$0x3FAA];
	_ =	sdelay $0x3  }
0x34: {  	[smem:$0x3FAA] =	sst s10  }
0x35: {  	s10 =	sld [smem:$0x3FA9];
	_ =	sdelay $0x3  }
0x36: {  	p1 =	seq.s32 s10, $0x1;
	s10 =	sld [smem:$0x3FAA];
	_ =	sdelay $0x3  }
0x37: {  	[smem:$0x3FAA] =	sst s10  }
0x38: {  	s10 =	sld [smem:$0x3FAB]  }
0x39: {  	_ = 	snop;
	(pc) =	sbr.ind lr, $3  }
0x3a: {  	_ = 	snop  }
0x3b: {  	_ = 	snop  }
0x3c: {  	p2 =	seq.s32 s10, $0x1;
	s10 =	sld [smem:$0x3FAA]  }
0x3d: {  	_ =	shalt  }
0x3e: {  	_ =	shalt  }
0x3f: {  	_ =	shalt  }
0x40: {  	_ =	shalt  }
0x41: {  	_ =	shalt  }
0x42: {  	_ =	shalt  }
0x43: {  	_ =	shalt  }
0x44: {  	_ =	shalt  }
0x45: {  	_ =	shalt  }
0x46: {  	_ =	shalt  }
0x47: {  	_ =	shalt  }
0x48: {  	_ =	shalt  }
0x49: {  	_ =	shalt  }
0x4a: {  	_ =	shalt  }
0x4b: {  	_ =	shalt  }
0x4c: {  	_ =	shalt  }
0x4d: {  	_ =	shalt  }
0x4e: {  	_ =	shalt  }
0x4f: {  	_ =	shalt  }
0x50: {  	_ =	shalt  }
0x51: {  	_ =	shalt  }
0x52: {  	_ =	shalt  }
0x53: {  	_ =	shalt  }
0x54: {  	_ =	shalt  }
0x55: {  	_ =	shalt  }
0x56: {  	_ =	shalt  }
0x57: {  	_ =	shalt  }
0x58: {  	_ =	shalt  }
0x59: {  	_ =	shalt  }
0x5a: {  	_ =	shalt  }
0x5b: {  	_ =	shalt  }
0x5c: {  	_ =	shalt  }
0x5d: {  	_ =	shalt  }
0x5e: {  	_ =	shalt  }
0x5f: {  	_ =	shalt  }
0x60: {  	_ =	shalt  }
0x61: {  	_ =	shalt  }
0x62: {  	_ =	shalt  }
0x63: {  	_ =	shalt  }
0x64: {  	_ =	shalt  }
0x65: {  	_ =	shalt  }
0x66: {  	_ =	shalt  }
0x67: {  	_ =	shalt  }
0x68: {  	_ =	shalt  }
0x69: {  	_ =	shalt  }
0x6a: {  	_ =	shalt  }
0x6b: {  	_ =	shalt  }
0x6c: {  	_ =	shalt  }
0x6d: {  	_ =	shalt  }
0x6e: {  	_ =	shalt  }
0x6f: {  	_ =	shalt  }
0x70: {  	_ =	shalt  }
0x71: {  	_ =	shalt  }
0x72: {  	_ =	shalt  }
0x73: {  	_ =	shalt  }
0x74: {  	_ =	shalt  }
0x75: {  	_ =	shalt  }
0x76: {  	_ =	shalt  }
0x77: {  	_ =	shalt  }
0x78: {  	_ =	shalt  }
0x79: {  	_ =	shalt  }
0x7a: {  	_ =	shalt  }
0x7b: {  	_ =	shalt  }
0x7c: {  	_ =	shalt  }
0x7d: {  	_ =	shalt  }
0x7e: {  	_ =	shalt  }
0x7f: {  	_ =	shalt  }
0x80: {  	_ =	shalt  }
0x81: {  	_ =	shalt  }
0x82: {  	_ =	shalt  }
0x83: {  	_ =	shalt  }
0x84: {  	_ =	shalt  }
0x85: {  	_ =	shalt  }
0x86: {  	_ =	shalt  }
0x87: {  	_ =	shalt  }
.Lfunc_end0:
.L_simem_size_0:
called_computation.8_lowered:
.L_overlay_start_0:
0x88: {  	s2 =	sld [smem:$0x3FD9]  }
0x89: {  	s3 =	sld [smem:$0x3FFE];
	_ =	sdelay $0x1  }
0x8a: {  	s1 =	srdreg.scid  }
0x8b: {  	s0 =	sand.u32 $0x1, s1  }
0x8c: {  	s14 =	sshll.u32 s0, $0xA;
	s2 =	sadd.s32 s3, s2  }
0x8d: {  	s2 =	sadd.s32 s2, s14  }
0x8e: {  	[smem:$0x3FB6] =	sst s2  }
0x8f: {  	_ = 	snop  }
0x90: {  	s2 =	sld [smem:$0x3FD0];
	_ =	sdelay $0x2  }
0x91: {  	s15 =	simm.s32 $0xA;
	s4 =	simm.s32 $0x10  }
0x92: {  	[smem:s4], [sflag:s15] =	dma.local [hbm:s2], $0x1  }
0x93: {  	_ =	swait.eq [sflag:s15], $0x1  }
0x94: {  	[sflag:s15] =	ssyncset.done $0x0  }
0x95: {  	[sflag:s15] =	ssyncadd.s32 $0xFFFFFFFF  }
0x96: {  	s16 =	sld [smem:$0x10];
	(tm) =	ssettm $0x1  }
0x97: {  	s17 =	sld [smem:$0x3FFB];
	_ =	sdelay $0x3  }
0x98: {  	_ =	strace s17  }
0x99: {  	s3 =	sld [smem:$0x3FFC];
	_ =	sdelay $0x3  }
0x9a: {  	_ =	strace s3  }
0x9b: {  	s3 =	sld [smem:$0x3FFD];
	_ =	sdelay $0x3  }
0x9c: {  	_ =	strace s3  }
0x9d: {  	_ =	strace $0x8FFFFFFF  }
0x9e: {  	s18 =	sld [smem:$0x3FDB];
	_ =	sdelay $0x1  }
0x9f: {  	s19 =	simm.s32 $_scs_section_size  }
0xa0: {  	s5 =	simm.s32 $_size__tile_overlayer_lowered;
	s6 =	simm.s32 $_tile_overlayer_lowered  }
0xa1: {  	s22 =	simm.s32 $0x1BFF;
	s21 =	sshll.u32 s6, $0x1;
	s3 =	sadd.s32 s19, s18  }
0xa2: {  	s7 =	simm.s32 $0x0;
	s20 =	sshll.u32 s5, $0x1;
	s5 =	sadd.s32 s21, s3  }
0xa3: {  	[timem:s7], [sflag:s22] =	dma.local [hbm:s5], s20  }
0xa4: {  	_ =	swait.ge [sflag:s22], s20  }
0xa5: {  	s4 =	ssub.s32 $0x0, s20;
	[sflag:s22] =	ssyncset.done $0x0  }
0xa6: {  	[sflag:s22] =	ssyncadd.s32 s4;
	_ =	sdelay $0x1  }
0xa7: {  	s23 =	simm.s32 $0x1B8B  }
0xa8: {  	_ =	swait.ge [sflag:s23], $0x1  }
0xa9: {  	[sflag:s23] =	ssyncset.done $0x0  }
0xaa: {  	s25 =	simm.s32 $0x1B8E;
	s24 =	sld [smem:$0x3FFE];
	[sflag:s23] =	ssyncadd.s32 $0xFFFFFFFF  }
0xab: {  	s26 =	simm.s32 $execute0_lowered;
	[smem:$0x3FD2] =	sst s25  }
0xac: {  	s5 =	sshll.u32 s26, $0x1;
	_ =	strace $0x8000005E;
	[dreg:$0x1] =	wrdreg $0xFFFFFFFF  }
0xad: {  	s28 =	simm.s32 $_size_execute0_lowered;
	s3 =	sadd.s32 s3, s5;
	[dreg:$0x0] =	wrdreg $0x0  }
0xae: {  	s5 =	sshll.u32 s28, $0x1;
	[dreg:$0x2] =	wrdreg s3  }
0xaf: {  	[dreg:$0x3] =	wrdreg s5  }
0xb0: {  	[dreg:$0x4] =	wrdreg $0xC0  }
0xb1: {  	_ =	task [dreg:s7], $0x5FFFF  }
0xb2: {  	[dreg:$0x1] =	wrdreg $0xFFFFFFFF  }
0xb3: {  	[dreg:$0x0] =	wrdreg $0x60  }
0xb4: {  	[dreg:$0x2] =	wrdreg s16  }
0xb5: {  	[dreg:$0x3] =	wrdreg s24  }
0xb6: {  	[dreg:$0x4] =	wrdreg $0x0  }
0xb7: {  	[dreg:$0x5] =	wrdreg $0x9  }
0xb8: {  	_ =	task.clear_ibuf [dreg:s7], $0x6FFFF;
	_ =	strace $0x9000005E  }
0xb9: {  	s29 =	simm.s32 $0x9;
	_ =	strace $0x80000060  }
0xba: {  	_ =	swait.ge [sflag:s29], $0x1  }
0xbb: {  	[sflag:s29] =	ssyncadd.s32 $0xFFFFFFFF  }
0xbc: {  	_ =	strace $0x90000060  }
0xbd: {  	_ =	sfence  }
0xbe: {  	s30 =	sld [smem:$0x0];
	_ =	sdelay $0x2  }
0xbf: {  	s31 =	sshll.u32 s1, $0xD;
	s1 =	sshrl.u32 s1, $0x2  }
0xc0: {  	s3 =	sand.u32 $0x4000, s31;
	s1 =	sadd.s32 s1, s30  }
0xc1: {  	s0 =	sor.u32 s3, s0;
	s1 =	sshll.u32 s1, $0x11  }
0xc2: {  	s0 =	sor.u32 s1, s0  }
0xc3: {  	s0 =	sadd.s32 $0x8F2B, s0  }
0xc4: {  	[sflag:s0] =	ssyncadd.remote.s32 $0x1  }
0xc5: {  	_ =	sfence.sel $0xFFFF  }
0xc6: {  	[dreg:$0x0] =	wrdreg $0xFFFFFFFF;
	(pc) =	sbr.abs _section_cstart, $3  }
0xc7: {  	[dreg:$0x1] =	wrdreg $0xFFFFFFFF  }
0xc8: {  	_ =	task.clear_ibuf [dreg:s7], $0x2FFFF;
	_ =	strace $0x9FFFFFFF  }
0xc9: {  	(tm) =	ssettm $0x7FFFFFFF  }
tec
execute0_lowered:
.L_overlay_start_1:
0x0: {  	(tag) =	ssettag $0x1  }
0x1: {  	s0 =	rddreg [dreg:$0x0]  }
0x2: {  	s5 =	rddreg [dreg:$0x1]  }
0x3: {  	s1 =	srdreg.scid;
	s3 =	rddreg [dreg:$0x2]  }
0x4: {  	s2 =	stileid.u32;
	s4 =	simm.s32 $0x0;
	s14 =	simm.s32 $0x19600  }
0x5: {  	s15 =	simm.s32 $0x19300;
	s16 =	simm.s32 $0x1C600;
	s17 =	simm.s32 $0x1  }
0x6: {  	s18 =	simm.s32 $0x19180;
	s19 =	simm.s32 $0x19480;
	s8 =	smul.u32 $0x19000, s2  }
0x7: {  	s20 =	simm.s32 $0x2;
	s6 =	sand.u32 $0x1, s1;
	s11 =	smul.u32 $0x1980, s2  }
0x8: {  	s21 =	simm.s32 $0x0;
	s1 =	rddreg [dreg:$0x3];
	s7 =	smul.u32 $0x19800, s6  }
0x9: {  	[smem:$0x7FF] =	sst s4;
	s30 =	sshll.u32 s2, $0x6;
	s9 =	smul.u32 $0x190000, s6  }
0xa: {  	_ =	strace $0x8000005F;
	s6 =	ssub.s32 $0x2, s6;
	s10 =	sshrl.u32 s8, $0x3  }
0xb: {  	s29 =	sshrl.u32 s6, $0x1;
	s13 =	sadd.s32 s8, s3;
	s7 =	sadd.s32 s7, s5  }
0xc: {  	s9 =	sadd.s32 s8, s9;
	s10 =	sadd.s32 s10, s5;
	s12 =	ssub.s32 s6, s29  }
0xd: {  	s6 =	sor.u32 $0x1C03, s30;
	s9 =	sshrl.u32 s9, $0x3;
	s31 =	sadd.s32 s11, s7  }
0xe: {  	s8 =	smax.u32 s12, $0x1;
	s11 =	simm.s32 $0x3;
	s12 =	simm.s32 $0x19000  }
0xf: {  	s9 =	sadd.s32 s9, s5;
	s5 =	sadd.s32 $0x3CE00, s10;
	s10 =	sshrl.u32 s13, $0x3  }
0x10: {  	s13 =	simm.s32 $0x180;
	s7 =	sadd.s32 $0x6EE00, s9;
	s9 =	sadd.s32 $0x9E00, s31  }
.LBB2_1:
0x11: {  	[spmem:s10], [sflag:s6] =	dma.local [hbm:s5], $0x3200  }
0x12: {  	_ =	swait.ge [sflag:s11], $0x3200  }
0x13: {  	[sflag:s11] =	ssyncset.done $0x0  }
0x14: {  	[sflag:s11] =	ssyncadd.s32 $0xFFFFCE00  }
0x15: {  	s22 =	sadd.s32 $0x0, s9;
	[bflag:$0x0] =	sbarrier.arrive $0xFFFF  }
0x16: {  	[tilespmem:s12], [sflag:$0x3] =	stream.linear.gather [hbm4b:s22+s4], $0x600, $0x38;
	[tilespmem:$0x1F600] =	vst v63  }
0x17: {  	_ =	swait.ge [sflag:s11], $0x600  }
0x18: {  	[sflag:s11] =	ssyncset.done $0x0  }
0x19: {  	[sflag:s11] =	ssyncadd.s32 $0xFFFFFA00  }
0x1a: {  	[tilespmem:s14], [sflag:$0x1] =	stream.indirect.gather [hbm4b:s0+s13], $0x20, s12, s13, $0xb8;
	[tilespmem:$0x1F600] =	vst v63  }
0x1b: {  	_ = 	snop  }
0x1c: {  	[tilespmem:s16], [sflag:$0x1] =	stream.indirect.gather [hbm4b:s0+s13], $0x20, s15, s13, $0xb8;
	[tilespmem:$0x1F600] =	vst v63  }
0x1d: {  	_ =	swait.ge [sflag:s17], $0x3000  }
0x1e: {  	[sflag:s17] =	ssyncset.done $0x0  }
0x1f: {  	[sflag:s17] =	ssyncadd.s32 $0xFFFFD000  }
0x20: {  	[spmem:s3] =	stream.indirect.scatter.add.f32 [tilespmem:s14], [sflag:$0x2], $0x20, s18, s13, $0xb8;
	[tilespmem:$0x1F600] =	vst v63  }
0x21: {  	_ =	swait.ge [sflag:s17], $0x3000  }
0x22: {  	[sflag:s17] =	ssyncset.done $0x0  }
0x23: {  	[sflag:s17] =	ssyncadd.s32 $0xFFFFD000  }
0x24: {  	[spmem:s3] =	stream.indirect.scatter.add.f32 [tilespmem:s16], [sflag:$0x2], $0x20, s19, s13, $0xb8;
	[tilespmem:$0x1F600] =	vst v63  }
0x25: {  	_ =	swait.ge [sflag:s20], $0x3000  }
0x26: {  	[sflag:s20] =	ssyncset.done $0x0  }
0x27: {  	[sflag:s20] =	ssyncadd.s32 $0xFFFFD000  }
0x28: {  	_ =	swait.ge [sflag:s20], $0x3000  }
0x29: {  	s23 =	simm.s32 $0x180;
	s22 =	simm.s32 $0xC0;
	[sflag:s20] =	ssyncset.done $0x0  }
.LBB2_2:
0x2a: {  	s24 =	sadd.s32 s22, s9  }
0x2b: {  	[sflag:s20] =	ssyncadd.s32 $0xFFFFD000;
	s22 =	smov.u32 s23;
	s25 =	sadd.s32 $0xC0, s23  }
0x2c: {  	[tilespmem:s12], [sflag:$0x3] =	stream.linear.gather [hbm4b:s24+s4], $0x600, $0x38;
	[tilespmem:$0x1F600] =	vst v63  }
0x2d: {  	p0 =	sne.s32 s23, $0x18C0;
	_ =	swait.ge [sflag:s11], $0x600  }
0x2e: {  	[sflag:s11] =	ssyncset.done $0x0  }
0x2f: {  	[sflag:s11] =	ssyncadd.s32 $0xFFFFFA00  }
0x30: {  	[tilespmem:s14], [sflag:$0x1] =	stream.indirect.gather [hbm4b:s0+s13], $0x20, s12, s13, $0xb8;
	[tilespmem:$0x1F600] =	vst v63  }
0x31: {  	_ = 	snop  }
0x32: {  	[tilespmem:s16], [sflag:$0x1] =	stream.indirect.gather [hbm4b:s0+s13], $0x20, s15, s13, $0xb8;
	[tilespmem:$0x1F600] =	vst v63  }
0x33: {  	_ =	swait.ge [sflag:s17], $0x3000  }
0x34: {  	[sflag:s17] =	ssyncset.done $0x0  }
0x35: {  	[sflag:s17] =	ssyncadd.s32 $0xFFFFD000  }
0x36: {  	[spmem:s3] =	stream.indirect.scatter.add.f32 [tilespmem:s14], [sflag:$0x2], $0x20, s18, s13, $0xb8;
	[tilespmem:$0x1F600] =	vst v63  }
0x37: {  	_ =	swait.ge [sflag:s17], $0x3000  }
0x38: {  	[sflag:s17] =	ssyncset.done $0x0  }
0x39: {  	[sflag:s17] =	ssyncadd.s32 $0xFFFFD000  }
0x3a: {  	[spmem:s3] =	stream.indirect.scatter.add.f32 [tilespmem:s16], [sflag:$0x2], $0x20, s19, s13, $0xb8;
	[tilespmem:$0x1F600] =	vst v63  }
.Ltmp0:
0x3b: {  	_ =	swait.ge [sflag:s20], $0x3000;
	(pc) =	sbr.rel @p0 .LBB2_2-.Ltmp0, $4  }
0x3c: {  	[sflag:s20] =	ssyncset.done $0x0  }
0x3d: {  	[sflag:s20] =	ssyncadd.s32 $0xFFFFD000  }
0x3e: {  	_ =	swait.ge [sflag:s20], $0x3000  }
0x3f: {  	s23 =	smov.u32 s25;
	[sflag:s20] =	ssyncset.done $0x0  }
0x40: {  	s22 =	sadd.s32 s22, s9;
	[sflag:s20] =	ssyncadd.s32 $0xFFFFD000  }
0x41: {  	[tilespmem:s12], [sflag:$0x3] =	stream.linear.gather [hbm4b:s22+s4], $0x600, $0x38;
	[tilespmem:$0x1F600] =	vst v63  }
0x42: {  	_ =	swait.ge [sflag:s11], $0x600  }
0x43: {  	[sflag:s11] =	ssyncset.done $0x0  }
0x44: {  	[sflag:s11] =	ssyncadd.s32 $0xFFFFFA00  }
0x45: {  	[tilespmem:s14], [sflag:$0x1] =	stream.indirect.gather [hbm4b:s0+s13], $0x20, s12, s13, $0xb8;
	[tilespmem:$0x1F600] =	vst v63  }
0x46: {  	_ = 	snop  }
0x47: {  	[tilespmem:s16], [sflag:$0x1] =	stream.indirect.gather [hbm4b:s0+s13], $0x20, s15, s13, $0xb8;
	[tilespmem:$0x1F600] =	vst v63  }
0x48: {  	_ =	swait.ge [sflag:s17], $0x3000  }
0x49: {  	[sflag:s17] =	ssyncset.done $0x0  }
0x4a: {  	[sflag:s17] =	ssyncadd.s32 $0xFFFFD000  }
0x4b: {  	[spmem:s3] =	stream.indirect.scatter.add.f32 [tilespmem:s14], [sflag:$0x2], $0x20, s18, s13, $0xb8;
	[tilespmem:$0x1F600] =	vst v63  }
0x4c: {  	_ =	swait.ge [sflag:s17], $0x3000  }
0x4d: {  	[sflag:s17] =	ssyncset.done $0x0  }
0x4e: {  	[sflag:s17] =	ssyncadd.s32 $0xFFFFD000  }
0x4f: {  	[spmem:s3] =	stream.indirect.scatter.add.f32 [tilespmem:s16], [sflag:$0x2], $0x20, s19, s13, $0xb8;
	[tilespmem:$0x1F600] =	vst v63  }
0x50: {  	_ =	swait.ge [sflag:s20], $0x3000  }
0x51: {  	[sflag:s20] =	ssyncset.done $0x0  }
0x52: {  	[sflag:s20] =	ssyncadd.s32 $0xFFFFD000  }
0x53: {  	_ =	swait.ge [sflag:s20], $0x3000  }
0x54: {  	s21 =	sadd.s32 $0x1, s21;
	[sflag:s20] =	ssyncset.done $0x0  }
0x55: {  	p0 =	sne.s32 s21, s8;
	[sflag:s20] =	ssyncadd.s32 $0xFFFFD000  }
.Ltmp1:
0x56: {  	[bflag:$0x0] =	sbarrier.arrive $0xFFFF;
	(pc) =	sbr.rel @p0 .LBB2_1-.Ltmp1, $4  }
0x57: {  	[hbm:s7], [sflag:s6] =	dma.local [spmem:s10], $0x3200  }
0x58: {  	_ =	swait.ge [sflag:s11], $0x3200  }
0x59: {  	[sflag:s11] =	ssyncset.done $0x0  }
0x5a: {  	[sflag:s11] =	ssyncadd.s32 $0xFFFFCE00  }
0x5b: {  	_ =	sfence.sel $0x180000  }
0x5c: {  	[bflag:$0x0] =	sbarrier.arrive $0xFFFF  }
0x5d: {  	p0 =	sne.s32 s2, $0x0;
	_ =	strace $0x9000005F  }
0x5e: {  	s0 =	sadd.s32 @!p0 $0x100000, s1;
	[bflag:$0x2] =	sbarrier.arrive $0xFFFF  }
0x5f: {  	[sflag:s0] =	ssyncadd.tile.s32 @!p0 $0x1;
	_ =	shalt  }
.Lfunc_end2:
_tile_overlayer_lowered:
.L_overlay_start_2:
0x60: {  	(tag) =	ssettag $0x2  }
0x61: {  	s0 =	rddreg [dreg:$0x0];
	s2 =	stileid.u32  }
0x62: {  	s1 =	rddreg [dreg:$0x1];
	p0 =	sne.s32 s2, $0x0  }
0x63: {  	s3 =	rddreg [dreg:$0x2];
	[bflag:$0x3] =	sbarrier.arrive $0xFFFF;
	s2 =	simm.s32 @!p0 $0x1C03  }
0x64: {  	[timem:s3], [sflag:s2] =	dma.local @!p0 [hbm:s0], s1  }
0x65: {  	s0 =	simm.s32 @!p0 $0x3  }
0x66: {  	_ =	swait.ge @!p0 [sflag:s0], s1  }
0x67: {  	s1 =	ssub.s32 @!p0 $0x0, s1;
	[sflag:s0] =	ssyncset.done @!p0 $0x0  }
0x68: {  	[sflag:s0] =	ssyncadd.s32 @!p0 s1  }
0x69: {  	[bflag:$0x3] =	sbarrier.arrive $0xFFFF  }
0x6a: {  	_ =	shalt  }

// kernel: kernel.40.cloned.1.call-start
scs
__scs_entry_jumppad:
0x0: {  	(pc) =	sbr.rel $0x88, $3  }
0x1: {  	(tag) =	ssettag $0x0;
	lr =	simm.s32 $0x1  }
0x2: {  	[smem:$0x3F8F] =	sst lr;
	_ =	strace $0xD0000000  }
0x3: {  	_ = 	snop  }
0x4: {  	_ = 	snop  }
0x5: {  	_ = 	snop  }
0x6: {  	_ = 	snop  }
0x7: {  	_ = 	snop  }
__scs_overlays_trampoline_lowered:
0x8: {  	[smem:$0x3F9E] =	sst s0  }
0x9: {  	[smem:$0x3F9F] =	sst s1  }
0xa: {  	[smem:$0x3FA0] =	sst s2  }
0xb: {  	[smem:$0x3FA1] =	sst s3  }
0xc: {  	[smem:$0x3FA2] =	sst s4  }
0xd: {  	[smem:$0x3FA3] =	sst s5  }
0xe: {  	[smem:$0x3FA4] =	sst s6  }
0xf: {  	[smem:$0x3FA5] =	sst s7  }
0x10: {  	[smem:$0x3FA6] =	sst s8  }
0x11: {  	[smem:$0x3FA7] =	sst s9;
	s0 =	simm.s32 @!p0 $0x0  }
0x12: {  	s1 =	sld [smem:$0x3F8D];
	s0 =	simm.s32 @p0 $0x1  }
0x13: {  	[smem:$0x3FA8] =	sst s0;
	s0 =	simm.s32 @!p1 $0x0  }
0x14: {  	s2 =	sld [smem:$0x3F8C];
	s0 =	simm.s32 @p1 $0x1  }
0x15: {  	[smem:$0x3FA9] =	sst s0;
	s0 =	simm.s32 @!p2 $0x0  }
0x16: {  	s3 =	sld [smem:$0x3FDB];
	s0 =	simm.s32 @p2 $0x1  }
0x17: {  	s4 =	simm.s32 $0x1BF5;
	[smem:$0x3FAB] =	sst s0  }
0x18: {  	s0 =	sld [smem:$0x3F8E];
	_ =	swait.ge [sflag:s4], $0x0  }
0x19: {  	s7 =	sld [smem:$0x3F8F]  }
0x1a: {  	s8 =	sadd.s32 $0xFFFFE003, lr  }
0x1b: {  	s9 =	sadd.s32 $0xFFFFFEF7, lr;
	s5 =	simm.s32 $0xFFFFFFFF;
	p2 =	slt.u32 s8, $0xFFFFF086  }
0x1c: {  	p1 =	slt.u32 s9, $0xF7A;
	s5 =	simm.s32 @!p2 $0x0  }
0x1d: {  	s5 =	simm.s32 @p1 $0x1;
	p0 =	seq.s32 s7, s2  }
0x1e: {  	s7 =	smul.u32 @!p0 $0xF7A, s2;
	p2 =	seq.s32 @!p0 s5, $0x0  }
0x1f: {  	s9 =	smul.u32 $0xF7A, s1;
	s8 =	simm.s32 @!p0 $0x1BF5;
	p2 =	por !p2, p0  }
0x20: {  	[sflag:s8] =	ssyncset.s32 @!p0 $0xFFFFF086;
	s6 =	sadd.s32 @!p0 s3, s7;
	s7 =	simm.s32 @!p0 $0x108  }
0x21: {  	s3 =	sadd.s32 s3, s9;
	s6 =	sadd.s32 @!p0 $0x88, s6;
	s7 =	simm.s32 @p2 $0x1082  }
0x22: {  	[simem:s7], [sflag:s8] =	dma.local @!p0 [hbm:s6], $0xF7A  }
0x23: {  	s9 =	sor.u32 $0xD0000000, s2;
	s6 =	simm.s32 $0x108;
	_ =	swait.ge @!p0 [sflag:s8], $0x0  }
0x24: {  	s3 =	sadd.s32 $0x88, s3;
	s6 =	simm.s32 @!p1 $0x1082;
	[sflag:s4] =	ssyncset.s32 $0xFFFFF086  }
0x25: {  	[simem:s6], [sflag:s4] =	dma.local [hbm:s3], $0xF7A  }
0x26: {  	[smem:$0x3F8F] =	sst s1;
	(tag) =	ssettag s2;
	_ =	strace s9  }
0x27: {  	s1 =	sld [smem:$0x3F9F]  }
0x28: {  	s2 =	sld [smem:$0x3FA0]  }
0x29: {  	s4 =	sld [smem:$0x3FA2]  }
0x2a: {  	p0 =	seq.s32 s5, $0x0;
	s5 =	sld [smem:$0x3FA3]  }
0x2b: {  	s6 =	sld [smem:$0x3FA4]  }
0x2c: {  	s7 =	sld [smem:$0x3FA5]  }
0x2d: {  	s3 =	simm.s32 $0x108;
	s8 =	sld [smem:$0x3FA6]  }
0x2e: {  	s3 =	simm.s32 @!p0 $0x1082;
	s9 =	sld [smem:$0x3FA7]  }
0x2f: {  	lr =	sadd.s32 s0, s3;
	s0 =	sld [smem:$0x3F9E]  }
0x30: {  	s3 =	sld [smem:$0x3FA1]  }
0x31: {  	[smem:$0x3FAA] =	sst s10  }
0x32: {  	s10 =	sld [smem:$0x3FA8];
	_ =	sdelay $0x3  }
0x33: {  	p0 =	seq.s32 s10, $0x1;
	s10 =	sld [smem:$0x3FAA];
	_ =	sdelay $0x3  }
0x34: {  	[smem:$0x3FAA] =	sst s10  }
0x35: {  	s10 =	sld [smem:$0x3FA9];
	_ =	sdelay $0x3  }
0x36: {  	p1 =	seq.s32 s10, $0x1;
	s10 =	sld [smem:$0x3FAA];
	_ =	sdelay $0x3  }
0x37: {  	[smem:$0x3FAA] =	sst s10  }
0x38: {  	s10 =	sld [smem:$0x3FAB]  }
0x39: {  	_ = 	snop;
	(pc) =	sbr.ind lr, $3  }
0x3a: {  	_ = 	snop  }
0x3b: {  	_ = 	snop  }
0x3c: {  	p2 =	seq.s32 s10, $0x1;
	s10 =	sld [smem:$0x3FAA]  }
0x3d: {  	_ =	shalt  }
0x3e: {  	_ =	shalt  }
0x3f: {  	_ =	shalt  }
0x40: {  	_ =	shalt  }
0x41: {  	_ =	shalt  }
0x42: {  	_ =	shalt  }
0x43: {  	_ =	shalt  }
0x44: {  	_ =	shalt  }
0x45: {  	_ =	shalt  }
0x46: {  	_ =	shalt  }
0x47: {  	_ =	shalt  }
0x48: {  	_ =	shalt  }
0x49: {  	_ =	shalt  }
0x4a: {  	_ =	shalt  }
0x4b: {  	_ =	shalt  }
0x4c: {  	_ =	shalt  }
0x4d: {  	_ =	shalt  }
0x4e: {  	_ =	shalt  }
0x4f: {  	_ =	shalt  }
0x50: {  	_ =	shalt  }
0x51: {  	_ =	shalt  }
0x52: {  	_ =	shalt  }
0x53: {  	_ =	shalt  }
0x54: {  	_ =	shalt  }
0x55: {  	_ =	shalt  }
0x56: {  	_ =	shalt  }
0x57: {  	_ =	shalt  }
0x58: {  	_ =	shalt  }
0x59: {  	_ =	shalt  }
0x5a: {  	_ =	shalt  }
0x5b: {  	_ =	shalt  }
0x5c: {  	_ =	shalt  }
0x5d: {  	_ =	shalt  }
0x5e: {  	_ =	shalt  }
0x5f: {  	_ =	shalt  }
0x60: {  	_ =	shalt  }
0x61: {  	_ =	shalt  }
0x62: {  	_ =	shalt  }
0x63: {  	_ =	shalt  }
0x64: {  	_ =	shalt  }
0x65: {  	_ =	shalt  }
0x66: {  	_ =	shalt  }
0x67: {  	_ =	shalt  }
0x68: {  	_ =	shalt  }
0x69: {  	_ =	shalt  }
0x6a: {  	_ =	shalt  }
0x6b: {  	_ =	shalt  }
0x6c: {  	_ =	shalt  }
0x6d: {  	_ =	shalt  }
0x6e: {  	_ =	shalt  }
0x6f: {  	_ =	shalt  }
0x70: {  	_ =	shalt  }
0x71: {  	_ =	shalt  }
0x72: {  	_ =	shalt  }
0x73: {  	_ =	shalt  }
0x74: {  	_ =	shalt  }
0x75: {  	_ =	shalt  }
0x76: {  	_ =	shalt  }
0x77: {  	_ =	shalt  }
0x78: {  	_ =	shalt  }
0x79: {  	_ =	shalt  }
0x7a: {  	_ =	shalt  }
0x7b: {  	_ =	shalt  }
0x7c: {  	_ =	shalt  }
0x7d: {  	_ =	shalt  }
0x7e: {  	_ =	shalt  }
0x7f: {  	_ =	shalt  }
0x80: {  	_ =	shalt  }
0x81: {  	_ =	shalt  }
0x82: {  	_ =	shalt  }
0x83: {  	_ =	shalt  }
0x84: {  	_ =	shalt  }
0x85: {  	_ =	shalt  }
0x86: {  	_ =	shalt  }
0x87: {  	_ =	shalt  }
.Lfunc_end0:
.L_simem_size_0:
called_computation.9_lowered:
.L_overlay_start_0:
0x88: {  	s2 =	sld [smem:$0x3FD9]  }
0x89: {  	s3 =	sld [smem:$0x3FFE];
	_ =	sdelay $0x1  }
0x8a: {  	s1 =	srdreg.scid  }
0x8b: {  	s0 =	sand.u32 $0x1, s1  }
0x8c: {  	s14 =	sshll.u32 s0, $0xA;
	s2 =	sadd.s32 s3, s2  }
0x8d: {  	s2 =	sadd.s32 s2, s14  }
0x8e: {  	[smem:$0x3FB6] =	sst s2  }
0x8f: {  	_ = 	snop  }
0x90: {  	s2 =	sld [smem:$0x3FD0];
	_ =	sdelay $0x2  }
0x91: {  	s15 =	simm.s32 $0xA;
	s4 =	simm.s32 $0x10  }
0x92: {  	[smem:s4], [sflag:s15] =	dma.local [hbm:s2], $0x1  }
0x93: {  	_ =	swait.eq [sflag:s15], $0x1  }
0x94: {  	[sflag:s15] =	ssyncset.done $0x0  }
0x95: {  	[sflag:s15] =	ssyncadd.s32 $0xFFFFFFFF  }
0x96: {  	s16 =	sld [smem:$0x10];
	(tm) =	ssettm $0x1  }
0x97: {  	s17 =	sld [smem:$0x3FFB];
	_ =	sdelay $0x3  }
0x98: {  	_ =	strace s17  }
0x99: {  	s3 =	sld [smem:$0x3FFC];
	_ =	sdelay $0x3  }
0x9a: {  	_ =	strace s3  }
0x9b: {  	s3 =	sld [smem:$0x3FFD];
	_ =	sdelay $0x3  }
0x9c: {  	_ =	strace s3  }
0x9d: {  	_ =	strace $0x8FFFFFFF  }
0x9e: {  	s18 =	sld [smem:$0x3FDB];
	_ =	sdelay $0x1  }
0x9f: {  	s19 =	simm.s32 $_scs_section_size  }
0xa0: {  	s5 =	simm.s32 $_size__tile_overlayer_lowered;
	s6 =	simm.s32 $_tile_overlayer_lowered  }
0xa1: {  	s22 =	simm.s32 $0x1BFF;
	s21 =	sshll.u32 s6, $0x1;
	s3 =	sadd.s32 s19, s18  }
0xa2: {  	s7 =	simm.s32 $0x0;
	s20 =	sshll.u32 s5, $0x1;
	s5 =	sadd.s32 s21, s3  }
0xa3: {  	[timem:s7], [sflag:s22] =	dma.local [hbm:s5], s20  }
0xa4: {  	_ =	swait.ge [sflag:s22], s20  }
0xa5: {  	s4 =	ssub.s32 $0x0, s20;
	[sflag:s22] =	ssyncset.done $0x0  }
0xa6: {  	[sflag:s22] =	ssyncadd.s32 s4;
	_ =	sdelay $0x1  }
0xa7: {  	s23 =	simm.s32 $0x1B8B  }
0xa8: {  	_ =	swait.ge [sflag:s23], $0x1  }
0xa9: {  	[sflag:s23] =	ssyncset.done $0x0  }
0xaa: {  	s25 =	simm.s32 $0x1B8E;
	s24 =	sld [smem:$0x3FFE];
	[sflag:s23] =	ssyncadd.s32 $0xFFFFFFFF  }
0xab: {  	s26 =	simm.s32 $execute0_lowered;
	[smem:$0x3FD2] =	sst s25  }
0xac: {  	s5 =	sshll.u32 s26, $0x1;
	_ =	strace $0x80000061;
	[dreg:$0x1] =	wrdreg $0xFFFFFFFF  }
0xad: {  	s28 =	simm.s32 $_size_execute0_lowered;
	s3 =	sadd.s32 s3, s5;
	[dreg:$0x0] =	wrdreg $0x0  }
0xae: {  	s5 =	sshll.u32 s28, $0x1;
	[dreg:$0x2] =	wrdreg s3  }
0xaf: {  	[dreg:$0x3] =	wrdreg s5  }
0xb0: {  	[dreg:$0x4] =	wrdreg $0xC0  }
0xb1: {  	_ =	task [dreg:s7], $0x5FFFF  }
0xb2: {  	[dreg:$0x1] =	wrdreg $0xFFFFFFFF  }
0xb3: {  	[dreg:$0x0] =	wrdreg $0x60  }
0xb4: {  	[dreg:$0x2] =	wrdreg s16  }
0xb5: {  	[dreg:$0x3] =	wrdreg s24  }
0xb6: {  	[dreg:$0x4] =	wrdreg $0x0  }
0xb7: {  	[dreg:$0x5] =	wrdreg $0x9  }
0xb8: {  	_ =	task.clear_ibuf [dreg:s7], $0x6FFFF;
	_ =	strace $0x90000061  }
0xb9: {  	s29 =	simm.s32 $0x9;
	_ =	strace $0x80000063  }
0xba: {  	_ =	swait.ge [sflag:s29], $0x1  }
0xbb: {  	[sflag:s29] =	ssyncadd.s32 $0xFFFFFFFF  }
0xbc: {  	_ =	strace $0x90000063  }
0xbd: {  	_ =	sfence  }
0xbe: {  	s30 =	sld [smem:$0x0];
	_ =	sdelay $0x2  }
0xbf: {  	s31 =	sshll.u32 s1, $0xD;
	s1 =	sshrl.u32 s1, $0x2  }
0xc0: {  	s3 =	sand.u32 $0x4000, s31;
	s1 =	sadd.s32 s1, s30  }
0xc1: {  	s0 =	sor.u32 s3, s0;
	s1 =	sshll.u32 s1, $0x11  }
0xc2: {  	s0 =	sor.u32 s1, s0  }
0xc3: {  	s0 =	sadd.s32 $0x8F2B, s0  }
0xc4: {  	[sflag:s0] =	ssyncadd.remote.s32 $0x1  }
0xc5: {  	_ =	sfence.sel $0xFFFF  }
0xc6: {  	[dreg:$0x0] =	wrdreg $0xFFFFFFFF;
	(pc) =	sbr.abs _section_cstart, $3  }
0xc7: {  	[dreg:$0x1] =	wrdreg $0xFFFFFFFF  }
0xc8: {  	_ =	task.clear_ibuf [dreg:s7], $0x2FFFF;
	_ =	strace $0x9FFFFFFF  }
0xc9: {  	(tm) =	ssettm $0x7FFFFFFF  }
tec
execute0_lowered:
.L_overlay_start_1:
0x0: {  	(tag) =	ssettag $0x1  }
0x1: {  	s0 =	rddreg [dreg:$0x0]  }
0x2: {  	s5 =	rddreg [dreg:$0x1]  }
0x3: {  	s1 =	srdreg.scid;
	s3 =	rddreg [dreg:$0x2]  }
0x4: {  	s2 =	stileid.u32;
	s4 =	simm.s32 $0x0;
	s14 =	simm.s32 $0x19600  }
0x5: {  	s15 =	simm.s32 $0x19300;
	s16 =	simm.s32 $0x1C600;
	s17 =	simm.s32 $0x1  }
0x6: {  	s18 =	simm.s32 $0x19180;
	s19 =	simm.s32 $0x19480;
	s8 =	smul.u32 $0x19000, s2  }
0x7: {  	s20 =	simm.s32 $0x2;
	s6 =	sand.u32 $0x1, s1;
	s11 =	smul.u32 $0x1980, s2  }
0x8: {  	s21 =	simm.s32 $0x0;
	s1 =	rddreg [dreg:$0x3];
	s7 =	smul.u32 $0x19800, s6  }
0x9: {  	[smem:$0x7FF] =	sst s4;
	s30 =	sshll.u32 s2, $0x6;
	s9 =	smul.u32 $0x190000, s6  }
0xa: {  	_ =	strace $0x80000062;
	s6 =	ssub.s32 $0x2, s6;
	s10 =	sshrl.u32 s8, $0x3  }
0xb: {  	s29 =	sshrl.u32 s6, $0x1;
	s13 =	sadd.s32 s8, s3;
	s7 =	sadd.s32 s7, s5  }
0xc: {  	s9 =	sadd.s32 s8, s9;
	s10 =	sadd.s32 s10, s5;
	s12 =	ssub.s32 s6, s29  }
0xd: {  	s6 =	sor.u32 $0x1C03, s30;
	s9 =	sshrl.u32 s9, $0x3;
	s31 =	sadd.s32 s11, s7  }
0xe: {  	s8 =	smax.u32 s12, $0x1;
	s11 =	simm.s32 $0x3;
	s12 =	simm.s32 $0x19000  }
0xf: {  	s9 =	sadd.s32 s9, s5;
	s5 =	sadd.s32 $0x3CE00, s10;
	s10 =	sshrl.u32 s13, $0x3  }
0x10: {  	s13 =	simm.s32 $0x180;
	s7 =	sadd.s32 $0x6EE00, s9;
	s9 =	sadd.s32 $0x9E00, s31  }
.LBB2_1:
0x11: {  	[spmem:s10], [sflag:s6] =	dma.local [hbm:s5], $0x3200  }
0x12: {  	_ =	swait.ge [sflag:s11], $0x3200  }
0x13: {  	[sflag:s11] =	ssyncset.done $0x0  }
0x14: {  	[sflag:s11] =	ssyncadd.s32 $0xFFFFCE00  }
0x15: {  	s22 =	sadd.s32 $0x0, s9;
	[bflag:$0x0] =	sbarrier.arrive $0xFFFF  }
0x16: {  	[tilespmem:s12], [sflag:$0x3] =	stream.linear.gather [hbm4b:s22+s4], $0x600, $0x38;
	[tilespmem:$0x1F600] =	vst v63  }
0x17: {  	_ =	swait.ge [sflag:s11], $0x600  }
0x18: {  	[sflag:s11] =	ssyncset.done $0x0  }
0x19: {  	[sflag:s11] =	ssyncadd.s32 $0xFFFFFA00  }
0x1a: {  	[tilespmem:s14], [sflag:$0x1] =	stream.indirect.gather [hbm4b:s0+s13], $0x20, s12, s13, $0xb8;
	[tilespmem:$0x1F600] =	vst v63  }
0x1b: {  	_ = 	snop  }
0x1c: {  	[tilespmem:s16], [sflag:$0x1] =	stream.indirect.gather [hbm4b:s0+s13], $0x20, s15, s13, $0xb8;
	[tilespmem:$0x1F600] =	vst v63  }
0x1d: {  	_ =	swait.ge [sflag:s17], $0x3000  }
0x1e: {  	[sflag:s17] =	ssyncset.done $0x0  }
0x1f: {  	[sflag:s17] =	ssyncadd.s32 $0xFFFFD000  }
0x20: {  	[spmem:s3] =	stream.indirect.scatter.add.f32 [tilespmem:s14], [sflag:$0x2], $0x20, s18, s13, $0xb8;
	[tilespmem:$0x1F600] =	vst v63  }
0x21: {  	_ =	swait.ge [sflag:s17], $0x3000  }
0x22: {  	[sflag:s17] =	ssyncset.done $0x0  }
0x23: {  	[sflag:s17] =	ssyncadd.s32 $0xFFFFD000  }
0x24: {  	[spmem:s3] =	stream.indirect.scatter.add.f32 [tilespmem:s16], [sflag:$0x2], $0x20, s19, s13, $0xb8;
	[tilespmem:$0x1F600] =	vst v63  }
0x25: {  	_ =	swait.ge [sflag:s20], $0x3000  }
0x26: {  	[sflag:s20] =	ssyncset.done $0x0  }
0x27: {  	[sflag:s20] =	ssyncadd.s32 $0xFFFFD000  }
0x28: {  	_ =	swait.ge [sflag:s20], $0x3000  }
0x29: {  	s23 =	simm.s32 $0x180;
	s22 =	simm.s32 $0xC0;
	[sflag:s20] =	ssyncset.done $0x0  }
.LBB2_2:
0x2a: {  	s24 =	sadd.s32 s22, s9  }
0x2b: {  	[sflag:s20] =	ssyncadd.s32 $0xFFFFD000;
	s22 =	smov.u32 s23;
	s25 =	sadd.s32 $0xC0, s23  }
0x2c: {  	[tilespmem:s12], [sflag:$0x3] =	stream.linear.gather [hbm4b:s24+s4], $0x600, $0x38;
	[tilespmem:$0x1F600] =	vst v63  }
0x2d: {  	p0 =	sne.s32 s23, $0x18C0;
	_ =	swait.ge [sflag:s11], $0x600  }
0x2e: {  	[sflag:s11] =	ssyncset.done $0x0  }
0x2f: {  	[sflag:s11] =	ssyncadd.s32 $0xFFFFFA00  }
0x30: {  	[tilespmem:s14], [sflag:$0x1] =	stream.indirect.gather [hbm4b:s0+s13], $0x20, s12, s13, $0xb8;
	[tilespmem:$0x1F600] =	vst v63  }
0x31: {  	_ = 	snop  }
0x32: {  	[tilespmem:s16], [sflag:$0x1] =	stream.indirect.gather [hbm4b:s0+s13], $0x20, s15, s13, $0xb8;
	[tilespmem:$0x1F600] =	vst v63  }
0x33: {  	_ =	swait.ge [sflag:s17], $0x3000  }
0x34: {  	[sflag:s17] =	ssyncset.done $0x0  }
0x35: {  	[sflag:s17] =	ssyncadd.s32 $0xFFFFD000  }
0x36: {  	[spmem:s3] =	stream.indirect.scatter.add.f32 [tilespmem:s14], [sflag:$0x2], $0x20, s18, s13, $0xb8;
	[tilespmem:$0x1F600] =	vst v63  }
0x37: {  	_ =	swait.ge [sflag:s17], $0x3000  }
0x38: {  	[sflag:s17] =	ssyncset.done $0x0  }
0x39: {  	[sflag:s17] =	ssyncadd.s32 $0xFFFFD000  }
0x3a: {  	[spmem:s3] =	stream.indirect.scatter.add.f32 [tilespmem:s16], [sflag:$0x2], $0x20, s19, s13, $0xb8;
	[tilespmem:$0x1F600] =	vst v63  }
.Ltmp0:
0x3b: {  	_ =	swait.ge [sflag:s20], $0x3000;
	(pc) =	sbr.rel @p0 .LBB2_2-.Ltmp0, $4  }
0x3c: {  	[sflag:s20] =	ssyncset.done $0x0  }
0x3d: {  	[sflag:s20] =	ssyncadd.s32 $0xFFFFD000  }
0x3e: {  	_ =	swait.ge [sflag:s20], $0x3000  }
0x3f: {  	s23 =	smov.u32 s25;
	[sflag:s20] =	ssyncset.done $0x0  }
0x40: {  	s22 =	sadd.s32 s22, s9;
	[sflag:s20] =	ssyncadd.s32 $0xFFFFD000  }
0x41: {  	[tilespmem:s12], [sflag:$0x3] =	stream.linear.gather [hbm4b:s22+s4], $0x600, $0x38;
	[tilespmem:$0x1F600] =	vst v63  }
0x42: {  	_ =	swait.ge [sflag:s11], $0x600  }
0x43: {  	[sflag:s11] =	ssyncset.done $0x0  }
0x44: {  	[sflag:s11] =	ssyncadd.s32 $0xFFFFFA00  }
0x45: {  	[tilespmem:s14], [sflag:$0x1] =	stream.indirect.gather [hbm4b:s0+s13], $0x20, s12, s13, $0xb8;
	[tilespmem:$0x1F600] =	vst v63  }
0x46: {  	_ = 	snop  }
0x47: {  	[tilespmem:s16], [sflag:$0x1] =	stream.indirect.gather [hbm4b:s0+s13], $0x20, s15, s13, $0xb8;
	[tilespmem:$0x1F600] =	vst v63  }
0x48: {  	_ =	swait.ge [sflag:s17], $0x3000  }
0x49: {  	[sflag:s17] =	ssyncset.done $0x0  }
0x4a: {  	[sflag:s17] =	ssyncadd.s32 $0xFFFFD000  }
0x4b: {  	[spmem:s3] =	stream.indirect.scatter.add.f32 [tilespmem:s14], [sflag:$0x2], $0x20, s18, s13, $0xb8;
	[tilespmem:$0x1F600] =	vst v63  }
0x4c: {  	_ =	swait.ge [sflag:s17], $0x3000  }
0x4d: {  	[sflag:s17] =	ssyncset.done $0x0  }
0x4e: {  	[sflag:s17] =	ssyncadd.s32 $0xFFFFD000  }
0x4f: {  	[spmem:s3] =	stream.indirect.scatter.add.f32 [tilespmem:s16], [sflag:$0x2], $0x20, s19, s13, $0xb8;
	[tilespmem:$0x1F600] =	vst v63  }
0x50: {  	_ =	swait.ge [sflag:s20], $0x3000  }
0x51: {  	[sflag:s20] =	ssyncset.done $0x0  }
0x52: {  	[sflag:s20] =	ssyncadd.s32 $0xFFFFD000  }
0x53: {  	_ =	swait.ge [sflag:s20], $0x3000  }
0x54: {  	s21 =	sadd.s32 $0x1, s21;
	[sflag:s20] =	ssyncset.done $0x0  }
0x55: {  	p0 =	sne.s32 s21, s8;
	[sflag:s20] =	ssyncadd.s32 $0xFFFFD000  }
.Ltmp1:
0x56: {  	[bflag:$0x0] =	sbarrier.arrive $0xFFFF;
	(pc) =	sbr.rel @p0 .LBB2_1-.Ltmp1, $4  }
0x57: {  	[hbm:s7], [sflag:s6] =	dma.local [spmem:s10], $0x3200  }
0x58: {  	_ =	swait.ge [sflag:s11], $0x3200  }
0x59: {  	[sflag:s11] =	ssyncset.done $0x0  }
0x5a: {  	[sflag:s11] =	ssyncadd.s32 $0xFFFFCE00  }
0x5b: {  	_ =	sfence.sel $0x180000  }
0x5c: {  	[bflag:$0x0] =	sbarrier.arrive $0xFFFF  }
0x5d: {  	p0 =	sne.s32 s2, $0x0;
	_ =	strace $0x90000062  }
0x5e: {  	s0 =	sadd.s32 @!p0 $0x100000, s1;
	[bflag:$0x2] =	sbarrier.arrive $0xFFFF  }
0x5f: {  	[sflag:s0] =	ssyncadd.tile.s32 @!p0 $0x1;
	_ =	shalt  }
.Lfunc_end2:
_tile_overlayer_lowered:
.L_overlay_start_2:
0x60: {  	(tag) =	ssettag $0x2  }
0x61: {  	s0 =	rddreg [dreg:$0x0];
	s2 =	stileid.u32  }
0x62: {  	s1 =	rddreg [dreg:$0x1];
	p0 =	sne.s32 s2, $0x0  }
0x63: {  	s3 =	rddreg [dreg:$0x2];
	[bflag:$0x3] =	sbarrier.arrive $0xFFFF;
	s2 =	simm.s32 @!p0 $0x1C03  }
0x64: {  	[timem:s3], [sflag:s2] =	dma.local @!p0 [hbm:s0], s1  }
0x65: {  	s0 =	simm.s32 @!p0 $0x3  }
0x66: {  	_ =	swait.ge @!p0 [sflag:s0], s1  }
0x67: {  	s1 =	ssub.s32 @!p0 $0x0, s1;
	[sflag:s0] =	ssyncset.done @!p0 $0x0  }
0x68: {  	[sflag:s0] =	ssyncadd.s32 @!p0 s1  }
0x69: {  	[bflag:$0x3] =	sbarrier.arrive $0xFFFF  }
0x6a: {  	_ =	shalt  }

// kernel: kernel.43.cloned.1.call-start
scs
__scs_entry_jumppad:
0x0: {  	(pc) =	sbr.rel $0x88, $3  }
0x1: {  	(tag) =	ssettag $0x0;
	lr =	simm.s32 $0x1  }
0x2: {  	[smem:$0x3F8F] =	sst lr;
	_ =	strace $0xD0000000  }
0x3: {  	_ = 	snop  }
0x4: {  	_ = 	snop  }
0x5: {  	_ = 	snop  }
0x6: {  	_ = 	snop  }
0x7: {  	_ = 	snop  }
__scs_overlays_trampoline_lowered:
0x8: {  	[smem:$0x3F9E] =	sst s0  }
0x9: {  	[smem:$0x3F9F] =	sst s1  }
0xa: {  	[smem:$0x3FA0] =	sst s2  }
0xb: {  	[smem:$0x3FA1] =	sst s3  }
0xc: {  	[smem:$0x3FA2] =	sst s4  }
0xd: {  	[smem:$0x3FA3] =	sst s5  }
0xe: {  	[smem:$0x3FA4] =	sst s6  }
0xf: {  	[smem:$0x3FA5] =	sst s7  }
0x10: {  	[smem:$0x3FA6] =	sst s8  }
0x11: {  	[smem:$0x3FA7] =	sst s9;
	s0 =	simm.s32 @!p0 $0x0  }
0x12: {  	s1 =	sld [smem:$0x3F8D];
	s0 =	simm.s32 @p0 $0x1  }
0x13: {  	[smem:$0x3FA8] =	sst s0;
	s0 =	simm.s32 @!p1 $0x0  }
0x14: {  	s2 =	sld [smem:$0x3F8C];
	s0 =	simm.s32 @p1 $0x1  }
0x15: {  	[smem:$0x3FA9] =	sst s0;
	s0 =	simm.s32 @!p2 $0x0  }
0x16: {  	s3 =	sld [smem:$0x3FDB];
	s0 =	simm.s32 @p2 $0x1  }
0x17: {  	s4 =	simm.s32 $0x1BF5;
	[smem:$0x3FAB] =	sst s0  }
0x18: {  	s0 =	sld [smem:$0x3F8E];
	_ =	swait.ge [sflag:s4], $0x0  }
0x19: {  	s7 =	sld [smem:$0x3F8F]  }
0x1a: {  	s8 =	sadd.s32 $0xFFFFE003, lr  }
0x1b: {  	s9 =	sadd.s32 $0xFFFFFEF7, lr;
	s5 =	simm.s32 $0xFFFFFFFF;
	p2 =	slt.u32 s8, $0xFFFFF086  }
0x1c: {  	p1 =	slt.u32 s9, $0xF7A;
	s5 =	simm.s32 @!p2 $0x0  }
0x1d: {  	s5 =	simm.s32 @p1 $0x1;
	p0 =	seq.s32 s7, s2  }
0x1e: {  	s7 =	smul.u32 @!p0 $0xF7A, s2;
	p2 =	seq.s32 @!p0 s5, $0x0  }
0x1f: {  	s9 =	smul.u32 $0xF7A, s1;
	s8 =	simm.s32 @!p0 $0x1BF5;
	p2 =	por !p2, p0  }
0x20: {  	[sflag:s8] =	ssyncset.s32 @!p0 $0xFFFFF086;
	s6 =	sadd.s32 @!p0 s3, s7;
	s7 =	simm.s32 @!p0 $0x108  }
0x21: {  	s3 =	sadd.s32 s3, s9;
	s6 =	sadd.s32 @!p0 $0x88, s6;
	s7 =	simm.s32 @p2 $0x1082  }
0x22: {  	[simem:s7], [sflag:s8] =	dma.local @!p0 [hbm:s6], $0xF7A  }
0x23: {  	s9 =	sor.u32 $0xD0000000, s2;
	s6 =	simm.s32 $0x108;
	_ =	swait.ge @!p0 [sflag:s8], $0x0  }
0x24: {  	s3 =	sadd.s32 $0x88, s3;
	s6 =	simm.s32 @!p1 $0x1082;
	[sflag:s4] =	ssyncset.s32 $0xFFFFF086  }
0x25: {  	[simem:s6], [sflag:s4] =	dma.local [hbm:s3], $0xF7A  }
0x26: {  	[smem:$0x3F8F] =	sst s1;
	(tag) =	ssettag s2;
	_ =	strace s9  }
0x27: {  	s1 =	sld [smem:$0x3F9F]  }
0x28: {  	s2 =	sld [smem:$0x3FA0]  }
0x29: {  	s4 =	sld [smem:$0x3FA2]  }
0x2a: {  	p0 =	seq.s32 s5, $0x0;
	s5 =	sld [smem:$0x3FA3]  }
0x2b: {  	s6 =	sld [smem:$0x3FA4]  }
0x2c: {  	s7 =	sld [smem:$0x3FA5]  }
0x2d: {  	s3 =	simm.s32 $0x108;
	s8 =	sld [smem:$0x3FA6]  }
0x2e: {  	s3 =	simm.s32 @!p0 $0x1082;
	s9 =	sld [smem:$0x3FA7]  }
0x2f: {  	lr =	sadd.s32 s0, s3;
	s0 =	sld [smem:$0x3F9E]  }
0x30: {  	s3 =	sld [smem:$0x3FA1]  }
0x31: {  	[smem:$0x3FAA] =	sst s10  }
0x32: {  	s10 =	sld [smem:$0x3FA8];
	_ =	sdelay $0x3  }
0x33: {  	p0 =	seq.s32 s10, $0x1;
	s10 =	sld [smem:$0x3FAA];
	_ =	sdelay $0x3  }
0x34: {  	[smem:$0x3FAA] =	sst s10  }
0x35: {  	s10 =	sld [smem:$0x3FA9];
	_ =	sdelay $0x3  }
0x36: {  	p1 =	seq.s32 s10, $0x1;
	s10 =	sld [smem:$0x3FAA];
	_ =	sdelay $0x3  }
0x37: {  	[smem:$0x3FAA] =	sst s10  }
0x38: {  	s10 =	sld [smem:$0x3FAB]  }
0x39: {  	_ = 	snop;
	(pc) =	sbr.ind lr, $3  }
0x3a: {  	_ = 	snop  }
0x3b: {  	_ = 	snop  }
0x3c: {  	p2 =	seq.s32 s10, $0x1;
	s10 =	sld [smem:$0x3FAA]  }
0x3d: {  	_ =	shalt  }
0x3e: {  	_ =	shalt  }
0x3f: {  	_ =	shalt  }
0x40: {  	_ =	shalt  }
0x41: {  	_ =	shalt  }
0x42: {  	_ =	shalt  }
0x43: {  	_ =	shalt  }
0x44: {  	_ =	shalt  }
0x45: {  	_ =	shalt  }
0x46: {  	_ =	shalt  }
0x47: {  	_ =	shalt  }
0x48: {  	_ =	shalt  }
0x49: {  	_ =	shalt  }
0x4a: {  	_ =	shalt  }
0x4b: {  	_ =	shalt  }
0x4c: {  	_ =	shalt  }
0x4d: {  	_ =	shalt  }
0x4e: {  	_ =	shalt  }
0x4f: {  	_ =	shalt  }
0x50: {  	_ =	shalt  }
0x51: {  	_ =	shalt  }
0x52: {  	_ =	shalt  }
0x53: {  	_ =	shalt  }
0x54: {  	_ =	shalt  }
0x55: {  	_ =	shalt  }
0x56: {  	_ =	shalt  }
0x57: {  	_ =	shalt  }
0x58: {  	_ =	shalt  }
0x59: {  	_ =	shalt  }
0x5a: {  	_ =	shalt  }
0x5b: {  	_ =	shalt  }
0x5c: {  	_ =	shalt  }
0x5d: {  	_ =	shalt  }
0x5e: {  	_ =	shalt  }
0x5f: {  	_ =	shalt  }
0x60: {  	_ =	shalt  }
0x61: {  	_ =	shalt  }
0x62: {  	_ =	shalt  }
0x63: {  	_ =	shalt  }
0x64: {  	_ =	shalt  }
0x65: {  	_ =	shalt  }
0x66: {  	_ =	shalt  }
0x67: {  	_ =	shalt  }
0x68: {  	_ =	shalt  }
0x69: {  	_ =	shalt  }
0x6a: {  	_ =	shalt  }
0x6b: {  	_ =	shalt  }
0x6c: {  	_ =	shalt  }
0x6d: {  	_ =	shalt  }
0x6e: {  	_ =	shalt  }
0x6f: {  	_ =	shalt  }
0x70: {  	_ =	shalt  }
0x71: {  	_ =	shalt  }
0x72: {  	_ =	shalt  }
0x73: {  	_ =	shalt  }
0x74: {  	_ =	shalt  }
0x75: {  	_ =	shalt  }
0x76: {  	_ =	shalt  }
0x77: {  	_ =	shalt  }
0x78: {  	_ =	shalt  }
0x79: {  	_ =	shalt  }
0x7a: {  	_ =	shalt  }
0x7b: {  	_ =	shalt  }
0x7c: {  	_ =	shalt  }
0x7d: {  	_ =	shalt  }
0x7e: {  	_ =	shalt  }
0x7f: {  	_ =	shalt  }
0x80: {  	_ =	shalt  }
0x81: {  	_ =	shalt  }
0x82: {  	_ =	shalt  }
0x83: {  	_ =	shalt  }
0x84: {  	_ =	shalt  }
0x85: {  	_ =	shalt  }
0x86: {  	_ =	shalt  }
0x87: {  	_ =	shalt  }
.Lfunc_end0:
.L_simem_size_0:
called_computation.10_lowered:
.L_overlay_start_0:
0x88: {  	s2 =	sld [smem:$0x3FD9]  }
0x89: {  	s3 =	sld [smem:$0x3FFE];
	_ =	sdelay $0x1  }
0x8a: {  	s1 =	srdreg.scid  }
0x8b: {  	s0 =	sand.u32 $0x1, s1  }
0x8c: {  	s16 =	sshll.u32 s0, $0xA;
	s2 =	sadd.s32 s3, s2  }
0x8d: {  	s2 =	sadd.s32 s2, s16  }
0x8e: {  	[smem:$0x3FB6] =	sst s2  }
0x8f: {  	_ = 	snop  }
0x90: {  	(tm) =	ssettm $0x1  }
0x91: {  	s17 =	sld [smem:$0x3FFB];
	_ =	sdelay $0x3  }
0x92: {  	_ =	strace s17  }
0x93: {  	s2 =	sld [smem:$0x3FFC];
	_ =	sdelay $0x3  }
0x94: {  	_ =	strace s2  }
0x95: {  	s2 =	sld [smem:$0x3FFD];
	_ =	sdelay $0x3  }
0x96: {  	_ =	strace s2  }
0x97: {  	_ =	strace $0x8FFFFFFF  }
0x98: {  	s18 =	sld [smem:$0x3FDB];
	_ =	sdelay $0x1  }
0x99: {  	s19 =	simm.s32 $_scs_section_size  }
0x9a: {  	s4 =	simm.s32 $_size__tile_overlayer_lowered;
	s5 =	simm.s32 $_tile_overlayer_lowered  }
0x9b: {  	s22 =	simm.s32 $0x1BFF;
	s21 =	sshll.u32 s5, $0x1;
	s2 =	sadd.s32 s19, s18  }
0x9c: {  	s6 =	simm.s32 $0x0;
	s20 =	sshll.u32 s4, $0x1;
	s4 =	sadd.s32 s21, s2  }
0x9d: {  	[timem:s6], [sflag:s22] =	dma.local [hbm:s4], s20  }
0x9e: {  	_ =	swait.ge [sflag:s22], s20  }
0x9f: {  	s3 =	ssub.s32 $0x0, s20;
	[sflag:s22] =	ssyncset.done $0x0  }
0xa0: {  	[sflag:s22] =	ssyncadd.s32 s3;
	_ =	sdelay $0x1  }
0xa1: {  	s23 =	simm.s32 $0x1B8B  }
0xa2: {  	_ =	swait.ge [sflag:s23], $0x1  }
0xa3: {  	[sflag:s23] =	ssyncset.done $0x0  }
0xa4: {  	s25 =	simm.s32 $0x1B8E;
	s24 =	sld [smem:$0x3FFE];
	[sflag:s23] =	ssyncadd.s32 $0xFFFFFFFF  }
0xa5: {  	s26 =	simm.s32 $execute0_lowered;
	[smem:$0x3FD2] =	sst s25  }
0xa6: {  	s4 =	sshll.u32 s26, $0x1;
	_ =	strace $0x80000064;
	[dreg:$0x1] =	wrdreg $0xFFFFFFFF  }
0xa7: {  	s28 =	simm.s32 $_size_execute0_lowered;
	s2 =	sadd.s32 s2, s4;
	[dreg:$0x0] =	wrdreg $0x0  }
0xa8: {  	s4 =	sshll.u32 s28, $0x1;
	[dreg:$0x2] =	wrdreg s2  }
0xa9: {  	[dreg:$0x3] =	wrdreg s4  }
0xaa: {  	[dreg:$0x4] =	wrdreg $0xC0  }
0xab: {  	_ =	task [dreg:s6], $0x5FFFF  }
0xac: {  	[dreg:$0x1] =	wrdreg $0xFFFFFFFF  }
0xad: {  	[dreg:$0x0] =	wrdreg $0x60  }
0xae: {  	[dreg:$0x2] =	wrdreg s24  }
0xaf: {  	[dreg:$0x3] =	wrdreg $0x0  }
0xb0: {  	[dreg:$0x4] =	wrdreg $0x9  }
0xb1: {  	_ =	task.clear_ibuf [dreg:s6], $0x5FFFF;
	_ =	strace $0x90000064  }
0xb2: {  	s29 =	simm.s32 $0x9;
	_ =	strace $0x80000066  }
0xb3: {  	_ =	swait.ge [sflag:s29], $0x1  }
0xb4: {  	[sflag:s29] =	ssyncadd.s32 $0xFFFFFFFF  }
0xb5: {  	_ =	strace $0x90000066  }
0xb6: {  	_ =	sfence  }
0xb7: {  	s30 =	sld [smem:$0x0];
	_ =	sdelay $0x2  }
0xb8: {  	s31 =	sshll.u32 s1, $0xD;
	s1 =	sshrl.u32 s1, $0x2  }
0xb9: {  	s3 =	sand.u32 $0x4000, s31;
	s1 =	sadd.s32 s1, s30  }
0xba: {  	s0 =	sor.u32 s3, s0;
	s1 =	sshll.u32 s1, $0x11  }
0xbb: {  	s0 =	sor.u32 s1, s0  }
0xbc: {  	s0 =	sadd.s32 $0x8F2B, s0  }
0xbd: {  	[sflag:s0] =	ssyncadd.remote.s32 $0x1  }
0xbe: {  	_ =	sfence.sel $0xFFFF  }
0xbf: {  	[dreg:$0x0] =	wrdreg $0xFFFFFFFF;
	(pc) =	sbr.abs _section_cstart, $3  }
0xc0: {  	[dreg:$0x1] =	wrdreg $0xFFFFFFFF  }
0xc1: {  	_ =	task.clear_ibuf [dreg:s6], $0x2FFFF;
	_ =	strace $0x9FFFFFFF  }
0xc2: {  	(tm) =	ssettm $0x7FFFFFFF  }
0xc3: {  	_ =	shalt  }
tec
execute0_lowered:
.L_overlay_start_1:
0x0: {  	(tag) =	ssettag $0x1  }
0x1: {  	s5 =	rddreg [dreg:$0x0];
	s0 =	srdreg.scid  }
0x2: {  	s2 =	rddreg [dreg:$0x1];
	s1 =	stileid.u32  }
0x3: {  	s3 =	simm.s32 $0x0;
	s14 =	simm.s32 $0x19600;
	s15 =	simm.s32 $0x19300  }
0x4: {  	s16 =	simm.s32 $0x1C600;
	s17 =	simm.s32 $0x1;
	s18 =	simm.s32 $0x19180  }
0x5: {  	s19 =	simm.s32 $0x19480;
	s20 =	simm.s32 $0x2;
	s8 =	smul.u32 $0x19000, s1  }
0x6: {  	s6 =	sand.u32 $0x1, s0;
	s0 =	rddreg [dreg:$0x2];
	s11 =	smul.u32 $0x1980, s1  }
0x7: {  	s21 =	simm.s32 $0x0;
	[smem:$0x7FF] =	sst s3;
	s7 =	smul.u32 $0x19800, s6  }
0x8: {  	s4 =	sadd.s32 $0x6EE00, s5;
	s30 =	sshll.u32 s1, $0x6;
	s9 =	smul.u32 $0x190000, s6  }
0x9: {  	_ =	strace $0x80000065;
	s6 =	ssub.s32 $0x2, s6;
	s10 =	sshrl.u32 s8, $0x3  }
0xa: {  	s29 =	sshrl.u32 s6, $0x1;
	s13 =	sadd.s32 s8, s2;
	s7 =	sadd.s32 s7, s5  }
0xb: {  	s9 =	sadd.s32 s8, s9;
	s10 =	sadd.s32 s10, s5;
	s12 =	ssub.s32 s6, s29  }
0xc: {  	s6 =	sor.u32 $0x1C03, s30;
	s9 =	sshrl.u32 s9, $0x3;
	s31 =	sadd.s32 s11, s7  }
0xd: {  	s8 =	smax.u32 s12, $0x1;
	s11 =	simm.s32 $0x3;
	s12 =	simm.s32 $0x19000  }
0xe: {  	s9 =	sadd.s32 s9, s5;
	s5 =	sadd.s32 $0x3CE00, s10;
	s10 =	sshrl.u32 s13, $0x3  }
0xf: {  	s13 =	simm.s32 $0x180;
	s7 =	sadd.s32 $0x9FC00, s9;
	s9 =	sadd.s32 $0x9E00, s31  }
.LBB2_1:
0x10: {  	[spmem:s10], [sflag:s6] =	dma.local [hbm:s5], $0x3200  }
0x11: {  	_ =	swait.ge [sflag:s11], $0x3200  }
0x12: {  	[sflag:s11] =	ssyncset.done $0x0  }
0x13: {  	[sflag:s11] =	ssyncadd.s32 $0xFFFFCE00  }
0x14: {  	s22 =	sadd.s32 $0x0, s9;
	[bflag:$0x0] =	sbarrier.arrive $0xFFFF  }
0x15: {  	[tilespmem:s12], [sflag:$0x3] =	stream.linear.gather [hbm4b:s22+s3], $0x600, $0x38;
	[tilespmem:$0x1F600] =	vst v63  }
0x16: {  	_ =	swait.ge [sflag:s11], $0x600  }
0x17: {  	[sflag:s11] =	ssyncset.done $0x0  }
0x18: {  	[sflag:s11] =	ssyncadd.s32 $0xFFFFFA00  }
0x19: {  	[tilespmem:s14], [sflag:$0x1] =	stream.indirect.gather [hbm4b:s4+s13], $0x20, s12, s13, $0xb8;
	[tilespmem:$0x1F600] =	vst v63  }
0x1a: {  	_ = 	snop  }
0x1b: {  	[tilespmem:s16], [sflag:$0x1] =	stream.indirect.gather [hbm4b:s4+s13], $0x20, s15, s13, $0xb8;
	[tilespmem:$0x1F600] =	vst v63  }
0x1c: {  	_ =	swait.ge [sflag:s17], $0x3000  }
0x1d: {  	[sflag:s17] =	ssyncset.done $0x0  }
0x1e: {  	[sflag:s17] =	ssyncadd.s32 $0xFFFFD000  }
0x1f: {  	[spmem:s2] =	stream.indirect.scatter.add.f32 [tilespmem:s14], [sflag:$0x2], $0x20, s18, s13, $0xb8;
	[tilespmem:$0x1F600] =	vst v63  }
0x20: {  	_ =	swait.ge [sflag:s17], $0x3000  }
0x21: {  	[sflag:s17] =	ssyncset.done $0x0  }
0x22: {  	[sflag:s17] =	ssyncadd.s32 $0xFFFFD000  }
0x23: {  	[spmem:s2] =	stream.indirect.scatter.add.f32 [tilespmem:s16], [sflag:$0x2], $0x20, s19, s13, $0xb8;
	[tilespmem:$0x1F600] =	vst v63  }
0x24: {  	_ =	swait.ge [sflag:s20], $0x3000  }
0x25: {  	[sflag:s20] =	ssyncset.done $0x0  }
0x26: {  	[sflag:s20] =	ssyncadd.s32 $0xFFFFD000  }
0x27: {  	_ =	swait.ge [sflag:s20], $0x3000  }
0x28: {  	s23 =	simm.s32 $0x180;
	s22 =	simm.s32 $0xC0;
	[sflag:s20] =	ssyncset.done $0x0  }
.LBB2_2:
0x29: {  	s24 =	sadd.s32 s22, s9  }
0x2a: {  	[sflag:s20] =	ssyncadd.s32 $0xFFFFD000;
	s22 =	smov.u32 s23;
	s25 =	sadd.s32 $0xC0, s23  }
0x2b: {  	[tilespmem:s12], [sflag:$0x3] =	stream.linear.gather [hbm4b:s24+s3], $0x600, $0x38;
	[tilespmem:$0x1F600] =	vst v63  }
0x2c: {  	p0 =	sne.s32 s23, $0x18C0;
	_ =	swait.ge [sflag:s11], $0x600  }
0x2d: {  	[sflag:s11] =	ssyncset.done $0x0  }
0x2e: {  	[sflag:s11] =	ssyncadd.s32 $0xFFFFFA00  }
0x2f: {  	[tilespmem:s14], [sflag:$0x1] =	stream.indirect.gather [hbm4b:s4+s13], $0x20, s12, s13, $0xb8;
	[tilespmem:$0x1F600] =	vst v63  }
0x30: {  	_ = 	snop  }
0x31: {  	[tilespmem:s16], [sflag:$0x1] =	stream.indirect.gather [hbm4b:s4+s13], $0x20, s15, s13, $0xb8;
	[tilespmem:$0x1F600] =	vst v63  }
0x32: {  	_ =	swait.ge [sflag:s17], $0x3000  }
0x33: {  	[sflag:s17] =	ssyncset.done $0x0  }
0x34: {  	[sflag:s17] =	ssyncadd.s32 $0xFFFFD000  }
0x35: {  	[spmem:s2] =	stream.indirect.scatter.add.f32 [tilespmem:s14], [sflag:$0x2], $0x20, s18, s13, $0xb8;
	[tilespmem:$0x1F600] =	vst v63  }
0x36: {  	_ =	swait.ge [sflag:s17], $0x3000  }
0x37: {  	[sflag:s17] =	ssyncset.done $0x0  }
0x38: {  	[sflag:s17] =	ssyncadd.s32 $0xFFFFD000  }
0x39: {  	[spmem:s2] =	stream.indirect.scatter.add.f32 [tilespmem:s16], [sflag:$0x2], $0x20, s19, s13, $0xb8;
	[tilespmem:$0x1F600] =	vst v63  }
.Ltmp0:
0x3a: {  	_ =	swait.ge [sflag:s20], $0x3000;
	(pc) =	sbr.rel @p0 .LBB2_2-.Ltmp0, $4  }
0x3b: {  	[sflag:s20] =	ssyncset.done $0x0  }
0x3c: {  	[sflag:s20] =	ssyncadd.s32 $0xFFFFD000  }
0x3d: {  	_ =	swait.ge [sflag:s20], $0x3000  }
0x3e: {  	s23 =	smov.u32 s25;
	[sflag:s20] =	ssyncset.done $0x0  }
0x3f: {  	s22 =	sadd.s32 s22, s9;
	[sflag:s20] =	ssyncadd.s32 $0xFFFFD000  }
0x40: {  	[tilespmem:s12], [sflag:$0x3] =	stream.linear.gather [hbm4b:s22+s3], $0x600, $0x38;
	[tilespmem:$0x1F600] =	vst v63  }
0x41: {  	_ =	swait.ge [sflag:s11], $0x600  }
0x42: {  	[sflag:s11] =	ssyncset.done $0x0  }
0x43: {  	[sflag:s11] =	ssyncadd.s32 $0xFFFFFA00  }
0x44: {  	[tilespmem:s14], [sflag:$0x1] =	stream.indirect.gather [hbm4b:s4+s13], $0x20, s12, s13, $0xb8;
	[tilespmem:$0x1F600] =	vst v63  }
0x45: {  	_ = 	snop  }
0x46: {  	[tilespmem:s16], [sflag:$0x1] =	stream.indirect.gather [hbm4b:s4+s13], $0x20, s15, s13, $0xb8;
	[tilespmem:$0x1F600] =	vst v63  }
0x47: {  	_ =	swait.ge [sflag:s17], $0x3000  }
0x48: {  	[sflag:s17] =	ssyncset.done $0x0  }
0x49: {  	[sflag:s17] =	ssyncadd.s32 $0xFFFFD000  }
0x4a: {  	[spmem:s2] =	stream.indirect.scatter.add.f32 [tilespmem:s14], [sflag:$0x2], $0x20, s18, s13, $0xb8;
	[tilespmem:$0x1F600] =	vst v63  }
0x4b: {  	_ =	swait.ge [sflag:s17], $0x3000  }
0x4c: {  	[sflag:s17] =	ssyncset.done $0x0  }
0x4d: {  	[sflag:s17] =	ssyncadd.s32 $0xFFFFD000  }
0x4e: {  	[spmem:s2] =	stream.indirect.scatter.add.f32 [tilespmem:s16], [sflag:$0x2], $0x20, s19, s13, $0xb8;
	[tilespmem:$0x1F600] =	vst v63  }
0x4f: {  	_ =	swait.ge [sflag:s20], $0x3000  }
0x50: {  	[sflag:s20] =	ssyncset.done $0x0  }
0x51: {  	[sflag:s20] =	ssyncadd.s32 $0xFFFFD000  }
0x52: {  	_ =	swait.ge [sflag:s20], $0x3000  }
0x53: {  	s21 =	sadd.s32 $0x1, s21;
	[sflag:s20] =	ssyncset.done $0x0  }
0x54: {  	p0 =	sne.s32 s21, s8;
	[sflag:s20] =	ssyncadd.s32 $0xFFFFD000  }
.Ltmp1:
0x55: {  	[bflag:$0x0] =	sbarrier.arrive $0xFFFF;
	(pc) =	sbr.rel @p0 .LBB2_1-.Ltmp1, $4  }
0x56: {  	[hbm:s7], [sflag:s6] =	dma.local [spmem:s10], $0x3200  }
0x57: {  	_ =	swait.ge [sflag:s11], $0x3200  }
0x58: {  	[sflag:s11] =	ssyncset.done $0x0  }
0x59: {  	[sflag:s11] =	ssyncadd.s32 $0xFFFFCE00  }
0x5a: {  	_ =	sfence.sel $0x180000  }
0x5b: {  	[bflag:$0x0] =	sbarrier.arrive $0xFFFF  }
0x5c: {  	p0 =	sne.s32 s1, $0x0;
	_ =	strace $0x90000065  }
0x5d: {  	s0 =	sadd.s32 @!p0 $0x100000, s0;
	[bflag:$0x2] =	sbarrier.arrive $0xFFFF  }
0x5e: {  	[sflag:s0] =	ssyncadd.tile.s32 @!p0 $0x1;
	_ =	shalt  }
.Lfunc_end2:
_tile_overlayer_lowered:
.L_overlay_start_2:
0x5f: {  	(tag) =	ssettag $0x2  }
0x60: {  	s0 =	rddreg [dreg:$0x0];
	s2 =	stileid.u32  }
0x61: {  	s1 =	rddreg [dreg:$0x1];
	p0 =	sne.s32 s2, $0x0  }
0x62: {  	s3 =	rddreg [dreg:$0x2];
	[bflag:$0x3] =	sbarrier.arrive $0xFFFF;
	s2 =	simm.s32 @!p0 $0x1C03  }
0x63: {  	[timem:s3], [sflag:s2] =	dma.local @!p0 [hbm:s0], s1  }
0x64: {  	s0 =	simm.s32 @!p0 $0x3  }
0x65: {  	_ =	swait.ge @!p0 [sflag:s0], s1  }
0x66: {  	s1 =	ssub.s32 @!p0 $0x0, s1;
	[sflag:s0] =	ssyncset.done @!p0 $0x0  }
0x67: {  	[sflag:s0] =	ssyncadd.s32 @!p0 s1  }
0x68: {  	[bflag:$0x3] =	sbarrier.arrive $0xFFFF  }
0x69: {  	_ =	shalt  }

</sc_bundles>
